<compile_context>
chip_gen: v7x
topology: tpu7x:2x2x1
jax: 0.10.2.dev20260603
libtpu: 0.0.44.dev20260713+nightly
codegen_flags: <defaults>
</compile_context>

<pallas_src>
import functools

import jax
import jax.numpy as jnp
from jax import lax
from jax.experimental import pallas as pl
from jax.experimental.pallas import tpu as pltpu
from jax.experimental.pallas import tpu_sc as plsc

N = 10000
E = 320000
NP = 10240
CK = 128
NW = 32
C = 80
EP = NW * C * CK
EPS = 1e-5
ROWS_PER_TILE = NP // 16
ZCOPIES = ROWS_PER_TILE // CK

_MESH = plsc.VectorSubcoreMesh(core_axis_name="c", subcore_axis_name="s")


def _make_agg(dh, nchunks, ck, split, nbuf):
    @functools.partial(
        pl.kernel,
        out_type=jax.ShapeDtypeStruct((2, NP, dh), jnp.float32),
        mesh=_MESH,
        scratch_types=[
            pltpu.VMEM((nchunks, ck), jnp.int32),
            pltpu.VMEM((nchunks, ck), jnp.int32),
            pltpu.VMEM((nbuf * ck, dh), jnp.float32),
            pltpu.VMEM_SHARED((NP, dh), jnp.float32),
        ] + [pltpu.SemaphoreType.DMA] * nbuf,
        compiler_params=pltpu.CompilerParams(use_tc_tiling_on_sc=False),
    )
    def agg(z_h, src_h, dst_h, zero_h, out_h, src_v, dst_v, rows_v, acc_sh,
            *gs):
        cid = lax.axis_index("c")
        sid = lax.axis_index("s")
        w = sid if split else cid * 16 + sid
        ztab = z_h.at[cid] if split else z_h
        pltpu.sync_copy(src_h.at[w], src_v)
        pltpu.sync_copy(dst_h.at[w], dst_v)
        buf0 = rows_v.at[pl.ds(0, ck)]
        pltpu.sync_copy(zero_h, buf0)
        for r in range(ROWS_PER_TILE // ck):
            pltpu.sync_copy(buf0, acc_sh.at[pl.ds(sid * ROWS_PER_TILE + r * ck, ck)])
        plsc.subcore_barrier()

        def buf(j):
            return rows_v.at[pl.ds(j * ck, ck)]

        for j in range(nbuf):
            pltpu.async_copy(ztab.at[src_v.at[j]], buf(j), gs[j])

        def step(i, carry):
            base = i * nbuf
            for j in range(nbuf):
                c = base + j
                pltpu.make_async_copy(ztab.at[src_v.at[c]], buf(j), gs[j]).wait()
                pltpu.sync_copy(buf(j), acc_sh.at[dst_v.at[c]], add=True)
                pltpu.async_copy(ztab.at[src_v.at[c + nbuf]], buf(j), gs[j])
            return carry

        lax.fori_loop(0, nchunks // nbuf - 1, step, 0)
        for j in range(nbuf):
            c = nchunks - nbuf + j
            pltpu.make_async_copy(ztab.at[src_v.at[c]], buf(j), gs[j]).wait()
            pltpu.sync_copy(buf(j), acc_sh.at[dst_v.at[c]], add=True)
        plsc.subcore_barrier()
        pltpu.sync_copy(acc_sh.at[pl.ds(sid * ROWS_PER_TILE, ROWS_PER_TILE)],
                        out_h.at[cid, pl.ds(sid * ROWS_PER_TILE, ROWS_PER_TILE)])

    return agg


C2 = EP // 16 // CK
_agg128 = _make_agg(64, C2, CK, True, 5)
_agg64 = _make_agg(32, C2, CK, True, 8)
_agg16 = _make_agg(16, C, CK, False, 8)


@functools.partial(
    pl.kernel,
    out_type=jax.ShapeDtypeStruct((2, NP, 16), jnp.float32),
    mesh=_MESH,
    scratch_types=[
        pltpu.VMEM((C, CK), jnp.int32),
        pltpu.VMEM((CK, 16), jnp.float32),
        pltpu.VMEM_SHARED((NP, 16), jnp.float32),
    ],
    compiler_params=pltpu.CompilerParams(use_tc_tiling_on_sc=False),
)
def _deg(dst_h, zero_h, ones_h, out_h, dst_v, rows_v, acc_sh):
    cid = lax.axis_index("c")
    sid = lax.axis_index("s")
    w = cid * 16 + sid
    pltpu.sync_copy(dst_h.at[w], dst_v)
    pltpu.sync_copy(zero_h, rows_v)
    for r in range(ZCOPIES):
        pltpu.sync_copy(rows_v, acc_sh.at[pl.ds(sid * ROWS_PER_TILE + r * CK, CK)])
    plsc.subcore_barrier()
    pltpu.sync_copy(ones_h, rows_v)

    def step(c, carry):
        pltpu.sync_copy(rows_v, acc_sh.at[dst_v.at[c]], add=True)
        return carry

    lax.fori_loop(0, C, step, 0)
    plsc.subcore_barrier()
    pltpu.sync_copy(acc_sh.at[pl.ds(sid * ROWS_PER_TILE, ROWS_PER_TILE)],
                    out_h.at[cid, pl.ds(sid * ROWS_PER_TILE, ROWS_PER_TILE)])


def _tc_a_body(x_ref, degp_ref, w1_ref, z1_ref, dinv_ref):
    deg = degp_ref[0, :, 0:1] + degp_ref[1, :, 0:1] + 1.0
    dinv = lax.rsqrt(deg)
    dinv_ref[...] = dinv
    z = jnp.dot(x_ref[...], w1_ref[...],
                preferred_element_type=jnp.float32) * dinv
    z1_ref[0] = z[:, :64]
    z1_ref[1] = z[:, 64:]


def _bn_relu(S, g, be):
    mask = lax.broadcasted_iota(jnp.int32, (NP, 1), 0) < N
    Sm = jnp.where(mask, S, 0.0)
    mean = jnp.sum(Sm, axis=0, keepdims=True) * (1.0 / N)
    cent = S - mean
    var = jnp.sum(jnp.where(mask, cent * cent, 0.0), axis=0,
                  keepdims=True) * (1.0 / N)
    return jax.nn.relu(g * cent / jnp.sqrt(var + EPS) + be)


def _tc_b_body(u_ref, z1_ref, dinv_ref, b1_ref, g1_ref, be1_ref, w2_ref,
               x1_ref, z2_ref):
    dinv = dinv_ref[...]
    U = jnp.concatenate([u_ref[0], u_ref[1]], axis=1)
    Z1 = jnp.concatenate([z1_ref[0], z1_ref[1]], axis=1)
    S = dinv * (U + Z1) + b1_ref[...]
    x1 = _bn_relu(S, g1_ref[...], be1_ref[...])
    x1_ref[...] = x1
    z2 = jnp.dot(x1, w2_ref[...], preferred_element_type=jnp.float32) * dinv
    z2_ref[0] = z2[:, :32]
    z2_ref[1] = z2[:, 32:]


def _tc_c_body(u_ref, z2_ref, x1_ref, dinv_ref, b2_ref, g2_ref, be2_ref,
               w3_ref, z3_ref):
    dinv = dinv_ref[...]
    U = jnp.concatenate([u_ref[0], u_ref[1]], axis=1)
    Z2 = jnp.concatenate([z2_ref[0], z2_ref[1]], axis=1)
    S = dinv * (U + Z2) + b2_ref[...]
    x2 = _bn_relu(S, g2_ref[...], be2_ref[...])
    xres = x1_ref[:, :64] + x2
    z3_ref[...] = jnp.dot(xres, w3_ref[...],
                          preferred_element_type=jnp.float32) * dinv


def _tc_d_body(u_ref, z3_ref, dinv_ref, b3_ref, out_ref):
    S = dinv_ref[...] * (u_ref[0] + u_ref[1] + z3_ref[...])
    O = S[:, 0:2] + b3_ref[...]
    m = jnp.max(O, axis=1, keepdims=True)
    e = jnp.exp(O - m)
    lse = jnp.log(e[:, 0:1] + e[:, 1:2]) + m
    out_ref[...] = O - lse


def kernel(x, edge_index, W1, b1, g1, be1, W2, b2, g2, be2, W3, b3):
    padn = EP - E
    fill = N + (jnp.arange(padn, dtype=jnp.int32) % (NP - N))
    srcp = jnp.concatenate([edge_index[0], fill]).reshape(NW, C, CK)
    dstp = jnp.concatenate([edge_index[1], fill]).reshape(NW, C, CK)
    srcp2 = srcp.reshape(16, C2, CK)
    dstp2 = dstp.reshape(16, C2, CK)
    xp = jnp.pad(x, ((0, NP - N), (0, 0)))
    zeros16 = jnp.zeros((CK, 16), jnp.float32)
    ones16 = jnp.ones((CK, 16), jnp.float32)
    zeros32 = jnp.zeros((CK, 32), jnp.float32)
    zeros64 = jnp.zeros((CK, 64), jnp.float32)
    W3p = jnp.pad(W3, ((0, 0), (0, 14)))

    degp = _deg(dstp, zeros16, ones16)

    z1, dinv = pl.pallas_call(
        _tc_a_body,
        out_shape=[jax.ShapeDtypeStruct((2, NP, 64), jnp.float32),
                   jax.ShapeDtypeStruct((NP, 1), jnp.float32)],
    )(xp, degp, W1)

    u1 = _agg128(z1, srcp2, dstp2, zeros64)

    x1, z2 = pl.pallas_call(
        _tc_b_body,
        out_shape=[jax.ShapeDtypeStruct((NP, 128), jnp.float32),
                   jax.ShapeDtypeStruct((2, NP, 32), jnp.float32)],
    )(u1, z1, dinv, b1.reshape(1, 128), g1.reshape(1, 128),
      be1.reshape(1, 128), W2)

    u2 = _agg64(z2, srcp2, dstp2, zeros32)

    z3 = pl.pallas_call(
        _tc_c_body,
        out_shape=jax.ShapeDtypeStruct((NP, 16), jnp.float32),
    )(u2, z2, x1, dinv, b2.reshape(1, 64), g2.reshape(1, 64),
      be2.reshape(1, 64), W3p)

    u3 = _agg16(z3, srcp, dstp, zeros16)

    out = pl.pallas_call(
        _tc_d_body,
        out_shape=jax.ShapeDtypeStruct((NP, 2), jnp.float32),
    )(u3, z3, dinv, b3.reshape(1, 2))

    return out[:N]

# --- scband reference (transcript-rebuilt; emitter-appended) ---
"""Pipeline reference for scband-gnn-80255758893109 (READ-ONLY COPY).

The authoritative reference and input builder live on the scoring server;
editing this copy changes nothing except your own understanding.
"""

import jax, jax.numpy as jnp
import numpy as np

N = 10000
E = 320000
D_IN = 128
EPS = 1e-5

def glorot(key, shape):
    lim = np.sqrt(6.0 / (shape[0] + shape[1]))
    return jax.random.uniform(key, shape, jnp.float32, -lim, lim)

def gcn_conv(x, src, dst, W, b):
    n = x.shape[0]
    deg = jnp.zeros((n,), x.dtype).at[dst].add(1.0)
    dinv = jnp.where(deg > 0, 1.0 / jnp.sqrt(deg), 0.0)
    norm = dinv[src] * dinv[dst]
    xw = x @ W
    msg = jnp.take(xw, src, axis=0) * norm[:, None]
    return jnp.zeros((n, W.shape[1]), x.dtype).at[dst].add(msg) + b

def batch_norm(x, gamma, beta):
    mean = jnp.mean(x, axis=0)
    var = jnp.var(x, axis=0)
    return gamma * (x - mean) / jnp.sqrt(var + EPS) + beta

def setup_inputs(seed: int = 0):
    key = jax.random.key(seed)
    ks = jax.random.split(key, 8)
    x = jax.random.normal(ks[0], (N, D_IN), jnp.float32)
    edge_index = jax.random.randint(ks[1], (2, E), 0, N, jnp.int32)
    W1 = glorot(ks[2], (D_IN, 128)); b1 = jnp.zeros((128,), jnp.float32)
    g1 = jnp.ones((128,), jnp.float32); be1 = jnp.zeros((128,), jnp.float32)
    W2 = glorot(ks[3], (128, 64)); b2 = jnp.zeros((64,), jnp.float32)
    g2 = jnp.ones((64,), jnp.float32); be2 = jnp.zeros((64,), jnp.float32)
    W3 = glorot(ks[4], (64, 2)); b3 = jnp.zeros((2,), jnp.float32)
    return {"x": x, "edge_index": edge_index, "W1": W1, "b1": b1, "g1": g1, "be1": be1, "W2": W2, "b2": b2, "g2": g2, "be2": be2, "W3": W3, "b3": b3}

def reference(x, edge_index, W1, b1, g1, be1, W2, b2, g2, be2, W3, b3):
    loop = jnp.arange(x.shape[0], dtype=edge_index.dtype)
    src = jnp.concatenate([edge_index[0], loop])
    dst = jnp.concatenate([edge_index[1], loop])
    x1 = jax.nn.relu(batch_norm(gcn_conv(x, src, dst, W1, b1), g1, be1))
    x2 = jax.nn.relu(batch_norm(gcn_conv(x1, src, dst, W2, b2), g2, be2))
    x_res = x1[:, :64] + x2
    out = gcn_conv(x_res, src, dst, W3, b3)
    return jax.nn.log_softmax(out, axis=1)

if __name__ == "__main__":
    import jax
    _d = setup_inputs()
    print(jax.jit(kernel)(*tuple(_d.values())))

</pallas_src>

<mosaic_0001>
#map = affine_map<(d0, d1) -> (0, 0, 0)>
#map1 = affine_map<(d0, d1) -> (0, 0)>
module attributes {stable_mosaic.version = 14 : i64} {
  func.func @agg(%arg0: i32, %arg1: i32, %arg2: memref<2x10240x32xf32, #tpu.memory_space<hbm>>, %arg3: memref<16x160x128xi32, #tpu.memory_space<hbm>>, %arg4: memref<16x160x128xi32, #tpu.memory_space<hbm>>, %arg5: memref<128x32xf32, #tpu.memory_space<hbm>>, %arg6: memref<2x10240x32xf32, #tpu.memory_space<hbm>>, %arg7: memref<160x128xi32, #tpu.memory_space<vmem>>, %arg8: memref<160x128xi32, #tpu.memory_space<vmem>>, %arg9: memref<1024x32xf32, #tpu.memory_space<vmem>>, %arg10: memref<10240x32xf32, #tpu.memory_space<vmem_shared>>, %arg11: memref<!tpu.dma_semaphore, #tpu.memory_space<semaphore_mem>>, %arg12: memref<!tpu.dma_semaphore, #tpu.memory_space<semaphore_mem>>, %arg13: memref<!tpu.dma_semaphore, #tpu.memory_space<semaphore_mem>>, %arg14: memref<!tpu.dma_semaphore, #tpu.memory_space<semaphore_mem>>, %arg15: memref<!tpu.dma_semaphore, #tpu.memory_space<semaphore_mem>>, %arg16: memref<!tpu.dma_semaphore, #tpu.memory_space<semaphore_mem>>, %arg17: memref<!tpu.dma_semaphore, #tpu.memory_space<semaphore_mem>>, %arg18: memref<!tpu.dma_semaphore, #tpu.memory_space<semaphore_mem>>) attributes {dimension_semantics = [#tpu.dimension_semantics<core_parallel>, #tpu.dimension_semantics<subcore_parallel>], iteration_bounds = array<i64: 2, 16>, scalar_prefetch = 0 : i64, scratch_operands = 12 : i64, tpu.core_type = #tpu.core_type<sc_vector_subcore>, window_params = [{transform_indices = #map}, {transform_indices = #map}, {transform_indices = #map}, {transform_indices = #map1}, {transform_indices = #map}]} {
    "tpu.region"() ({
      %run_scoped3A_257 = tpu.sem_alloc : memref<!tpu.dma_semaphore, #tpu.memory_space<semaphore_mem>>
      %dma_start3A_258 = arith.constant 0 : i32
      %dma_start3A_259 = arith.constant 0 : i32
      %dma_start3A_260 = tpu.memref_slice %arg3[%arg1, %dma_start3A_258, %dma_start3A_259] : memref<16x160x128xi32, #tpu.memory_space<hbm>> -> memref<1x160x128xi32, #tpu.memory_space<hbm>>
      %dma_start3A_261 = tpu.memref_squeeze %dma_start3A_260 : memref<1x160x128xi32, #tpu.memory_space<hbm>> -> memref<160x128xi32, #tpu.memory_space<hbm>>
      %dma_start3A_262 = arith.constant 0 : i32
      %dma_start3A_263 = arith.constant 0 : i32
      %dma_start3A_264 = tpu.memref_slice %arg3[%arg1, %dma_start3A_262, %dma_start3A_263] : memref<16x160x128xi32, #tpu.memory_space<hbm>> -> memref<1x160x128xi32, #tpu.memory_space<hbm>>
      %dma_start3A_265 = tpu.memref_squeeze %dma_start3A_264 : memref<1x160x128xi32, #tpu.memory_space<hbm>> -> memref<160x128xi32, #tpu.memory_space<hbm>>
      tpu.enqueue_dma source(%dma_start3A_265 : memref<160x128xi32, #tpu.memory_space<hbm>>) target(%arg7 : memref<160x128xi32, #tpu.memory_space<vmem>>) target_semaphore(%run_scoped3A_257 : memref<!tpu.dma_semaphore, #tpu.memory_space<semaphore_mem>>)
      %dma_wait3A_266 = arith.constant 0 : i32
      %dma_wait3A_267 = arith.constant 0 : i32
      %dma_wait3A_268 = tpu.memref_slice %arg3[%arg1, %dma_wait3A_266, %dma_wait3A_267] : memref<16x160x128xi32, #tpu.memory_space<hbm>> -> memref<1x160x128xi32, #tpu.memory_space<hbm>>
      %dma_wait3A_269 = tpu.memref_squeeze %dma_wait3A_268 : memref<1x160x128xi32, #tpu.memory_space<hbm>> -> memref<160x128xi32, #tpu.memory_space<hbm>>
      %dma_wait3A_270 = arith.constant 0 : i32
      %dma_wait3A_271 = arith.constant 0 : i32
      %dma_wait3A_272 = tpu.memref_slice %arg3[%arg1, %dma_wait3A_270, %dma_wait3A_271] : memref<16x160x128xi32, #tpu.memory_space<hbm>> -> memref<1x160x128xi32, #tpu.memory_space<hbm>>
      %dma_wait3A_273 = tpu.memref_squeeze %dma_wait3A_272 : memref<1x160x128xi32, #tpu.memory_space<hbm>> -> memref<160x128xi32, #tpu.memory_space<hbm>>
      tpu.wait_dma2 semaphore(%run_scoped3A_257 : memref<!tpu.dma_semaphore, #tpu.memory_space<semaphore_mem>>) src(%dma_wait3A_273 : memref<160x128xi32, #tpu.memory_space<hbm>>) dst(%arg7 : memref<160x128xi32, #tpu.memory_space<vmem>>)
      tpu.yield
    }) : () -> ()
    "tpu.region"() ({
      %run_scoped3A_257 = tpu.sem_alloc : memref<!tpu.dma_semaphore, #tpu.memory_space<semaphore_mem>>
      %dma_start3A_258 = arith.constant 0 : i32
      %dma_start3A_259 = arith.constant 0 : i32
      %dma_start3A_260 = tpu.memref_slice %arg4[%arg1, %dma_start3A_258, %dma_start3A_259] : memref<16x160x128xi32, #tpu.memory_space<hbm>> -> memref<1x160x128xi32, #tpu.memory_space<hbm>>
      %dma_start3A_261 = tpu.memref_squeeze %dma_start3A_260 : memref<1x160x128xi32, #tpu.memory_space<hbm>> -> memref<160x128xi32, #tpu.memory_space<hbm>>
      %dma_start3A_262 = arith.constant 0 : i32
      %dma_start3A_263 = arith.constant 0 : i32
      %dma_start3A_264 = tpu.memref_slice %arg4[%arg1, %dma_start3A_262, %dma_start3A_263] : memref<16x160x128xi32, #tpu.memory_space<hbm>> -> memref<1x160x128xi32, #tpu.memory_space<hbm>>
      %dma_start3A_265 = tpu.memref_squeeze %dma_start3A_264 : memref<1x160x128xi32, #tpu.memory_space<hbm>> -> memref<160x128xi32, #tpu.memory_space<hbm>>
      tpu.enqueue_dma source(%dma_start3A_265 : memref<160x128xi32, #tpu.memory_space<hbm>>) target(%arg8 : memref<160x128xi32, #tpu.memory_space<vmem>>) target_semaphore(%run_scoped3A_257 : memref<!tpu.dma_semaphore, #tpu.memory_space<semaphore_mem>>)
      %dma_wait3A_266 = arith.constant 0 : i32
      %dma_wait3A_267 = arith.constant 0 : i32
      %dma_wait3A_268 = tpu.memref_slice %arg4[%arg1, %dma_wait3A_266, %dma_wait3A_267] : memref<16x160x128xi32, #tpu.memory_space<hbm>> -> memref<1x160x128xi32, #tpu.memory_space<hbm>>
      %dma_wait3A_269 = tpu.memref_squeeze %dma_wait3A_268 : memref<1x160x128xi32, #tpu.memory_space<hbm>> -> memref<160x128xi32, #tpu.memory_space<hbm>>
      %dma_wait3A_270 = arith.constant 0 : i32
      %dma_wait3A_271 = arith.constant 0 : i32
      %dma_wait3A_272 = tpu.memref_slice %arg4[%arg1, %dma_wait3A_270, %dma_wait3A_271] : memref<16x160x128xi32, #tpu.memory_space<hbm>> -> memref<1x160x128xi32, #tpu.memory_space<hbm>>
      %dma_wait3A_273 = tpu.memref_squeeze %dma_wait3A_272 : memref<1x160x128xi32, #tpu.memory_space<hbm>> -> memref<160x128xi32, #tpu.memory_space<hbm>>
      tpu.wait_dma2 semaphore(%run_scoped3A_257 : memref<!tpu.dma_semaphore, #tpu.memory_space<semaphore_mem>>) src(%dma_wait3A_273 : memref<160x128xi32, #tpu.memory_space<hbm>>) dst(%arg8 : memref<160x128xi32, #tpu.memory_space<vmem>>)
      tpu.yield
    }) : () -> ()
    "tpu.region"() ({
      %run_scoped3A_257 = tpu.sem_alloc : memref<!tpu.dma_semaphore, #tpu.memory_space<semaphore_mem>>
      %dma_start3A_258 = arith.constant 0 : i32
      %dma_start3A_259 = arith.constant 0 : i32
      %dma_start3A_260 = tpu.memref_slice %arg9[%dma_start3A_258, %dma_start3A_259] : memref<1024x32xf32, #tpu.memory_space<vmem>> -> memref<128x32xf32, #tpu.memory_space<vmem>>
      %dma_start3A_261 = arith.constant 0 : i32
      %dma_start3A_262 = arith.constant 0 : i32
      %dma_start3A_263 = tpu.memref_slice %arg9[%dma_start3A_261, %dma_start3A_262] : memref<1024x32xf32, #tpu.memory_space<vmem>> -> memref<128x32xf32, #tpu.memory_space<vmem>>
      tpu.enqueue_dma source(%arg5 : memref<128x32xf32, #tpu.memory_space<hbm>>) target(%dma_start3A_263 : memref<128x32xf32, #tpu.memory_space<vmem>>) target_semaphore(%run_scoped3A_257 : memref<!tpu.dma_semaphore, #tpu.memory_space<semaphore_mem>>)
      %dma_wait3A_264 = arith.constant 0 : i32
      %dma_wait3A_265 = arith.constant 0 : i32
      %dma_wait3A_266 = tpu.memref_slice %arg9[%dma_wait3A_264, %dma_wait3A_265] : memref<1024x32xf32, #tpu.memory_space<vmem>> -> memref<128x32xf32, #tpu.memory_space<vmem>>
      %dma_wait3A_267 = arith.constant 0 : i32
      %dma_wait3A_268 = arith.constant 0 : i32
      %dma_wait3A_269 = tpu.memref_slice %arg9[%dma_wait3A_267, %dma_wait3A_268] : memref<1024x32xf32, #tpu.memory_space<vmem>> -> memref<128x32xf32, #tpu.memory_space<vmem>>
      tpu.wait_dma2 semaphore(%run_scoped3A_257 : memref<!tpu.dma_semaphore, #tpu.memory_space<semaphore_mem>>) src(%arg5 : memref<128x32xf32, #tpu.memory_space<hbm>>) dst(%dma_wait3A_269 : memref<128x32xf32, #tpu.memory_space<vmem>>)
      tpu.yield
    }) : () -> ()
    %mul3A = arith.constant 640 : i32
    %mul3A_0 = arith.muli %arg1, %mul3A : i32
    %add3A = arith.constant 0 : i32
    %add3A_1 = arith.addi %mul3A_0, %add3A : i32
    "tpu.region"() ({
      %run_scoped3A_257 = tpu.sem_alloc : memref<!tpu.dma_semaphore, #tpu.memory_space<semaphore_mem>>
      %dma_start3A_258 = arith.constant 0 : i32
      %dma_start3A_259 = arith.constant 0 : i32
      %dma_start3A_260 = tpu.memref_slice %arg9[%dma_start3A_258, %dma_start3A_259] : memref<1024x32xf32, #tpu.memory_space<vmem>> -> memref<128x32xf32, #tpu.memory_space<vmem>>
      %dma_start3A_261 = arith.constant 0 : i32
      %dma_start3A_262 = tpu.memref_slice %arg10[%add3A_1, %dma_start3A_261] : memref<10240x32xf32, #tpu.memory_space<vmem_shared>> -> memref<128x32xf32, #tpu.memory_space<vmem_shared>>
      %dma_start3A_263 = arith.constant 0 : i32
      %dma_start3A_264 = tpu.memref_slice %arg10[%add3A_1, %dma_start3A_263] : memref<10240x32xf32, #tpu.memory_space<vmem_shared>> -> memref<128x32xf32, #tpu.memory_space<vmem_shared>>
      %dma_start3A_265 = arith.constant 0 : i32
      %dma_start3A_266 = arith.constant 0 : i32
      %dma_start3A_267 = tpu.memref_slice %arg9[%dma_start3A_265, %dma_start3A_266] : memref<1024x32xf32, #tpu.memory_space<vmem>> -> memref<128x32xf32, #tpu.memory_space<vmem>>
      tpu.enqueue_dma source(%dma_start3A_267 : memref<128x32xf32, #tpu.memory_space<vmem>>) target(%dma_start3A_264 : memref<128x32xf32, #tpu.memory_space<vmem_shared>>) target_semaphore(%run_scoped3A_257 : memref<!tpu.dma_semaphore, #tpu.memory_space<semaphore_mem>>)
      %dma_wait3A_268 = arith.constant 0 : i32
      %dma_wait3A_269 = arith.constant 0 : i32
      %dma_wait3A_270 = tpu.memref_slice %arg9[%dma_wait3A_268, %dma_wait3A_269] : memref<1024x32xf32, #tpu.memory_space<vmem>> -> memref<128x32xf32, #tpu.memory_space<vmem>>
      %dma_wait3A_271 = arith.constant 0 : i32
      %dma_wait3A_272 = tpu.memref_slice %arg10[%add3A_1, %dma_wait3A_271] : memref<10240x32xf32, #tpu.memory_space<vmem_shared>> -> memref<128x32xf32, #tpu.memory_space<vmem_shared>>
      %dma_wait3A_273 = arith.constant 0 : i32
      %dma_wait3A_274 = tpu.memref_slice %arg10[%add3A_1, %dma_wait3A_273] : memref<10240x32xf32, #tpu.memory_space<vmem_shared>> -> memref<128x32xf32, #tpu.memory_space<vmem_shared>>
      %dma_wait3A_275 = arith.constant 0 : i32
      %dma_wait3A_276 = arith.constant 0 : i32
      %dma_wait3A_277 = tpu.memref_slice %arg9[%dma_wait3A_275, %dma_wait3A_276] : memref<1024x32xf32, #tpu.memory_space<vmem>> -> memref<128x32xf32, #tpu.memory_space<vmem>>
      tpu.wait_dma2 semaphore(%run_scoped3A_257 : memref<!tpu.dma_semaphore, #tpu.memory_space<semaphore_mem>>) src(%dma_wait3A_277 : memref<128x32xf32, #tpu.memory_space<vmem>>) dst(%dma_wait3A_274 : memref<128x32xf32, #tpu.memory_space<vmem_shared>>)
      tpu.yield
    }) : () -> ()
    %mul3A_2 = arith.constant 640 : i32
    %mul3A_3 = arith.muli %arg1, %mul3A_2 : i32
    %add3A_4 = arith.constant 128 : i32
    %add3A_5 = arith.addi %mul3A_3, %add3A_4 : i32
    "tpu.region"() ({
      %run_scoped3A_257 = tpu.sem_alloc : memref<!tpu.dma_semaphore, #tpu.memory_space<semaphore_mem>>
      %dma_start3A_258 = arith.constant 0 : i32
      %dma_start3A_259 = arith.constant 0 : i32
      %dma_start3A_260 = tpu.memref_slice %arg9[%dma_start3A_258, %dma_start3A_259] : memref<1024x32xf32, #tpu.memory_space<vmem>> -> memref<128x32xf32, #tpu.memory_space<vmem>>
      %dma_start3A_261 = arith.constant 0 : i32
      %dma_start3A_262 = tpu.memref_slice %arg10[%add3A_5, %dma_start3A_261] : memref<10240x32xf32, #tpu.memory_space<vmem_shared>> -> memref<128x32xf32, #tpu.memory_space<vmem_shared>>
      %dma_start3A_263 = arith.constant 0 : i32
      %dma_start3A_264 = tpu.memref_slice %arg10[%add3A_5, %dma_start3A_263] : memref<10240x32xf32, #tpu.memory_space<vmem_shared>> -> memref<128x32xf32, #tpu.memory_space<vmem_shared>>
      %dma_start3A_265 = arith.constant 0 : i32
      %dma_start3A_266 = arith.constant 0 : i32
      %dma_start3A_267 = tpu.memref_slice %arg9[%dma_start3A_265, %dma_start3A_266] : memref<1024x32xf32, #tpu.memory_space<vmem>> -> memref<128x32xf32, #tpu.memory_space<vmem>>
      tpu.enqueue_dma source(%dma_start3A_267 : memref<128x32xf32, #tpu.memory_space<vmem>>) target(%dma_start3A_264 : memref<128x32xf32, #tpu.memory_space<vmem_shared>>) target_semaphore(%run_scoped3A_257 : memref<!tpu.dma_semaphore, #tpu.memory_space<semaphore_mem>>)
      %dma_wait3A_268 = arith.constant 0 : i32
      %dma_wait3A_269 = arith.constant 0 : i32
      %dma_wait3A_270 = tpu.memref_slice %arg9[%dma_wait3A_268, %dma_wait3A_269] : memref<1024x32xf32, #tpu.memory_space<vmem>> -> memref<128x32xf32, #tpu.memory_space<vmem>>
      %dma_wait3A_271 = arith.constant 0 : i32
      %dma_wait3A_272 = tpu.memref_slice %arg10[%add3A_5, %dma_wait3A_271] : memref<10240x32xf32, #tpu.memory_space<vmem_shared>> -> memref<128x32xf32, #tpu.memory_space<vmem_shared>>
      %dma_wait3A_273 = arith.constant 0 : i32
      %dma_wait3A_274 = tpu.memref_slice %arg10[%add3A_5, %dma_wait3A_273] : memref<10240x32xf32, #tpu.memory_space<vmem_shared>> -> memref<128x32xf32, #tpu.memory_space<vmem_shared>>
      %dma_wait3A_275 = arith.constant 0 : i32
      %dma_wait3A_276 = arith.constant 0 : i32
      %dma_wait3A_277 = tpu.memref_slice %arg9[%dma_wait3A_275, %dma_wait3A_276] : memref<1024x32xf32, #tpu.memory_space<vmem>> -> memref<128x32xf32, #tpu.memory_space<vmem>>
      tpu.wait_dma2 semaphore(%run_scoped3A_257 : memref<!tpu.dma_semaphore, #tpu.memory_space<semaphore_mem>>) src(%dma_wait3A_277 : memref<128x32xf32, #tpu.memory_space<vmem>>) dst(%dma_wait3A_274 : memref<128x32xf32, #tpu.memory_space<vmem_shared>>)
      tpu.yield
    }) : () -> ()
    %mul3A_6 = arith.constant 640 : i32
    %mul3A_7 = arith.muli %arg1, %mul3A_6 : i32
    %add3A_8 = arith.constant 256 : i32
    %add3A_9 = arith.addi %mul3A_7, %add3A_8 : i32
    "tpu.region"() ({
      %run_scoped3A_257 = tpu.sem_alloc : memref<!tpu.dma_semaphore, #tpu.memory_space<semaphore_mem>>
      %dma_start3A_258 = arith.constant 0 : i32
      %dma_start3A_259 = arith.constant 0 : i32
      %dma_start3A_260 = tpu.memref_slice %arg9[%dma_start3A_258, %dma_start3A_259] : memref<1024x32xf32, #tpu.memory_space<vmem>> -> memref<128x32xf32, #tpu.memory_space<vmem>>
      %dma_start3A_261 = arith.constant 0 : i32
      %dma_start3A_262 = tpu.memref_slice %arg10[%add3A_9, %dma_start3A_261] : memref<10240x32xf32, #tpu.memory_space<vmem_shared>> -> memref<128x32xf32, #tpu.memory_space<vmem_shared>>
      %dma_start3A_263 = arith.constant 0 : i32
      %dma_start3A_264 = tpu.memref_slice %arg10[%add3A_9, %dma_start3A_263] : memref<10240x32xf32, #tpu.memory_space<vmem_shared>> -> memref<128x32xf32, #tpu.memory_space<vmem_shared>>
      %dma_start3A_265 = arith.constant 0 : i32
      %dma_start3A_266 = arith.constant 0 : i32
      %dma_start3A_267 = tpu.memref_slice %arg9[%dma_start3A_265, %dma_start3A_266] : memref<1024x32xf32, #tpu.memory_space<vmem>> -> memref<128x32xf32, #tpu.memory_space<vmem>>
      tpu.enqueue_dma source(%dma_start3A_267 : memref<128x32xf32, #tpu.memory_space<vmem>>) target(%dma_start3A_264 : memref<128x32xf32, #tpu.memory_space<vmem_shared>>) target_semaphore(%run_scoped3A_257 : memref<!tpu.dma_semaphore, #tpu.memory_space<semaphore_mem>>)
      %dma_wait3A_268 = arith.constant 0 : i32
      %dma_wait3A_269 = arith.constant 0 : i32
      %dma_wait3A_270 = tpu.memref_slice %arg9[%dma_wait3A_268, %dma_wait3A_269] : memref<1024x32xf32, #tpu.memory_space<vmem>> -> memref<128x32xf32, #tpu.memory_space<vmem>>
      %dma_wait3A_271 = arith.constant 0 : i32
      %dma_wait3A_272 = tpu.memref_slice %arg10[%add3A_9, %dma_wait3A_271] : memref<10240x32xf32, #tpu.memory_space<vmem_shared>> -> memref<128x32xf32, #tpu.memory_space<vmem_shared>>
      %dma_wait3A_273 = arith.constant 0 : i32
      %dma_wait3A_274 = tpu.memref_slice %arg10[%add3A_9, %dma_wait3A_273] : memref<10240x32xf32, #tpu.memory_space<vmem_shared>> -> memref<128x32xf32, #tpu.memory_space<vmem_shared>>
      %dma_wait3A_275 = arith.constant 0 : i32
      %dma_wait3A_276 = arith.constant 0 : i32
      %dma_wait3A_277 = tpu.memref_slice %arg9[%dma_wait3A_275, %dma_wait3A_276] : memref<1024x32xf32, #tpu.memory_space<vmem>> -> memref<128x32xf32, #tpu.memory_space<vmem>>
      tpu.wait_dma2 semaphore(%run_scoped3A_257 : memref<!tpu.dma_semaphore, #tpu.memory_space<semaphore_mem>>) src(%dma_wait3A_277 : memref<128x32xf32, #tpu.memory_space<vmem>>) dst(%dma_wait3A_274 : memref<128x32xf32, #tpu.memory_space<vmem_shared>>)
      tpu.yield
    }) : () -> ()
    %mul3A_10 = arith.constant 640 : i32
    %mul3A_11 = arith.muli %arg1, %mul3A_10 : i32
    %add3A_12 = arith.constant 384 : i32
    %add3A_13 = arith.addi %mul3A_11, %add3A_12 : i32
    "tpu.region"() ({
      %run_scoped3A_257 = tpu.sem_alloc : memref<!tpu.dma_semaphore, #tpu.memory_space<semaphore_mem>>
      %dma_start3A_258 = arith.constant 0 : i32
      %dma_start3A_259 = arith.constant 0 : i32
      %dma_start3A_260 = tpu.memref_slice %arg9[%dma_start3A_258, %dma_start3A_259] : memref<1024x32xf32, #tpu.memory_space<vmem>> -> memref<128x32xf32, #tpu.memory_space<vmem>>
      %dma_start3A_261 = arith.constant 0 : i32
      %dma_start3A_262 = tpu.memref_slice %arg10[%add3A_13, %dma_start3A_261] : memref<10240x32xf32, #tpu.memory_space<vmem_shared>> -> memref<128x32xf32, #tpu.memory_space<vmem_shared>>
      %dma_start3A_263 = arith.constant 0 : i32
      %dma_start3A_264 = tpu.memref_slice %arg10[%add3A_13, %dma_start3A_263] : memref<10240x32xf32, #tpu.memory_space<vmem_shared>> -> memref<128x32xf32, #tpu.memory_space<vmem_shared>>
      %dma_start3A_265 = arith.constant 0 : i32
      %dma_start3A_266 = arith.constant 0 : i32
      %dma_start3A_267 = tpu.memref_slice %arg9[%dma_start3A_265, %dma_start3A_266] : memref<1024x32xf32, #tpu.memory_space<vmem>> -> memref<128x32xf32, #tpu.memory_space<vmem>>
      tpu.enqueue_dma source(%dma_start3A_267 : memref<128x32xf32, #tpu.memory_space<vmem>>) target(%dma_start3A_264 : memref<128x32xf32, #tpu.memory_space<vmem_shared>>) target_semaphore(%run_scoped3A_257 : memref<!tpu.dma_semaphore, #tpu.memory_space<semaphore_mem>>)
      %dma_wait3A_268 = arith.constant 0 : i32
      %dma_wait3A_269 = arith.constant 0 : i32
      %dma_wait3A_270 = tpu.memref_slice %arg9[%dma_wait3A_268, %dma_wait3A_269] : memref<1024x32xf32, #tpu.memory_space<vmem>> -> memref<128x32xf32, #tpu.memory_space<vmem>>
      %dma_wait3A_271 = arith.constant 0 : i32
      %dma_wait3A_272 = tpu.memref_slice %arg10[%add3A_13, %dma_wait3A_271] : memref<10240x32xf32, #tpu.memory_space<vmem_shared>> -> memref<128x32xf32, #tpu.memory_space<vmem_shared>>
      %dma_wait3A_273 = arith.constant 0 : i32
      %dma_wait3A_274 = tpu.memref_slice %arg10[%add3A_13, %dma_wait3A_273] : memref<10240x32xf32, #tpu.memory_space<vmem_shared>> -> memref<128x32xf32, #tpu.memory_space<vmem_shared>>
      %dma_wait3A_275 = arith.constant 0 : i32
      %dma_wait3A_276 = arith.constant 0 : i32
      %dma_wait3A_277 = tpu.memref_slice %arg9[%dma_wait3A_275, %dma_wait3A_276] : memref<1024x32xf32, #tpu.memory_space<vmem>> -> memref<128x32xf32, #tpu.memory_space<vmem>>
      tpu.wait_dma2 semaphore(%run_scoped3A_257 : memref<!tpu.dma_semaphore, #tpu.memory_space<semaphore_mem>>) src(%dma_wait3A_277 : memref<128x32xf32, #tpu.memory_space<vmem>>) dst(%dma_wait3A_274 : memref<128x32xf32, #tpu.memory_space<vmem_shared>>)
      tpu.yield
    }) : () -> ()
    %mul3A_14 = arith.constant 640 : i32
    %mul3A_15 = arith.muli %arg1, %mul3A_14 : i32
    %add3A_16 = arith.constant 512 : i32
    %add3A_17 = arith.addi %mul3A_15, %add3A_16 : i32
    "tpu.region"() ({
      %run_scoped3A_257 = tpu.sem_alloc : memref<!tpu.dma_semaphore, #tpu.memory_space<semaphore_mem>>
      %dma_start3A_258 = arith.constant 0 : i32
      %dma_start3A_259 = arith.constant 0 : i32
      %dma_start3A_260 = tpu.memref_slice %arg9[%dma_start3A_258, %dma_start3A_259] : memref<1024x32xf32, #tpu.memory_space<vmem>> -> memref<128x32xf32, #tpu.memory_space<vmem>>
      %dma_start3A_261 = arith.constant 0 : i32
      %dma_start3A_262 = tpu.memref_slice %arg10[%add3A_17, %dma_start3A_261] : memref<10240x32xf32, #tpu.memory_space<vmem_shared>> -> memref<128x32xf32, #tpu.memory_space<vmem_shared>>
      %dma_start3A_263 = arith.constant 0 : i32
      %dma_start3A_264 = tpu.memref_slice %arg10[%add3A_17, %dma_start3A_263] : memref<10240x32xf32, #tpu.memory_space<vmem_shared>> -> memref<128x32xf32, #tpu.memory_space<vmem_shared>>
      %dma_start3A_265 = arith.constant 0 : i32
      %dma_start3A_266 = arith.constant 0 : i32
      %dma_start3A_267 = tpu.memref_slice %arg9[%dma_start3A_265, %dma_start3A_266] : memref<1024x32xf32, #tpu.memory_space<vmem>> -> memref<128x32xf32, #tpu.memory_space<vmem>>
      tpu.enqueue_dma source(%dma_start3A_267 : memref<128x32xf32, #tpu.memory_space<vmem>>) target(%dma_start3A_264 : memref<128x32xf32, #tpu.memory_space<vmem_shared>>) target_semaphore(%run_scoped3A_257 : memref<!tpu.dma_semaphore, #tpu.memory_space<semaphore_mem>>)
      %dma_wait3A_268 = arith.constant 0 : i32
      %dma_wait3A_269 = arith.constant 0 : i32
      %dma_wait3A_270 = tpu.memref_slice %arg9[%dma_wait3A_268, %dma_wait3A_269] : memref<1024x32xf32, #tpu.memory_space<vmem>> -> memref<128x32xf32, #tpu.memory_space<vmem>>
      %dma_wait3A_271 = arith.constant 0 : i32
      %dma_wait3A_272 = tpu.memref_slice %arg10[%add3A_17, %dma_wait3A_271] : memref<10240x32xf32, #tpu.memory_space<vmem_shared>> -> memref<128x32xf32, #tpu.memory_space<vmem_shared>>
      %dma_wait3A_273 = arith.constant 0 : i32
      %dma_wait3A_274 = tpu.memref_slice %arg10[%add3A_17, %dma_wait3A_273] : memref<10240x32xf32, #tpu.memory_space<vmem_shared>> -> memref<128x32xf32, #tpu.memory_space<vmem_shared>>
      %dma_wait3A_275 = arith.constant 0 : i32
      %dma_wait3A_276 = arith.constant 0 : i32
      %dma_wait3A_277 = tpu.memref_slice %arg9[%dma_wait3A_275, %dma_wait3A_276] : memref<1024x32xf32, #tpu.memory_space<vmem>> -> memref<128x32xf32, #tpu.memory_space<vmem>>
      tpu.wait_dma2 semaphore(%run_scoped3A_257 : memref<!tpu.dma_semaphore, #tpu.memory_space<semaphore_mem>>) src(%dma_wait3A_277 : memref<128x32xf32, #tpu.memory_space<vmem>>) dst(%dma_wait3A_274 : memref<128x32xf32, #tpu.memory_space<vmem_shared>>)
      tpu.yield
    }) : () -> ()
    %barrier3A = arith.constant 0 : index
    tpu.barrier barrier_id(%barrier3A)
    %dma_start3A = arith.constant 0 : i32
    %dma_start3A_18 = arith.constant 0 : i32
    %dma_start3A_19 = arith.constant 0 : i32
    %dma_start3A_20 = tpu.memref_slice %arg9[%dma_start3A_18, %dma_start3A_19] : memref<1024x32xf32, #tpu.memory_space<vmem>> -> memref<128x32xf32, #tpu.memory_space<vmem>>
    %dma_start3A_21 = arith.constant 0 : i32
    %dma_start3A_22 = tpu.memref_slice %arg7[%dma_start3A, %dma_start3A_21] : memref<160x128xi32, #tpu.memory_space<vmem>> -> memref<1x128xi32, #tpu.memory_space<vmem>>
    %dma_start3A_23 = tpu.memref_squeeze %dma_start3A_22 : memref<1x128xi32, #tpu.memory_space<vmem>> -> memref<128xi32, #tpu.memory_space<vmem>>
    %dma_start3A_24 = arith.constant 0 : i32
    %dma_start3A_25 = arith.constant 0 : i32
    %dma_start3A_26 = tpu.memref_slice %arg2[%arg0, %dma_start3A_24, %dma_start3A_25] : memref<2x10240x32xf32, #tpu.memory_space<hbm>> -> memref<1x10240x32xf32, #tpu.memory_space<hbm>>
    %dma_start3A_27 = tpu.memref_squeeze %dma_start3A_26 : memref<1x10240x32xf32, #tpu.memory_space<hbm>> -> memref<10240x32xf32, #tpu.memory_space<hbm>>
    %dma_start3A_28 = arith.constant 0 : i32
    %dma_start3A_29 = arith.constant 0 : i32
    %dma_start3A_30 = tpu.memref_slice %dma_start3A_27[%dma_start3A_28, %dma_start3A_29] : memref<10240x32xf32, #tpu.memory_space<hbm>> -> memref<10240x32xf32, #tpu.memory_space<hbm>>
    tpu.enqueue_indirect_dma source(%dma_start3A_30 : memref<10240x32xf32, #tpu.memory_space<hbm>>) target(%dma_start3A_20 : memref<128x32xf32, #tpu.memory_space<vmem>>) offsets(%dma_start3A_23 : memref<128xi32, #tpu.memory_space<vmem>>) semaphore(%arg11 : memref<!tpu.dma_semaphore, #tpu.memory_space<semaphore_mem>>)
    %dma_start3A_31 = arith.constant 1 : i32
    %dma_start3A_32 = arith.constant 128 : i32
    %dma_start3A_33 = arith.constant 0 : i32
    %dma_start3A_34 = tpu.memref_slice %arg9[%dma_start3A_32, %dma_start3A_33] : memref<1024x32xf32, #tpu.memory_space<vmem>> -> memref<128x32xf32, #tpu.memory_space<vmem>>
    %dma_start3A_35 = arith.constant 0 : i32
    %dma_start3A_36 = tpu.memref_slice %arg7[%dma_start3A_31, %dma_start3A_35] : memref<160x128xi32, #tpu.memory_space<vmem>> -> memref<1x128xi32, #tpu.memory_space<vmem>>
    %dma_start3A_37 = tpu.memref_squeeze %dma_start3A_36 : memref<1x128xi32, #tpu.memory_space<vmem>> -> memref<128xi32, #tpu.memory_space<vmem>>
    %dma_start3A_38 = arith.constant 0 : i32
    %dma_start3A_39 = arith.constant 0 : i32
    %dma_start3A_40 = tpu.memref_slice %arg2[%arg0, %dma_start3A_38, %dma_start3A_39] : memref<2x10240x32xf32, #tpu.memory_space<hbm>> -> memref<1x10240x32xf32, #tpu.memory_space<hbm>>
    %dma_start3A_41 = tpu.memref_squeeze %dma_start3A_40 : memref<1x10240x32xf32, #tpu.memory_space<hbm>> -> memref<10240x32xf32, #tpu.memory_space<hbm>>
    %dma_start3A_42 = arith.constant 0 : i32
    %dma_start3A_43 = arith.constant 0 : i32
    %dma_start3A_44 = tpu.memref_slice %dma_start3A_41[%dma_start3A_42, %dma_start3A_43] : memref<10240x32xf32, #tpu.memory_space<hbm>> -> memref<10240x32xf32, #tpu.memory_space<hbm>>
    tpu.enqueue_indirect_dma source(%dma_start3A_44 : memref<10240x32xf32, #tpu.memory_space<hbm>>) target(%dma_start3A_34 : memref<128x32xf32, #tpu.memory_space<vmem>>) offsets(%dma_start3A_37 : memref<128xi32, #tpu.memory_space<vmem>>) semaphore(%arg12 : memref<!tpu.dma_semaphore, #tpu.memory_space<semaphore_mem>>)
    %dma_start3A_45 = arith.constant 2 : i32
    %dma_start3A_46 = arith.constant 256 : i32
    %dma_start3A_47 = arith.constant 0 : i32
    %dma_start3A_48 = tpu.memref_slice %arg9[%dma_start3A_46, %dma_start3A_47] : memref<1024x32xf32, #tpu.memory_space<vmem>> -> memref<128x32xf32, #tpu.memory_space<vmem>>
    %dma_start3A_49 = arith.constant 0 : i32
    %dma_start3A_50 = tpu.memref_slice %arg7[%dma_start3A_45, %dma_start3A_49] : memref<160x128xi32, #tpu.memory_space<vmem>> -> memref<1x128xi32, #tpu.memory_space<vmem>>
    %dma_start3A_51 = tpu.memref_squeeze %dma_start3A_50 : memref<1x128xi32, #tpu.memory_space<vmem>> -> memref<128xi32, #tpu.memory_space<vmem>>
    %dma_start3A_52 = arith.constant 0 : i32
    %dma_start3A_53 = arith.constant 0 : i32
    %dma_start3A_54 = tpu.memref_slice %arg2[%arg0, %dma_start3A_52, %dma_start3A_53] : memref<2x10240x32xf32, #tpu.memory_space<hbm>> -> memref<1x10240x32xf32, #tpu.memory_space<hbm>>
    %dma_start3A_55 = tpu.memref_squeeze %dma_start3A_54 : memref<1x10240x32xf32, #tpu.memory_space<hbm>> -> memref<10240x32xf32, #tpu.memory_space<hbm>>
    %dma_start3A_56 = arith.constant 0 : i32
    %dma_start3A_57 = arith.constant 0 : i32
    %dma_start3A_58 = tpu.memref_slice %dma_start3A_55[%dma_start3A_56, %dma_start3A_57] : memref<10240x32xf32, #tpu.memory_space<hbm>> -> memref<10240x32xf32, #tpu.memory_space<hbm>>
    tpu.enqueue_indirect_dma source(%dma_start3A_58 : memref<10240x32xf32, #tpu.memory_space<hbm>>) target(%dma_start3A_48 : memref<128x32xf32, #tpu.memory_space<vmem>>) offsets(%dma_start3A_51 : memref<128xi32, #tpu.memory_space<vmem>>) semaphore(%arg13 : memref<!tpu.dma_semaphore, #tpu.memory_space<semaphore_mem>>)
    %dma_start3A_59 = arith.constant 3 : i32
    %dma_start3A_60 = arith.constant 384 : i32
    %dma_start3A_61 = arith.constant 0 : i32
    %dma_start3A_62 = tpu.memref_slice %arg9[%dma_start3A_60, %dma_start3A_61] : memref<1024x32xf32, #tpu.memory_space<vmem>> -> memref<128x32xf32, #tpu.memory_space<vmem>>
    %dma_start3A_63 = arith.constant 0 : i32
    %dma_start3A_64 = tpu.memref_slice %arg7[%dma_start3A_59, %dma_start3A_63] : memref<160x128xi32, #tpu.memory_space<vmem>> -> memref<1x128xi32, #tpu.memory_space<vmem>>
    %dma_start3A_65 = tpu.memref_squeeze %dma_start3A_64 : memref<1x128xi32, #tpu.memory_space<vmem>> -> memref<128xi32, #tpu.memory_space<vmem>>
    %dma_start3A_66 = arith.constant 0 : i32
    %dma_start3A_67 = arith.constant 0 : i32
    %dma_start3A_68 = tpu.memref_slice %arg2[%arg0, %dma_start3A_66, %dma_start3A_67] : memref<2x10240x32xf32, #tpu.memory_space<hbm>> -> memref<1x10240x32xf32, #tpu.memory_space<hbm>>
    %dma_start3A_69 = tpu.memref_squeeze %dma_start3A_68 : memref<1x10240x32xf32, #tpu.memory_space<hbm>> -> memref<10240x32xf32, #tpu.memory_space<hbm>>
    %dma_start3A_70 = arith.constant 0 : i32
    %dma_start3A_71 = arith.constant 0 : i32
    %dma_start3A_72 = tpu.memref_slice %dma_start3A_69[%dma_start3A_70, %dma_start3A_71] : memref<10240x32xf32, #tpu.memory_space<hbm>> -> memref<10240x32xf32, #tpu.memory_space<hbm>>
    tpu.enqueue_indirect_dma source(%dma_start3A_72 : memref<10240x32xf32, #tpu.memory_space<hbm>>) target(%dma_start3A_62 : memref<128x32xf32, #tpu.memory_space<vmem>>) offsets(%dma_start3A_65 : memref<128xi32, #tpu.memory_space<vmem>>) semaphore(%arg14 : memref<!tpu.dma_semaphore, #tpu.memory_space<semaphore_mem>>)
    %dma_start3A_73 = arith.constant 4 : i32
    %dma_start3A_74 = arith.constant 512 : i32
    %dma_start3A_75 = arith.constant 0 : i32
    %dma_start3A_76 = tpu.memref_slice %arg9[%dma_start3A_74, %dma_start3A_75] : memref<1024x32xf32, #tpu.memory_space<vmem>> -> memref<128x32xf32, #tpu.memory_space<vmem>>
    %dma_start3A_77 = arith.constant 0 : i32
    %dma_start3A_78 = tpu.memref_slice %arg7[%dma_start3A_73, %dma_start3A_77] : memref<160x128xi32, #tpu.memory_space<vmem>> -> memref<1x128xi32, #tpu.memory_space<vmem>>
    %dma_start3A_79 = tpu.memref_squeeze %dma_start3A_78 : memref<1x128xi32, #tpu.memory_space<vmem>> -> memref<128xi32, #tpu.memory_space<vmem>>
    %dma_start3A_80 = arith.constant 0 : i32
    %dma_start3A_81 = arith.constant 0 : i32
    %dma_start3A_82 = tpu.memref_slice %arg2[%arg0, %dma_start3A_80, %dma_start3A_81] : memref<2x10240x32xf32, #tpu.memory_space<hbm>> -> memref<1x10240x32xf32, #tpu.memory_space<hbm>>
    %dma_start3A_83 = tpu.memref_squeeze %dma_start3A_82 : memref<1x10240x32xf32, #tpu.memory_space<hbm>> -> memref<10240x32xf32, #tpu.memory_space<hbm>>
    %dma_start3A_84 = arith.constant 0 : i32
    %dma_start3A_85 = arith.constant 0 : i32
    %dma_start3A_86 = tpu.memref_slice %dma_start3A_83[%dma_start3A_84, %dma_start3A_85] : memref<10240x32xf32, #tpu.memory_space<hbm>> -> memref<10240x32xf32, #tpu.memory_space<hbm>>
    tpu.enqueue_indirect_dma source(%dma_start3A_86 : memref<10240x32xf32, #tpu.memory_space<hbm>>) target(%dma_start3A_76 : memref<128x32xf32, #tpu.memory_space<vmem>>) offsets(%dma_start3A_79 : memref<128xi32, #tpu.memory_space<vmem>>) semaphore(%arg15 : memref<!tpu.dma_semaphore, #tpu.memory_space<semaphore_mem>>)
    %dma_start3A_87 = arith.constant 5 : i32
    %dma_start3A_88 = arith.constant 640 : i32
    %dma_start3A_89 = arith.constant 0 : i32
    %dma_start3A_90 = tpu.memref_slice %arg9[%dma_start3A_88, %dma_start3A_89] : memref<1024x32xf32, #tpu.memory_space<vmem>> -> memref<128x32xf32, #tpu.memory_space<vmem>>
    %dma_start3A_91 = arith.constant 0 : i32
    %dma_start3A_92 = tpu.memref_slice %arg7[%dma_start3A_87, %dma_start3A_91] : memref<160x128xi32, #tpu.memory_space<vmem>> -> memref<1x128xi32, #tpu.memory_space<vmem>>
    %dma_start3A_93 = tpu.memref_squeeze %dma_start3A_92 : memref<1x128xi32, #tpu.memory_space<vmem>> -> memref<128xi32, #tpu.memory_space<vmem>>
    %dma_start3A_94 = arith.constant 0 : i32
    %dma_start3A_95 = arith.constant 0 : i32
    %dma_start3A_96 = tpu.memref_slice %arg2[%arg0, %dma_start3A_94, %dma_start3A_95] : memref<2x10240x32xf32, #tpu.memory_space<hbm>> -> memref<1x10240x32xf32, #tpu.memory_space<hbm>>
    %dma_start3A_97 = tpu.memref_squeeze %dma_start3A_96 : memref<1x10240x32xf32, #tpu.memory_space<hbm>> -> memref<10240x32xf32, #tpu.memory_space<hbm>>
    %dma_start3A_98 = arith.constant 0 : i32
    %dma_start3A_99 = arith.constant 0 : i32
    %dma_start3A_100 = tpu.memref_slice %dma_start3A_97[%dma_start3A_98, %dma_start3A_99] : memref<10240x32xf32, #tpu.memory_space<hbm>> -> memref<10240x32xf32, #tpu.memory_space<hbm>>
    tpu.enqueue_indirect_dma source(%dma_start3A_100 : memref<10240x32xf32, #tpu.memory_space<hbm>>) target(%dma_start3A_90 : memref<128x32xf32, #tpu.memory_space<vmem>>) offsets(%dma_start3A_93 : memref<128xi32, #tpu.memory_space<vmem>>) semaphore(%arg16 : memref<!tpu.dma_semaphore, #tpu.memory_space<semaphore_mem>>)
    %dma_start3A_101 = arith.constant 6 : i32
    %dma_start3A_102 = arith.constant 768 : i32
    %dma_start3A_103 = arith.constant 0 : i32
    %dma_start3A_104 = tpu.memref_slice %arg9[%dma_start3A_102, %dma_start3A_103] : memref<1024x32xf32, #tpu.memory_space<vmem>> -> memref<128x32xf32, #tpu.memory_space<vmem>>
    %dma_start3A_105 = arith.constant 0 : i32
    %dma_start3A_106 = tpu.memref_slice %arg7[%dma_start3A_101, %dma_start3A_105] : memref<160x128xi32, #tpu.memory_space<vmem>> -> memref<1x128xi32, #tpu.memory_space<vmem>>
    %dma_start3A_107 = tpu.memref_squeeze %dma_start3A_106 : memref<1x128xi32, #tpu.memory_space<vmem>> -> memref<128xi32, #tpu.memory_space<vmem>>
    %dma_start3A_108 = arith.constant 0 : i32
    %dma_start3A_109 = arith.constant 0 : i32
    %dma_start3A_110 = tpu.memref_slice %arg2[%arg0, %dma_start3A_108, %dma_start3A_109] : memref<2x10240x32xf32, #tpu.memory_space<hbm>> -> memref<1x10240x32xf32, #tpu.memory_space<hbm>>
    %dma_start3A_111 = tpu.memref_squeeze %dma_start3A_110 : memref<1x10240x32xf32, #tpu.memory_space<hbm>> -> memref<10240x32xf32, #tpu.memory_space<hbm>>
    %dma_start3A_112 = arith.constant 0 : i32
    %dma_start3A_113 = arith.constant 0 : i32
    %dma_start3A_114 = tpu.memref_slice %dma_start3A_111[%dma_start3A_112, %dma_start3A_113] : memref<10240x32xf32, #tpu.memory_space<hbm>> -> memref<10240x32xf32, #tpu.memory_space<hbm>>
    tpu.enqueue_indirect_dma source(%dma_start3A_114 : memref<10240x32xf32, #tpu.memory_space<hbm>>) target(%dma_start3A_104 : memref<128x32xf32, #tpu.memory_space<vmem>>) offsets(%dma_start3A_107 : memref<128xi32, #tpu.memory_space<vmem>>) semaphore(%arg17 : memref<!tpu.dma_semaphore, #tpu.memory_space<semaphore_mem>>)
    %dma_start3A_115 = arith.constant 7 : i32
    %dma_start3A_116 = arith.constant 896 : i32
    %dma_start3A_117 = arith.constant 0 : i32
    %dma_start3A_118 = tpu.memref_slice %arg9[%dma_start3A_116, %dma_start3A_117] : memref<1024x32xf32, #tpu.memory_space<vmem>> -> memref<128x32xf32, #tpu.memory_space<vmem>>
    %dma_start3A_119 = arith.constant 0 : i32
    %dma_start3A_120 = tpu.memref_slice %arg7[%dma_start3A_115, %dma_start3A_119] : memref<160x128xi32, #tpu.memory_space<vmem>> -> memref<1x128xi32, #tpu.memory_space<vmem>>
    %dma_start3A_121 = tpu.memref_squeeze %dma_start3A_120 : memref<1x128xi32, #tpu.memory_space<vmem>> -> memref<128xi32, #tpu.memory_space<vmem>>
    %dma_start3A_122 = arith.constant 0 : i32
    %dma_start3A_123 = arith.constant 0 : i32
    %dma_start3A_124 = tpu.memref_slice %arg2[%arg0, %dma_start3A_122, %dma_start3A_123] : memref<2x10240x32xf32, #tpu.memory_space<hbm>> -> memref<1x10240x32xf32, #tpu.memory_space<hbm>>
    %dma_start3A_125 = tpu.memref_squeeze %dma_start3A_124 : memref<1x10240x32xf32, #tpu.memory_space<hbm>> -> memref<10240x32xf32, #tpu.memory_space<hbm>>
    %dma_start3A_126 = arith.constant 0 : i32
    %dma_start3A_127 = arith.constant 0 : i32
    %dma_start3A_128 = tpu.memref_slice %dma_start3A_125[%dma_start3A_126, %dma_start3A_127] : memref<10240x32xf32, #tpu.memory_space<hbm>> -> memref<10240x32xf32, #tpu.memory_space<hbm>>
    tpu.enqueue_indirect_dma source(%dma_start3A_128 : memref<10240x32xf32, #tpu.memory_space<hbm>>) target(%dma_start3A_118 : memref<128x32xf32, #tpu.memory_space<vmem>>) offsets(%dma_start3A_121 : memref<128xi32, #tpu.memory_space<vmem>>) semaphore(%arg18 : memref<!tpu.dma_semaphore, #tpu.memory_space<semaphore_mem>>)
    %scan3A = arith.constant 0 : i32
    %scan3A_129 = arith.constant 0 : i32
    %scan3A_130 = arith.constant 19 : i32
    %scan3A_131 = arith.addi %scan3A_129, %scan3A_130 : i32
    %scan3A_132 = arith.constant 1 : i32
    scf.for %scan3A_257 = %scan3A_129 to %scan3A_131 step %scan3A_132  : i32 {
      %mul3A_258 = arith.constant 8 : i32
      %mul3A_259 = arith.muli %scan3A_257, %mul3A_258 : i32
      %add3A_260 = arith.constant 0 : i32
      %add3A_261 = arith.addi %mul3A_259, %add3A_260 : i32
      %dma_wait3A_262 = arith.constant 0 : i32
      %dma_wait3A_263 = arith.constant 0 : i32
      %dma_wait3A_264 = tpu.memref_slice %arg9[%dma_wait3A_262, %dma_wait3A_263] : memref<1024x32xf32, #tpu.memory_space<vmem>> -> memref<128x32xf32, #tpu.memory_space<vmem>>
      %dma_wait3A_265 = arith.constant 0 : i32
      %dma_wait3A_266 = tpu.memref_slice %arg7[%add3A_261, %dma_wait3A_265] : memref<160x128xi32, #tpu.memory_space<vmem>> -> memref<1x128xi32, #tpu.memory_space<vmem>>
      %dma_wait3A_267 = tpu.memref_squeeze %dma_wait3A_266 : memref<1x128xi32, #tpu.memory_space<vmem>> -> memref<128xi32, #tpu.memory_space<vmem>>
      %dma_wait3A_268 = arith.constant 0 : i32
      %dma_wait3A_269 = arith.constant 0 : i32
      %dma_wait3A_270 = tpu.memref_slice %arg2[%arg0, %dma_wait3A_268, %dma_wait3A_269] : memref<2x10240x32xf32, #tpu.memory_space<hbm>> -> memref<1x10240x32xf32, #tpu.memory_space<hbm>>
      %dma_wait3A_271 = tpu.memref_squeeze %dma_wait3A_270 : memref<1x10240x32xf32, #tpu.memory_space<hbm>> -> memref<10240x32xf32, #tpu.memory_space<hbm>>
      %dma_wait3A_272 = arith.constant 0 : i32
      %dma_wait3A_273 = arith.constant 0 : i32
      %dma_wait3A_274 = tpu.memref_slice %dma_wait3A_271[%dma_wait3A_272, %dma_wait3A_273] : memref<10240x32xf32, #tpu.memory_space<hbm>> -> memref<10240x32xf32, #tpu.memory_space<hbm>>
      tpu.wait_indirect_dma semaphore(%arg11 : memref<!tpu.dma_semaphore, #tpu.memory_space<semaphore_mem>>) src(%dma_wait3A_274 : memref<10240x32xf32, #tpu.memory_space<hbm>>) dst(%dma_wait3A_264 : memref<128x32xf32, #tpu.memory_space<vmem>>)
      "tpu.region"() ({
        %run_scoped3A_500 = tpu.sem_alloc : memref<!tpu.dma_semaphore, #tpu.memory_space<semaphore_mem>>
        %dma_start3A_501 = arith.constant 0 : i32
        %dma_start3A_502 = arith.constant 0 : i32
        %dma_start3A_503 = tpu.memref_slice %arg9[%dma_start3A_501, %dma_start3A_502] : memref<1024x32xf32, #tpu.memory_space<vmem>> -> memref<128x32xf32, #tpu.memory_space<vmem>>
        %dma_start3A_504 = arith.constant 0 : i32
        %dma_start3A_505 = tpu.memref_slice %arg8[%add3A_261, %dma_start3A_504] : memref<160x128xi32, #tpu.memory_space<vmem>> -> memref<1x128xi32, #tpu.memory_space<vmem>>
        %dma_start3A_506 = tpu.memref_squeeze %dma_start3A_505 : memref<1x128xi32, #tpu.memory_space<vmem>> -> memref<128xi32, #tpu.memory_space<vmem>>
        %dma_start3A_507 = arith.constant 0 : i32
        %dma_start3A_508 = arith.constant 0 : i32
        %dma_start3A_509 = tpu.memref_slice %arg10[%dma_start3A_507, %dma_start3A_508] : memref<10240x32xf32, #tpu.memory_space<vmem_shared>> -> memref<10240x32xf32, #tpu.memory_space<vmem_shared>>
        tpu.enqueue_indirect_dma source(%dma_start3A_503 : memref<128x32xf32, #tpu.memory_space<vmem>>) target(%dma_start3A_509 : memref<10240x32xf32, #tpu.memory_space<vmem_shared>>) offsets(%dma_start3A_506 : memref<128xi32, #tpu.memory_space<vmem>>) semaphore(%run_scoped3A_500 : memref<!tpu.dma_semaphore, #tpu.memory_space<semaphore_mem>>) {add = true}
        %dma_wait3A_510 = arith.constant 0 : i32
        %dma_wait3A_511 = arith.constant 0 : i32
        %dma_wait3A_512 = tpu.memref_slice %arg9[%dma_wait3A_510, %dma_wait3A_511] : memref<1024x32xf32, #tpu.memory_space<vmem>> -> memref<128x32xf32, #tpu.memory_space<vmem>>
        %dma_wait3A_513 = arith.constant 0 : i32
        %dma_wait3A_514 = tpu.memref_slice %arg8[%add3A_261, %dma_wait3A_513] : memref<160x128xi32, #tpu.memory_space<vmem>> -> memref<1x128xi32, #tpu.memory_space<vmem>>
        %dma_wait3A_515 = tpu.memref_squeeze %dma_wait3A_514 : memref<1x128xi32, #tpu.memory_space<vmem>> -> memref<128xi32, #tpu.memory_space<vmem>>
        %dma_wait3A_516 = arith.constant 0 : i32
        %dma_wait3A_517 = arith.constant 0 : i32
        %dma_wait3A_518 = tpu.memref_slice %arg10[%dma_wait3A_516, %dma_wait3A_517] : memref<10240x32xf32, #tpu.memory_space<vmem_shared>> -> memref<10240x32xf32, #tpu.memory_space<vmem_shared>>
        tpu.wait_indirect_dma semaphore(%run_scoped3A_500 : memref<!tpu.dma_semaphore, #tpu.memory_space<semaphore_mem>>) src(%dma_wait3A_512 : memref<128x32xf32, #tpu.memory_space<vmem>>) dst(%dma_wait3A_518 : memref<10240x32xf32, #tpu.memory_space<vmem_shared>>)
        tpu.yield
      }) : () -> ()
      %add3A_275 = arith.constant 8 : i32
      %add3A_276 = arith.addi %add3A_261, %add3A_275 : i32
      %dma_start3A_277 = arith.constant 0 : i32
      %dma_start3A_278 = arith.constant 0 : i32
      %dma_start3A_279 = tpu.memref_slice %arg9[%dma_start3A_277, %dma_start3A_278] : memref<1024x32xf32, #tpu.memory_space<vmem>> -> memref<128x32xf32, #tpu.memory_space<vmem>>
      %dma_start3A_280 = arith.constant 0 : i32
      %dma_start3A_281 = tpu.memref_slice %arg7[%add3A_276, %dma_start3A_280] : memref<160x128xi32, #tpu.memory_space<vmem>> -> memref<1x128xi32, #tpu.memory_space<vmem>>
      %dma_start3A_282 = tpu.memref_squeeze %dma_start3A_281 : memref<1x128xi32, #tpu.memory_space<vmem>> -> memref<128xi32, #tpu.memory_space<vmem>>
      %dma_start3A_283 = arith.constant 0 : i32
      %dma_start3A_284 = arith.constant 0 : i32
      %dma_start3A_285 = tpu.memref_slice %arg2[%arg0, %dma_start3A_283, %dma_start3A_284] : memref<2x10240x32xf32, #tpu.memory_space<hbm>> -> memref<1x10240x32xf32, #tpu.memory_space<hbm>>
      %dma_start3A_286 = tpu.memref_squeeze %dma_start3A_285 : memref<1x10240x32xf32, #tpu.memory_space<hbm>> -> memref<10240x32xf32, #tpu.memory_space<hbm>>
      %dma_start3A_287 = arith.constant 0 : i32
      %dma_start3A_288 = arith.constant 0 : i32
      %dma_start3A_289 = tpu.memref_slice %dma_start3A_286[%dma_start3A_287, %dma_start3A_288] : memref<10240x32xf32, #tpu.memory_space<hbm>> -> memref<10240x32xf32, #tpu.memory_space<hbm>>
      tpu.enqueue_indirect_dma source(%dma_start3A_289 : memref<10240x32xf32, #tpu.memory_space<hbm>>) target(%dma_start3A_279 : memref<128x32xf32, #tpu.memory_space<vmem>>) offsets(%dma_start3A_282 : memref<128xi32, #tpu.memory_space<vmem>>) semaphore(%arg11 : memref<!tpu.dma_semaphore, #tpu.memory_space<semaphore_mem>>)
      %add3A_290 = arith.constant 1 : i32
      %add3A_291 = arith.addi %mul3A_259, %add3A_290 : i32
      %dma_wait3A_292 = arith.constant 128 : i32
      %dma_wait3A_293 = arith.constant 0 : i32
      %dma_wait3A_294 = tpu.memref_slice %arg9[%dma_wait3A_292, %dma_wait3A_293] : memref<1024x32xf32, #tpu.memory_space<vmem>> -> memref<128x32xf32, #tpu.memory_space<vmem>>
      %dma_wait3A_295 = arith.constant 0 : i32
      %dma_wait3A_296 = tpu.memref_slice %arg7[%add3A_291, %dma_wait3A_295] : memref<160x128xi32, #tpu.memory_space<vmem>> -> memref<1x128xi32, #tpu.memory_space<vmem>>
      %dma_wait3A_297 = tpu.memref_squeeze %dma_wait3A_296 : memref<1x128xi32, #tpu.memory_space<vmem>> -> memref<128xi32, #tpu.memory_space<vmem>>
      %dma_wait3A_298 = arith.constant 0 : i32
      %dma_wait3A_299 = arith.constant 0 : i32
      %dma_wait3A_300 = tpu.memref_slice %arg2[%arg0, %dma_wait3A_298, %dma_wait3A_299] : memref<2x10240x32xf32, #tpu.memory_space<hbm>> -> memref<1x10240x32xf32, #tpu.memory_space<hbm>>
      %dma_wait3A_301 = tpu.memref_squeeze %dma_wait3A_300 : memref<1x10240x32xf32, #tpu.memory_space<hbm>> -> memref<10240x32xf32, #tpu.memory_space<hbm>>
      %dma_wait3A_302 = arith.constant 0 : i32
      %dma_wait3A_303 = arith.constant 0 : i32
      %dma_wait3A_304 = tpu.memref_slice %dma_wait3A_301[%dma_wait3A_302, %dma_wait3A_303] : memref<10240x32xf32, #tpu.memory_space<hbm>> -> memref<10240x32xf32, #tpu.memory_space<hbm>>
      tpu.wait_indirect_dma semaphore(%arg12 : memref<!tpu.dma_semaphore, #tpu.memory_space<semaphore_mem>>) src(%dma_wait3A_304 : memref<10240x32xf32, #tpu.memory_space<hbm>>) dst(%dma_wait3A_294 : memref<128x32xf32, #tpu.memory_space<vmem>>)
      "tpu.region"() ({
        %run_scoped3A_500 = tpu.sem_alloc : memref<!tpu.dma_semaphore, #tpu.memory_space<semaphore_mem>>
        %dma_start3A_501 = arith.constant 128 : i32
        %dma_start3A_502 = arith.constant 0 : i32
        %dma_start3A_503 = tpu.memref_slice %arg9[%dma_start3A_501, %dma_start3A_502] : memref<1024x32xf32, #tpu.memory_space<vmem>> -> memref<128x32xf32, #tpu.memory_space<vmem>>
        %dma_start3A_504 = arith.constant 0 : i32
        %dma_start3A_505 = tpu.memref_slice %arg8[%add3A_291, %dma_start3A_504] : memref<160x128xi32, #tpu.memory_space<vmem>> -> memref<1x128xi32, #tpu.memory_space<vmem>>
        %dma_start3A_506 = tpu.memref_squeeze %dma_start3A_505 : memref<1x128xi32, #tpu.memory_space<vmem>> -> memref<128xi32, #tpu.memory_space<vmem>>
        %dma_start3A_507 = arith.constant 0 : i32
        %dma_start3A_508 = arith.constant 0 : i32
        %dma_start3A_509 = tpu.memref_slice %arg10[%dma_start3A_507, %dma_start3A_508] : memref<10240x32xf32, #tpu.memory_space<vmem_shared>> -> memref<10240x32xf32, #tpu.memory_space<vmem_shared>>
        tpu.enqueue_indirect_dma source(%dma_start3A_503 : memref<128x32xf32, #tpu.memory_space<vmem>>) target(%dma_start3A_509 : memref<10240x32xf32, #tpu.memory_space<vmem_shared>>) offsets(%dma_start3A_506 : memref<128xi32, #tpu.memory_space<vmem>>) semaphore(%run_scoped3A_500 : memref<!tpu.dma_semaphore, #tpu.memory_space<semaphore_mem>>) {add = true}
        %dma_wait3A_510 = arith.constant 128 : i32
        %dma_wait3A_511 = arith.constant 0 : i32
        %dma_wait3A_512 = tpu.memref_slice %arg9[%dma_wait3A_510, %dma_wait3A_511] : memref<1024x32xf32, #tpu.memory_space<vmem>> -> memref<128x32xf32, #tpu.memory_space<vmem>>
        %dma_wait3A_513 = arith.constant 0 : i32
        %dma_wait3A_514 = tpu.memref_slice %arg8[%add3A_291, %dma_wait3A_513] : memref<160x128xi32, #tpu.memory_space<vmem>> -> memref<1x128xi32, #tpu.memory_space<vmem>>
        %dma_wait3A_515 = tpu.memref_squeeze %dma_wait3A_514 : memref<1x128xi32, #tpu.memory_space<vmem>> -> memref<128xi32, #tpu.memory_space<vmem>>
        %dma_wait3A_516 = arith.constant 0 : i32
        %dma_wait3A_517 = arith.constant 0 : i32
        %dma_wait3A_518 = tpu.memref_slice %arg10[%dma_wait3A_516, %dma_wait3A_517] : memref<10240x32xf32, #tpu.memory_space<vmem_shared>> -> memref<10240x32xf32, #tpu.memory_space<vmem_shared>>
        tpu.wait_indirect_dma semaphore(%run_scoped3A_500 : memref<!tpu.dma_semaphore, #tpu.memory_space<semaphore_mem>>) src(%dma_wait3A_512 : memref<128x32xf32, #tpu.memory_space<vmem>>) dst(%dma_wait3A_518 : memref<10240x32xf32, #tpu.memory_space<vmem_shared>>)
        tpu.yield
      }) : () -> ()
      %add3A_305 = arith.constant 8 : i32
      %add3A_306 = arith.addi %add3A_291, %add3A_305 : i32
      %dma_start3A_307 = arith.constant 128 : i32
      %dma_start3A_308 = arith.constant 0 : i32
      %dma_start3A_309 = tpu.memref_slice %arg9[%dma_start3A_307, %dma_start3A_308] : memref<1024x32xf32, #tpu.memory_space<vmem>> -> memref<128x32xf32, #tpu.memory_space<vmem>>
      %dma_start3A_310 = arith.constant 0 : i32
      %dma_start3A_311 = tpu.memref_slice %arg7[%add3A_306, %dma_start3A_310] : memref<160x128xi32, #tpu.memory_space<vmem>> -> memref<1x128xi32, #tpu.memory_space<vmem>>
      %dma_start3A_312 = tpu.memref_squeeze %dma_start3A_311 : memref<1x128xi32, #tpu.memory_space<vmem>> -> memref<128xi32, #tpu.memory_space<vmem>>
      %dma_start3A_313 = arith.constant 0 : i32
      %dma_start3A_314 = arith.constant 0 : i32
      %dma_start3A_315 = tpu.memref_slice %arg2[%arg0, %dma_start3A_313, %dma_start3A_314] : memref<2x10240x32xf32, #tpu.memory_space<hbm>> -> memref<1x10240x32xf32, #tpu.memory_space<hbm>>
      %dma_start3A_316 = tpu.memref_squeeze %dma_start3A_315 : memref<1x10240x32xf32, #tpu.memory_space<hbm>> -> memref<10240x32xf32, #tpu.memory_space<hbm>>
      %dma_start3A_317 = arith.constant 0 : i32
      %dma_start3A_318 = arith.constant 0 : i32
      %dma_start3A_319 = tpu.memref_slice %dma_start3A_316[%dma_start3A_317, %dma_start3A_318] : memref<10240x32xf32, #tpu.memory_space<hbm>> -> memref<10240x32xf32, #tpu.memory_space<hbm>>
      tpu.enqueue_indirect_dma source(%dma_start3A_319 : memref<10240x32xf32, #tpu.memory_space<hbm>>) target(%dma_start3A_309 : memref<128x32xf32, #tpu.memory_space<vmem>>) offsets(%dma_start3A_312 : memref<128xi32, #tpu.memory_space<vmem>>) semaphore(%arg12 : memref<!tpu.dma_semaphore, #tpu.memory_space<semaphore_mem>>)
      %add3A_320 = arith.constant 2 : i32
      %add3A_321 = arith.addi %mul3A_259, %add3A_320 : i32
      %dma_wait3A_322 = arith.constant 256 : i32
      %dma_wait3A_323 = arith.constant 0 : i32
      %dma_wait3A_324 = tpu.memref_slice %arg9[%dma_wait3A_322, %dma_wait3A_323] : memref<1024x32xf32, #tpu.memory_space<vmem>> -> memref<128x32xf32, #tpu.memory_space<vmem>>
      %dma_wait3A_325 = arith.constant 0 : i32
      %dma_wait3A_326 = tpu.memref_slice %arg7[%add3A_321, %dma_wait3A_325] : memref<160x128xi32, #tpu.memory_space<vmem>> -> memref<1x128xi32, #tpu.memory_space<vmem>>
      %dma_wait3A_327 = tpu.memref_squeeze %dma_wait3A_326 : memref<1x128xi32, #tpu.memory_space<vmem>> -> memref<128xi32, #tpu.memory_space<vmem>>
      %dma_wait3A_328 = arith.constant 0 : i32
      %dma_wait3A_329 = arith.constant 0 : i32
      %dma_wait3A_330 = tpu.memref_slice %arg2[%arg0, %dma_wait3A_328, %dma_wait3A_329] : memref<2x10240x32xf32, #tpu.memory_space<hbm>> -> memref<1x10240x32xf32, #tpu.memory_space<hbm>>
      %dma_wait3A_331 = tpu.memref_squeeze %dma_wait3A_330 : memref<1x10240x32xf32, #tpu.memory_space<hbm>> -> memref<10240x32xf32, #tpu.memory_space<hbm>>
      %dma_wait3A_332 = arith.constant 0 : i32
      %dma_wait3A_333 = arith.constant 0 : i32
      %dma_wait3A_334 = tpu.memref_slice %dma_wait3A_331[%dma_wait3A_332, %dma_wait3A_333] : memref<10240x32xf32, #tpu.memory_space<hbm>> -> memref<10240x32xf32, #tpu.memory_space<hbm>>
      tpu.wait_indirect_dma semaphore(%arg13 : memref<!tpu.dma_semaphore, #tpu.memory_space<semaphore_mem>>) src(%dma_wait3A_334 : memref<10240x32xf32, #tpu.memory_space<hbm>>) dst(%dma_wait3A_324 : memref<128x32xf32, #tpu.memory_space<vmem>>)
      "tpu.region"() ({
        %run_scoped3A_500 = tpu.sem_alloc : memref<!tpu.dma_semaphore, #tpu.memory_space<semaphore_mem>>
        %dma_start3A_501 = arith.constant 256 : i32
        %dma_start3A_502 = arith.constant 0 : i32
        %dma_start3A_503 = tpu.memref_slice %arg9[%dma_start3A_501, %dma_start3A_502] : memref<1024x32xf32, #tpu.memory_space<vmem>> -> memref<128x32xf32, #tpu.memory_space<vmem>>
        %dma_start3A_504 = arith.constant 0 : i32
        %dma_start3A_505 = tpu.memref_slice %arg8[%add3A_321, %dma_start3A_504] : memref<160x128xi32, #tpu.memory_space<vmem>> -> memref<1x128xi32, #tpu.memory_space<vmem>>
        %dma_start3A_506 = tpu.memref_squeeze %dma_start3A_505 : memref<1x128xi32, #tpu.memory_space<vmem>> -> memref<128xi32, #tpu.memory_space<vmem>>
        %dma_start3A_507 = arith.constant 0 : i32
        %dma_start3A_508 = arith.constant 0 : i32
        %dma_start3A_509 = tpu.memref_slice %arg10[%dma_start3A_507, %dma_start3A_508] : memref<10240x32xf32, #tpu.memory_space<vmem_shared>> -> memref<10240x32xf32, #tpu.memory_space<vmem_shared>>
        tpu.enqueue_indirect_dma source(%dma_start3A_503 : memref<128x32xf32, #tpu.memory_space<vmem>>) target(%dma_start3A_509 : memref<10240x32xf32, #tpu.memory_space<vmem_shared>>) offsets(%dma_start3A_506 : memref<128xi32, #tpu.memory_space<vmem>>) semaphore(%run_scoped3A_500 : memref<!tpu.dma_semaphore, #tpu.memory_space<semaphore_mem>>) {add = true}
        %dma_wait3A_510 = arith.constant 256 : i32
        %dma_wait3A_511 = arith.constant 0 : i32
        %dma_wait3A_512 = tpu.memref_slice %arg9[%dma_wait3A_510, %dma_wait3A_511] : memref<1024x32xf32, #tpu.memory_space<vmem>> -> memref<128x32xf32, #tpu.memory_space<vmem>>
        %dma_wait3A_513 = arith.constant 0 : i32
        %dma_wait3A_514 = tpu.memref_slice %arg8[%add3A_321, %dma_wait3A_513] : memref<160x128xi32, #tpu.memory_space<vmem>> -> memref<1x128xi32, #tpu.memory_space<vmem>>
        %dma_wait3A_515 = tpu.memref_squeeze %dma_wait3A_514 : memref<1x128xi32, #tpu.memory_space<vmem>> -> memref<128xi32, #tpu.memory_space<vmem>>
        %dma_wait3A_516 = arith.constant 0 : i32
        %dma_wait3A_517 = arith.constant 0 : i32
        %dma_wait3A_518 = tpu.memref_slice %arg10[%dma_wait3A_516, %dma_wait3A_517] : memref<10240x32xf32, #tpu.memory_space<vmem_shared>> -> memref<10240x32xf32, #tpu.memory_space<vmem_shared>>
        tpu.wait_indirect_dma semaphore(%run_scoped3A_500 : memref<!tpu.dma_semaphore, #tpu.memory_space<semaphore_mem>>) src(%dma_wait3A_512 : memref<128x32xf32, #tpu.memory_space<vmem>>) dst(%dma_wait3A_518 : memref<10240x32xf32, #tpu.memory_space<vmem_shared>>)
        tpu.yield
      }) : () -> ()
      %add3A_335 = arith.constant 8 : i32
      %add3A_336 = arith.addi %add3A_321, %add3A_335 : i32
      %dma_start3A_337 = arith.constant 256 : i32
      %dma_start3A_338 = arith.constant 0 : i32
      %dma_start3A_339 = tpu.memref_slice %arg9[%dma_start3A_337, %dma_start3A_338] : memref<1024x32xf32, #tpu.memory_space<vmem>> -> memref<128x32xf32, #tpu.memory_space<vmem>>
      %dma_start3A_340 = arith.constant 0 : i32
      %dma_start3A_341 = tpu.memref_slice %arg7[%add3A_336, %dma_start3A_340] : memref<160x128xi32, #tpu.memory_space<vmem>> -> memref<1x128xi32, #tpu.memory_space<vmem>>
      %dma_start3A_342 = tpu.memref_squeeze %dma_start3A_341 : memref<1x128xi32, #tpu.memory_space<vmem>> -> memref<128xi32, #tpu.memory_space<vmem>>
      %dma_start3A_343 = arith.constant 0 : i32
      %dma_start3A_344 = arith.constant 0 : i32
      %dma_start3A_345 = tpu.memref_slice %arg2[%arg0, %dma_start3A_343, %dma_start3A_344] : memref<2x10240x32xf32, #tpu.memory_space<hbm>> -> memref<1x10240x32xf32, #tpu.memory_space<hbm>>
      %dma_start3A_346 = tpu.memref_squeeze %dma_start3A_345 : memref<1x10240x32xf32, #tpu.memory_space<hbm>> -> memref<10240x32xf32, #tpu.memory_space<hbm>>
      %dma_start3A_347 = arith.constant 0 : i32
      %dma_start3A_348 = arith.constant 0 : i32
      %dma_start3A_349 = tpu.memref_slice %dma_start3A_346[%dma_start3A_347, %dma_start3A_348] : memref<10240x32xf32, #tpu.memory_space<hbm>> -> memref<10240x32xf32, #tpu.memory_space<hbm>>
      tpu.enqueue_indirect_dma source(%dma_start3A_349 : memref<10240x32xf32, #tpu.memory_space<hbm>>) target(%dma_start3A_339 : memref<128x32xf32, #tpu.memory_space<vmem>>) offsets(%dma_start3A_342 : memref<128xi32, #tpu.memory_space<vmem>>) semaphore(%arg13 : memref<!tpu.dma_semaphore, #tpu.memory_space<semaphore_mem>>)
      %add3A_350 = arith.constant 3 : i32
      %add3A_351 = arith.addi %mul3A_259, %add3A_350 : i32
      %dma_wait3A_352 = arith.constant 384 : i32
      %dma_wait3A_353 = arith.constant 0 : i32
      %dma_wait3A_354 = tpu.memref_slice %arg9[%dma_wait3A_352, %dma_wait3A_353] : memref<1024x32xf32, #tpu.memory_space<vmem>> -> memref<128x32xf32, #tpu.memory_space<vmem>>
      %dma_wait3A_355 = arith.constant 0 : i32
      %dma_wait3A_356 = tpu.memref_slice %arg7[%add3A_351, %dma_wait3A_355] : memref<160x128xi32, #tpu.memory_space<vmem>> -> memref<1x128xi32, #tpu.memory_space<vmem>>
      %dma_wait3A_357 = tpu.memref_squeeze %dma_wait3A_356 : memref<1x128xi32, #tpu.memory_space<vmem>> -> memref<128xi32, #tpu.memory_space<vmem>>
      %dma_wait3A_358 = arith.constant 0 : i32
      %dma_wait3A_359 = arith.constant 0 : i32
      %dma_wait3A_360 = tpu.memref_slice %arg2[%arg0, %dma_wait3A_358, %dma_wait3A_359] : memref<2x10240x32xf32, #tpu.memory_space<hbm>> -> memref<1x10240x32xf32, #tpu.memory_space<hbm>>
      %dma_wait3A_361 = tpu.memref_squeeze %dma_wait3A_360 : memref<1x10240x32xf32, #tpu.memory_space<hbm>> -> memref<10240x32xf32, #tpu.memory_space<hbm>>
      %dma_wait3A_362 = arith.constant 0 : i32
      %dma_wait3A_363 = arith.constant 0 : i32
      %dma_wait3A_364 = tpu.memref_slice %dma_wait3A_361[%dma_wait3A_362, %dma_wait3A_363] : memref<10240x32xf32, #tpu.memory_space<hbm>> -> memref<10240x32xf32, #tpu.memory_space<hbm>>
      tpu.wait_indirect_dma semaphore(%arg14 : memref<!tpu.dma_semaphore, #tpu.memory_space<semaphore_mem>>) src(%dma_wait3A_364 : memref<10240x32xf32, #tpu.memory_space<hbm>>) dst(%dma_wait3A_354 : memref<128x32xf32, #tpu.memory_space<vmem>>)
      "tpu.region"() ({
        %run_scoped3A_500 = tpu.sem_alloc : memref<!tpu.dma_semaphore, #tpu.memory_space<semaphore_mem>>
        %dma_start3A_501 = arith.constant 384 : i32
        %dma_start3A_502 = arith.constant 0 : i32
        %dma_start3A_503 = tpu.memref_slice %arg9[%dma_start3A_501, %dma_start3A_502] : memref<1024x32xf32, #tpu.memory_space<vmem>> -> memref<128x32xf32, #tpu.memory_space<vmem>>
        %dma_start3A_504 = arith.constant 0 : i32
        %dma_start3A_505 = tpu.memref_slice %arg8[%add3A_351, %dma_start3A_504] : memref<160x128xi32, #tpu.memory_space<vmem>> -> memref<1x128xi32, #tpu.memory_space<vmem>>
        %dma_start3A_506 = tpu.memref_squeeze %dma_start3A_505 : memref<1x128xi32, #tpu.memory_space<vmem>> -> memref<128xi32, #tpu.memory_space<vmem>>
        %dma_start3A_507 = arith.constant 0 : i32
        %dma_start3A_508 = arith.constant 0 : i32
        %dma_start3A_509 = tpu.memref_slice %arg10[%dma_start3A_507, %dma_start3A_508] : memref<10240x32xf32, #tpu.memory_space<vmem_shared>> -> memref<10240x32xf32, #tpu.memory_space<vmem_shared>>
        tpu.enqueue_indirect_dma source(%dma_start3A_503 : memref<128x32xf32, #tpu.memory_space<vmem>>) target(%dma_start3A_509 : memref<10240x32xf32, #tpu.memory_space<vmem_shared>>) offsets(%dma_start3A_506 : memref<128xi32, #tpu.memory_space<vmem>>) semaphore(%run_scoped3A_500 : memref<!tpu.dma_semaphore, #tpu.memory_space<semaphore_mem>>) {add = true}
        %dma_wait3A_510 = arith.constant 384 : i32
        %dma_wait3A_511 = arith.constant 0 : i32
        %dma_wait3A_512 = tpu.memref_slice %arg9[%dma_wait3A_510, %dma_wait3A_511] : memref<1024x32xf32, #tpu.memory_space<vmem>> -> memref<128x32xf32, #tpu.memory_space<vmem>>
        %dma_wait3A_513 = arith.constant 0 : i32
        %dma_wait3A_514 = tpu.memref_slice %arg8[%add3A_351, %dma_wait3A_513] : memref<160x128xi32, #tpu.memory_space<vmem>> -> memref<1x128xi32, #tpu.memory_space<vmem>>
        %dma_wait3A_515 = tpu.memref_squeeze %dma_wait3A_514 : memref<1x128xi32, #tpu.memory_space<vmem>> -> memref<128xi32, #tpu.memory_space<vmem>>
        %dma_wait3A_516 = arith.constant 0 : i32
        %dma_wait3A_517 = arith.constant 0 : i32
        %dma_wait3A_518 = tpu.memref_slice %arg10[%dma_wait3A_516, %dma_wait3A_517] : memref<10240x32xf32, #tpu.memory_space<vmem_shared>> -> memref<10240x32xf32, #tpu.memory_space<vmem_shared>>
        tpu.wait_indirect_dma semaphore(%run_scoped3A_500 : memref<!tpu.dma_semaphore, #tpu.memory_space<semaphore_mem>>) src(%dma_wait3A_512 : memref<128x32xf32, #tpu.memory_space<vmem>>) dst(%dma_wait3A_518 : memref<10240x32xf32, #tpu.memory_space<vmem_shared>>)
        tpu.yield
      }) : () -> ()
      %add3A_365 = arith.constant 8 : i32
      %add3A_366 = arith.addi %add3A_351, %add3A_365 : i32
      %dma_start3A_367 = arith.constant 384 : i32
      %dma_start3A_368 = arith.constant 0 : i32
      %dma_start3A_369 = tpu.memref_slice %arg9[%dma_start3A_367, %dma_start3A_368] : memref<1024x32xf32, #tpu.memory_space<vmem>> -> memref<128x32xf32, #tpu.memory_space<vmem>>
      %dma_start3A_370 = arith.constant 0 : i32
      %dma_start3A_371 = tpu.memref_slice %arg7[%add3A_366, %dma_start3A_370] : memref<160x128xi32, #tpu.memory_space<vmem>> -> memref<1x128xi32, #tpu.memory_space<vmem>>
      %dma_start3A_372 = tpu.memref_squeeze %dma_start3A_371 : memref<1x128xi32, #tpu.memory_space<vmem>> -> memref<128xi32, #tpu.memory_space<vmem>>
      %dma_start3A_373 = arith.constant 0 : i32
      %dma_start3A_374 = arith.constant 0 : i32
      %dma_start3A_375 = tpu.memref_slice %arg2[%arg0, %dma_start3A_373, %dma_start3A_374] : memref<2x10240x32xf32, #tpu.memory_space<hbm>> -> memref<1x10240x32xf32, #tpu.memory_space<hbm>>
      %dma_start3A_376 = tpu.memref_squeeze %dma_start3A_375 : memref<1x10240x32xf32, #tpu.memory_space<hbm>> -> memref<10240x32xf32, #tpu.memory_space<hbm>>
      %dma_start3A_377 = arith.constant 0 : i32
      %dma_start3A_378 = arith.constant 0 : i32
      %dma_start3A_379 = tpu.memref_slice %dma_start3A_376[%dma_start3A_377, %dma_start3A_378] : memref<10240x32xf32, #tpu.memory_space<hbm>> -> memref<10240x32xf32, #tpu.memory_space<hbm>>
      tpu.enqueue_indirect_dma source(%dma_start3A_379 : memref<10240x32xf32, #tpu.memory_space<hbm>>) target(%dma_start3A_369 : memref<128x32xf32, #tpu.memory_space<vmem>>) offsets(%dma_start3A_372 : memref<128xi32, #tpu.memory_space<vmem>>) semaphore(%arg14 : memref<!tpu.dma_semaphore, #tpu.memory_space<semaphore_mem>>)
      %add3A_380 = arith.constant 4 : i32
      %add3A_381 = arith.addi %mul3A_259, %add3A_380 : i32
      %dma_wait3A_382 = arith.constant 512 : i32
      %dma_wait3A_383 = arith.constant 0 : i32
      %dma_wait3A_384 = tpu.memref_slice %arg9[%dma_wait3A_382, %dma_wait3A_383] : memref<1024x32xf32, #tpu.memory_space<vmem>> -> memref<128x32xf32, #tpu.memory_space<vmem>>
      %dma_wait3A_385 = arith.constant 0 : i32
      %dma_wait3A_386 = tpu.memref_slice %arg7[%add3A_381, %dma_wait3A_385] : memref<160x128xi32, #tpu.memory_space<vmem>> -> memref<1x128xi32, #tpu.memory_space<vmem>>
      %dma_wait3A_387 = tpu.memref_squeeze %dma_wait3A_386 : memref<1x128xi32, #tpu.memory_space<vmem>> -> memref<128xi32, #tpu.memory_space<vmem>>
      %dma_wait3A_388 = arith.constant 0 : i32
      %dma_wait3A_389 = arith.constant 0 : i32
      %dma_wait3A_390 = tpu.memref_slice %arg2[%arg0, %dma_wait3A_388, %dma_wait3A_389] : memref<2x10240x32xf32, #tpu.memory_space<hbm>> -> memref<1x10240x32xf32, #tpu.memory_space<hbm>>
      %dma_wait3A_391 = tpu.memref_squeeze %dma_wait3A_390 : memref<1x10240x32xf32, #tpu.memory_space<hbm>> -> memref<10240x32xf32, #tpu.memory_space<hbm>>
      %dma_wait3A_392 = arith.constant 0 : i32
      %dma_wait3A_393 = arith.constant 0 : i32
      %dma_wait3A_394 = tpu.memref_slice %dma_wait3A_391[%dma_wait3A_392, %dma_wait3A_393] : memref<10240x32xf32, #tpu.memory_space<hbm>> -> memref<10240x32xf32, #tpu.memory_space<hbm>>
      tpu.wait_indirect_dma semaphore(%arg15 : memref<!tpu.dma_semaphore, #tpu.memory_space<semaphore_mem>>) src(%dma_wait3A_394 : memref<10240x32xf32, #tpu.memory_space<hbm>>) dst(%dma_wait3A_384 : memref<128x32xf32, #tpu.memory_space<vmem>>)
      "tpu.region"() ({
        %run_scoped3A_500 = tpu.sem_alloc : memref<!tpu.dma_semaphore, #tpu.memory_space<semaphore_mem>>
        %dma_start3A_501 = arith.constant 512 : i32
        %dma_start3A_502 = arith.constant 0 : i32
        %dma_start3A_503 = tpu.memref_slice %arg9[%dma_start3A_501, %dma_start3A_502] : memref<1024x32xf32, #tpu.memory_space<vmem>> -> memref<128x32xf32, #tpu.memory_space<vmem>>
        %dma_start3A_504 = arith.constant 0 : i32
        %dma_start3A_505 = tpu.memref_slice %arg8[%add3A_381, %dma_start3A_504] : memref<160x128xi32, #tpu.memory_space<vmem>> -> memref<1x128xi32, #tpu.memory_space<vmem>>
        %dma_start3A_506 = tpu.memref_squeeze %dma_start3A_505 : memref<1x128xi32, #tpu.memory_space<vmem>> -> memref<128xi32, #tpu.memory_space<vmem>>
        %dma_start3A_507 = arith.constant 0 : i32
        %dma_start3A_508 = arith.constant 0 : i32
        %dma_start3A_509 = tpu.memref_slice %arg10[%dma_start3A_507, %dma_start3A_508] : memref<10240x32xf32, #tpu.memory_space<vmem_shared>> -> memref<10240x32xf32, #tpu.memory_space<vmem_shared>>
        tpu.enqueue_indirect_dma source(%dma_start3A_503 : memref<128x32xf32, #tpu.memory_space<vmem>>) target(%dma_start3A_509 : memref<10240x32xf32, #tpu.memory_space<vmem_shared>>) offsets(%dma_start3A_506 : memref<128xi32, #tpu.memory_space<vmem>>) semaphore(%run_scoped3A_500 : memref<!tpu.dma_semaphore, #tpu.memory_space<semaphore_mem>>) {add = true}
        %dma_wait3A_510 = arith.constant 512 : i32
        %dma_wait3A_511 = arith.constant 0 : i32
        %dma_wait3A_512 = tpu.memref_slice %arg9[%dma_wait3A_510, %dma_wait3A_511] : memref<1024x32xf32, #tpu.memory_space<vmem>> -> memref<128x32xf32, #tpu.memory_space<vmem>>
        %dma_wait3A_513 = arith.constant 0 : i32
        %dma_wait3A_514 = tpu.memref_slice %arg8[%add3A_381, %dma_wait3A_513] : memref<160x128xi32, #tpu.memory_space<vmem>> -> memref<1x128xi32, #tpu.memory_space<vmem>>
        %dma_wait3A_515 = tpu.memref_squeeze %dma_wait3A_514 : memref<1x128xi32, #tpu.memory_space<vmem>> -> memref<128xi32, #tpu.memory_space<vmem>>
        %dma_wait3A_516 = arith.constant 0 : i32
        %dma_wait3A_517 = arith.constant 0 : i32
        %dma_wait3A_518 = tpu.memref_slice %arg10[%dma_wait3A_516, %dma_wait3A_517] : memref<10240x32xf32, #tpu.memory_space<vmem_shared>> -> memref<10240x32xf32, #tpu.memory_space<vmem_shared>>
        tpu.wait_indirect_dma semaphore(%run_scoped3A_500 : memref<!tpu.dma_semaphore, #tpu.memory_space<semaphore_mem>>) src(%dma_wait3A_512 : memref<128x32xf32, #tpu.memory_space<vmem>>) dst(%dma_wait3A_518 : memref<10240x32xf32, #tpu.memory_space<vmem_shared>>)
        tpu.yield
      }) : () -> ()
      %add3A_395 = arith.constant 8 : i32
      %add3A_396 = arith.addi %add3A_381, %add3A_395 : i32
      %dma_start3A_397 = arith.constant 512 : i32
      %dma_start3A_398 = arith.constant 0 : i32
      %dma_start3A_399 = tpu.memref_slice %arg9[%dma_start3A_397, %dma_start3A_398] : memref<1024x32xf32, #tpu.memory_space<vmem>> -> memref<128x32xf32, #tpu.memory_space<vmem>>
      %dma_start3A_400 = arith.constant 0 : i32
      %dma_start3A_401 = tpu.memref_slice %arg7[%add3A_396, %dma_start3A_400] : memref<160x128xi32, #tpu.memory_space<vmem>> -> memref<1x128xi32, #tpu.memory_space<vmem>>
      %dma_start3A_402 = tpu.memref_squeeze %dma_start3A_401 : memref<1x128xi32, #tpu.memory_space<vmem>> -> memref<128xi32, #tpu.memory_space<vmem>>
      %dma_start3A_403 = arith.constant 0 : i32
      %dma_start3A_404 = arith.constant 0 : i32
      %dma_start3A_405 = tpu.memref_slice %arg2[%arg0, %dma_start3A_403, %dma_start3A_404] : memref<2x10240x32xf32, #tpu.memory_space<hbm>> -> memref<1x10240x32xf32, #tpu.memory_space<hbm>>
      %dma_start3A_406 = tpu.memref_squeeze %dma_start3A_405 : memref<1x10240x32xf32, #tpu.memory_space<hbm>> -> memref<10240x32xf32, #tpu.memory_space<hbm>>
      %dma_start3A_407 = arith.constant 0 : i32
      %dma_start3A_408 = arith.constant 0 : i32
      %dma_start3A_409 = tpu.memref_slice %dma_start3A_406[%dma_start3A_407, %dma_start3A_408] : memref<10240x32xf32, #tpu.memory_space<hbm>> -> memref<10240x32xf32, #tpu.memory_space<hbm>>
      tpu.enqueue_indirect_dma source(%dma_start3A_409 : memref<10240x32xf32, #tpu.memory_space<hbm>>) target(%dma_start3A_399 : memref<128x32xf32, #tpu.memory_space<vmem>>) offsets(%dma_start3A_402 : memref<128xi32, #tpu.memory_space<vmem>>) semaphore(%arg15 : memref<!tpu.dma_semaphore, #tpu.memory_space<semaphore_mem>>)
      %add3A_410 = arith.constant 5 : i32
      %add3A_411 = arith.addi %mul3A_259, %add3A_410 : i32
      %dma_wait3A_412 = arith.constant 640 : i32
      %dma_wait3A_413 = arith.constant 0 : i32
      %dma_wait3A_414 = tpu.memref_slice %arg9[%dma_wait3A_412, %dma_wait3A_413] : memref<1024x32xf32, #tpu.memory_space<vmem>> -> memref<128x32xf32, #tpu.memory_space<vmem>>
      %dma_wait3A_415 = arith.constant 0 : i32
      %dma_wait3A_416 = tpu.memref_slice %arg7[%add3A_411, %dma_wait3A_415] : memref<160x128xi32, #tpu.memory_space<vmem>> -> memref<1x128xi32, #tpu.memory_space<vmem>>
      %dma_wait3A_417 = tpu.memref_squeeze %dma_wait3A_416 : memref<1x128xi32, #tpu.memory_space<vmem>> -> memref<128xi32, #tpu.memory_space<vmem>>
      %dma_wait3A_418 = arith.constant 0 : i32
      %dma_wait3A_419 = arith.constant 0 : i32
      %dma_wait3A_420 = tpu.memref_slice %arg2[%arg0, %dma_wait3A_418, %dma_wait3A_419] : memref<2x10240x32xf32, #tpu.memory_space<hbm>> -> memref<1x10240x32xf32, #tpu.memory_space<hbm>>
      %dma_wait3A_421 = tpu.memref_squeeze %dma_wait3A_420 : memref<1x10240x32xf32, #tpu.memory_space<hbm>> -> memref<10240x32xf32, #tpu.memory_space<hbm>>
      %dma_wait3A_422 = arith.constant 0 : i32
      %dma_wait3A_423 = arith.constant 0 : i32
      %dma_wait3A_424 = tpu.memref_slice %dma_wait3A_421[%dma_wait3A_422, %dma_wait3A_423] : memref<10240x32xf32, #tpu.memory_space<hbm>> -> memref<10240x32xf32, #tpu.memory_space<hbm>>
      tpu.wait_indirect_dma semaphore(%arg16 : memref<!tpu.dma_semaphore, #tpu.memory_space<semaphore_mem>>) src(%dma_wait3A_424 : memref<10240x32xf32, #tpu.memory_space<hbm>>) dst(%dma_wait3A_414 : memref<128x32xf32, #tpu.memory_space<vmem>>)
      "tpu.region"() ({
        %run_scoped3A_500 = tpu.sem_alloc : memref<!tpu.dma_semaphore, #tpu.memory_space<semaphore_mem>>
        %dma_start3A_501 = arith.constant 640 : i32
        %dma_start3A_502 = arith.constant 0 : i32
        %dma_start3A_503 = tpu.memref_slice %arg9[%dma_start3A_501, %dma_start3A_502] : memref<1024x32xf32, #tpu.memory_space<vmem>> -> memref<128x32xf32, #tpu.memory_space<vmem>>
        %dma_start3A_504 = arith.constant 0 : i32
        %dma_start3A_505 = tpu.memref_slice %arg8[%add3A_411, %dma_start3A_504] : memref<160x128xi32, #tpu.memory_space<vmem>> -> memref<1x128xi32, #tpu.memory_space<vmem>>
        %dma_start3A_506 = tpu.memref_squeeze %dma_start3A_505 : memref<1x128xi32, #tpu.memory_space<vmem>> -> memref<128xi32, #tpu.memory_space<vmem>>
        %dma_start3A_507 = arith.constant 0 : i32
        %dma_start3A_508 = arith.constant 0 : i32
        %dma_start3A_509 = tpu.memref_slice %arg10[%dma_start3A_507, %dma_start3A_508] : memref<10240x32xf32, #tpu.memory_space<vmem_shared>> -> memref<10240x32xf32, #tpu.memory_space<vmem_shared>>
        tpu.enqueue_indirect_dma source(%dma_start3A_503 : memref<128x32xf32, #tpu.memory_space<vmem>>) target(%dma_start3A_509 : memref<10240x32xf32, #tpu.memory_space<vmem_shared>>) offsets(%dma_start3A_506 : memref<128xi32, #tpu.memory_space<vmem>>) semaphore(%run_scoped3A_500 : memref<!tpu.dma_semaphore, #tpu.memory_space<semaphore_mem>>) {add = true}
        %dma_wait3A_510 = arith.constant 640 : i32
        %dma_wait3A_511 = arith.constant 0 : i32
        %dma_wait3A_512 = tpu.memref_slice %arg9[%dma_wait3A_510, %dma_wait3A_511] : memref<1024x32xf32, #tpu.memory_space<vmem>> -> memref<128x32xf32, #tpu.memory_space<vmem>>
        %dma_wait3A_513 = arith.constant 0 : i32
        %dma_wait3A_514 = tpu.memref_slice %arg8[%add3A_411, %dma_wait3A_513] : memref<160x128xi32, #tpu.memory_space<vmem>> -> memref<1x128xi32, #tpu.memory_space<vmem>>
        %dma_wait3A_515 = tpu.memref_squeeze %dma_wait3A_514 : memref<1x128xi32, #tpu.memory_space<vmem>> -> memref<128xi32, #tpu.memory_space<vmem>>
        %dma_wait3A_516 = arith.constant 0 : i32
        %dma_wait3A_517 = arith.constant 0 : i32
        %dma_wait3A_518 = tpu.memref_slice %arg10[%dma_wait3A_516, %dma_wait3A_517] : memref<10240x32xf32, #tpu.memory_space<vmem_shared>> -> memref<10240x32xf32, #tpu.memory_space<vmem_shared>>
        tpu.wait_indirect_dma semaphore(%run_scoped3A_500 : memref<!tpu.dma_semaphore, #tpu.memory_space<semaphore_mem>>) src(%dma_wait3A_512 : memref<128x32xf32, #tpu.memory_space<vmem>>) dst(%dma_wait3A_518 : memref<10240x32xf32, #tpu.memory_space<vmem_shared>>)
        tpu.yield
      }) : () -> ()
      %add3A_425 = arith.constant 8 : i32
      %add3A_426 = arith.addi %add3A_411, %add3A_425 : i32
      %dma_start3A_427 = arith.constant 640 : i32
      %dma_start3A_428 = arith.constant 0 : i32
      %dma_start3A_429 = tpu.memref_slice %arg9[%dma_start3A_427, %dma_start3A_428] : memref<1024x32xf32, #tpu.memory_space<vmem>> -> memref<128x32xf32, #tpu.memory_space<vmem>>
      %dma_start3A_430 = arith.constant 0 : i32
      %dma_start3A_431 = tpu.memref_slice %arg7[%add3A_426, %dma_start3A_430] : memref<160x128xi32, #tpu.memory_space<vmem>> -> memref<1x128xi32, #tpu.memory_space<vmem>>
      %dma_start3A_432 = tpu.memref_squeeze %dma_start3A_431 : memref<1x128xi32, #tpu.memory_space<vmem>> -> memref<128xi32, #tpu.memory_space<vmem>>
      %dma_start3A_433 = arith.constant 0 : i32
      %dma_start3A_434 = arith.constant 0 : i32
      %dma_start3A_435 = tpu.memref_slice %arg2[%arg0, %dma_start3A_433, %dma_start3A_434] : memref<2x10240x32xf32, #tpu.memory_space<hbm>> -> memref<1x10240x32xf32, #tpu.memory_space<hbm>>
      %dma_start3A_436 = tpu.memref_squeeze %dma_start3A_435 : memref<1x10240x32xf32, #tpu.memory_space<hbm>> -> memref<10240x32xf32, #tpu.memory_space<hbm>>
      %dma_start3A_437 = arith.constant 0 : i32
      %dma_start3A_438 = arith.constant 0 : i32
      %dma_start3A_439 = tpu.memref_slice %dma_start3A_436[%dma_start3A_437, %dma_start3A_438] : memref<10240x32xf32, #tpu.memory_space<hbm>> -> memref<10240x32xf32, #tpu.memory_space<hbm>>
      tpu.enqueue_indirect_dma source(%dma_start3A_439 : memref<10240x32xf32, #tpu.memory_space<hbm>>) target(%dma_start3A_429 : memref<128x32xf32, #tpu.memory_space<vmem>>) offsets(%dma_start3A_432 : memref<128xi32, #tpu.memory_space<vmem>>) semaphore(%arg16 : memref<!tpu.dma_semaphore, #tpu.memory_space<semaphore_mem>>)
      %add3A_440 = arith.constant 6 : i32
      %add3A_441 = arith.addi %mul3A_259, %add3A_440 : i32
      %dma_wait3A_442 = arith.constant 768 : i32
      %dma_wait3A_443 = arith.constant 0 : i32
      %dma_wait3A_444 = tpu.memref_slice %arg9[%dma_wait3A_442, %dma_wait3A_443] : memref<1024x32xf32, #tpu.memory_space<vmem>> -> memref<128x32xf32, #tpu.memory_space<vmem>>
      %dma_wait3A_445 = arith.constant 0 : i32
      %dma_wait3A_446 = tpu.memref_slice %arg7[%add3A_441, %dma_wait3A_445] : memref<160x128xi32, #tpu.memory_space<vmem>> -> memref<1x128xi32, #tpu.memory_space<vmem>>
      %dma_wait3A_447 = tpu.memref_squeeze %dma_wait3A_446 : memref<1x128xi32, #tpu.memory_space<vmem>> -> memref<128xi32, #tpu.memory_space<vmem>>
      %dma_wait3A_448 = arith.constant 0 : i32
      %dma_wait3A_449 = arith.constant 0 : i32
      %dma_wait3A_450 = tpu.memref_slice %arg2[%arg0, %dma_wait3A_448, %dma_wait3A_449] : memref<2x10240x32xf32, #tpu.memory_space<hbm>> -> memref<1x10240x32xf32, #tpu.memory_space<hbm>>
      %dma_wait3A_451 = tpu.memref_squeeze %dma_wait3A_450 : memref<1x10240x32xf32, #tpu.memory_space<hbm>> -> memref<10240x32xf32, #tpu.memory_space<hbm>>
      %dma_wait3A_452 = arith.constant 0 : i32
      %dma_wait3A_453 = arith.constant 0 : i32
      %dma_wait3A_454 = tpu.memref_slice %dma_wait3A_451[%dma_wait3A_452, %dma_wait3A_453] : memref<10240x32xf32, #tpu.memory_space<hbm>> -> memref<10240x32xf32, #tpu.memory_space<hbm>>
      tpu.wait_indirect_dma semaphore(%arg17 : memref<!tpu.dma_semaphore, #tpu.memory_space<semaphore_mem>>) src(%dma_wait3A_454 : memref<10240x32xf32, #tpu.memory_space<hbm>>) dst(%dma_wait3A_444 : memref<128x32xf32, #tpu.memory_space<vmem>>)
      "tpu.region"() ({
        %run_scoped3A_500 = tpu.sem_alloc : memref<!tpu.dma_semaphore, #tpu.memory_space<semaphore_mem>>
        %dma_start3A_501 = arith.constant 768 : i32
        %dma_start3A_502 = arith.constant 0 : i32
        %dma_start3A_503 = tpu.memref_slice %arg9[%dma_start3A_501, %dma_start3A_502] : memref<1024x32xf32, #tpu.memory_space<vmem>> -> memref<128x32xf32, #tpu.memory_space<vmem>>
        %dma_start3A_504 = arith.constant 0 : i32
        %dma_start3A_505 = tpu.memref_slice %arg8[%add3A_441, %dma_start3A_504] : memref<160x128xi32, #tpu.memory_space<vmem>> -> memref<1x128xi32, #tpu.memory_space<vmem>>
        %dma_start3A_506 = tpu.memref_squeeze %dma_start3A_505 : memref<1x128xi32, #tpu.memory_space<vmem>> -> memref<128xi32, #tpu.memory_space<vmem>>
        %dma_start3A_507 = arith.constant 0 : i32
        %dma_start3A_508 = arith.constant 0 : i32
        %dma_start3A_509 = tpu.memref_slice %arg10[%dma_start3A_507, %dma_start3A_508] : memref<10240x32xf32, #tpu.memory_space<vmem_shared>> -> memref<10240x32xf32, #tpu.memory_space<vmem_shared>>
        tpu.enqueue_indirect_dma source(%dma_start3A_503 : memref<128x32xf32, #tpu.memory_space<vmem>>) target(%dma_start3A_509 : memref<10240x32xf32, #tpu.memory_space<vmem_shared>>) offsets(%dma_start3A_506 : memref<128xi32, #tpu.memory_space<vmem>>) semaphore(%run_scoped3A_500 : memref<!tpu.dma_semaphore, #tpu.memory_space<semaphore_mem>>) {add = true}
        %dma_wait3A_510 = arith.constant 768 : i32
        %dma_wait3A_511 = arith.constant 0 : i32
        %dma_wait3A_512 = tpu.memref_slice %arg9[%dma_wait3A_510, %dma_wait3A_511] : memref<1024x32xf32, #tpu.memory_space<vmem>> -> memref<128x32xf32, #tpu.memory_space<vmem>>
        %dma_wait3A_513 = arith.constant 0 : i32
        %dma_wait3A_514 = tpu.memref_slice %arg8[%add3A_441, %dma_wait3A_513] : memref<160x128xi32, #tpu.memory_space<vmem>> -> memref<1x128xi32, #tpu.memory_space<vmem>>
        %dma_wait3A_515 = tpu.memref_squeeze %dma_wait3A_514 : memref<1x128xi32, #tpu.memory_space<vmem>> -> memref<128xi32, #tpu.memory_space<vmem>>
        %dma_wait3A_516 = arith.constant 0 : i32
        %dma_wait3A_517 = arith.constant 0 : i32
        %dma_wait3A_518 = tpu.memref_slice %arg10[%dma_wait3A_516, %dma_wait3A_517] : memref<10240x32xf32, #tpu.memory_space<vmem_shared>> -> memref<10240x32xf32, #tpu.memory_space<vmem_shared>>
        tpu.wait_indirect_dma semaphore(%run_scoped3A_500 : memref<!tpu.dma_semaphore, #tpu.memory_space<semaphore_mem>>) src(%dma_wait3A_512 : memref<128x32xf32, #tpu.memory_space<vmem>>) dst(%dma_wait3A_518 : memref<10240x32xf32, #tpu.memory_space<vmem_shared>>)
        tpu.yield
      }) : () -> ()
      %add3A_455 = arith.constant 8 : i32
      %add3A_456 = arith.addi %add3A_441, %add3A_455 : i32
      %dma_start3A_457 = arith.constant 768 : i32
      %dma_start3A_458 = arith.constant 0 : i32
      %dma_start3A_459 = tpu.memref_slice %arg9[%dma_start3A_457, %dma_start3A_458] : memref<1024x32xf32, #tpu.memory_space<vmem>> -> memref<128x32xf32, #tpu.memory_space<vmem>>
      %dma_start3A_460 = arith.constant 0 : i32
      %dma_start3A_461 = tpu.memref_slice %arg7[%add3A_456, %dma_start3A_460] : memref<160x128xi32, #tpu.memory_space<vmem>> -> memref<1x128xi32, #tpu.memory_space<vmem>>
      %dma_start3A_462 = tpu.memref_squeeze %dma_start3A_461 : memref<1x128xi32, #tpu.memory_space<vmem>> -> memref<128xi32, #tpu.memory_space<vmem>>
      %dma_start3A_463 = arith.constant 0 : i32
      %dma_start3A_464 = arith.constant 0 : i32
      %dma_start3A_465 = tpu.memref_slice %arg2[%arg0, %dma_start3A_463, %dma_start3A_464] : memref<2x10240x32xf32, #tpu.memory_space<hbm>> -> memref<1x10240x32xf32, #tpu.memory_space<hbm>>
      %dma_start3A_466 = tpu.memref_squeeze %dma_start3A_465 : memref<1x10240x32xf32, #tpu.memory_space<hbm>> -> memref<10240x32xf32, #tpu.memory_space<hbm>>
      %dma_start3A_467 = arith.constant 0 : i32
      %dma_start3A_468 = arith.constant 0 : i32
      %dma_start3A_469 = tpu.memref_slice %dma_start3A_466[%dma_start3A_467, %dma_start3A_468] : memref<10240x32xf32, #tpu.memory_space<hbm>> -> memref<10240x32xf32, #tpu.memory_space<hbm>>
      tpu.enqueue_indirect_dma source(%dma_start3A_469 : memref<10240x32xf32, #tpu.memory_space<hbm>>) target(%dma_start3A_459 : memref<128x32xf32, #tpu.memory_space<vmem>>) offsets(%dma_start3A_462 : memref<128xi32, #tpu.memory_space<vmem>>) semaphore(%arg17 : memref<!tpu.dma_semaphore, #tpu.memory_space<semaphore_mem>>)
      %add3A_470 = arith.constant 7 : i32
      %add3A_471 = arith.addi %mul3A_259, %add3A_470 : i32
      %dma_wait3A_472 = arith.constant 896 : i32
      %dma_wait3A_473 = arith.constant 0 : i32
      %dma_wait3A_474 = tpu.memref_slice %arg9[%dma_wait3A_472, %dma_wait3A_473] : memref<1024x32xf32, #tpu.memory_space<vmem>> -> memref<128x32xf32, #tpu.memory_space<vmem>>
      %dma_wait3A_475 = arith.constant 0 : i32
      %dma_wait3A_476 = tpu.memref_slice %arg7[%add3A_471, %dma_wait3A_475] : memref<160x128xi32, #tpu.memory_space<vmem>> -> memref<1x128xi32, #tpu.memory_space<vmem>>
      %dma_wait3A_477 = tpu.memref_squeeze %dma_wait3A_476 : memref<1x128xi32, #tpu.memory_space<vmem>> -> memref<128xi32, #tpu.memory_space<vmem>>
      %dma_wait3A_478 = arith.constant 0 : i32
      %dma_wait3A_479 = arith.constant 0 : i32
      %dma_wait3A_480 = tpu.memref_slice %arg2[%arg0, %dma_wait3A_478, %dma_wait3A_479] : memref<2x10240x32xf32, #tpu.memory_space<hbm>> -> memref<1x10240x32xf32, #tpu.memory_space<hbm>>
      %dma_wait3A_481 = tpu.memref_squeeze %dma_wait3A_480 : memref<1x10240x32xf32, #tpu.memory_space<hbm>> -> memref<10240x32xf32, #tpu.memory_space<hbm>>
      %dma_wait3A_482 = arith.constant 0 : i32
      %dma_wait3A_483 = arith.constant 0 : i32
      %dma_wait3A_484 = tpu.memref_slice %dma_wait3A_481[%dma_wait3A_482, %dma_wait3A_483] : memref<10240x32xf32, #tpu.memory_space<hbm>> -> memref<10240x32xf32, #tpu.memory_space<hbm>>
      tpu.wait_indirect_dma semaphore(%arg18 : memref<!tpu.dma_semaphore, #tpu.memory_space<semaphore_mem>>) src(%dma_wait3A_484 : memref<10240x32xf32, #tpu.memory_space<hbm>>) dst(%dma_wait3A_474 : memref<128x32xf32, #tpu.memory_space<vmem>>)
      "tpu.region"() ({
        %run_scoped3A_500 = tpu.sem_alloc : memref<!tpu.dma_semaphore, #tpu.memory_space<semaphore_mem>>
        %dma_start3A_501 = arith.constant 896 : i32
        %dma_start3A_502 = arith.constant 0 : i32
        %dma_start3A_503 = tpu.memref_slice %arg9[%dma_start3A_501, %dma_start3A_502] : memref<1024x32xf32, #tpu.memory_space<vmem>> -> memref<128x32xf32, #tpu.memory_space<vmem>>
        %dma_start3A_504 = arith.constant 0 : i32
        %dma_start3A_505 = tpu.memref_slice %arg8[%add3A_471, %dma_start3A_504] : memref<160x128xi32, #tpu.memory_space<vmem>> -> memref<1x128xi32, #tpu.memory_space<vmem>>
        %dma_start3A_506 = tpu.memref_squeeze %dma_start3A_505 : memref<1x128xi32, #tpu.memory_space<vmem>> -> memref<128xi32, #tpu.memory_space<vmem>>
        %dma_start3A_507 = arith.constant 0 : i32
        %dma_start3A_508 = arith.constant 0 : i32
        %dma_start3A_509 = tpu.memref_slice %arg10[%dma_start3A_507, %dma_start3A_508] : memref<10240x32xf32, #tpu.memory_space<vmem_shared>> -> memref<10240x32xf32, #tpu.memory_space<vmem_shared>>
        tpu.enqueue_indirect_dma source(%dma_start3A_503 : memref<128x32xf32, #tpu.memory_space<vmem>>) target(%dma_start3A_509 : memref<10240x32xf32, #tpu.memory_space<vmem_shared>>) offsets(%dma_start3A_506 : memref<128xi32, #tpu.memory_space<vmem>>) semaphore(%run_scoped3A_500 : memref<!tpu.dma_semaphore, #tpu.memory_space<semaphore_mem>>) {add = true}
        %dma_wait3A_510 = arith.constant 896 : i32
        %dma_wait3A_511 = arith.constant 0 : i32
        %dma_wait3A_512 = tpu.memref_slice %arg9[%dma_wait3A_510, %dma_wait3A_511] : memref<1024x32xf32, #tpu.memory_space<vmem>> -> memref<128x32xf32, #tpu.memory_space<vmem>>
        %dma_wait3A_513 = arith.constant 0 : i32
        %dma_wait3A_514 = tpu.memref_slice %arg8[%add3A_471, %dma_wait3A_513] : memref<160x128xi32, #tpu.memory_space<vmem>> -> memref<1x128xi32, #tpu.memory_space<vmem>>
        %dma_wait3A_515 = tpu.memref_squeeze %dma_wait3A_514 : memref<1x128xi32, #tpu.memory_space<vmem>> -> memref<128xi32, #tpu.memory_space<vmem>>
        %dma_wait3A_516 = arith.constant 0 : i32
        %dma_wait3A_517 = arith.constant 0 : i32
        %dma_wait3A_518 = tpu.memref_slice %arg10[%dma_wait3A_516, %dma_wait3A_517] : memref<10240x32xf32, #tpu.memory_space<vmem_shared>> -> memref<10240x32xf32, #tpu.memory_space<vmem_shared>>
        tpu.wait_indirect_dma semaphore(%run_scoped3A_500 : memref<!tpu.dma_semaphore, #tpu.memory_space<semaphore_mem>>) src(%dma_wait3A_512 : memref<128x32xf32, #tpu.memory_space<vmem>>) dst(%dma_wait3A_518 : memref<10240x32xf32, #tpu.memory_space<vmem_shared>>)
        tpu.yield
      }) : () -> ()
      %add3A_485 = arith.constant 8 : i32
      %add3A_486 = arith.addi %add3A_471, %add3A_485 : i32
      %dma_start3A_487 = arith.constant 896 : i32
      %dma_start3A_488 = arith.constant 0 : i32
      %dma_start3A_489 = tpu.memref_slice %arg9[%dma_start3A_487, %dma_start3A_488] : memref<1024x32xf32, #tpu.memory_space<vmem>> -> memref<128x32xf32, #tpu.memory_space<vmem>>
      %dma_start3A_490 = arith.constant 0 : i32
      %dma_start3A_491 = tpu.memref_slice %arg7[%add3A_486, %dma_start3A_490] : memref<160x128xi32, #tpu.memory_space<vmem>> -> memref<1x128xi32, #tpu.memory_space<vmem>>
      %dma_start3A_492 = tpu.memref_squeeze %dma_start3A_491 : memref<1x128xi32, #tpu.memory_space<vmem>> -> memref<128xi32, #tpu.memory_space<vmem>>
      %dma_start3A_493 = arith.constant 0 : i32
      %dma_start3A_494 = arith.constant 0 : i32
      %dma_start3A_495 = tpu.memref_slice %arg2[%arg0, %dma_start3A_493, %dma_start3A_494] : memref<2x10240x32xf32, #tpu.memory_space<hbm>> -> memref<1x10240x32xf32, #tpu.memory_space<hbm>>
      %dma_start3A_496 = tpu.memref_squeeze %dma_start3A_495 : memref<1x10240x32xf32, #tpu.memory_space<hbm>> -> memref<10240x32xf32, #tpu.memory_space<hbm>>
      %dma_start3A_497 = arith.constant 0 : i32
      %dma_start3A_498 = arith.constant 0 : i32
      %dma_start3A_499 = tpu.memref_slice %dma_start3A_496[%dma_start3A_497, %dma_start3A_498] : memref<10240x32xf32, #tpu.memory_space<hbm>> -> memref<10240x32xf32, #tpu.memory_space<hbm>>
      tpu.enqueue_indirect_dma source(%dma_start3A_499 : memref<10240x32xf32, #tpu.memory_space<hbm>>) target(%dma_start3A_489 : memref<128x32xf32, #tpu.memory_space<vmem>>) offsets(%dma_start3A_492 : memref<128xi32, #tpu.memory_space<vmem>>) semaphore(%arg18 : memref<!tpu.dma_semaphore, #tpu.memory_space<semaphore_mem>>)
    }
    %scan3A_133 = arith.constant 19 : i32
    %dma_wait3A = arith.constant 152 : i32
    %dma_wait3A_134 = arith.constant 0 : i32
    %dma_wait3A_135 = arith.constant 0 : i32
    %dma_wait3A_136 = tpu.memref_slice %arg9[%dma_wait3A_134, %dma_wait3A_135] : memref<1024x32xf32, #tpu.memory_space<vmem>> -> memref<128x32xf32, #tpu.memory_space<vmem>>
    %dma_wait3A_137 = arith.constant 0 : i32
    %dma_wait3A_138 = tpu.memref_slice %arg7[%dma_wait3A, %dma_wait3A_137] : memref<160x128xi32, #tpu.memory_space<vmem>> -> memref<1x128xi32, #tpu.memory_space<vmem>>
    %dma_wait3A_139 = tpu.memref_squeeze %dma_wait3A_138 : memref<1x128xi32, #tpu.memory_space<vmem>> -> memref<128xi32, #tpu.memory_space<vmem>>
    %dma_wait3A_140 = arith.constant 0 : i32
    %dma_wait3A_141 = arith.constant 0 : i32
    %dma_wait3A_142 = tpu.memref_slice %arg2[%arg0, %dma_wait3A_140, %dma_wait3A_141] : memref<2x10240x32xf32, #tpu.memory_space<hbm>> -> memref<1x10240x32xf32, #tpu.memory_space<hbm>>
    %dma_wait3A_143 = tpu.memref_squeeze %dma_wait3A_142 : memref<1x10240x32xf32, #tpu.memory_space<hbm>> -> memref<10240x32xf32, #tpu.memory_space<hbm>>
    %dma_wait3A_144 = arith.constant 0 : i32
    %dma_wait3A_145 = arith.constant 0 : i32
    %dma_wait3A_146 = tpu.memref_slice %dma_wait3A_143[%dma_wait3A_144, %dma_wait3A_145] : memref<10240x32xf32, #tpu.memory_space<hbm>> -> memref<10240x32xf32, #tpu.memory_space<hbm>>
    tpu.wait_indirect_dma semaphore(%arg11 : memref<!tpu.dma_semaphore, #tpu.memory_space<semaphore_mem>>) src(%dma_wait3A_146 : memref<10240x32xf32, #tpu.memory_space<hbm>>) dst(%dma_wait3A_136 : memref<128x32xf32, #tpu.memory_space<vmem>>)
    %run_scoped3A = arith.constant 152 : i32
    "tpu.region"() ({
      %run_scoped3A_257 = tpu.sem_alloc : memref<!tpu.dma_semaphore, #tpu.memory_space<semaphore_mem>>
      %dma_start3A_258 = arith.constant 0 : i32
      %dma_start3A_259 = arith.constant 0 : i32
      %dma_start3A_260 = tpu.memref_slice %arg9[%dma_start3A_258, %dma_start3A_259] : memref<1024x32xf32, #tpu.memory_space<vmem>> -> memref<128x32xf32, #tpu.memory_space<vmem>>
      %dma_start3A_261 = arith.constant 0 : i32
      %dma_start3A_262 = tpu.memref_slice %arg8[%run_scoped3A, %dma_start3A_261] : memref<160x128xi32, #tpu.memory_space<vmem>> -> memref<1x128xi32, #tpu.memory_space<vmem>>
      %dma_start3A_263 = tpu.memref_squeeze %dma_start3A_262 : memref<1x128xi32, #tpu.memory_space<vmem>> -> memref<128xi32, #tpu.memory_space<vmem>>
      %dma_start3A_264 = arith.constant 0 : i32
      %dma_start3A_265 = arith.constant 0 : i32
      %dma_start3A_266 = tpu.memref_slice %arg10[%dma_start3A_264, %dma_start3A_265] : memref<10240x32xf32, #tpu.memory_space<vmem_shared>> -> memref<10240x32xf32, #tpu.memory_space<vmem_shared>>
      tpu.enqueue_indirect_dma source(%dma_start3A_260 : memref<128x32xf32, #tpu.memory_space<vmem>>) target(%dma_start3A_266 : memref<10240x32xf32, #tpu.memory_space<vmem_shared>>) offsets(%dma_start3A_263 : memref<128xi32, #tpu.memory_space<vmem>>) semaphore(%run_scoped3A_257 : memref<!tpu.dma_semaphore, #tpu.memory_space<semaphore_mem>>) {add = true}
      %dma_wait3A_267 = arith.constant 0 : i32
      %dma_wait3A_268 = arith.constant 0 : i32
      %dma_wait3A_269 = tpu.memref_slice %arg9[%dma_wait3A_267, %dma_wait3A_268] : memref<1024x32xf32, #tpu.memory_space<vmem>> -> memref<128x32xf32, #tpu.memory_space<vmem>>
      %dma_wait3A_270 = arith.constant 0 : i32
      %dma_wait3A_271 = tpu.memref_slice %arg8[%run_scoped3A, %dma_wait3A_270] : memref<160x128xi32, #tpu.memory_space<vmem>> -> memref<1x128xi32, #tpu.memory_space<vmem>>
      %dma_wait3A_272 = tpu.memref_squeeze %dma_wait3A_271 : memref<1x128xi32, #tpu.memory_space<vmem>> -> memref<128xi32, #tpu.memory_space<vmem>>
      %dma_wait3A_273 = arith.constant 0 : i32
      %dma_wait3A_274 = arith.constant 0 : i32
      %dma_wait3A_275 = tpu.memref_slice %arg10[%dma_wait3A_273, %dma_wait3A_274] : memref<10240x32xf32, #tpu.memory_space<vmem_shared>> -> memref<10240x32xf32, #tpu.memory_space<vmem_shared>>
      tpu.wait_indirect_dma semaphore(%run_scoped3A_257 : memref<!tpu.dma_semaphore, #tpu.memory_space<semaphore_mem>>) src(%dma_wait3A_269 : memref<128x32xf32, #tpu.memory_space<vmem>>) dst(%dma_wait3A_275 : memref<10240x32xf32, #tpu.memory_space<vmem_shared>>)
      tpu.yield
    }) : () -> ()
    %dma_wait3A_147 = arith.constant 153 : i32
    %dma_wait3A_148 = arith.constant 128 : i32
    %dma_wait3A_149 = arith.constant 0 : i32
    %dma_wait3A_150 = tpu.memref_slice %arg9[%dma_wait3A_148, %dma_wait3A_149] : memref<1024x32xf32, #tpu.memory_space<vmem>> -> memref<128x32xf32, #tpu.memory_space<vmem>>
    %dma_wait3A_151 = arith.constant 0 : i32
    %dma_wait3A_152 = tpu.memref_slice %arg7[%dma_wait3A_147, %dma_wait3A_151] : memref<160x128xi32, #tpu.memory_space<vmem>> -> memref<1x128xi32, #tpu.memory_space<vmem>>
    %dma_wait3A_153 = tpu.memref_squeeze %dma_wait3A_152 : memref<1x128xi32, #tpu.memory_space<vmem>> -> memref<128xi32, #tpu.memory_space<vmem>>
    %dma_wait3A_154 = arith.constant 0 : i32
    %dma_wait3A_155 = arith.constant 0 : i32
    %dma_wait3A_156 = tpu.memref_slice %arg2[%arg0, %dma_wait3A_154, %dma_wait3A_155] : memref<2x10240x32xf32, #tpu.memory_space<hbm>> -> memref<1x10240x32xf32, #tpu.memory_space<hbm>>
    %dma_wait3A_157 = tpu.memref_squeeze %dma_wait3A_156 : memref<1x10240x32xf32, #tpu.memory_space<hbm>> -> memref<10240x32xf32, #tpu.memory_space<hbm>>
    %dma_wait3A_158 = arith.constant 0 : i32
    %dma_wait3A_159 = arith.constant 0 : i32
    %dma_wait3A_160 = tpu.memref_slice %dma_wait3A_157[%dma_wait3A_158, %dma_wait3A_159] : memref<10240x32xf32, #tpu.memory_space<hbm>> -> memref<10240x32xf32, #tpu.memory_space<hbm>>
    tpu.wait_indirect_dma semaphore(%arg12 : memref<!tpu.dma_semaphore, #tpu.memory_space<semaphore_mem>>) src(%dma_wait3A_160 : memref<10240x32xf32, #tpu.memory_space<hbm>>) dst(%dma_wait3A_150 : memref<128x32xf32, #tpu.memory_space<vmem>>)
    %run_scoped3A_161 = arith.constant 153 : i32
    "tpu.region"() ({
      %run_scoped3A_257 = tpu.sem_alloc : memref<!tpu.dma_semaphore, #tpu.memory_space<semaphore_mem>>
      %dma_start3A_258 = arith.constant 128 : i32
      %dma_start3A_259 = arith.constant 0 : i32
      %dma_start3A_260 = tpu.memref_slice %arg9[%dma_start3A_258, %dma_start3A_259] : memref<1024x32xf32, #tpu.memory_space<vmem>> -> memref<128x32xf32, #tpu.memory_space<vmem>>
      %dma_start3A_261 = arith.constant 0 : i32
      %dma_start3A_262 = tpu.memref_slice %arg8[%run_scoped3A_161, %dma_start3A_261] : memref<160x128xi32, #tpu.memory_space<vmem>> -> memref<1x128xi32, #tpu.memory_space<vmem>>
      %dma_start3A_263 = tpu.memref_squeeze %dma_start3A_262 : memref<1x128xi32, #tpu.memory_space<vmem>> -> memref<128xi32, #tpu.memory_space<vmem>>
      %dma_start3A_264 = arith.constant 0 : i32
      %dma_start3A_265 = arith.constant 0 : i32
      %dma_start3A_266 = tpu.memref_slice %arg10[%dma_start3A_264, %dma_start3A_265] : memref<10240x32xf32, #tpu.memory_space<vmem_shared>> -> memref<10240x32xf32, #tpu.memory_space<vmem_shared>>
      tpu.enqueue_indirect_dma source(%dma_start3A_260 : memref<128x32xf32, #tpu.memory_space<vmem>>) target(%dma_start3A_266 : memref<10240x32xf32, #tpu.memory_space<vmem_shared>>) offsets(%dma_start3A_263 : memref<128xi32, #tpu.memory_space<vmem>>) semaphore(%run_scoped3A_257 : memref<!tpu.dma_semaphore, #tpu.memory_space<semaphore_mem>>) {add = true}
      %dma_wait3A_267 = arith.constant 128 : i32
      %dma_wait3A_268 = arith.constant 0 : i32
      %dma_wait3A_269 = tpu.memref_slice %arg9[%dma_wait3A_267, %dma_wait3A_268] : memref<1024x32xf32, #tpu.memory_space<vmem>> -> memref<128x32xf32, #tpu.memory_space<vmem>>
      %dma_wait3A_270 = arith.constant 0 : i32
      %dma_wait3A_271 = tpu.memref_slice %arg8[%run_scoped3A_161, %dma_wait3A_270] : memref<160x128xi32, #tpu.memory_space<vmem>> -> memref<1x128xi32, #tpu.memory_space<vmem>>
      %dma_wait3A_272 = tpu.memref_squeeze %dma_wait3A_271 : memref<1x128xi32, #tpu.memory_space<vmem>> -> memref<128xi32, #tpu.memory_space<vmem>>
      %dma_wait3A_273 = arith.constant 0 : i32
      %dma_wait3A_274 = arith.constant 0 : i32
      %dma_wait3A_275 = tpu.memref_slice %arg10[%dma_wait3A_273, %dma_wait3A_274] : memref<10240x32xf32, #tpu.memory_space<vmem_shared>> -> memref<10240x32xf32, #tpu.memory_space<vmem_shared>>
      tpu.wait_indirect_dma semaphore(%run_scoped3A_257 : memref<!tpu.dma_semaphore, #tpu.memory_space<semaphore_mem>>) src(%dma_wait3A_269 : memref<128x32xf32, #tpu.memory_space<vmem>>) dst(%dma_wait3A_275 : memref<10240x32xf32, #tpu.memory_space<vmem_shared>>)
      tpu.yield
    }) : () -> ()
    %dma_wait3A_162 = arith.constant 154 : i32
    %dma_wait3A_163 = arith.constant 256 : i32
    %dma_wait3A_164 = arith.constant 0 : i32
    %dma_wait3A_165 = tpu.memref_slice %arg9[%dma_wait3A_163, %dma_wait3A_164] : memref<1024x32xf32, #tpu.memory_space<vmem>> -> memref<128x32xf32, #tpu.memory_space<vmem>>
    %dma_wait3A_166 = arith.constant 0 : i32
    %dma_wait3A_167 = tpu.memref_slice %arg7[%dma_wait3A_162, %dma_wait3A_166] : memref<160x128xi32, #tpu.memory_space<vmem>> -> memref<1x128xi32, #tpu.memory_space<vmem>>
    %dma_wait3A_168 = tpu.memref_squeeze %dma_wait3A_167 : memref<1x128xi32, #tpu.memory_space<vmem>> -> memref<128xi32, #tpu.memory_space<vmem>>
    %dma_wait3A_169 = arith.constant 0 : i32
    %dma_wait3A_170 = arith.constant 0 : i32
    %dma_wait3A_171 = tpu.memref_slice %arg2[%arg0, %dma_wait3A_169, %dma_wait3A_170] : memref<2x10240x32xf32, #tpu.memory_space<hbm>> -> memref<1x10240x32xf32, #tpu.memory_space<hbm>>
    %dma_wait3A_172 = tpu.memref_squeeze %dma_wait3A_171 : memref<1x10240x32xf32, #tpu.memory_space<hbm>> -> memref<10240x32xf32, #tpu.memory_space<hbm>>
    %dma_wait3A_173 = arith.constant 0 : i32
    %dma_wait3A_174 = arith.constant 0 : i32
    %dma_wait3A_175 = tpu.memref_slice %dma_wait3A_172[%dma_wait3A_173, %dma_wait3A_174] : memref<10240x32xf32, #tpu.memory_space<hbm>> -> memref<10240x32xf32, #tpu.memory_space<hbm>>
    tpu.wait_indirect_dma semaphore(%arg13 : memref<!tpu.dma_semaphore, #tpu.memory_space<semaphore_mem>>) src(%dma_wait3A_175 : memref<10240x32xf32, #tpu.memory_space<hbm>>) dst(%dma_wait3A_165 : memref<128x32xf32, #tpu.memory_space<vmem>>)
    %run_scoped3A_176 = arith.constant 154 : i32
    "tpu.region"() ({
      %run_scoped3A_257 = tpu.sem_alloc : memref<!tpu.dma_semaphore, #tpu.memory_space<semaphore_mem>>
      %dma_start3A_258 = arith.constant 256 : i32
      %dma_start3A_259 = arith.constant 0 : i32
      %dma_start3A_260 = tpu.memref_slice %arg9[%dma_start3A_258, %dma_start3A_259] : memref<1024x32xf32, #tpu.memory_space<vmem>> -> memref<128x32xf32, #tpu.memory_space<vmem>>
      %dma_start3A_261 = arith.constant 0 : i32
      %dma_start3A_262 = tpu.memref_slice %arg8[%run_scoped3A_176, %dma_start3A_261] : memref<160x128xi32, #tpu.memory_space<vmem>> -> memref<1x128xi32, #tpu.memory_space<vmem>>
      %dma_start3A_263 = tpu.memref_squeeze %dma_start3A_262 : memref<1x128xi32, #tpu.memory_space<vmem>> -> memref<128xi32, #tpu.memory_space<vmem>>
      %dma_start3A_264 = arith.constant 0 : i32
      %dma_start3A_265 = arith.constant 0 : i32
      %dma_start3A_266 = tpu.memref_slice %arg10[%dma_start3A_264, %dma_start3A_265] : memref<10240x32xf32, #tpu.memory_space<vmem_shared>> -> memref<10240x32xf32, #tpu.memory_space<vmem_shared>>
      tpu.enqueue_indirect_dma source(%dma_start3A_260 : memref<128x32xf32, #tpu.memory_space<vmem>>) target(%dma_start3A_266 : memref<10240x32xf32, #tpu.memory_space<vmem_shared>>) offsets(%dma_start3A_263 : memref<128xi32, #tpu.memory_space<vmem>>) semaphore(%run_scoped3A_257 : memref<!tpu.dma_semaphore, #tpu.memory_space<semaphore_mem>>) {add = true}
      %dma_wait3A_267 = arith.constant 256 : i32
      %dma_wait3A_268 = arith.constant 0 : i32
      %dma_wait3A_269 = tpu.memref_slice %arg9[%dma_wait3A_267, %dma_wait3A_268] : memref<1024x32xf32, #tpu.memory_space<vmem>> -> memref<128x32xf32, #tpu.memory_space<vmem>>
      %dma_wait3A_270 = arith.constant 0 : i32
      %dma_wait3A_271 = tpu.memref_slice %arg8[%run_scoped3A_176, %dma_wait3A_270] : memref<160x128xi32, #tpu.memory_space<vmem>> -> memref<1x128xi32, #tpu.memory_space<vmem>>
      %dma_wait3A_272 = tpu.memref_squeeze %dma_wait3A_271 : memref<1x128xi32, #tpu.memory_space<vmem>> -> memref<128xi32, #tpu.memory_space<vmem>>
      %dma_wait3A_273 = arith.constant 0 : i32
      %dma_wait3A_274 = arith.constant 0 : i32
      %dma_wait3A_275 = tpu.memref_slice %arg10[%dma_wait3A_273, %dma_wait3A_274] : memref<10240x32xf32, #tpu.memory_space<vmem_shared>> -> memref<10240x32xf32, #tpu.memory_space<vmem_shared>>
      tpu.wait_indirect_dma semaphore(%run_scoped3A_257 : memref<!tpu.dma_semaphore, #tpu.memory_space<semaphore_mem>>) src(%dma_wait3A_269 : memref<128x32xf32, #tpu.memory_space<vmem>>) dst(%dma_wait3A_275 : memref<10240x32xf32, #tpu.memory_space<vmem_shared>>)
      tpu.yield
    }) : () -> ()
    %dma_wait3A_177 = arith.constant 155 : i32
    %dma_wait3A_178 = arith.constant 384 : i32
    %dma_wait3A_179 = arith.constant 0 : i32
    %dma_wait3A_180 = tpu.memref_slice %arg9[%dma_wait3A_178, %dma_wait3A_179] : memref<1024x32xf32, #tpu.memory_space<vmem>> -> memref<128x32xf32, #tpu.memory_space<vmem>>
    %dma_wait3A_181 = arith.constant 0 : i32
    %dma_wait3A_182 = tpu.memref_slice %arg7[%dma_wait3A_177, %dma_wait3A_181] : memref<160x128xi32, #tpu.memory_space<vmem>> -> memref<1x128xi32, #tpu.memory_space<vmem>>
    %dma_wait3A_183 = tpu.memref_squeeze %dma_wait3A_182 : memref<1x128xi32, #tpu.memory_space<vmem>> -> memref<128xi32, #tpu.memory_space<vmem>>
    %dma_wait3A_184 = arith.constant 0 : i32
    %dma_wait3A_185 = arith.constant 0 : i32
    %dma_wait3A_186 = tpu.memref_slice %arg2[%arg0, %dma_wait3A_184, %dma_wait3A_185] : memref<2x10240x32xf32, #tpu.memory_space<hbm>> -> memref<1x10240x32xf32, #tpu.memory_space<hbm>>
    %dma_wait3A_187 = tpu.memref_squeeze %dma_wait3A_186 : memref<1x10240x32xf32, #tpu.memory_space<hbm>> -> memref<10240x32xf32, #tpu.memory_space<hbm>>
    %dma_wait3A_188 = arith.constant 0 : i32
    %dma_wait3A_189 = arith.constant 0 : i32
    %dma_wait3A_190 = tpu.memref_slice %dma_wait3A_187[%dma_wait3A_188, %dma_wait3A_189] : memref<10240x32xf32, #tpu.memory_space<hbm>> -> memref<10240x32xf32, #tpu.memory_space<hbm>>
    tpu.wait_indirect_dma semaphore(%arg14 : memref<!tpu.dma_semaphore, #tpu.memory_space<semaphore_mem>>) src(%dma_wait3A_190 : memref<10240x32xf32, #tpu.memory_space<hbm>>) dst(%dma_wait3A_180 : memref<128x32xf32, #tpu.memory_space<vmem>>)
    %run_scoped3A_191 = arith.constant 155 : i32
    "tpu.region"() ({
      %run_scoped3A_257 = tpu.sem_alloc : memref<!tpu.dma_semaphore, #tpu.memory_space<semaphore_mem>>
      %dma_start3A_258 = arith.constant 384 : i32
      %dma_start3A_259 = arith.constant 0 : i32
      %dma_start3A_260 = tpu.memref_slice %arg9[%dma_start3A_258, %dma_start3A_259] : memref<1024x32xf32, #tpu.memory_space<vmem>> -> memref<128x32xf32, #tpu.memory_space<vmem>>
      %dma_start3A_261 = arith.constant 0 : i32
      %dma_start3A_262 = tpu.memref_slice %arg8[%run_scoped3A_191, %dma_start3A_261] : memref<160x128xi32, #tpu.memory_space<vmem>> -> memref<1x128xi32, #tpu.memory_space<vmem>>
      %dma_start3A_263 = tpu.memref_squeeze %dma_start3A_262 : memref<1x128xi32, #tpu.memory_space<vmem>> -> memref<128xi32, #tpu.memory_space<vmem>>
      %dma_start3A_264 = arith.constant 0 : i32
      %dma_start3A_265 = arith.constant 0 : i32
      %dma_start3A_266 = tpu.memref_slice %arg10[%dma_start3A_264, %dma_start3A_265] : memref<10240x32xf32, #tpu.memory_space<vmem_shared>> -> memref<10240x32xf32, #tpu.memory_space<vmem_shared>>
      tpu.enqueue_indirect_dma source(%dma_start3A_260 : memref<128x32xf32, #tpu.memory_space<vmem>>) target(%dma_start3A_266 : memref<10240x32xf32, #tpu.memory_space<vmem_shared>>) offsets(%dma_start3A_263 : memref<128xi32, #tpu.memory_space<vmem>>) semaphore(%run_scoped3A_257 : memref<!tpu.dma_semaphore, #tpu.memory_space<semaphore_mem>>) {add = true}
      %dma_wait3A_267 = arith.constant 384 : i32
      %dma_wait3A_268 = arith.constant 0 : i32
      %dma_wait3A_269 = tpu.memref_slice %arg9[%dma_wait3A_267, %dma_wait3A_268] : memref<1024x32xf32, #tpu.memory_space<vmem>> -> memref<128x32xf32, #tpu.memory_space<vmem>>
      %dma_wait3A_270 = arith.constant 0 : i32
      %dma_wait3A_271 = tpu.memref_slice %arg8[%run_scoped3A_191, %dma_wait3A_270] : memref<160x128xi32, #tpu.memory_space<vmem>> -> memref<1x128xi32, #tpu.memory_space<vmem>>
      %dma_wait3A_272 = tpu.memref_squeeze %dma_wait3A_271 : memref<1x128xi32, #tpu.memory_space<vmem>> -> memref<128xi32, #tpu.memory_space<vmem>>
      %dma_wait3A_273 = arith.constant 0 : i32
      %dma_wait3A_274 = arith.constant 0 : i32
      %dma_wait3A_275 = tpu.memref_slice %arg10[%dma_wait3A_273, %dma_wait3A_274] : memref<10240x32xf32, #tpu.memory_space<vmem_shared>> -> memref<10240x32xf32, #tpu.memory_space<vmem_shared>>
      tpu.wait_indirect_dma semaphore(%run_scoped3A_257 : memref<!tpu.dma_semaphore, #tpu.memory_space<semaphore_mem>>) src(%dma_wait3A_269 : memref<128x32xf32, #tpu.memory_space<vmem>>) dst(%dma_wait3A_275 : memref<10240x32xf32, #tpu.memory_space<vmem_shared>>)
      tpu.yield
    }) : () -> ()
    %dma_wait3A_192 = arith.constant 156 : i32
    %dma_wait3A_193 = arith.constant 512 : i32
    %dma_wait3A_194 = arith.constant 0 : i32
    %dma_wait3A_195 = tpu.memref_slice %arg9[%dma_wait3A_193, %dma_wait3A_194] : memref<1024x32xf32, #tpu.memory_space<vmem>> -> memref<128x32xf32, #tpu.memory_space<vmem>>
    %dma_wait3A_196 = arith.constant 0 : i32
    %dma_wait3A_197 = tpu.memref_slice %arg7[%dma_wait3A_192, %dma_wait3A_196] : memref<160x128xi32, #tpu.memory_space<vmem>> -> memref<1x128xi32, #tpu.memory_space<vmem>>
    %dma_wait3A_198 = tpu.memref_squeeze %dma_wait3A_197 : memref<1x128xi32, #tpu.memory_space<vmem>> -> memref<128xi32, #tpu.memory_space<vmem>>
    %dma_wait3A_199 = arith.constant 0 : i32
    %dma_wait3A_200 = arith.constant 0 : i32
    %dma_wait3A_201 = tpu.memref_slice %arg2[%arg0, %dma_wait3A_199, %dma_wait3A_200] : memref<2x10240x32xf32, #tpu.memory_space<hbm>> -> memref<1x10240x32xf32, #tpu.memory_space<hbm>>
    %dma_wait3A_202 = tpu.memref_squeeze %dma_wait3A_201 : memref<1x10240x32xf32, #tpu.memory_space<hbm>> -> memref<10240x32xf32, #tpu.memory_space<hbm>>
    %dma_wait3A_203 = arith.constant 0 : i32
    %dma_wait3A_204 = arith.constant 0 : i32
    %dma_wait3A_205 = tpu.memref_slice %dma_wait3A_202[%dma_wait3A_203, %dma_wait3A_204] : memref<10240x32xf32, #tpu.memory_space<hbm>> -> memref<10240x32xf32, #tpu.memory_space<hbm>>
    tpu.wait_indirect_dma semaphore(%arg15 : memref<!tpu.dma_semaphore, #tpu.memory_space<semaphore_mem>>) src(%dma_wait3A_205 : memref<10240x32xf32, #tpu.memory_space<hbm>>) dst(%dma_wait3A_195 : memref<128x32xf32, #tpu.memory_space<vmem>>)
    %run_scoped3A_206 = arith.constant 156 : i32
    "tpu.region"() ({
      %run_scoped3A_257 = tpu.sem_alloc : memref<!tpu.dma_semaphore, #tpu.memory_space<semaphore_mem>>
      %dma_start3A_258 = arith.constant 512 : i32
      %dma_start3A_259 = arith.constant 0 : i32
      %dma_start3A_260 = tpu.memref_slice %arg9[%dma_start3A_258, %dma_start3A_259] : memref<1024x32xf32, #tpu.memory_space<vmem>> -> memref<128x32xf32, #tpu.memory_space<vmem>>
      %dma_start3A_261 = arith.constant 0 : i32
      %dma_start3A_262 = tpu.memref_slice %arg8[%run_scoped3A_206, %dma_start3A_261] : memref<160x128xi32, #tpu.memory_space<vmem>> -> memref<1x128xi32, #tpu.memory_space<vmem>>
      %dma_start3A_263 = tpu.memref_squeeze %dma_start3A_262 : memref<1x128xi32, #tpu.memory_space<vmem>> -> memref<128xi32, #tpu.memory_space<vmem>>
      %dma_start3A_264 = arith.constant 0 : i32
      %dma_start3A_265 = arith.constant 0 : i32
      %dma_start3A_266 = tpu.memref_slice %arg10[%dma_start3A_264, %dma_start3A_265] : memref<10240x32xf32, #tpu.memory_space<vmem_shared>> -> memref<10240x32xf32, #tpu.memory_space<vmem_shared>>
      tpu.enqueue_indirect_dma source(%dma_start3A_260 : memref<128x32xf32, #tpu.memory_space<vmem>>) target(%dma_start3A_266 : memref<10240x32xf32, #tpu.memory_space<vmem_shared>>) offsets(%dma_start3A_263 : memref<128xi32, #tpu.memory_space<vmem>>) semaphore(%run_scoped3A_257 : memref<!tpu.dma_semaphore, #tpu.memory_space<semaphore_mem>>) {add = true}
      %dma_wait3A_267 = arith.constant 512 : i32
      %dma_wait3A_268 = arith.constant 0 : i32
      %dma_wait3A_269 = tpu.memref_slice %arg9[%dma_wait3A_267, %dma_wait3A_268] : memref<1024x32xf32, #tpu.memory_space<vmem>> -> memref<128x32xf32, #tpu.memory_space<vmem>>
      %dma_wait3A_270 = arith.constant 0 : i32
      %dma_wait3A_271 = tpu.memref_slice %arg8[%run_scoped3A_206, %dma_wait3A_270] : memref<160x128xi32, #tpu.memory_space<vmem>> -> memref<1x128xi32, #tpu.memory_space<vmem>>
      %dma_wait3A_272 = tpu.memref_squeeze %dma_wait3A_271 : memref<1x128xi32, #tpu.memory_space<vmem>> -> memref<128xi32, #tpu.memory_space<vmem>>
      %dma_wait3A_273 = arith.constant 0 : i32
      %dma_wait3A_274 = arith.constant 0 : i32
      %dma_wait3A_275 = tpu.memref_slice %arg10[%dma_wait3A_273, %dma_wait3A_274] : memref<10240x32xf32, #tpu.memory_space<vmem_shared>> -> memref<10240x32xf32, #tpu.memory_space<vmem_shared>>
      tpu.wait_indirect_dma semaphore(%run_scoped3A_257 : memref<!tpu.dma_semaphore, #tpu.memory_space<semaphore_mem>>) src(%dma_wait3A_269 : memref<128x32xf32, #tpu.memory_space<vmem>>) dst(%dma_wait3A_275 : memref<10240x32xf32, #tpu.memory_space<vmem_shared>>)
      tpu.yield
    }) : () -> ()
    %dma_wait3A_207 = arith.constant 157 : i32
    %dma_wait3A_208 = arith.constant 640 : i32
    %dma_wait3A_209 = arith.constant 0 : i32
    %dma_wait3A_210 = tpu.memref_slice %arg9[%dma_wait3A_208, %dma_wait3A_209] : memref<1024x32xf32, #tpu.memory_space<vmem>> -> memref<128x32xf32, #tpu.memory_space<vmem>>
    %dma_wait3A_211 = arith.constant 0 : i32
    %dma_wait3A_212 = tpu.memref_slice %arg7[%dma_wait3A_207, %dma_wait3A_211] : memref<160x128xi32, #tpu.memory_space<vmem>> -> memref<1x128xi32, #tpu.memory_space<vmem>>
    %dma_wait3A_213 = tpu.memref_squeeze %dma_wait3A_212 : memref<1x128xi32, #tpu.memory_space<vmem>> -> memref<128xi32, #tpu.memory_space<vmem>>
    %dma_wait3A_214 = arith.constant 0 : i32
    %dma_wait3A_215 = arith.constant 0 : i32
    %dma_wait3A_216 = tpu.memref_slice %arg2[%arg0, %dma_wait3A_214, %dma_wait3A_215] : memref<2x10240x32xf32, #tpu.memory_space<hbm>> -> memref<1x10240x32xf32, #tpu.memory_space<hbm>>
    %dma_wait3A_217 = tpu.memref_squeeze %dma_wait3A_216 : memref<1x10240x32xf32, #tpu.memory_space<hbm>> -> memref<10240x32xf32, #tpu.memory_space<hbm>>
    %dma_wait3A_218 = arith.constant 0 : i32
    %dma_wait3A_219 = arith.constant 0 : i32
    %dma_wait3A_220 = tpu.memref_slice %dma_wait3A_217[%dma_wait3A_218, %dma_wait3A_219] : memref<10240x32xf32, #tpu.memory_space<hbm>> -> memref<10240x32xf32, #tpu.memory_space<hbm>>
    tpu.wait_indirect_dma semaphore(%arg16 : memref<!tpu.dma_semaphore, #tpu.memory_space<semaphore_mem>>) src(%dma_wait3A_220 : memref<10240x32xf32, #tpu.memory_space<hbm>>) dst(%dma_wait3A_210 : memref<128x32xf32, #tpu.memory_space<vmem>>)
    %run_scoped3A_221 = arith.constant 157 : i32
    "tpu.region"() ({
      %run_scoped3A_257 = tpu.sem_alloc : memref<!tpu.dma_semaphore, #tpu.memory_space<semaphore_mem>>
      %dma_start3A_258 = arith.constant 640 : i32
      %dma_start3A_259 = arith.constant 0 : i32
      %dma_start3A_260 = tpu.memref_slice %arg9[%dma_start3A_258, %dma_start3A_259] : memref<1024x32xf32, #tpu.memory_space<vmem>> -> memref<128x32xf32, #tpu.memory_space<vmem>>
      %dma_start3A_261 = arith.constant 0 : i32
      %dma_start3A_262 = tpu.memref_slice %arg8[%run_scoped3A_221, %dma_start3A_261] : memref<160x128xi32, #tpu.memory_space<vmem>> -> memref<1x128xi32, #tpu.memory_space<vmem>>
      %dma_start3A_263 = tpu.memref_squeeze %dma_start3A_262 : memref<1x128xi32, #tpu.memory_space<vmem>> -> memref<128xi32, #tpu.memory_space<vmem>>
      %dma_start3A_264 = arith.constant 0 : i32
      %dma_start3A_265 = arith.constant 0 : i32
      %dma_start3A_266 = tpu.memref_slice %arg10[%dma_start3A_264, %dma_start3A_265] : memref<10240x32xf32, #tpu.memory_space<vmem_shared>> -> memref<10240x32xf32, #tpu.memory_space<vmem_shared>>
      tpu.enqueue_indirect_dma source(%dma_start3A_260 : memref<128x32xf32, #tpu.memory_space<vmem>>) target(%dma_start3A_266 : memref<10240x32xf32, #tpu.memory_space<vmem_shared>>) offsets(%dma_start3A_263 : memref<128xi32, #tpu.memory_space<vmem>>) semaphore(%run_scoped3A_257 : memref<!tpu.dma_semaphore, #tpu.memory_space<semaphore_mem>>) {add = true}
      %dma_wait3A_267 = arith.constant 640 : i32
      %dma_wait3A_268 = arith.constant 0 : i32
      %dma_wait3A_269 = tpu.memref_slice %arg9[%dma_wait3A_267, %dma_wait3A_268] : memref<1024x32xf32, #tpu.memory_space<vmem>> -> memref<128x32xf32, #tpu.memory_space<vmem>>
      %dma_wait3A_270 = arith.constant 0 : i32
      %dma_wait3A_271 = tpu.memref_slice %arg8[%run_scoped3A_221, %dma_wait3A_270] : memref<160x128xi32, #tpu.memory_space<vmem>> -> memref<1x128xi32, #tpu.memory_space<vmem>>
      %dma_wait3A_272 = tpu.memref_squeeze %dma_wait3A_271 : memref<1x128xi32, #tpu.memory_space<vmem>> -> memref<128xi32, #tpu.memory_space<vmem>>
      %dma_wait3A_273 = arith.constant 0 : i32
      %dma_wait3A_274 = arith.constant 0 : i32
      %dma_wait3A_275 = tpu.memref_slice %arg10[%dma_wait3A_273, %dma_wait3A_274] : memref<10240x32xf32, #tpu.memory_space<vmem_shared>> -> memref<10240x32xf32, #tpu.memory_space<vmem_shared>>
      tpu.wait_indirect_dma semaphore(%run_scoped3A_257 : memref<!tpu.dma_semaphore, #tpu.memory_space<semaphore_mem>>) src(%dma_wait3A_269 : memref<128x32xf32, #tpu.memory_space<vmem>>) dst(%dma_wait3A_275 : memref<10240x32xf32, #tpu.memory_space<vmem_shared>>)
      tpu.yield
    }) : () -> ()
    %dma_wait3A_222 = arith.constant 158 : i32
    %dma_wait3A_223 = arith.constant 768 : i32
    %dma_wait3A_224 = arith.constant 0 : i32
    %dma_wait3A_225 = tpu.memref_slice %arg9[%dma_wait3A_223, %dma_wait3A_224] : memref<1024x32xf32, #tpu.memory_space<vmem>> -> memref<128x32xf32, #tpu.memory_space<vmem>>
    %dma_wait3A_226 = arith.constant 0 : i32
    %dma_wait3A_227 = tpu.memref_slice %arg7[%dma_wait3A_222, %dma_wait3A_226] : memref<160x128xi32, #tpu.memory_space<vmem>> -> memref<1x128xi32, #tpu.memory_space<vmem>>
    %dma_wait3A_228 = tpu.memref_squeeze %dma_wait3A_227 : memref<1x128xi32, #tpu.memory_space<vmem>> -> memref<128xi32, #tpu.memory_space<vmem>>
    %dma_wait3A_229 = arith.constant 0 : i32
    %dma_wait3A_230 = arith.constant 0 : i32
    %dma_wait3A_231 = tpu.memref_slice %arg2[%arg0, %dma_wait3A_229, %dma_wait3A_230] : memref<2x10240x32xf32, #tpu.memory_space<hbm>> -> memref<1x10240x32xf32, #tpu.memory_space<hbm>>
    %dma_wait3A_232 = tpu.memref_squeeze %dma_wait3A_231 : memref<1x10240x32xf32, #tpu.memory_space<hbm>> -> memref<10240x32xf32, #tpu.memory_space<hbm>>
    %dma_wait3A_233 = arith.constant 0 : i32
    %dma_wait3A_234 = arith.constant 0 : i32
    %dma_wait3A_235 = tpu.memref_slice %dma_wait3A_232[%dma_wait3A_233, %dma_wait3A_234] : memref<10240x32xf32, #tpu.memory_space<hbm>> -> memref<10240x32xf32, #tpu.memory_space<hbm>>
    tpu.wait_indirect_dma semaphore(%arg17 : memref<!tpu.dma_semaphore, #tpu.memory_space<semaphore_mem>>) src(%dma_wait3A_235 : memref<10240x32xf32, #tpu.memory_space<hbm>>) dst(%dma_wait3A_225 : memref<128x32xf32, #tpu.memory_space<vmem>>)
    %run_scoped3A_236 = arith.constant 158 : i32
    "tpu.region"() ({
      %run_scoped3A_257 = tpu.sem_alloc : memref<!tpu.dma_semaphore, #tpu.memory_space<semaphore_mem>>
      %dma_start3A_258 = arith.constant 768 : i32
      %dma_start3A_259 = arith.constant 0 : i32
      %dma_start3A_260 = tpu.memref_slice %arg9[%dma_start3A_258, %dma_start3A_259] : memref<1024x32xf32, #tpu.memory_space<vmem>> -> memref<128x32xf32, #tpu.memory_space<vmem>>
      %dma_start3A_261 = arith.constant 0 : i32
      %dma_start3A_262 = tpu.memref_slice %arg8[%run_scoped3A_236, %dma_start3A_261] : memref<160x128xi32, #tpu.memory_space<vmem>> -> memref<1x128xi32, #tpu.memory_space<vmem>>
      %dma_start3A_263 = tpu.memref_squeeze %dma_start3A_262 : memref<1x128xi32, #tpu.memory_space<vmem>> -> memref<128xi32, #tpu.memory_space<vmem>>
      %dma_start3A_264 = arith.constant 0 : i32
      %dma_start3A_265 = arith.constant 0 : i32
      %dma_start3A_266 = tpu.memref_slice %arg10[%dma_start3A_264, %dma_start3A_265] : memref<10240x32xf32, #tpu.memory_space<vmem_shared>> -> memref<10240x32xf32, #tpu.memory_space<vmem_shared>>
      tpu.enqueue_indirect_dma source(%dma_start3A_260 : memref<128x32xf32, #tpu.memory_space<vmem>>) target(%dma_start3A_266 : memref<10240x32xf32, #tpu.memory_space<vmem_shared>>) offsets(%dma_start3A_263 : memref<128xi32, #tpu.memory_space<vmem>>) semaphore(%run_scoped3A_257 : memref<!tpu.dma_semaphore, #tpu.memory_space<semaphore_mem>>) {add = true}
      %dma_wait3A_267 = arith.constant 768 : i32
      %dma_wait3A_268 = arith.constant 0 : i32
      %dma_wait3A_269 = tpu.memref_slice %arg9[%dma_wait3A_267, %dma_wait3A_268] : memref<1024x32xf32, #tpu.memory_space<vmem>> -> memref<128x32xf32, #tpu.memory_space<vmem>>
      %dma_wait3A_270 = arith.constant 0 : i32
      %dma_wait3A_271 = tpu.memref_slice %arg8[%run_scoped3A_236, %dma_wait3A_270] : memref<160x128xi32, #tpu.memory_space<vmem>> -> memref<1x128xi32, #tpu.memory_space<vmem>>
      %dma_wait3A_272 = tpu.memref_squeeze %dma_wait3A_271 : memref<1x128xi32, #tpu.memory_space<vmem>> -> memref<128xi32, #tpu.memory_space<vmem>>
      %dma_wait3A_273 = arith.constant 0 : i32
      %dma_wait3A_274 = arith.constant 0 : i32
      %dma_wait3A_275 = tpu.memref_slice %arg10[%dma_wait3A_273, %dma_wait3A_274] : memref<10240x32xf32, #tpu.memory_space<vmem_shared>> -> memref<10240x32xf32, #tpu.memory_space<vmem_shared>>
      tpu.wait_indirect_dma semaphore(%run_scoped3A_257 : memref<!tpu.dma_semaphore, #tpu.memory_space<semaphore_mem>>) src(%dma_wait3A_269 : memref<128x32xf32, #tpu.memory_space<vmem>>) dst(%dma_wait3A_275 : memref<10240x32xf32, #tpu.memory_space<vmem_shared>>)
      tpu.yield
    }) : () -> ()
    %dma_wait3A_237 = arith.constant 159 : i32
    %dma_wait3A_238 = arith.constant 896 : i32
    %dma_wait3A_239 = arith.constant 0 : i32
    %dma_wait3A_240 = tpu.memref_slice %arg9[%dma_wait3A_238, %dma_wait3A_239] : memref<1024x32xf32, #tpu.memory_space<vmem>> -> memref<128x32xf32, #tpu.memory_space<vmem>>
    %dma_wait3A_241 = arith.constant 0 : i32
    %dma_wait3A_242 = tpu.memref_slice %arg7[%dma_wait3A_237, %dma_wait3A_241] : memref<160x128xi32, #tpu.memory_space<vmem>> -> memref<1x128xi32, #tpu.memory_space<vmem>>
    %dma_wait3A_243 = tpu.memref_squeeze %dma_wait3A_242 : memref<1x128xi32, #tpu.memory_space<vmem>> -> memref<128xi32, #tpu.memory_space<vmem>>
    %dma_wait3A_244 = arith.constant 0 : i32
    %dma_wait3A_245 = arith.constant 0 : i32
    %dma_wait3A_246 = tpu.memref_slice %arg2[%arg0, %dma_wait3A_244, %dma_wait3A_245] : memref<2x10240x32xf32, #tpu.memory_space<hbm>> -> memref<1x10240x32xf32, #tpu.memory_space<hbm>>
    %dma_wait3A_247 = tpu.memref_squeeze %dma_wait3A_246 : memref<1x10240x32xf32, #tpu.memory_space<hbm>> -> memref<10240x32xf32, #tpu.memory_space<hbm>>
    %dma_wait3A_248 = arith.constant 0 : i32
    %dma_wait3A_249 = arith.constant 0 : i32
    %dma_wait3A_250 = tpu.memref_slice %dma_wait3A_247[%dma_wait3A_248, %dma_wait3A_249] : memref<10240x32xf32, #tpu.memory_space<hbm>> -> memref<10240x32xf32, #tpu.memory_space<hbm>>
    tpu.wait_indirect_dma semaphore(%arg18 : memref<!tpu.dma_semaphore, #tpu.memory_space<semaphore_mem>>) src(%dma_wait3A_250 : memref<10240x32xf32, #tpu.memory_space<hbm>>) dst(%dma_wait3A_240 : memref<128x32xf32, #tpu.memory_space<vmem>>)
    %run_scoped3A_251 = arith.constant 159 : i32
    "tpu.region"() ({
      %run_scoped3A_257 = tpu.sem_alloc : memref<!tpu.dma_semaphore, #tpu.memory_space<semaphore_mem>>
      %dma_start3A_258 = arith.constant 896 : i32
      %dma_start3A_259 = arith.constant 0 : i32
      %dma_start3A_260 = tpu.memref_slice %arg9[%dma_start3A_258, %dma_start3A_259] : memref<1024x32xf32, #tpu.memory_space<vmem>> -> memref<128x32xf32, #tpu.memory_space<vmem>>
      %dma_start3A_261 = arith.constant 0 : i32
      %dma_start3A_262 = tpu.memref_slice %arg8[%run_scoped3A_251, %dma_start3A_261] : memref<160x128xi32, #tpu.memory_space<vmem>> -> memref<1x128xi32, #tpu.memory_space<vmem>>
      %dma_start3A_263 = tpu.memref_squeeze %dma_start3A_262 : memref<1x128xi32, #tpu.memory_space<vmem>> -> memref<128xi32, #tpu.memory_space<vmem>>
      %dma_start3A_264 = arith.constant 0 : i32
      %dma_start3A_265 = arith.constant 0 : i32
      %dma_start3A_266 = tpu.memref_slice %arg10[%dma_start3A_264, %dma_start3A_265] : memref<10240x32xf32, #tpu.memory_space<vmem_shared>> -> memref<10240x32xf32, #tpu.memory_space<vmem_shared>>
      tpu.enqueue_indirect_dma source(%dma_start3A_260 : memref<128x32xf32, #tpu.memory_space<vmem>>) target(%dma_start3A_266 : memref<10240x32xf32, #tpu.memory_space<vmem_shared>>) offsets(%dma_start3A_263 : memref<128xi32, #tpu.memory_space<vmem>>) semaphore(%run_scoped3A_257 : memref<!tpu.dma_semaphore, #tpu.memory_space<semaphore_mem>>) {add = true}
      %dma_wait3A_267 = arith.constant 896 : i32
      %dma_wait3A_268 = arith.constant 0 : i32
      %dma_wait3A_269 = tpu.memref_slice %arg9[%dma_wait3A_267, %dma_wait3A_268] : memref<1024x32xf32, #tpu.memory_space<vmem>> -> memref<128x32xf32, #tpu.memory_space<vmem>>
      %dma_wait3A_270 = arith.constant 0 : i32
      %dma_wait3A_271 = tpu.memref_slice %arg8[%run_scoped3A_251, %dma_wait3A_270] : memref<160x128xi32, #tpu.memory_space<vmem>> -> memref<1x128xi32, #tpu.memory_space<vmem>>
      %dma_wait3A_272 = tpu.memref_squeeze %dma_wait3A_271 : memref<1x128xi32, #tpu.memory_space<vmem>> -> memref<128xi32, #tpu.memory_space<vmem>>
      %dma_wait3A_273 = arith.constant 0 : i32
      %dma_wait3A_274 = arith.constant 0 : i32
      %dma_wait3A_275 = tpu.memref_slice %arg10[%dma_wait3A_273, %dma_wait3A_274] : memref<10240x32xf32, #tpu.memory_space<vmem_shared>> -> memref<10240x32xf32, #tpu.memory_space<vmem_shared>>
      tpu.wait_indirect_dma semaphore(%run_scoped3A_257 : memref<!tpu.dma_semaphore, #tpu.memory_space<semaphore_mem>>) src(%dma_wait3A_269 : memref<128x32xf32, #tpu.memory_space<vmem>>) dst(%dma_wait3A_275 : memref<10240x32xf32, #tpu.memory_space<vmem_shared>>)
      tpu.yield
    }) : () -> ()
    %barrier3A_252 = arith.constant 0 : index
    tpu.barrier barrier_id(%barrier3A_252)
    %mul3A_253 = arith.constant 640 : i32
    %mul3A_254 = arith.muli %arg1, %mul3A_253 : i32
    %mul3A_255 = arith.constant 640 : i32
    %mul3A_256 = arith.muli %arg1, %mul3A_255 : i32
    "tpu.region"() ({
      %run_scoped3A_257 = tpu.sem_alloc : memref<!tpu.dma_semaphore, #tpu.memory_space<semaphore_mem>>
      %dma_start3A_258 = arith.constant 0 : i32
      %dma_start3A_259 = tpu.memref_slice %arg6[%arg0, %mul3A_256, %dma_start3A_258] : memref<2x10240x32xf32, #tpu.memory_space<hbm>> -> memref<1x640x32xf32, #tpu.memory_space<hbm>>
      %dma_start3A_260 = tpu.memref_squeeze %dma_start3A_259 : memref<1x640x32xf32, #tpu.memory_space<hbm>> -> memref<640x32xf32, #tpu.memory_space<hbm>>
      %dma_start3A_261 = arith.constant 0 : i32
      %dma_start3A_262 = tpu.memref_slice %arg10[%mul3A_254, %dma_start3A_261] : memref<10240x32xf32, #tpu.memory_space<vmem_shared>> -> memref<640x32xf32, #tpu.memory_space<vmem_shared>>
      tpu.enqueue_dma source(%dma_start3A_262 : memref<640x32xf32, #tpu.memory_space<vmem_shared>>) target(%dma_start3A_260 : memref<640x32xf32, #tpu.memory_space<hbm>>) target_semaphore(%run_scoped3A_257 : memref<!tpu.dma_semaphore, #tpu.memory_space<semaphore_mem>>)
      %dma_wait3A_263 = arith.constant 0 : i32
      %dma_wait3A_264 = tpu.memref_slice %arg6[%arg0, %mul3A_256, %dma_wait3A_263] : memref<2x10240x32xf32, #tpu.memory_space<hbm>> -> memref<1x640x32xf32, #tpu.memory_space<hbm>>
      %dma_wait3A_265 = tpu.memref_squeeze %dma_wait3A_264 : memref<1x640x32xf32, #tpu.memory_space<hbm>> -> memref<640x32xf32, #tpu.memory_space<hbm>>
      %dma_wait3A_266 = arith.constant 0 : i32
      %dma_wait3A_267 = tpu.memref_slice %arg10[%mul3A_254, %dma_wait3A_266] : memref<10240x32xf32, #tpu.memory_space<vmem_shared>> -> memref<640x32xf32, #tpu.memory_space<vmem_shared>>
      tpu.wait_dma2 semaphore(%run_scoped3A_257 : memref<!tpu.dma_semaphore, #tpu.memory_space<semaphore_mem>>) src(%dma_wait3A_267 : memref<640x32xf32, #tpu.memory_space<vmem_shared>>) dst(%dma_wait3A_265 : memref<640x32xf32, #tpu.memory_space<hbm>>)
      tpu.yield
    }) : () -> ()
    return
  }
}

#map = affine_map<(d0, d1) -> (0, 0, 0)>
#map1 = affine_map<(d0, d1) -> (0, 0)>
module attributes {stable_mosaic.version = 14 : i64} {
  func.func @_deg(%arg0: i32, %arg1: i32, %arg2: memref<32x80x128xi32, #tpu.memory_space<hbm>>, %arg3: memref<128x16xf32, #tpu.memory_space<hbm>>, %arg4: memref<128x16xf32, #tpu.memory_space<hbm>>, %arg5: memref<2x10240x16xf32, #tpu.memory_space<hbm>>, %arg6: memref<80x128xi32, #tpu.memory_space<vmem>>, %arg7: memref<128x16xf32, #tpu.memory_space<vmem>>, %arg8: memref<10240x16xf32, #tpu.memory_space<vmem_shared>>) attributes {dimension_semantics = [#tpu.dimension_semantics<core_parallel>, #tpu.dimension_semantics<subcore_parallel>], iteration_bounds = array<i64: 2, 16>, scalar_prefetch = 0 : i64, scratch_operands = 3 : i64, tpu.core_type = #tpu.core_type<sc_vector_subcore>, window_params = [{transform_indices = #map}, {transform_indices = #map1}, {transform_indices = #map1}, {transform_indices = #map}]} {
    %mul3A = arith.constant 16 : i32
    %mul3A_0 = arith.muli %arg0, %mul3A : i32
    %add3A = arith.addi %mul3A_0, %arg1 : i32
    "tpu.region"() ({
      %run_scoped3A = tpu.sem_alloc : memref<!tpu.dma_semaphore, #tpu.memory_space<semaphore_mem>>
      %dma_start3A = arith.constant 0 : i32
      %dma_start3A_31 = arith.constant 0 : i32
      %dma_start3A_32 = tpu.memref_slice %arg2[%add3A, %dma_start3A, %dma_start3A_31] : memref<32x80x128xi32, #tpu.memory_space<hbm>> -> memref<1x80x128xi32, #tpu.memory_space<hbm>>
      %dma_start3A_33 = tpu.memref_squeeze %dma_start3A_32 : memref<1x80x128xi32, #tpu.memory_space<hbm>> -> memref<80x128xi32, #tpu.memory_space<hbm>>
      %dma_start3A_34 = arith.constant 0 : i32
      %dma_start3A_35 = arith.constant 0 : i32
      %dma_start3A_36 = tpu.memref_slice %arg2[%add3A, %dma_start3A_34, %dma_start3A_35] : memref<32x80x128xi32, #tpu.memory_space<hbm>> -> memref<1x80x128xi32, #tpu.memory_space<hbm>>
      %dma_start3A_37 = tpu.memref_squeeze %dma_start3A_36 : memref<1x80x128xi32, #tpu.memory_space<hbm>> -> memref<80x128xi32, #tpu.memory_space<hbm>>
      tpu.enqueue_dma source(%dma_start3A_37 : memref<80x128xi32, #tpu.memory_space<hbm>>) target(%arg6 : memref<80x128xi32, #tpu.memory_space<vmem>>) target_semaphore(%run_scoped3A : memref<!tpu.dma_semaphore, #tpu.memory_space<semaphore_mem>>)
      %dma_wait3A = arith.constant 0 : i32
      %dma_wait3A_38 = arith.constant 0 : i32
      %dma_wait3A_39 = tpu.memref_slice %arg2[%add3A, %dma_wait3A, %dma_wait3A_38] : memref<32x80x128xi32, #tpu.memory_space<hbm>> -> memref<1x80x128xi32, #tpu.memory_space<hbm>>
      %dma_wait3A_40 = tpu.memref_squeeze %dma_wait3A_39 : memref<1x80x128xi32, #tpu.memory_space<hbm>> -> memref<80x128xi32, #tpu.memory_space<hbm>>
      %dma_wait3A_41 = arith.constant 0 : i32
      %dma_wait3A_42 = arith.constant 0 : i32
      %dma_wait3A_43 = tpu.memref_slice %arg2[%add3A, %dma_wait3A_41, %dma_wait3A_42] : memref<32x80x128xi32, #tpu.memory_space<hbm>> -> memref<1x80x128xi32, #tpu.memory_space<hbm>>
      %dma_wait3A_44 = tpu.memref_squeeze %dma_wait3A_43 : memref<1x80x128xi32, #tpu.memory_space<hbm>> -> memref<80x128xi32, #tpu.memory_space<hbm>>
      tpu.wait_dma2 semaphore(%run_scoped3A : memref<!tpu.dma_semaphore, #tpu.memory_space<semaphore_mem>>) src(%dma_wait3A_44 : memref<80x128xi32, #tpu.memory_space<hbm>>) dst(%arg6 : memref<80x128xi32, #tpu.memory_space<vmem>>)
      tpu.yield
    }) : () -> ()
    "tpu.region"() ({
      %run_scoped3A = tpu.sem_alloc : memref<!tpu.dma_semaphore, #tpu.memory_space<semaphore_mem>>
      tpu.enqueue_dma source(%arg3 : memref<128x16xf32, #tpu.memory_space<hbm>>) target(%arg7 : memref<128x16xf32, #tpu.memory_space<vmem>>) target_semaphore(%run_scoped3A : memref<!tpu.dma_semaphore, #tpu.memory_space<semaphore_mem>>)
      tpu.wait_dma2 semaphore(%run_scoped3A : memref<!tpu.dma_semaphore, #tpu.memory_space<semaphore_mem>>) src(%arg3 : memref<128x16xf32, #tpu.memory_space<hbm>>) dst(%arg7 : memref<128x16xf32, #tpu.memory_space<vmem>>)
      tpu.yield
    }) : () -> ()
    %mul3A_1 = arith.constant 640 : i32
    %mul3A_2 = arith.muli %arg1, %mul3A_1 : i32
    %add3A_3 = arith.constant 0 : i32
    %add3A_4 = arith.addi %mul3A_2, %add3A_3 : i32
    "tpu.region"() ({
      %run_scoped3A = tpu.sem_alloc : memref<!tpu.dma_semaphore, #tpu.memory_space<semaphore_mem>>
      %dma_start3A = arith.constant 0 : i32
      %dma_start3A_31 = tpu.memref_slice %arg8[%add3A_4, %dma_start3A] : memref<10240x16xf32, #tpu.memory_space<vmem_shared>> -> memref<128x16xf32, #tpu.memory_space<vmem_shared>>
      %dma_start3A_32 = arith.constant 0 : i32
      %dma_start3A_33 = tpu.memref_slice %arg8[%add3A_4, %dma_start3A_32] : memref<10240x16xf32, #tpu.memory_space<vmem_shared>> -> memref<128x16xf32, #tpu.memory_space<vmem_shared>>
      tpu.enqueue_dma source(%arg7 : memref<128x16xf32, #tpu.memory_space<vmem>>) target(%dma_start3A_33 : memref<128x16xf32, #tpu.memory_space<vmem_shared>>) target_semaphore(%run_scoped3A : memref<!tpu.dma_semaphore, #tpu.memory_space<semaphore_mem>>)
      %dma_wait3A = arith.constant 0 : i32
      %dma_wait3A_34 = tpu.memref_slice %arg8[%add3A_4, %dma_wait3A] : memref<10240x16xf32, #tpu.memory_space<vmem_shared>> -> memref<128x16xf32, #tpu.memory_space<vmem_shared>>
      %dma_wait3A_35 = arith.constant 0 : i32
      %dma_wait3A_36 = tpu.memref_slice %arg8[%add3A_4, %dma_wait3A_35] : memref<10240x16xf32, #tpu.memory_space<vmem_shared>> -> memref<128x16xf32, #tpu.memory_space<vmem_shared>>
      tpu.wait_dma2 semaphore(%run_scoped3A : memref<!tpu.dma_semaphore, #tpu.memory_space<semaphore_mem>>) src(%arg7 : memref<128x16xf32, #tpu.memory_space<vmem>>) dst(%dma_wait3A_36 : memref<128x16xf32, #tpu.memory_space<vmem_shared>>)
      tpu.yield
    }) : () -> ()
    %mul3A_5 = arith.constant 640 : i32
    %mul3A_6 = arith.muli %arg1, %mul3A_5 : i32
    %add3A_7 = arith.constant 128 : i32
    %add3A_8 = arith.addi %mul3A_6, %add3A_7 : i32
    "tpu.region"() ({
      %run_scoped3A = tpu.sem_alloc : memref<!tpu.dma_semaphore, #tpu.memory_space<semaphore_mem>>
      %dma_start3A = arith.constant 0 : i32
      %dma_start3A_31 = tpu.memref_slice %arg8[%add3A_8, %dma_start3A] : memref<10240x16xf32, #tpu.memory_space<vmem_shared>> -> memref<128x16xf32, #tpu.memory_space<vmem_shared>>
      %dma_start3A_32 = arith.constant 0 : i32
      %dma_start3A_33 = tpu.memref_slice %arg8[%add3A_8, %dma_start3A_32] : memref<10240x16xf32, #tpu.memory_space<vmem_shared>> -> memref<128x16xf32, #tpu.memory_space<vmem_shared>>
      tpu.enqueue_dma source(%arg7 : memref<128x16xf32, #tpu.memory_space<vmem>>) target(%dma_start3A_33 : memref<128x16xf32, #tpu.memory_space<vmem_shared>>) target_semaphore(%run_scoped3A : memref<!tpu.dma_semaphore, #tpu.memory_space<semaphore_mem>>)
      %dma_wait3A = arith.constant 0 : i32
      %dma_wait3A_34 = tpu.memref_slice %arg8[%add3A_8, %dma_wait3A] : memref<10240x16xf32, #tpu.memory_space<vmem_shared>> -> memref<128x16xf32, #tpu.memory_space<vmem_shared>>
      %dma_wait3A_35 = arith.constant 0 : i32
      %dma_wait3A_36 = tpu.memref_slice %arg8[%add3A_8, %dma_wait3A_35] : memref<10240x16xf32, #tpu.memory_space<vmem_shared>> -> memref<128x16xf32, #tpu.memory_space<vmem_shared>>
      tpu.wait_dma2 semaphore(%run_scoped3A : memref<!tpu.dma_semaphore, #tpu.memory_space<semaphore_mem>>) src(%arg7 : memref<128x16xf32, #tpu.memory_space<vmem>>) dst(%dma_wait3A_36 : memref<128x16xf32, #tpu.memory_space<vmem_shared>>)
      tpu.yield
    }) : () -> ()
    %mul3A_9 = arith.constant 640 : i32
    %mul3A_10 = arith.muli %arg1, %mul3A_9 : i32
    %add3A_11 = arith.constant 256 : i32
    %add3A_12 = arith.addi %mul3A_10, %add3A_11 : i32
    "tpu.region"() ({
      %run_scoped3A = tpu.sem_alloc : memref<!tpu.dma_semaphore, #tpu.memory_space<semaphore_mem>>
      %dma_start3A = arith.constant 0 : i32
      %dma_start3A_31 = tpu.memref_slice %arg8[%add3A_12, %dma_start3A] : memref<10240x16xf32, #tpu.memory_space<vmem_shared>> -> memref<128x16xf32, #tpu.memory_space<vmem_shared>>
      %dma_start3A_32 = arith.constant 0 : i32
      %dma_start3A_33 = tpu.memref_slice %arg8[%add3A_12, %dma_start3A_32] : memref<10240x16xf32, #tpu.memory_space<vmem_shared>> -> memref<128x16xf32, #tpu.memory_space<vmem_shared>>
      tpu.enqueue_dma source(%arg7 : memref<128x16xf32, #tpu.memory_space<vmem>>) target(%dma_start3A_33 : memref<128x16xf32, #tpu.memory_space<vmem_shared>>) target_semaphore(%run_scoped3A : memref<!tpu.dma_semaphore, #tpu.memory_space<semaphore_mem>>)
      %dma_wait3A = arith.constant 0 : i32
      %dma_wait3A_34 = tpu.memref_slice %arg8[%add3A_12, %dma_wait3A] : memref<10240x16xf32, #tpu.memory_space<vmem_shared>> -> memref<128x16xf32, #tpu.memory_space<vmem_shared>>
      %dma_wait3A_35 = arith.constant 0 : i32
      %dma_wait3A_36 = tpu.memref_slice %arg8[%add3A_12, %dma_wait3A_35] : memref<10240x16xf32, #tpu.memory_space<vmem_shared>> -> memref<128x16xf32, #tpu.memory_space<vmem_shared>>
      tpu.wait_dma2 semaphore(%run_scoped3A : memref<!tpu.dma_semaphore, #tpu.memory_space<semaphore_mem>>) src(%arg7 : memref<128x16xf32, #tpu.memory_space<vmem>>) dst(%dma_wait3A_36 : memref<128x16xf32, #tpu.memory_space<vmem_shared>>)
      tpu.yield
    }) : () -> ()
    %mul3A_13 = arith.constant 640 : i32
    %mul3A_14 = arith.muli %arg1, %mul3A_13 : i32
    %add3A_15 = arith.constant 384 : i32
    %add3A_16 = arith.addi %mul3A_14, %add3A_15 : i32
    "tpu.region"() ({
      %run_scoped3A = tpu.sem_alloc : memref<!tpu.dma_semaphore, #tpu.memory_space<semaphore_mem>>
      %dma_start3A = arith.constant 0 : i32
      %dma_start3A_31 = tpu.memref_slice %arg8[%add3A_16, %dma_start3A] : memref<10240x16xf32, #tpu.memory_space<vmem_shared>> -> memref<128x16xf32, #tpu.memory_space<vmem_shared>>
      %dma_start3A_32 = arith.constant 0 : i32
      %dma_start3A_33 = tpu.memref_slice %arg8[%add3A_16, %dma_start3A_32] : memref<10240x16xf32, #tpu.memory_space<vmem_shared>> -> memref<128x16xf32, #tpu.memory_space<vmem_shared>>
      tpu.enqueue_dma source(%arg7 : memref<128x16xf32, #tpu.memory_space<vmem>>) target(%dma_start3A_33 : memref<128x16xf32, #tpu.memory_space<vmem_shared>>) target_semaphore(%run_scoped3A : memref<!tpu.dma_semaphore, #tpu.memory_space<semaphore_mem>>)
      %dma_wait3A = arith.constant 0 : i32
      %dma_wait3A_34 = tpu.memref_slice %arg8[%add3A_16, %dma_wait3A] : memref<10240x16xf32, #tpu.memory_space<vmem_shared>> -> memref<128x16xf32, #tpu.memory_space<vmem_shared>>
      %dma_wait3A_35 = arith.constant 0 : i32
      %dma_wait3A_36 = tpu.memref_slice %arg8[%add3A_16, %dma_wait3A_35] : memref<10240x16xf32, #tpu.memory_space<vmem_shared>> -> memref<128x16xf32, #tpu.memory_space<vmem_shared>>
      tpu.wait_dma2 semaphore(%run_scoped3A : memref<!tpu.dma_semaphore, #tpu.memory_space<semaphore_mem>>) src(%arg7 : memref<128x16xf32, #tpu.memory_space<vmem>>) dst(%dma_wait3A_36 : memref<128x16xf32, #tpu.memory_space<vmem_shared>>)
      tpu.yield
    }) : () -> ()
    %mul3A_17 = arith.constant 640 : i32
    %mul3A_18 = arith.muli %arg1, %mul3A_17 : i32
    %add3A_19 = arith.constant 512 : i32
    %add3A_20 = arith.addi %mul3A_18, %add3A_19 : i32
    "tpu.region"() ({
      %run_scoped3A = tpu.sem_alloc : memref<!tpu.dma_semaphore, #tpu.memory_space<semaphore_mem>>
      %dma_start3A = arith.constant 0 : i32
      %dma_start3A_31 = tpu.memref_slice %arg8[%add3A_20, %dma_start3A] : memref<10240x16xf32, #tpu.memory_space<vmem_shared>> -> memref<128x16xf32, #tpu.memory_space<vmem_shared>>
      %dma_start3A_32 = arith.constant 0 : i32
      %dma_start3A_33 = tpu.memref_slice %arg8[%add3A_20, %dma_start3A_32] : memref<10240x16xf32, #tpu.memory_space<vmem_shared>> -> memref<128x16xf32, #tpu.memory_space<vmem_shared>>
      tpu.enqueue_dma source(%arg7 : memref<128x16xf32, #tpu.memory_space<vmem>>) target(%dma_start3A_33 : memref<128x16xf32, #tpu.memory_space<vmem_shared>>) target_semaphore(%run_scoped3A : memref<!tpu.dma_semaphore, #tpu.memory_space<semaphore_mem>>)
      %dma_wait3A = arith.constant 0 : i32
      %dma_wait3A_34 = tpu.memref_slice %arg8[%add3A_20, %dma_wait3A] : memref<10240x16xf32, #tpu.memory_space<vmem_shared>> -> memref<128x16xf32, #tpu.memory_space<vmem_shared>>
      %dma_wait3A_35 = arith.constant 0 : i32
      %dma_wait3A_36 = tpu.memref_slice %arg8[%add3A_20, %dma_wait3A_35] : memref<10240x16xf32, #tpu.memory_space<vmem_shared>> -> memref<128x16xf32, #tpu.memory_space<vmem_shared>>
      tpu.wait_dma2 semaphore(%run_scoped3A : memref<!tpu.dma_semaphore, #tpu.memory_space<semaphore_mem>>) src(%arg7 : memref<128x16xf32, #tpu.memory_space<vmem>>) dst(%dma_wait3A_36 : memref<128x16xf32, #tpu.memory_space<vmem_shared>>)
      tpu.yield
    }) : () -> ()
    %barrier3A = arith.constant 0 : index
    tpu.barrier barrier_id(%barrier3A)
    "tpu.region"() ({
      %run_scoped3A = tpu.sem_alloc : memref<!tpu.dma_semaphore, #tpu.memory_space<semaphore_mem>>
      tpu.enqueue_dma source(%arg4 : memref<128x16xf32, #tpu.memory_space<hbm>>) target(%arg7 : memref<128x16xf32, #tpu.memory_space<vmem>>) target_semaphore(%run_scoped3A : memref<!tpu.dma_semaphore, #tpu.memory_space<semaphore_mem>>)
      tpu.wait_dma2 semaphore(%run_scoped3A : memref<!tpu.dma_semaphore, #tpu.memory_space<semaphore_mem>>) src(%arg4 : memref<128x16xf32, #tpu.memory_space<hbm>>) dst(%arg7 : memref<128x16xf32, #tpu.memory_space<vmem>>)
      tpu.yield
    }) : () -> ()
    %scan3A = arith.constant 0 : i32
    %scan3A_21 = arith.constant 0 : i32
    %scan3A_22 = arith.constant 80 : i32
    %scan3A_23 = arith.addi %scan3A_21, %scan3A_22 : i32
    %scan3A_24 = arith.constant 1 : i32
    scf.for %scan3A_31 = %scan3A_21 to %scan3A_23 step %scan3A_24  : i32 {
      "tpu.region"() ({
        %run_scoped3A = tpu.sem_alloc : memref<!tpu.dma_semaphore, #tpu.memory_space<semaphore_mem>>
        %dma_start3A = arith.constant 0 : i32
        %dma_start3A_32 = tpu.memref_slice %arg6[%scan3A_31, %dma_start3A] : memref<80x128xi32, #tpu.memory_space<vmem>> -> memref<1x128xi32, #tpu.memory_space<vmem>>
        %dma_start3A_33 = tpu.memref_squeeze %dma_start3A_32 : memref<1x128xi32, #tpu.memory_space<vmem>> -> memref<128xi32, #tpu.memory_space<vmem>>
        %dma_start3A_34 = arith.constant 0 : i32
        %dma_start3A_35 = arith.constant 0 : i32
        %dma_start3A_36 = tpu.memref_slice %arg8[%dma_start3A_34, %dma_start3A_35] : memref<10240x16xf32, #tpu.memory_space<vmem_shared>> -> memref<10240x16xf32, #tpu.memory_space<vmem_shared>>
        tpu.enqueue_indirect_dma source(%arg7 : memref<128x16xf32, #tpu.memory_space<vmem>>) target(%dma_start3A_36 : memref<10240x16xf32, #tpu.memory_space<vmem_shared>>) offsets(%dma_start3A_33 : memref<128xi32, #tpu.memory_space<vmem>>) semaphore(%run_scoped3A : memref<!tpu.dma_semaphore, #tpu.memory_space<semaphore_mem>>) {add = true}
        %dma_wait3A = arith.constant 0 : i32
        %dma_wait3A_37 = tpu.memref_slice %arg6[%scan3A_31, %dma_wait3A] : memref<80x128xi32, #tpu.memory_space<vmem>> -> memref<1x128xi32, #tpu.memory_space<vmem>>
        %dma_wait3A_38 = tpu.memref_squeeze %dma_wait3A_37 : memref<1x128xi32, #tpu.memory_space<vmem>> -> memref<128xi32, #tpu.memory_space<vmem>>
        %dma_wait3A_39 = arith.constant 0 : i32
        %dma_wait3A_40 = arith.constant 0 : i32
        %dma_wait3A_41 = tpu.memref_slice %arg8[%dma_wait3A_39, %dma_wait3A_40] : memref<10240x16xf32, #tpu.memory_space<vmem_shared>> -> memref<10240x16xf32, #tpu.memory_space<vmem_shared>>
        tpu.wait_indirect_dma semaphore(%run_scoped3A : memref<!tpu.dma_semaphore, #tpu.memory_space<semaphore_mem>>) src(%arg7 : memref<128x16xf32, #tpu.memory_space<vmem>>) dst(%dma_wait3A_41 : memref<10240x16xf32, #tpu.memory_space<vmem_shared>>)
        tpu.yield
      }) : () -> ()
    }
    %scan3A_25 = arith.constant 80 : i32
    %barrier3A_26 = arith.constant 0 : index
    tpu.barrier barrier_id(%barrier3A_26)
    %mul3A_27 = arith.constant 640 : i32
    %mul3A_28 = arith.muli %arg1, %mul3A_27 : i32
    %mul3A_29 = arith.constant 640 : i32
    %mul3A_30 = arith.muli %arg1, %mul3A_29 : i32
    "tpu.region"() ({
      %run_scoped3A = tpu.sem_alloc : memref<!tpu.dma_semaphore, #tpu.memory_space<semaphore_mem>>
      %dma_start3A = arith.constant 0 : i32
      %dma_start3A_31 = tpu.memref_slice %arg5[%arg0, %mul3A_30, %dma_start3A] : memref<2x10240x16xf32, #tpu.memory_space<hbm>> -> memref<1x640x16xf32, #tpu.memory_space<hbm>>
      %dma_start3A_32 = tpu.memref_squeeze %dma_start3A_31 : memref<1x640x16xf32, #tpu.memory_space<hbm>> -> memref<640x16xf32, #tpu.memory_space<hbm>>
      %dma_start3A_33 = arith.constant 0 : i32
      %dma_start3A_34 = tpu.memref_slice %arg8[%mul3A_28, %dma_start3A_33] : memref<10240x16xf32, #tpu.memory_space<vmem_shared>> -> memref<640x16xf32, #tpu.memory_space<vmem_shared>>
      tpu.enqueue_dma source(%dma_start3A_34 : memref<640x16xf32, #tpu.memory_space<vmem_shared>>) target(%dma_start3A_32 : memref<640x16xf32, #tpu.memory_space<hbm>>) target_semaphore(%run_scoped3A : memref<!tpu.dma_semaphore, #tpu.memory_space<semaphore_mem>>)
      %dma_wait3A = arith.constant 0 : i32
      %dma_wait3A_35 = tpu.memref_slice %arg5[%arg0, %mul3A_30, %dma_wait3A] : memref<2x10240x16xf32, #tpu.memory_space<hbm>> -> memref<1x640x16xf32, #tpu.memory_space<hbm>>
      %dma_wait3A_36 = tpu.memref_squeeze %dma_wait3A_35 : memref<1x640x16xf32, #tpu.memory_space<hbm>> -> memref<640x16xf32, #tpu.memory_space<hbm>>
      %dma_wait3A_37 = arith.constant 0 : i32
      %dma_wait3A_38 = tpu.memref_slice %arg8[%mul3A_28, %dma_wait3A_37] : memref<10240x16xf32, #tpu.memory_space<vmem_shared>> -> memref<640x16xf32, #tpu.memory_space<vmem_shared>>
      tpu.wait_dma2 semaphore(%run_scoped3A : memref<!tpu.dma_semaphore, #tpu.memory_space<semaphore_mem>>) src(%dma_wait3A_38 : memref<640x16xf32, #tpu.memory_space<vmem_shared>>) dst(%dma_wait3A_36 : memref<640x16xf32, #tpu.memory_space<hbm>>)
      tpu.yield
    }) : () -> ()
    return
  }
}

#map = affine_map<(d0, d1) -> (0, 0)>
#map1 = affine_map<(d0, d1) -> (0, 0, 0)>
module attributes {stable_mosaic.version = 14 : i64} {
  func.func @agg(%arg0: i32, %arg1: i32, %arg2: memref<10240x16xf32, #tpu.memory_space<hbm>>, %arg3: memref<32x80x128xi32, #tpu.memory_space<hbm>>, %arg4: memref<32x80x128xi32, #tpu.memory_space<hbm>>, %arg5: memref<128x16xf32, #tpu.memory_space<hbm>>, %arg6: memref<2x10240x16xf32, #tpu.memory_space<hbm>>, %arg7: memref<80x128xi32, #tpu.memory_space<vmem>>, %arg8: memref<80x128xi32, #tpu.memory_space<vmem>>, %arg9: memref<1024x16xf32, #tpu.memory_space<vmem>>, %arg10: memref<10240x16xf32, #tpu.memory_space<vmem_shared>>, %arg11: memref<!tpu.dma_semaphore, #tpu.memory_space<semaphore_mem>>, %arg12: memref<!tpu.dma_semaphore, #tpu.memory_space<semaphore_mem>>, %arg13: memref<!tpu.dma_semaphore, #tpu.memory_space<semaphore_mem>>, %arg14: memref<!tpu.dma_semaphore, #tpu.memory_space<semaphore_mem>>, %arg15: memref<!tpu.dma_semaphore, #tpu.memory_space<semaphore_mem>>, %arg16: memref<!tpu.dma_semaphore, #tpu.memory_space<semaphore_mem>>, %arg17: memref<!tpu.dma_semaphore, #tpu.memory_space<semaphore_mem>>, %arg18: memref<!tpu.dma_semaphore, #tpu.memory_space<semaphore_mem>>) attributes {dimension_semantics = [#tpu.dimension_semantics<core_parallel>, #tpu.dimension_semantics<subcore_parallel>], iteration_bounds = array<i64: 2, 16>, scalar_prefetch = 0 : i64, scratch_operands = 12 : i64, tpu.core_type = #tpu.core_type<sc_vector_subcore>, window_params = [{transform_indices = #map}, {transform_indices = #map1}, {transform_indices = #map1}, {transform_indices = #map}, {transform_indices = #map1}]} {
    %mul3A = arith.constant 16 : i32
    %mul3A_0 = arith.muli %arg0, %mul3A : i32
    %add3A = arith.addi %mul3A_0, %arg1 : i32
    "tpu.region"() ({
      %run_scoped3A_196 = tpu.sem_alloc : memref<!tpu.dma_semaphore, #tpu.memory_space<semaphore_mem>>
      %dma_start3A_197 = arith.constant 0 : i32
      %dma_start3A_198 = arith.constant 0 : i32
      %dma_start3A_199 = tpu.memref_slice %arg3[%add3A, %dma_start3A_197, %dma_start3A_198] : memref<32x80x128xi32, #tpu.memory_space<hbm>> -> memref<1x80x128xi32, #tpu.memory_space<hbm>>
      %dma_start3A_200 = tpu.memref_squeeze %dma_start3A_199 : memref<1x80x128xi32, #tpu.memory_space<hbm>> -> memref<80x128xi32, #tpu.memory_space<hbm>>
      %dma_start3A_201 = arith.constant 0 : i32
      %dma_start3A_202 = arith.constant 0 : i32
      %dma_start3A_203 = tpu.memref_slice %arg3[%add3A, %dma_start3A_201, %dma_start3A_202] : memref<32x80x128xi32, #tpu.memory_space<hbm>> -> memref<1x80x128xi32, #tpu.memory_space<hbm>>
      %dma_start3A_204 = tpu.memref_squeeze %dma_start3A_203 : memref<1x80x128xi32, #tpu.memory_space<hbm>> -> memref<80x128xi32, #tpu.memory_space<hbm>>
      tpu.enqueue_dma source(%dma_start3A_204 : memref<80x128xi32, #tpu.memory_space<hbm>>) target(%arg7 : memref<80x128xi32, #tpu.memory_space<vmem>>) target_semaphore(%run_scoped3A_196 : memref<!tpu.dma_semaphore, #tpu.memory_space<semaphore_mem>>)
      %dma_wait3A_205 = arith.constant 0 : i32
      %dma_wait3A_206 = arith.constant 0 : i32
      %dma_wait3A_207 = tpu.memref_slice %arg3[%add3A, %dma_wait3A_205, %dma_wait3A_206] : memref<32x80x128xi32, #tpu.memory_space<hbm>> -> memref<1x80x128xi32, #tpu.memory_space<hbm>>
      %dma_wait3A_208 = tpu.memref_squeeze %dma_wait3A_207 : memref<1x80x128xi32, #tpu.memory_space<hbm>> -> memref<80x128xi32, #tpu.memory_space<hbm>>
      %dma_wait3A_209 = arith.constant 0 : i32
      %dma_wait3A_210 = arith.constant 0 : i32
      %dma_wait3A_211 = tpu.memref_slice %arg3[%add3A, %dma_wait3A_209, %dma_wait3A_210] : memref<32x80x128xi32, #tpu.memory_space<hbm>> -> memref<1x80x128xi32, #tpu.memory_space<hbm>>
      %dma_wait3A_212 = tpu.memref_squeeze %dma_wait3A_211 : memref<1x80x128xi32, #tpu.memory_space<hbm>> -> memref<80x128xi32, #tpu.memory_space<hbm>>
      tpu.wait_dma2 semaphore(%run_scoped3A_196 : memref<!tpu.dma_semaphore, #tpu.memory_space<semaphore_mem>>) src(%dma_wait3A_212 : memref<80x128xi32, #tpu.memory_space<hbm>>) dst(%arg7 : memref<80x128xi32, #tpu.memory_space<vmem>>)
      tpu.yield
    }) : () -> ()
    "tpu.region"() ({
      %run_scoped3A_196 = tpu.sem_alloc : memref<!tpu.dma_semaphore, #tpu.memory_space<semaphore_mem>>
      %dma_start3A_197 = arith.constant 0 : i32
      %dma_start3A_198 = arith.constant 0 : i32
      %dma_start3A_199 = tpu.memref_slice %arg4[%add3A, %dma_start3A_197, %dma_start3A_198] : memref<32x80x128xi32, #tpu.memory_space<hbm>> -> memref<1x80x128xi32, #tpu.memory_space<hbm>>
      %dma_start3A_200 = tpu.memref_squeeze %dma_start3A_199 : memref<1x80x128xi32, #tpu.memory_space<hbm>> -> memref<80x128xi32, #tpu.memory_space<hbm>>
      %dma_start3A_201 = arith.constant 0 : i32
      %dma_start3A_202 = arith.constant 0 : i32
      %dma_start3A_203 = tpu.memref_slice %arg4[%add3A, %dma_start3A_201, %dma_start3A_202] : memref<32x80x128xi32, #tpu.memory_space<hbm>> -> memref<1x80x128xi32, #tpu.memory_space<hbm>>
      %dma_start3A_204 = tpu.memref_squeeze %dma_start3A_203 : memref<1x80x128xi32, #tpu.memory_space<hbm>> -> memref<80x128xi32, #tpu.memory_space<hbm>>
      tpu.enqueue_dma source(%dma_start3A_204 : memref<80x128xi32, #tpu.memory_space<hbm>>) target(%arg8 : memref<80x128xi32, #tpu.memory_space<vmem>>) target_semaphore(%run_scoped3A_196 : memref<!tpu.dma_semaphore, #tpu.memory_space<semaphore_mem>>)
      %dma_wait3A_205 = arith.constant 0 : i32
      %dma_wait3A_206 = arith.constant 0 : i32
      %dma_wait3A_207 = tpu.memref_slice %arg4[%add3A, %dma_wait3A_205, %dma_wait3A_206] : memref<32x80x128xi32, #tpu.memory_space<hbm>> -> memref<1x80x128xi32, #tpu.memory_space<hbm>>
      %dma_wait3A_208 = tpu.memref_squeeze %dma_wait3A_207 : memref<1x80x128xi32, #tpu.memory_space<hbm>> -> memref<80x128xi32, #tpu.memory_space<hbm>>
      %dma_wait3A_209 = arith.constant 0 : i32
      %dma_wait3A_210 = arith.constant 0 : i32
      %dma_wait3A_211 = tpu.memref_slice %arg4[%add3A, %dma_wait3A_209, %dma_wait3A_210] : memref<32x80x128xi32, #tpu.memory_space<hbm>> -> memref<1x80x128xi32, #tpu.memory_space<hbm>>
      %dma_wait3A_212 = tpu.memref_squeeze %dma_wait3A_211 : memref<1x80x128xi32, #tpu.memory_space<hbm>> -> memref<80x128xi32, #tpu.memory_space<hbm>>
      tpu.wait_dma2 semaphore(%run_scoped3A_196 : memref<!tpu.dma_semaphore, #tpu.memory_space<semaphore_mem>>) src(%dma_wait3A_212 : memref<80x128xi32, #tpu.memory_space<hbm>>) dst(%arg8 : memref<80x128xi32, #tpu.memory_space<vmem>>)
      tpu.yield
    }) : () -> ()
    "tpu.region"() ({
      %run_scoped3A_196 = tpu.sem_alloc : memref<!tpu.dma_semaphore, #tpu.memory_space<semaphore_mem>>
      %dma_start3A_197 = arith.constant 0 : i32
      %dma_start3A_198 = arith.constant 0 : i32
      %dma_start3A_199 = tpu.memref_slice %arg9[%dma_start3A_197, %dma_start3A_198] : memref<1024x16xf32, #tpu.memory_space<vmem>> -> memref<128x16xf32, #tpu.memory_space<vmem>>
      %dma_start3A_200 = arith.constant 0 : i32
      %dma_start3A_201 = arith.constant 0 : i32
      %dma_start3A_202 = tpu.memref_slice %arg9[%dma_start3A_200, %dma_start3A_201] : memref<1024x16xf32, #tpu.memory_space<vmem>> -> memref<128x16xf32, #tpu.memory_space<vmem>>
      tpu.enqueue_dma source(%arg5 : memref<128x16xf32, #tpu.memory_space<hbm>>) target(%dma_start3A_202 : memref<128x16xf32, #tpu.memory_space<vmem>>) target_semaphore(%run_scoped3A_196 : memref<!tpu.dma_semaphore, #tpu.memory_space<semaphore_mem>>)
      %dma_wait3A_203 = arith.constant 0 : i32
      %dma_wait3A_204 = arith.constant 0 : i32
      %dma_wait3A_205 = tpu.memref_slice %arg9[%dma_wait3A_203, %dma_wait3A_204] : memref<1024x16xf32, #tpu.memory_space<vmem>> -> memref<128x16xf32, #tpu.memory_space<vmem>>
      %dma_wait3A_206 = arith.constant 0 : i32
      %dma_wait3A_207 = arith.constant 0 : i32
      %dma_wait3A_208 = tpu.memref_slice %arg9[%dma_wait3A_206, %dma_wait3A_207] : memref<1024x16xf32, #tpu.memory_space<vmem>> -> memref<128x16xf32, #tpu.memory_space<vmem>>
      tpu.wait_dma2 semaphore(%run_scoped3A_196 : memref<!tpu.dma_semaphore, #tpu.memory_space<semaphore_mem>>) src(%arg5 : memref<128x16xf32, #tpu.memory_space<hbm>>) dst(%dma_wait3A_208 : memref<128x16xf32, #tpu.memory_space<vmem>>)
      tpu.yield
    }) : () -> ()
    %mul3A_1 = arith.constant 640 : i32
    %mul3A_2 = arith.muli %arg1, %mul3A_1 : i32
    %add3A_3 = arith.constant 0 : i32
    %add3A_4 = arith.addi %mul3A_2, %add3A_3 : i32
    "tpu.region"() ({
      %run_scoped3A_196 = tpu.sem_alloc : memref<!tpu.dma_semaphore, #tpu.memory_space<semaphore_mem>>
      %dma_start3A_197 = arith.constant 0 : i32
      %dma_start3A_198 = arith.constant 0 : i32
      %dma_start3A_199 = tpu.memref_slice %arg9[%dma_start3A_197, %dma_start3A_198] : memref<1024x16xf32, #tpu.memory_space<vmem>> -> memref<128x16xf32, #tpu.memory_space<vmem>>
      %dma_start3A_200 = arith.constant 0 : i32
      %dma_start3A_201 = tpu.memref_slice %arg10[%add3A_4, %dma_start3A_200] : memref<10240x16xf32, #tpu.memory_space<vmem_shared>> -> memref<128x16xf32, #tpu.memory_space<vmem_shared>>
      %dma_start3A_202 = arith.constant 0 : i32
      %dma_start3A_203 = tpu.memref_slice %arg10[%add3A_4, %dma_start3A_202] : memref<10240x16xf32, #tpu.memory_space<vmem_shared>> -> memref<128x16xf32, #tpu.memory_space<vmem_shared>>
      %dma_start3A_204 = arith.constant 0 : i32
      %dma_start3A_205 = arith.constant 0 : i32
      %dma_start3A_206 = tpu.memref_slice %arg9[%dma_start3A_204, %dma_start3A_205] : memref<1024x16xf32, #tpu.memory_space<vmem>> -> memref<128x16xf32, #tpu.memory_space<vmem>>
      tpu.enqueue_dma source(%dma_start3A_206 : memref<128x16xf32, #tpu.memory_space<vmem>>) target(%dma_start3A_203 : memref<128x16xf32, #tpu.memory_space<vmem_shared>>) target_semaphore(%run_scoped3A_196 : memref<!tpu.dma_semaphore, #tpu.memory_space<semaphore_mem>>)
      %dma_wait3A_207 = arith.constant 0 : i32
      %dma_wait3A_208 = arith.constant 0 : i32
      %dma_wait3A_209 = tpu.memref_slice %arg9[%dma_wait3A_207, %dma_wait3A_208] : memref<1024x16xf32, #tpu.memory_space<vmem>> -> memref<128x16xf32, #tpu.memory_space<vmem>>
      %dma_wait3A_210 = arith.constant 0 : i32
      %dma_wait3A_211 = tpu.memref_slice %arg10[%add3A_4, %dma_wait3A_210] : memref<10240x16xf32, #tpu.memory_space<vmem_shared>> -> memref<128x16xf32, #tpu.memory_space<vmem_shared>>
      %dma_wait3A_212 = arith.constant 0 : i32
      %dma_wait3A_213 = tpu.memref_slice %arg10[%add3A_4, %dma_wait3A_212] : memref<10240x16xf32, #tpu.memory_space<vmem_shared>> -> memref<128x16xf32, #tpu.memory_space<vmem_shared>>
      %dma_wait3A_214 = arith.constant 0 : i32
      %dma_wait3A_215 = arith.constant 0 : i32
      %dma_wait3A_216 = tpu.memref_slice %arg9[%dma_wait3A_214, %dma_wait3A_215] : memref<1024x16xf32, #tpu.memory_space<vmem>> -> memref<128x16xf32, #tpu.memory_space<vmem>>
      tpu.wait_dma2 semaphore(%run_scoped3A_196 : memref<!tpu.dma_semaphore, #tpu.memory_space<semaphore_mem>>) src(%dma_wait3A_216 : memref<128x16xf32, #tpu.memory_space<vmem>>) dst(%dma_wait3A_213 : memref<128x16xf32, #tpu.memory_space<vmem_shared>>)
      tpu.yield
    }) : () -> ()
    %mul3A_5 = arith.constant 640 : i32
    %mul3A_6 = arith.muli %arg1, %mul3A_5 : i32
    %add3A_7 = arith.constant 128 : i32
    %add3A_8 = arith.addi %mul3A_6, %add3A_7 : i32
    "tpu.region"() ({
      %run_scoped3A_196 = tpu.sem_alloc : memref<!tpu.dma_semaphore, #tpu.memory_space<semaphore_mem>>
      %dma_start3A_197 = arith.constant 0 : i32
      %dma_start3A_198 = arith.constant 0 : i32
      %dma_start3A_199 = tpu.memref_slice %arg9[%dma_start3A_197, %dma_start3A_198] : memref<1024x16xf32, #tpu.memory_space<vmem>> -> memref<128x16xf32, #tpu.memory_space<vmem>>
      %dma_start3A_200 = arith.constant 0 : i32
      %dma_start3A_201 = tpu.memref_slice %arg10[%add3A_8, %dma_start3A_200] : memref<10240x16xf32, #tpu.memory_space<vmem_shared>> -> memref<128x16xf32, #tpu.memory_space<vmem_shared>>
      %dma_start3A_202 = arith.constant 0 : i32
      %dma_start3A_203 = tpu.memref_slice %arg10[%add3A_8, %dma_start3A_202] : memref<10240x16xf32, #tpu.memory_space<vmem_shared>> -> memref<128x16xf32, #tpu.memory_space<vmem_shared>>
      %dma_start3A_204 = arith.constant 0 : i32
      %dma_start3A_205 = arith.constant 0 : i32
      %dma_start3A_206 = tpu.memref_slice %arg9[%dma_start3A_204, %dma_start3A_205] : memref<1024x16xf32, #tpu.memory_space<vmem>> -> memref<128x16xf32, #tpu.memory_space<vmem>>
      tpu.enqueue_dma source(%dma_start3A_206 : memref<128x16xf32, #tpu.memory_space<vmem>>) target(%dma_start3A_203 : memref<128x16xf32, #tpu.memory_space<vmem_shared>>) target_semaphore(%run_scoped3A_196 : memref<!tpu.dma_semaphore, #tpu.memory_space<semaphore_mem>>)
      %dma_wait3A_207 = arith.constant 0 : i32
      %dma_wait3A_208 = arith.constant 0 : i32
      %dma_wait3A_209 = tpu.memref_slice %arg9[%dma_wait3A_207, %dma_wait3A_208] : memref<1024x16xf32, #tpu.memory_space<vmem>> -> memref<128x16xf32, #tpu.memory_space<vmem>>
      %dma_wait3A_210 = arith.constant 0 : i32
      %dma_wait3A_211 = tpu.memref_slice %arg10[%add3A_8, %dma_wait3A_210] : memref<10240x16xf32, #tpu.memory_space<vmem_shared>> -> memref<128x16xf32, #tpu.memory_space<vmem_shared>>
      %dma_wait3A_212 = arith.constant 0 : i32
      %dma_wait3A_213 = tpu.memref_slice %arg10[%add3A_8, %dma_wait3A_212] : memref<10240x16xf32, #tpu.memory_space<vmem_shared>> -> memref<128x16xf32, #tpu.memory_space<vmem_shared>>
      %dma_wait3A_214 = arith.constant 0 : i32
      %dma_wait3A_215 = arith.constant 0 : i32
      %dma_wait3A_216 = tpu.memref_slice %arg9[%dma_wait3A_214, %dma_wait3A_215] : memref<1024x16xf32, #tpu.memory_space<vmem>> -> memref<128x16xf32, #tpu.memory_space<vmem>>
      tpu.wait_dma2 semaphore(%run_scoped3A_196 : memref<!tpu.dma_semaphore, #tpu.memory_space<semaphore_mem>>) src(%dma_wait3A_216 : memref<128x16xf32, #tpu.memory_space<vmem>>) dst(%dma_wait3A_213 : memref<128x16xf32, #tpu.memory_space<vmem_shared>>)
      tpu.yield
    }) : () -> ()
    %mul3A_9 = arith.constant 640 : i32
    %mul3A_10 = arith.muli %arg1, %mul3A_9 : i32
    %add3A_11 = arith.constant 256 : i32
    %add3A_12 = arith.addi %mul3A_10, %add3A_11 : i32
    "tpu.region"() ({
      %run_scoped3A_196 = tpu.sem_alloc : memref<!tpu.dma_semaphore, #tpu.memory_space<semaphore_mem>>
      %dma_start3A_197 = arith.constant 0 : i32
      %dma_start3A_198 = arith.constant 0 : i32
      %dma_start3A_199 = tpu.memref_slice %arg9[%dma_start3A_197, %dma_start3A_198] : memref<1024x16xf32, #tpu.memory_space<vmem>> -> memref<128x16xf32, #tpu.memory_space<vmem>>
      %dma_start3A_200 = arith.constant 0 : i32
      %dma_start3A_201 = tpu.memref_slice %arg10[%add3A_12, %dma_start3A_200] : memref<10240x16xf32, #tpu.memory_space<vmem_shared>> -> memref<128x16xf32, #tpu.memory_space<vmem_shared>>
      %dma_start3A_202 = arith.constant 0 : i32
      %dma_start3A_203 = tpu.memref_slice %arg10[%add3A_12, %dma_start3A_202] : memref<10240x16xf32, #tpu.memory_space<vmem_shared>> -> memref<128x16xf32, #tpu.memory_space<vmem_shared>>
      %dma_start3A_204 = arith.constant 0 : i32
      %dma_start3A_205 = arith.constant 0 : i32
      %dma_start3A_206 = tpu.memref_slice %arg9[%dma_start3A_204, %dma_start3A_205] : memref<1024x16xf32, #tpu.memory_space<vmem>> -> memref<128x16xf32, #tpu.memory_space<vmem>>
      tpu.enqueue_dma source(%dma_start3A_206 : memref<128x16xf32, #tpu.memory_space<vmem>>) target(%dma_start3A_203 : memref<128x16xf32, #tpu.memory_space<vmem_shared>>) target_semaphore(%run_scoped3A_196 : memref<!tpu.dma_semaphore, #tpu.memory_space<semaphore_mem>>)
      %dma_wait3A_207 = arith.constant 0 : i32
      %dma_wait3A_208 = arith.constant 0 : i32
      %dma_wait3A_209 = tpu.memref_slice %arg9[%dma_wait3A_207, %dma_wait3A_208] : memref<1024x16xf32, #tpu.memory_space<vmem>> -> memref<128x16xf32, #tpu.memory_space<vmem>>
      %dma_wait3A_210 = arith.constant 0 : i32
      %dma_wait3A_211 = tpu.memref_slice %arg10[%add3A_12, %dma_wait3A_210] : memref<10240x16xf32, #tpu.memory_space<vmem_shared>> -> memref<128x16xf32, #tpu.memory_space<vmem_shared>>
      %dma_wait3A_212 = arith.constant 0 : i32
      %dma_wait3A_213 = tpu.memref_slice %arg10[%add3A_12, %dma_wait3A_212] : memref<10240x16xf32, #tpu.memory_space<vmem_shared>> -> memref<128x16xf32, #tpu.memory_space<vmem_shared>>
      %dma_wait3A_214 = arith.constant 0 : i32
      %dma_wait3A_215 = arith.constant 0 : i32
      %dma_wait3A_216 = tpu.memref_slice %arg9[%dma_wait3A_214, %dma_wait3A_215] : memref<1024x16xf32, #tpu.memory_space<vmem>> -> memref<128x16xf32, #tpu.memory_space<vmem>>
      tpu.wait_dma2 semaphore(%run_scoped3A_196 : memref<!tpu.dma_semaphore, #tpu.memory_space<semaphore_mem>>) src(%dma_wait3A_216 : memref<128x16xf32, #tpu.memory_space<vmem>>) dst(%dma_wait3A_213 : memref<128x16xf32, #tpu.memory_space<vmem_shared>>)
      tpu.yield
    }) : () -> ()
    %mul3A_13 = arith.constant 640 : i32
    %mul3A_14 = arith.muli %arg1, %mul3A_13 : i32
    %add3A_15 = arith.constant 384 : i32
    %add3A_16 = arith.addi %mul3A_14, %add3A_15 : i32
    "tpu.region"() ({
      %run_scoped3A_196 = tpu.sem_alloc : memref<!tpu.dma_semaphore, #tpu.memory_space<semaphore_mem>>
      %dma_start3A_197 = arith.constant 0 : i32
      %dma_start3A_198 = arith.constant 0 : i32
      %dma_start3A_199 = tpu.memref_slice %arg9[%dma_start3A_197, %dma_start3A_198] : memref<1024x16xf32, #tpu.memory_space<vmem>> -> memref<128x16xf32, #tpu.memory_space<vmem>>
      %dma_start3A_200 = arith.constant 0 : i32
      %dma_start3A_201 = tpu.memref_slice %arg10[%add3A_16, %dma_start3A_200] : memref<10240x16xf32, #tpu.memory_space<vmem_shared>> -> memref<128x16xf32, #tpu.memory_space<vmem_shared>>
      %dma_start3A_202 = arith.constant 0 : i32
      %dma_start3A_203 = tpu.memref_slice %arg10[%add3A_16, %dma_start3A_202] : memref<10240x16xf32, #tpu.memory_space<vmem_shared>> -> memref<128x16xf32, #tpu.memory_space<vmem_shared>>
      %dma_start3A_204 = arith.constant 0 : i32
      %dma_start3A_205 = arith.constant 0 : i32
      %dma_start3A_206 = tpu.memref_slice %arg9[%dma_start3A_204, %dma_start3A_205] : memref<1024x16xf32, #tpu.memory_space<vmem>> -> memref<128x16xf32, #tpu.memory_space<vmem>>
      tpu.enqueue_dma source(%dma_start3A_206 : memref<128x16xf32, #tpu.memory_space<vmem>>) target(%dma_start3A_203 : memref<128x16xf32, #tpu.memory_space<vmem_shared>>) target_semaphore(%run_scoped3A_196 : memref<!tpu.dma_semaphore, #tpu.memory_space<semaphore_mem>>)
      %dma_wait3A_207 = arith.constant 0 : i32
      %dma_wait3A_208 = arith.constant 0 : i32
      %dma_wait3A_209 = tpu.memref_slice %arg9[%dma_wait3A_207, %dma_wait3A_208] : memref<1024x16xf32, #tpu.memory_space<vmem>> -> memref<128x16xf32, #tpu.memory_space<vmem>>
      %dma_wait3A_210 = arith.constant 0 : i32
      %dma_wait3A_211 = tpu.memref_slice %arg10[%add3A_16, %dma_wait3A_210] : memref<10240x16xf32, #tpu.memory_space<vmem_shared>> -> memref<128x16xf32, #tpu.memory_space<vmem_shared>>
      %dma_wait3A_212 = arith.constant 0 : i32
      %dma_wait3A_213 = tpu.memref_slice %arg10[%add3A_16, %dma_wait3A_212] : memref<10240x16xf32, #tpu.memory_space<vmem_shared>> -> memref<128x16xf32, #tpu.memory_space<vmem_shared>>
      %dma_wait3A_214 = arith.constant 0 : i32
      %dma_wait3A_215 = arith.constant 0 : i32
      %dma_wait3A_216 = tpu.memref_slice %arg9[%dma_wait3A_214, %dma_wait3A_215] : memref<1024x16xf32, #tpu.memory_space<vmem>> -> memref<128x16xf32, #tpu.memory_space<vmem>>
      tpu.wait_dma2 semaphore(%run_scoped3A_196 : memref<!tpu.dma_semaphore, #tpu.memory_space<semaphore_mem>>) src(%dma_wait3A_216 : memref<128x16xf32, #tpu.memory_space<vmem>>) dst(%dma_wait3A_213 : memref<128x16xf32, #tpu.memory_space<vmem_shared>>)
      tpu.yield
    }) : () -> ()
    %mul3A_17 = arith.constant 640 : i32
    %mul3A_18 = arith.muli %arg1, %mul3A_17 : i32
    %add3A_19 = arith.constant 512 : i32
    %add3A_20 = arith.addi %mul3A_18, %add3A_19 : i32
    "tpu.region"() ({
      %run_scoped3A_196 = tpu.sem_alloc : memref<!tpu.dma_semaphore, #tpu.memory_space<semaphore_mem>>
      %dma_start3A_197 = arith.constant 0 : i32
      %dma_start3A_198 = arith.constant 0 : i32
      %dma_start3A_199 = tpu.memref_slice %arg9[%dma_start3A_197, %dma_start3A_198] : memref<1024x16xf32, #tpu.memory_space<vmem>> -> memref<128x16xf32, #tpu.memory_space<vmem>>
      %dma_start3A_200 = arith.constant 0 : i32
      %dma_start3A_201 = tpu.memref_slice %arg10[%add3A_20, %dma_start3A_200] : memref<10240x16xf32, #tpu.memory_space<vmem_shared>> -> memref<128x16xf32, #tpu.memory_space<vmem_shared>>
      %dma_start3A_202 = arith.constant 0 : i32
      %dma_start3A_203 = tpu.memref_slice %arg10[%add3A_20, %dma_start3A_202] : memref<10240x16xf32, #tpu.memory_space<vmem_shared>> -> memref<128x16xf32, #tpu.memory_space<vmem_shared>>
      %dma_start3A_204 = arith.constant 0 : i32
      %dma_start3A_205 = arith.constant 0 : i32
      %dma_start3A_206 = tpu.memref_slice %arg9[%dma_start3A_204, %dma_start3A_205] : memref<1024x16xf32, #tpu.memory_space<vmem>> -> memref<128x16xf32, #tpu.memory_space<vmem>>
      tpu.enqueue_dma source(%dma_start3A_206 : memref<128x16xf32, #tpu.memory_space<vmem>>) target(%dma_start3A_203 : memref<128x16xf32, #tpu.memory_space<vmem_shared>>) target_semaphore(%run_scoped3A_196 : memref<!tpu.dma_semaphore, #tpu.memory_space<semaphore_mem>>)
      %dma_wait3A_207 = arith.constant 0 : i32
      %dma_wait3A_208 = arith.constant 0 : i32
      %dma_wait3A_209 = tpu.memref_slice %arg9[%dma_wait3A_207, %dma_wait3A_208] : memref<1024x16xf32, #tpu.memory_space<vmem>> -> memref<128x16xf32, #tpu.memory_space<vmem>>
      %dma_wait3A_210 = arith.constant 0 : i32
      %dma_wait3A_211 = tpu.memref_slice %arg10[%add3A_20, %dma_wait3A_210] : memref<10240x16xf32, #tpu.memory_space<vmem_shared>> -> memref<128x16xf32, #tpu.memory_space<vmem_shared>>
      %dma_wait3A_212 = arith.constant 0 : i32
      %dma_wait3A_213 = tpu.memref_slice %arg10[%add3A_20, %dma_wait3A_212] : memref<10240x16xf32, #tpu.memory_space<vmem_shared>> -> memref<128x16xf32, #tpu.memory_space<vmem_shared>>
      %dma_wait3A_214 = arith.constant 0 : i32
      %dma_wait3A_215 = arith.constant 0 : i32
      %dma_wait3A_216 = tpu.memref_slice %arg9[%dma_wait3A_214, %dma_wait3A_215] : memref<1024x16xf32, #tpu.memory_space<vmem>> -> memref<128x16xf32, #tpu.memory_space<vmem>>
      tpu.wait_dma2 semaphore(%run_scoped3A_196 : memref<!tpu.dma_semaphore, #tpu.memory_space<semaphore_mem>>) src(%dma_wait3A_216 : memref<128x16xf32, #tpu.memory_space<vmem>>) dst(%dma_wait3A_213 : memref<128x16xf32, #tpu.memory_space<vmem_shared>>)
      tpu.yield
    }) : () -> ()
    %barrier3A = arith.constant 0 : index
    tpu.barrier barrier_id(%barrier3A)
    %dma_start3A = arith.constant 0 : i32
    %dma_start3A_21 = arith.constant 0 : i32
    %dma_start3A_22 = arith.constant 0 : i32
    %dma_start3A_23 = tpu.memref_slice %arg9[%dma_start3A_21, %dma_start3A_22] : memref<1024x16xf32, #tpu.memory_space<vmem>> -> memref<128x16xf32, #tpu.memory_space<vmem>>
    %dma_start3A_24 = arith.constant 0 : i32
    %dma_start3A_25 = tpu.memref_slice %arg7[%dma_start3A, %dma_start3A_24] : memref<80x128xi32, #tpu.memory_space<vmem>> -> memref<1x128xi32, #tpu.memory_space<vmem>>
    %dma_start3A_26 = tpu.memref_squeeze %dma_start3A_25 : memref<1x128xi32, #tpu.memory_space<vmem>> -> memref<128xi32, #tpu.memory_space<vmem>>
    %dma_start3A_27 = arith.constant 0 : i32
    %dma_start3A_28 = arith.constant 0 : i32
    %dma_start3A_29 = tpu.memref_slice %arg2[%dma_start3A_27, %dma_start3A_28] : memref<10240x16xf32, #tpu.memory_space<hbm>> -> memref<10240x16xf32, #tpu.memory_space<hbm>>
    tpu.enqueue_indirect_dma source(%dma_start3A_29 : memref<10240x16xf32, #tpu.memory_space<hbm>>) target(%dma_start3A_23 : memref<128x16xf32, #tpu.memory_space<vmem>>) offsets(%dma_start3A_26 : memref<128xi32, #tpu.memory_space<vmem>>) semaphore(%arg11 : memref<!tpu.dma_semaphore, #tpu.memory_space<semaphore_mem>>)
    %dma_start3A_30 = arith.constant 1 : i32
    %dma_start3A_31 = arith.constant 128 : i32
    %dma_start3A_32 = arith.constant 0 : i32
    %dma_start3A_33 = tpu.memref_slice %arg9[%dma_start3A_31, %dma_start3A_32] : memref<1024x16xf32, #tpu.memory_space<vmem>> -> memref<128x16xf32, #tpu.memory_space<vmem>>
    %dma_start3A_34 = arith.constant 0 : i32
    %dma_start3A_35 = tpu.memref_slice %arg7[%dma_start3A_30, %dma_start3A_34] : memref<80x128xi32, #tpu.memory_space<vmem>> -> memref<1x128xi32, #tpu.memory_space<vmem>>
    %dma_start3A_36 = tpu.memref_squeeze %dma_start3A_35 : memref<1x128xi32, #tpu.memory_space<vmem>> -> memref<128xi32, #tpu.memory_space<vmem>>
    %dma_start3A_37 = arith.constant 0 : i32
    %dma_start3A_38 = arith.constant 0 : i32
    %dma_start3A_39 = tpu.memref_slice %arg2[%dma_start3A_37, %dma_start3A_38] : memref<10240x16xf32, #tpu.memory_space<hbm>> -> memref<10240x16xf32, #tpu.memory_space<hbm>>
    tpu.enqueue_indirect_dma source(%dma_start3A_39 : memref<10240x16xf32, #tpu.memory_space<hbm>>) target(%dma_start3A_33 : memref<128x16xf32, #tpu.memory_space<vmem>>) offsets(%dma_start3A_36 : memref<128xi32, #tpu.memory_space<vmem>>) semaphore(%arg12 : memref<!tpu.dma_semaphore, #tpu.memory_space<semaphore_mem>>)
    %dma_start3A_40 = arith.constant 2 : i32
    %dma_start3A_41 = arith.constant 256 : i32
    %dma_start3A_42 = arith.constant 0 : i32
    %dma_start3A_43 = tpu.memref_slice %arg9[%dma_start3A_41, %dma_start3A_42] : memref<1024x16xf32, #tpu.memory_space<vmem>> -> memref<128x16xf32, #tpu.memory_space<vmem>>
    %dma_start3A_44 = arith.constant 0 : i32
    %dma_start3A_45 = tpu.memref_slice %arg7[%dma_start3A_40, %dma_start3A_44] : memref<80x128xi32, #tpu.memory_space<vmem>> -> memref<1x128xi32, #tpu.memory_space<vmem>>
    %dma_start3A_46 = tpu.memref_squeeze %dma_start3A_45 : memref<1x128xi32, #tpu.memory_space<vmem>> -> memref<128xi32, #tpu.memory_space<vmem>>
    %dma_start3A_47 = arith.constant 0 : i32
    %dma_start3A_48 = arith.constant 0 : i32
    %dma_start3A_49 = tpu.memref_slice %arg2[%dma_start3A_47, %dma_start3A_48] : memref<10240x16xf32, #tpu.memory_space<hbm>> -> memref<10240x16xf32, #tpu.memory_space<hbm>>
    tpu.enqueue_indirect_dma source(%dma_start3A_49 : memref<10240x16xf32, #tpu.memory_space<hbm>>) target(%dma_start3A_43 : memref<128x16xf32, #tpu.memory_space<vmem>>) offsets(%dma_start3A_46 : memref<128xi32, #tpu.memory_space<vmem>>) semaphore(%arg13 : memref<!tpu.dma_semaphore, #tpu.memory_space<semaphore_mem>>)
    %dma_start3A_50 = arith.constant 3 : i32
    %dma_start3A_51 = arith.constant 384 : i32
    %dma_start3A_52 = arith.constant 0 : i32
    %dma_start3A_53 = tpu.memref_slice %arg9[%dma_start3A_51, %dma_start3A_52] : memref<1024x16xf32, #tpu.memory_space<vmem>> -> memref<128x16xf32, #tpu.memory_space<vmem>>
    %dma_start3A_54 = arith.constant 0 : i32
    %dma_start3A_55 = tpu.memref_slice %arg7[%dma_start3A_50, %dma_start3A_54] : memref<80x128xi32, #tpu.memory_space<vmem>> -> memref<1x128xi32, #tpu.memory_space<vmem>>
    %dma_start3A_56 = tpu.memref_squeeze %dma_start3A_55 : memref<1x128xi32, #tpu.memory_space<vmem>> -> memref<128xi32, #tpu.memory_space<vmem>>
    %dma_start3A_57 = arith.constant 0 : i32
    %dma_start3A_58 = arith.constant 0 : i32
    %dma_start3A_59 = tpu.memref_slice %arg2[%dma_start3A_57, %dma_start3A_58] : memref<10240x16xf32, #tpu.memory_space<hbm>> -> memref<10240x16xf32, #tpu.memory_space<hbm>>
    tpu.enqueue_indirect_dma source(%dma_start3A_59 : memref<10240x16xf32, #tpu.memory_space<hbm>>) target(%dma_start3A_53 : memref<128x16xf32, #tpu.memory_space<vmem>>) offsets(%dma_start3A_56 : memref<128xi32, #tpu.memory_space<vmem>>) semaphore(%arg14 : memref<!tpu.dma_semaphore, #tpu.memory_space<semaphore_mem>>)
    %dma_start3A_60 = arith.constant 4 : i32
    %dma_start3A_61 = arith.constant 512 : i32
    %dma_start3A_62 = arith.constant 0 : i32
    %dma_start3A_63 = tpu.memref_slice %arg9[%dma_start3A_61, %dma_start3A_62] : memref<1024x16xf32, #tpu.memory_space<vmem>> -> memref<128x16xf32, #tpu.memory_space<vmem>>
    %dma_start3A_64 = arith.constant 0 : i32
    %dma_start3A_65 = tpu.memref_slice %arg7[%dma_start3A_60, %dma_start3A_64] : memref<80x128xi32, #tpu.memory_space<vmem>> -> memref<1x128xi32, #tpu.memory_space<vmem>>
    %dma_start3A_66 = tpu.memref_squeeze %dma_start3A_65 : memref<1x128xi32, #tpu.memory_space<vmem>> -> memref<128xi32, #tpu.memory_space<vmem>>
    %dma_start3A_67 = arith.constant 0 : i32
    %dma_start3A_68 = arith.constant 0 : i32
    %dma_start3A_69 = tpu.memref_slice %arg2[%dma_start3A_67, %dma_start3A_68] : memref<10240x16xf32, #tpu.memory_space<hbm>> -> memref<10240x16xf32, #tpu.memory_space<hbm>>
    tpu.enqueue_indirect_dma source(%dma_start3A_69 : memref<10240x16xf32, #tpu.memory_space<hbm>>) target(%dma_start3A_63 : memref<128x16xf32, #tpu.memory_space<vmem>>) offsets(%dma_start3A_66 : memref<128xi32, #tpu.memory_space<vmem>>) semaphore(%arg15 : memref<!tpu.dma_semaphore, #tpu.memory_space<semaphore_mem>>)
    %dma_start3A_70 = arith.constant 5 : i32
    %dma_start3A_71 = arith.constant 640 : i32
    %dma_start3A_72 = arith.constant 0 : i32
    %dma_start3A_73 = tpu.memref_slice %arg9[%dma_start3A_71, %dma_start3A_72] : memref<1024x16xf32, #tpu.memory_space<vmem>> -> memref<128x16xf32, #tpu.memory_space<vmem>>
    %dma_start3A_74 = arith.constant 0 : i32
    %dma_start3A_75 = tpu.memref_slice %arg7[%dma_start3A_70, %dma_start3A_74] : memref<80x128xi32, #tpu.memory_space<vmem>> -> memref<1x128xi32, #tpu.memory_space<vmem>>
    %dma_start3A_76 = tpu.memref_squeeze %dma_start3A_75 : memref<1x128xi32, #tpu.memory_space<vmem>> -> memref<128xi32, #tpu.memory_space<vmem>>
    %dma_start3A_77 = arith.constant 0 : i32
    %dma_start3A_78 = arith.constant 0 : i32
    %dma_start3A_79 = tpu.memref_slice %arg2[%dma_start3A_77, %dma_start3A_78] : memref<10240x16xf32, #tpu.memory_space<hbm>> -> memref<10240x16xf32, #tpu.memory_space<hbm>>
    tpu.enqueue_indirect_dma source(%dma_start3A_79 : memref<10240x16xf32, #tpu.memory_space<hbm>>) target(%dma_start3A_73 : memref<128x16xf32, #tpu.memory_space<vmem>>) offsets(%dma_start3A_76 : memref<128xi32, #tpu.memory_space<vmem>>) semaphore(%arg16 : memref<!tpu.dma_semaphore, #tpu.memory_space<semaphore_mem>>)
    %dma_start3A_80 = arith.constant 6 : i32
    %dma_start3A_81 = arith.constant 768 : i32
    %dma_start3A_82 = arith.constant 0 : i32
    %dma_start3A_83 = tpu.memref_slice %arg9[%dma_start3A_81, %dma_start3A_82] : memref<1024x16xf32, #tpu.memory_space<vmem>> -> memref<128x16xf32, #tpu.memory_space<vmem>>
    %dma_start3A_84 = arith.constant 0 : i32
    %dma_start3A_85 = tpu.memref_slice %arg7[%dma_start3A_80, %dma_start3A_84] : memref<80x128xi32, #tpu.memory_space<vmem>> -> memref<1x128xi32, #tpu.memory_space<vmem>>
    %dma_start3A_86 = tpu.memref_squeeze %dma_start3A_85 : memref<1x128xi32, #tpu.memory_space<vmem>> -> memref<128xi32, #tpu.memory_space<vmem>>
    %dma_start3A_87 = arith.constant 0 : i32
    %dma_start3A_88 = arith.constant 0 : i32
    %dma_start3A_89 = tpu.memref_slice %arg2[%dma_start3A_87, %dma_start3A_88] : memref<10240x16xf32, #tpu.memory_space<hbm>> -> memref<10240x16xf32, #tpu.memory_space<hbm>>
    tpu.enqueue_indirect_dma source(%dma_start3A_89 : memref<10240x16xf32, #tpu.memory_space<hbm>>) target(%dma_start3A_83 : memref<128x16xf32, #tpu.memory_space<vmem>>) offsets(%dma_start3A_86 : memref<128xi32, #tpu.memory_space<vmem>>) semaphore(%arg17 : memref<!tpu.dma_semaphore, #tpu.memory_space<semaphore_mem>>)
    %dma_start3A_90 = arith.constant 7 : i32
    %dma_start3A_91 = arith.constant 896 : i32
    %dma_start3A_92 = arith.constant 0 : i32
    %dma_start3A_93 = tpu.memref_slice %arg9[%dma_start3A_91, %dma_start3A_92] : memref<1024x16xf32, #tpu.memory_space<vmem>> -> memref<128x16xf32, #tpu.memory_space<vmem>>
    %dma_start3A_94 = arith.constant 0 : i32
    %dma_start3A_95 = tpu.memref_slice %arg7[%dma_start3A_90, %dma_start3A_94] : memref<80x128xi32, #tpu.memory_space<vmem>> -> memref<1x128xi32, #tpu.memory_space<vmem>>
    %dma_start3A_96 = tpu.memref_squeeze %dma_start3A_95 : memref<1x128xi32, #tpu.memory_space<vmem>> -> memref<128xi32, #tpu.memory_space<vmem>>
    %dma_start3A_97 = arith.constant 0 : i32
    %dma_start3A_98 = arith.constant 0 : i32
    %dma_start3A_99 = tpu.memref_slice %arg2[%dma_start3A_97, %dma_start3A_98] : memref<10240x16xf32, #tpu.memory_space<hbm>> -> memref<10240x16xf32, #tpu.memory_space<hbm>>
    tpu.enqueue_indirect_dma source(%dma_start3A_99 : memref<10240x16xf32, #tpu.memory_space<hbm>>) target(%dma_start3A_93 : memref<128x16xf32, #tpu.memory_space<vmem>>) offsets(%dma_start3A_96 : memref<128xi32, #tpu.memory_space<vmem>>) semaphore(%arg18 : memref<!tpu.dma_semaphore, #tpu.memory_space<semaphore_mem>>)
    %scan3A = arith.constant 0 : i32
    %scan3A_100 = arith.constant 0 : i32
    %scan3A_101 = arith.constant 9 : i32
    %scan3A_102 = arith.addi %scan3A_100, %scan3A_101 : i32
    %scan3A_103 = arith.constant 1 : i32
    scf.for %scan3A_196 = %scan3A_100 to %scan3A_102 step %scan3A_103  : i32 {
      %mul3A_197 = arith.constant 8 : i32
      %mul3A_198 = arith.muli %scan3A_196, %mul3A_197 : i32
      %add3A_199 = arith.constant 0 : i32
      %add3A_200 = arith.addi %mul3A_198, %add3A_199 : i32
      %dma_wait3A_201 = arith.constant 0 : i32
      %dma_wait3A_202 = arith.constant 0 : i32
      %dma_wait3A_203 = tpu.memref_slice %arg9[%dma_wait3A_201, %dma_wait3A_202] : memref<1024x16xf32, #tpu.memory_space<vmem>> -> memref<128x16xf32, #tpu.memory_space<vmem>>
      %dma_wait3A_204 = arith.constant 0 : i32
      %dma_wait3A_205 = tpu.memref_slice %arg7[%add3A_200, %dma_wait3A_204] : memref<80x128xi32, #tpu.memory_space<vmem>> -> memref<1x128xi32, #tpu.memory_space<vmem>>
      %dma_wait3A_206 = tpu.memref_squeeze %dma_wait3A_205 : memref<1x128xi32, #tpu.memory_space<vmem>> -> memref<128xi32, #tpu.memory_space<vmem>>
      %dma_wait3A_207 = arith.constant 0 : i32
      %dma_wait3A_208 = arith.constant 0 : i32
      %dma_wait3A_209 = tpu.memref_slice %arg2[%dma_wait3A_207, %dma_wait3A_208] : memref<10240x16xf32, #tpu.memory_space<hbm>> -> memref<10240x16xf32, #tpu.memory_space<hbm>>
      tpu.wait_indirect_dma semaphore(%arg11 : memref<!tpu.dma_semaphore, #tpu.memory_space<semaphore_mem>>) src(%dma_wait3A_209 : memref<10240x16xf32, #tpu.memory_space<hbm>>) dst(%dma_wait3A_203 : memref<128x16xf32, #tpu.memory_space<vmem>>)
      "tpu.region"() ({
        %run_scoped3A_375 = tpu.sem_alloc : memref<!tpu.dma_semaphore, #tpu.memory_space<semaphore_mem>>
        %dma_start3A_376 = arith.constant 0 : i32
        %dma_start3A_377 = arith.constant 0 : i32
        %dma_start3A_378 = tpu.memref_slice %arg9[%dma_start3A_376, %dma_start3A_377] : memref<1024x16xf32, #tpu.memory_space<vmem>> -> memref<128x16xf32, #tpu.memory_space<vmem>>
        %dma_start3A_379 = arith.constant 0 : i32
        %dma_start3A_380 = tpu.memref_slice %arg8[%add3A_200, %dma_start3A_379] : memref<80x128xi32, #tpu.memory_space<vmem>> -> memref<1x128xi32, #tpu.memory_space<vmem>>
        %dma_start3A_381 = tpu.memref_squeeze %dma_start3A_380 : memref<1x128xi32, #tpu.memory_space<vmem>> -> memref<128xi32, #tpu.memory_space<vmem>>
        %dma_start3A_382 = arith.constant 0 : i32
        %dma_start3A_383 = arith.constant 0 : i32
        %dma_start3A_384 = tpu.memref_slice %arg10[%dma_start3A_382, %dma_start3A_383] : memref<10240x16xf32, #tpu.memory_space<vmem_shared>> -> memref<10240x16xf32, #tpu.memory_space<vmem_shared>>
        tpu.enqueue_indirect_dma source(%dma_start3A_378 : memref<128x16xf32, #tpu.memory_space<vmem>>) target(%dma_start3A_384 : memref<10240x16xf32, #tpu.memory_space<vmem_shared>>) offsets(%dma_start3A_381 : memref<128xi32, #tpu.memory_space<vmem>>) semaphore(%run_scoped3A_375 : memref<!tpu.dma_semaphore, #tpu.memory_space<semaphore_mem>>) {add = true}
        %dma_wait3A_385 = arith.constant 0 : i32
        %dma_wait3A_386 = arith.constant 0 : i32
        %dma_wait3A_387 = tpu.memref_slice %arg9[%dma_wait3A_385, %dma_wait3A_386] : memref<1024x16xf32, #tpu.memory_space<vmem>> -> memref<128x16xf32, #tpu.memory_space<vmem>>
        %dma_wait3A_388 = arith.constant 0 : i32
        %dma_wait3A_389 = tpu.memref_slice %arg8[%add3A_200, %dma_wait3A_388] : memref<80x128xi32, #tpu.memory_space<vmem>> -> memref<1x128xi32, #tpu.memory_space<vmem>>
        %dma_wait3A_390 = tpu.memref_squeeze %dma_wait3A_389 : memref<1x128xi32, #tpu.memory_space<vmem>> -> memref<128xi32, #tpu.memory_space<vmem>>
        %dma_wait3A_391 = arith.constant 0 : i32
        %dma_wait3A_392 = arith.constant 0 : i32
        %dma_wait3A_393 = tpu.memref_slice %arg10[%dma_wait3A_391, %dma_wait3A_392] : memref<10240x16xf32, #tpu.memory_space<vmem_shared>> -> memref<10240x16xf32, #tpu.memory_space<vmem_shared>>
        tpu.wait_indirect_dma semaphore(%run_scoped3A_375 : memref<!tpu.dma_semaphore, #tpu.memory_space<semaphore_mem>>) src(%dma_wait3A_387 : memref<128x16xf32, #tpu.memory_space<vmem>>) dst(%dma_wait3A_393 : memref<10240x16xf32, #tpu.memory_space<vmem_shared>>)
        tpu.yield
      }) : () -> ()
      %add3A_210 = arith.constant 8 : i32
      %add3A_211 = arith.addi %add3A_200, %add3A_210 : i32
      %dma_start3A_212 = arith.constant 0 : i32
      %dma_start3A_213 = arith.constant 0 : i32
      %dma_start3A_214 = tpu.memref_slice %arg9[%dma_start3A_212, %dma_start3A_213] : memref<1024x16xf32, #tpu.memory_space<vmem>> -> memref<128x16xf32, #tpu.memory_space<vmem>>
      %dma_start3A_215 = arith.constant 0 : i32
      %dma_start3A_216 = tpu.memref_slice %arg7[%add3A_211, %dma_start3A_215] : memref<80x128xi32, #tpu.memory_space<vmem>> -> memref<1x128xi32, #tpu.memory_space<vmem>>
      %dma_start3A_217 = tpu.memref_squeeze %dma_start3A_216 : memref<1x128xi32, #tpu.memory_space<vmem>> -> memref<128xi32, #tpu.memory_space<vmem>>
      %dma_start3A_218 = arith.constant 0 : i32
      %dma_start3A_219 = arith.constant 0 : i32
      %dma_start3A_220 = tpu.memref_slice %arg2[%dma_start3A_218, %dma_start3A_219] : memref<10240x16xf32, #tpu.memory_space<hbm>> -> memref<10240x16xf32, #tpu.memory_space<hbm>>
      tpu.enqueue_indirect_dma source(%dma_start3A_220 : memref<10240x16xf32, #tpu.memory_space<hbm>>) target(%dma_start3A_214 : memref<128x16xf32, #tpu.memory_space<vmem>>) offsets(%dma_start3A_217 : memref<128xi32, #tpu.memory_space<vmem>>) semaphore(%arg11 : memref<!tpu.dma_semaphore, #tpu.memory_space<semaphore_mem>>)
      %add3A_221 = arith.constant 1 : i32
      %add3A_222 = arith.addi %mul3A_198, %add3A_221 : i32
      %dma_wait3A_223 = arith.constant 128 : i32
      %dma_wait3A_224 = arith.constant 0 : i32
      %dma_wait3A_225 = tpu.memref_slice %arg9[%dma_wait3A_223, %dma_wait3A_224] : memref<1024x16xf32, #tpu.memory_space<vmem>> -> memref<128x16xf32, #tpu.memory_space<vmem>>
      %dma_wait3A_226 = arith.constant 0 : i32
      %dma_wait3A_227 = tpu.memref_slice %arg7[%add3A_222, %dma_wait3A_226] : memref<80x128xi32, #tpu.memory_space<vmem>> -> memref<1x128xi32, #tpu.memory_space<vmem>>
      %dma_wait3A_228 = tpu.memref_squeeze %dma_wait3A_227 : memref<1x128xi32, #tpu.memory_space<vmem>> -> memref<128xi32, #tpu.memory_space<vmem>>
      %dma_wait3A_229 = arith.constant 0 : i32
      %dma_wait3A_230 = arith.constant 0 : i32
      %dma_wait3A_231 = tpu.memref_slice %arg2[%dma_wait3A_229, %dma_wait3A_230] : memref<10240x16xf32, #tpu.memory_space<hbm>> -> memref<10240x16xf32, #tpu.memory_space<hbm>>
      tpu.wait_indirect_dma semaphore(%arg12 : memref<!tpu.dma_semaphore, #tpu.memory_space<semaphore_mem>>) src(%dma_wait3A_231 : memref<10240x16xf32, #tpu.memory_space<hbm>>) dst(%dma_wait3A_225 : memref<128x16xf32, #tpu.memory_space<vmem>>)
      "tpu.region"() ({
        %run_scoped3A_375 = tpu.sem_alloc : memref<!tpu.dma_semaphore, #tpu.memory_space<semaphore_mem>>
        %dma_start3A_376 = arith.constant 128 : i32
        %dma_start3A_377 = arith.constant 0 : i32
        %dma_start3A_378 = tpu.memref_slice %arg9[%dma_start3A_376, %dma_start3A_377] : memref<1024x16xf32, #tpu.memory_space<vmem>> -> memref<128x16xf32, #tpu.memory_space<vmem>>
        %dma_start3A_379 = arith.constant 0 : i32
        %dma_start3A_380 = tpu.memref_slice %arg8[%add3A_222, %dma_start3A_379] : memref<80x128xi32, #tpu.memory_space<vmem>> -> memref<1x128xi32, #tpu.memory_space<vmem>>
        %dma_start3A_381 = tpu.memref_squeeze %dma_start3A_380 : memref<1x128xi32, #tpu.memory_space<vmem>> -> memref<128xi32, #tpu.memory_space<vmem>>
        %dma_start3A_382 = arith.constant 0 : i32
        %dma_start3A_383 = arith.constant 0 : i32
        %dma_start3A_384 = tpu.memref_slice %arg10[%dma_start3A_382, %dma_start3A_383] : memref<10240x16xf32, #tpu.memory_space<vmem_shared>> -> memref<10240x16xf32, #tpu.memory_space<vmem_shared>>
        tpu.enqueue_indirect_dma source(%dma_start3A_378 : memref<128x16xf32, #tpu.memory_space<vmem>>) target(%dma_start3A_384 : memref<10240x16xf32, #tpu.memory_space<vmem_shared>>) offsets(%dma_start3A_381 : memref<128xi32, #tpu.memory_space<vmem>>) semaphore(%run_scoped3A_375 : memref<!tpu.dma_semaphore, #tpu.memory_space<semaphore_mem>>) {add = true}
        %dma_wait3A_385 = arith.constant 128 : i32
        %dma_wait3A_386 = arith.constant 0 : i32
        %dma_wait3A_387 = tpu.memref_slice %arg9[%dma_wait3A_385, %dma_wait3A_386] : memref<1024x16xf32, #tpu.memory_space<vmem>> -> memref<128x16xf32, #tpu.memory_space<vmem>>
        %dma_wait3A_388 = arith.constant 0 : i32
        %dma_wait3A_389 = tpu.memref_slice %arg8[%add3A_222, %dma_wait3A_388] : memref<80x128xi32, #tpu.memory_space<vmem>> -> memref<1x128xi32, #tpu.memory_space<vmem>>
        %dma_wait3A_390 = tpu.memref_squeeze %dma_wait3A_389 : memref<1x128xi32, #tpu.memory_space<vmem>> -> memref<128xi32, #tpu.memory_space<vmem>>
        %dma_wait3A_391 = arith.constant 0 : i32
        %dma_wait3A_392 = arith.constant 0 : i32
        %dma_wait3A_393 = tpu.memref_slice %arg10[%dma_wait3A_391, %dma_wait3A_392] : memref<10240x16xf32, #tpu.memory_space<vmem_shared>> -> memref<10240x16xf32, #tpu.memory_space<vmem_shared>>
        tpu.wait_indirect_dma semaphore(%run_scoped3A_375 : memref<!tpu.dma_semaphore, #tpu.memory_space<semaphore_mem>>) src(%dma_wait3A_387 : memref<128x16xf32, #tpu.memory_space<vmem>>) dst(%dma_wait3A_393 : memref<10240x16xf32, #tpu.memory_space<vmem_shared>>)
        tpu.yield
      }) : () -> ()
      %add3A_232 = arith.constant 8 : i32
      %add3A_233 = arith.addi %add3A_222, %add3A_232 : i32
      %dma_start3A_234 = arith.constant 128 : i32
      %dma_start3A_235 = arith.constant 0 : i32
      %dma_start3A_236 = tpu.memref_slice %arg9[%dma_start3A_234, %dma_start3A_235] : memref<1024x16xf32, #tpu.memory_space<vmem>> -> memref<128x16xf32, #tpu.memory_space<vmem>>
      %dma_start3A_237 = arith.constant 0 : i32
      %dma_start3A_238 = tpu.memref_slice %arg7[%add3A_233, %dma_start3A_237] : memref<80x128xi32, #tpu.memory_space<vmem>> -> memref<1x128xi32, #tpu.memory_space<vmem>>
      %dma_start3A_239 = tpu.memref_squeeze %dma_start3A_238 : memref<1x128xi32, #tpu.memory_space<vmem>> -> memref<128xi32, #tpu.memory_space<vmem>>
      %dma_start3A_240 = arith.constant 0 : i32
      %dma_start3A_241 = arith.constant 0 : i32
      %dma_start3A_242 = tpu.memref_slice %arg2[%dma_start3A_240, %dma_start3A_241] : memref<10240x16xf32, #tpu.memory_space<hbm>> -> memref<10240x16xf32, #tpu.memory_space<hbm>>
      tpu.enqueue_indirect_dma source(%dma_start3A_242 : memref<10240x16xf32, #tpu.memory_space<hbm>>) target(%dma_start3A_236 : memref<128x16xf32, #tpu.memory_space<vmem>>) offsets(%dma_start3A_239 : memref<128xi32, #tpu.memory_space<vmem>>) semaphore(%arg12 : memref<!tpu.dma_semaphore, #tpu.memory_space<semaphore_mem>>)
      %add3A_243 = arith.constant 2 : i32
      %add3A_244 = arith.addi %mul3A_198, %add3A_243 : i32
      %dma_wait3A_245 = arith.constant 256 : i32
      %dma_wait3A_246 = arith.constant 0 : i32
      %dma_wait3A_247 = tpu.memref_slice %arg9[%dma_wait3A_245, %dma_wait3A_246] : memref<1024x16xf32, #tpu.memory_space<vmem>> -> memref<128x16xf32, #tpu.memory_space<vmem>>
      %dma_wait3A_248 = arith.constant 0 : i32
      %dma_wait3A_249 = tpu.memref_slice %arg7[%add3A_244, %dma_wait3A_248] : memref<80x128xi32, #tpu.memory_space<vmem>> -> memref<1x128xi32, #tpu.memory_space<vmem>>
      %dma_wait3A_250 = tpu.memref_squeeze %dma_wait3A_249 : memref<1x128xi32, #tpu.memory_space<vmem>> -> memref<128xi32, #tpu.memory_space<vmem>>
      %dma_wait3A_251 = arith.constant 0 : i32
      %dma_wait3A_252 = arith.constant 0 : i32
      %dma_wait3A_253 = tpu.memref_slice %arg2[%dma_wait3A_251, %dma_wait3A_252] : memref<10240x16xf32, #tpu.memory_space<hbm>> -> memref<10240x16xf32, #tpu.memory_space<hbm>>
      tpu.wait_indirect_dma semaphore(%arg13 : memref<!tpu.dma_semaphore, #tpu.memory_space<semaphore_mem>>) src(%dma_wait3A_253 : memref<10240x16xf32, #tpu.memory_space<hbm>>) dst(%dma_wait3A_247 : memref<128x16xf32, #tpu.memory_space<vmem>>)
      "tpu.region"() ({
        %run_scoped3A_375 = tpu.sem_alloc : memref<!tpu.dma_semaphore, #tpu.memory_space<semaphore_mem>>
        %dma_start3A_376 = arith.constant 256 : i32
        %dma_start3A_377 = arith.constant 0 : i32
        %dma_start3A_378 = tpu.memref_slice %arg9[%dma_start3A_376, %dma_start3A_377] : memref<1024x16xf32, #tpu.memory_space<vmem>> -> memref<128x16xf32, #tpu.memory_space<vmem>>
        %dma_start3A_379 = arith.constant 0 : i32
        %dma_start3A_380 = tpu.memref_slice %arg8[%add3A_244, %dma_start3A_379] : memref<80x128xi32, #tpu.memory_space<vmem>> -> memref<1x128xi32, #tpu.memory_space<vmem>>
        %dma_start3A_381 = tpu.memref_squeeze %dma_start3A_380 : memref<1x128xi32, #tpu.memory_space<vmem>> -> memref<128xi32, #tpu.memory_space<vmem>>
        %dma_start3A_382 = arith.constant 0 : i32
        %dma_start3A_383 = arith.constant 0 : i32
        %dma_start3A_384 = tpu.memref_slice %arg10[%dma_start3A_382, %dma_start3A_383] : memref<10240x16xf32, #tpu.memory_space<vmem_shared>> -> memref<10240x16xf32, #tpu.memory_space<vmem_shared>>
        tpu.enqueue_indirect_dma source(%dma_start3A_378 : memref<128x16xf32, #tpu.memory_space<vmem>>) target(%dma_start3A_384 : memref<10240x16xf32, #tpu.memory_space<vmem_shared>>) offsets(%dma_start3A_381 : memref<128xi32, #tpu.memory_space<vmem>>) semaphore(%run_scoped3A_375 : memref<!tpu.dma_semaphore, #tpu.memory_space<semaphore_mem>>) {add = true}
        %dma_wait3A_385 = arith.constant 256 : i32
        %dma_wait3A_386 = arith.constant 0 : i32
        %dma_wait3A_387 = tpu.memref_slice %arg9[%dma_wait3A_385, %dma_wait3A_386] : memref<1024x16xf32, #tpu.memory_space<vmem>> -> memref<128x16xf32, #tpu.memory_space<vmem>>
        %dma_wait3A_388 = arith.constant 0 : i32
        %dma_wait3A_389 = tpu.memref_slice %arg8[%add3A_244, %dma_wait3A_388] : memref<80x128xi32, #tpu.memory_space<vmem>> -> memref<1x128xi32, #tpu.memory_space<vmem>>
        %dma_wait3A_390 = tpu.memref_squeeze %dma_wait3A_389 : memref<1x128xi32, #tpu.memory_space<vmem>> -> memref<128xi32, #tpu.memory_space<vmem>>
        %dma_wait3A_391 = arith.constant 0 : i32
        %dma_wait3A_392 = arith.constant 0 : i32
        %dma_wait3A_393 = tpu.memref_slice %arg10[%dma_wait3A_391, %dma_wait3A_392] : memref<10240x16xf32, #tpu.memory_space<vmem_shared>> -> memref<10240x16xf32, #tpu.memory_space<vmem_shared>>
        tpu.wait_indirect_dma semaphore(%run_scoped3A_375 : memref<!tpu.dma_semaphore, #tpu.memory_space<semaphore_mem>>) src(%dma_wait3A_387 : memref<128x16xf32, #tpu.memory_space<vmem>>) dst(%dma_wait3A_393 : memref<10240x16xf32, #tpu.memory_space<vmem_shared>>)
        tpu.yield
      }) : () -> ()
      %add3A_254 = arith.constant 8 : i32
      %add3A_255 = arith.addi %add3A_244, %add3A_254 : i32
      %dma_start3A_256 = arith.constant 256 : i32
      %dma_start3A_257 = arith.constant 0 : i32
      %dma_start3A_258 = tpu.memref_slice %arg9[%dma_start3A_256, %dma_start3A_257] : memref<1024x16xf32, #tpu.memory_space<vmem>> -> memref<128x16xf32, #tpu.memory_space<vmem>>
      %dma_start3A_259 = arith.constant 0 : i32
      %dma_start3A_260 = tpu.memref_slice %arg7[%add3A_255, %dma_start3A_259] : memref<80x128xi32, #tpu.memory_space<vmem>> -> memref<1x128xi32, #tpu.memory_space<vmem>>
      %dma_start3A_261 = tpu.memref_squeeze %dma_start3A_260 : memref<1x128xi32, #tpu.memory_space<vmem>> -> memref<128xi32, #tpu.memory_space<vmem>>
      %dma_start3A_262 = arith.constant 0 : i32
      %dma_start3A_263 = arith.constant 0 : i32
      %dma_start3A_264 = tpu.memref_slice %arg2[%dma_start3A_262, %dma_start3A_263] : memref<10240x16xf32, #tpu.memory_space<hbm>> -> memref<10240x16xf32, #tpu.memory_space<hbm>>
      tpu.enqueue_indirect_dma source(%dma_start3A_264 : memref<10240x16xf32, #tpu.memory_space<hbm>>) target(%dma_start3A_258 : memref<128x16xf32, #tpu.memory_space<vmem>>) offsets(%dma_start3A_261 : memref<128xi32, #tpu.memory_space<vmem>>) semaphore(%arg13 : memref<!tpu.dma_semaphore, #tpu.memory_space<semaphore_mem>>)
      %add3A_265 = arith.constant 3 : i32
      %add3A_266 = arith.addi %mul3A_198, %add3A_265 : i32
      %dma_wait3A_267 = arith.constant 384 : i32
      %dma_wait3A_268 = arith.constant 0 : i32
      %dma_wait3A_269 = tpu.memref_slice %arg9[%dma_wait3A_267, %dma_wait3A_268] : memref<1024x16xf32, #tpu.memory_space<vmem>> -> memref<128x16xf32, #tpu.memory_space<vmem>>
      %dma_wait3A_270 = arith.constant 0 : i32
      %dma_wait3A_271 = tpu.memref_slice %arg7[%add3A_266, %dma_wait3A_270] : memref<80x128xi32, #tpu.memory_space<vmem>> -> memref<1x128xi32, #tpu.memory_space<vmem>>
      %dma_wait3A_272 = tpu.memref_squeeze %dma_wait3A_271 : memref<1x128xi32, #tpu.memory_space<vmem>> -> memref<128xi32, #tpu.memory_space<vmem>>
      %dma_wait3A_273 = arith.constant 0 : i32
      %dma_wait3A_274 = arith.constant 0 : i32
      %dma_wait3A_275 = tpu.memref_slice %arg2[%dma_wait3A_273, %dma_wait3A_274] : memref<10240x16xf32, #tpu.memory_space<hbm>> -> memref<10240x16xf32, #tpu.memory_space<hbm>>
      tpu.wait_indirect_dma semaphore(%arg14 : memref<!tpu.dma_semaphore, #tpu.memory_space<semaphore_mem>>) src(%dma_wait3A_275 : memref<10240x16xf32, #tpu.memory_space<hbm>>) dst(%dma_wait3A_269 : memref<128x16xf32, #tpu.memory_space<vmem>>)
      "tpu.region"() ({
        %run_scoped3A_375 = tpu.sem_alloc : memref<!tpu.dma_semaphore, #tpu.memory_space<semaphore_mem>>
        %dma_start3A_376 = arith.constant 384 : i32
        %dma_start3A_377 = arith.constant 0 : i32
        %dma_start3A_378 = tpu.memref_slice %arg9[%dma_start3A_376, %dma_start3A_377] : memref<1024x16xf32, #tpu.memory_space<vmem>> -> memref<128x16xf32, #tpu.memory_space<vmem>>
        %dma_start3A_379 = arith.constant 0 : i32
        %dma_start3A_380 = tpu.memref_slice %arg8[%add3A_266, %dma_start3A_379] : memref<80x128xi32, #tpu.memory_space<vmem>> -> memref<1x128xi32, #tpu.memory_space<vmem>>
        %dma_start3A_381 = tpu.memref_squeeze %dma_start3A_380 : memref<1x128xi32, #tpu.memory_space<vmem>> -> memref<128xi32, #tpu.memory_space<vmem>>
        %dma_start3A_382 = arith.constant 0 : i32
        %dma_start3A_383 = arith.constant 0 : i32
        %dma_start3A_384 = tpu.memref_slice %arg10[%dma_start3A_382, %dma_start3A_383] : memref<10240x16xf32, #tpu.memory_space<vmem_shared>> -> memref<10240x16xf32, #tpu.memory_space<vmem_shared>>
        tpu.enqueue_indirect_dma source(%dma_start3A_378 : memref<128x16xf32, #tpu.memory_space<vmem>>) target(%dma_start3A_384 : memref<10240x16xf32, #tpu.memory_space<vmem_shared>>) offsets(%dma_start3A_381 : memref<128xi32, #tpu.memory_space<vmem>>) semaphore(%run_scoped3A_375 : memref<!tpu.dma_semaphore, #tpu.memory_space<semaphore_mem>>) {add = true}
        %dma_wait3A_385 = arith.constant 384 : i32
        %dma_wait3A_386 = arith.constant 0 : i32
        %dma_wait3A_387 = tpu.memref_slice %arg9[%dma_wait3A_385, %dma_wait3A_386] : memref<1024x16xf32, #tpu.memory_space<vmem>> -> memref<128x16xf32, #tpu.memory_space<vmem>>
        %dma_wait3A_388 = arith.constant 0 : i32
        %dma_wait3A_389 = tpu.memref_slice %arg8[%add3A_266, %dma_wait3A_388] : memref<80x128xi32, #tpu.memory_space<vmem>> -> memref<1x128xi32, #tpu.memory_space<vmem>>
        %dma_wait3A_390 = tpu.memref_squeeze %dma_wait3A_389 : memref<1x128xi32, #tpu.memory_space<vmem>> -> memref<128xi32, #tpu.memory_space<vmem>>
        %dma_wait3A_391 = arith.constant 0 : i32
        %dma_wait3A_392 = arith.constant 0 : i32
        %dma_wait3A_393 = tpu.memref_slice %arg10[%dma_wait3A_391, %dma_wait3A_392] : memref<10240x16xf32, #tpu.memory_space<vmem_shared>> -> memref<10240x16xf32, #tpu.memory_space<vmem_shared>>
        tpu.wait_indirect_dma semaphore(%run_scoped3A_375 : memref<!tpu.dma_semaphore, #tpu.memory_space<semaphore_mem>>) src(%dma_wait3A_387 : memref<128x16xf32, #tpu.memory_space<vmem>>) dst(%dma_wait3A_393 : memref<10240x16xf32, #tpu.memory_space<vmem_shared>>)
        tpu.yield
      }) : () -> ()
      %add3A_276 = arith.constant 8 : i32
      %add3A_277 = arith.addi %add3A_266, %add3A_276 : i32
      %dma_start3A_278 = arith.constant 384 : i32
      %dma_start3A_279 = arith.constant 0 : i32
      %dma_start3A_280 = tpu.memref_slice %arg9[%dma_start3A_278, %dma_start3A_279] : memref<1024x16xf32, #tpu.memory_space<vmem>> -> memref<128x16xf32, #tpu.memory_space<vmem>>
      %dma_start3A_281 = arith.constant 0 : i32
      %dma_start3A_282 = tpu.memref_slice %arg7[%add3A_277, %dma_start3A_281] : memref<80x128xi32, #tpu.memory_space<vmem>> -> memref<1x128xi32, #tpu.memory_space<vmem>>
      %dma_start3A_283 = tpu.memref_squeeze %dma_start3A_282 : memref<1x128xi32, #tpu.memory_space<vmem>> -> memref<128xi32, #tpu.memory_space<vmem>>
      %dma_start3A_284 = arith.constant 0 : i32
      %dma_start3A_285 = arith.constant 0 : i32
      %dma_start3A_286 = tpu.memref_slice %arg2[%dma_start3A_284, %dma_start3A_285] : memref<10240x16xf32, #tpu.memory_space<hbm>> -> memref<10240x16xf32, #tpu.memory_space<hbm>>
      tpu.enqueue_indirect_dma source(%dma_start3A_286 : memref<10240x16xf32, #tpu.memory_space<hbm>>) target(%dma_start3A_280 : memref<128x16xf32, #tpu.memory_space<vmem>>) offsets(%dma_start3A_283 : memref<128xi32, #tpu.memory_space<vmem>>) semaphore(%arg14 : memref<!tpu.dma_semaphore, #tpu.memory_space<semaphore_mem>>)
      %add3A_287 = arith.constant 4 : i32
      %add3A_288 = arith.addi %mul3A_198, %add3A_287 : i32
      %dma_wait3A_289 = arith.constant 512 : i32
      %dma_wait3A_290 = arith.constant 0 : i32
      %dma_wait3A_291 = tpu.memref_slice %arg9[%dma_wait3A_289, %dma_wait3A_290] : memref<1024x16xf32, #tpu.memory_space<vmem>> -> memref<128x16xf32, #tpu.memory_space<vmem>>
      %dma_wait3A_292 = arith.constant 0 : i32
      %dma_wait3A_293 = tpu.memref_slice %arg7[%add3A_288, %dma_wait3A_292] : memref<80x128xi32, #tpu.memory_space<vmem>> -> memref<1x128xi32, #tpu.memory_space<vmem>>
      %dma_wait3A_294 = tpu.memref_squeeze %dma_wait3A_293 : memref<1x128xi32, #tpu.memory_space<vmem>> -> memref<128xi32, #tpu.memory_space<vmem>>
      %dma_wait3A_295 = arith.constant 0 : i32
      %dma_wait3A_296 = arith.constant 0 : i32
      %dma_wait3A_297 = tpu.memref_slice %arg2[%dma_wait3A_295, %dma_wait3A_296] : memref<10240x16xf32, #tpu.memory_space<hbm>> -> memref<10240x16xf32, #tpu.memory_space<hbm>>
      tpu.wait_indirect_dma semaphore(%arg15 : memref<!tpu.dma_semaphore, #tpu.memory_space<semaphore_mem>>) src(%dma_wait3A_297 : memref<10240x16xf32, #tpu.memory_space<hbm>>) dst(%dma_wait3A_291 : memref<128x16xf32, #tpu.memory_space<vmem>>)
      "tpu.region"() ({
        %run_scoped3A_375 = tpu.sem_alloc : memref<!tpu.dma_semaphore, #tpu.memory_space<semaphore_mem>>
        %dma_start3A_376 = arith.constant 512 : i32
        %dma_start3A_377 = arith.constant 0 : i32
        %dma_start3A_378 = tpu.memref_slice %arg9[%dma_start3A_376, %dma_start3A_377] : memref<1024x16xf32, #tpu.memory_space<vmem>> -> memref<128x16xf32, #tpu.memory_space<vmem>>
        %dma_start3A_379 = arith.constant 0 : i32
        %dma_start3A_380 = tpu.memref_slice %arg8[%add3A_288, %dma_start3A_379] : memref<80x128xi32, #tpu.memory_space<vmem>> -> memref<1x128xi32, #tpu.memory_space<vmem>>
        %dma_start3A_381 = tpu.memref_squeeze %dma_start3A_380 : memref<1x128xi32, #tpu.memory_space<vmem>> -> memref<128xi32, #tpu.memory_space<vmem>>
        %dma_start3A_382 = arith.constant 0 : i32
        %dma_start3A_383 = arith.constant 0 : i32
        %dma_start3A_384 = tpu.memref_slice %arg10[%dma_start3A_382, %dma_start3A_383] : memref<10240x16xf32, #tpu.memory_space<vmem_shared>> -> memref<10240x16xf32, #tpu.memory_space<vmem_shared>>
        tpu.enqueue_indirect_dma source(%dma_start3A_378 : memref<128x16xf32, #tpu.memory_space<vmem>>) target(%dma_start3A_384 : memref<10240x16xf32, #tpu.memory_space<vmem_shared>>) offsets(%dma_start3A_381 : memref<128xi32, #tpu.memory_space<vmem>>) semaphore(%run_scoped3A_375 : memref<!tpu.dma_semaphore, #tpu.memory_space<semaphore_mem>>) {add = true}
        %dma_wait3A_385 = arith.constant 512 : i32
        %dma_wait3A_386 = arith.constant 0 : i32
        %dma_wait3A_387 = tpu.memref_slice %arg9[%dma_wait3A_385, %dma_wait3A_386] : memref<1024x16xf32, #tpu.memory_space<vmem>> -> memref<128x16xf32, #tpu.memory_space<vmem>>
        %dma_wait3A_388 = arith.constant 0 : i32
        %dma_wait3A_389 = tpu.memref_slice %arg8[%add3A_288, %dma_wait3A_388] : memref<80x128xi32, #tpu.memory_space<vmem>> -> memref<1x128xi32, #tpu.memory_space<vmem>>
        %dma_wait3A_390 = tpu.memref_squeeze %dma_wait3A_389 : memref<1x128xi32, #tpu.memory_space<vmem>> -> memref<128xi32, #tpu.memory_space<vmem>>
        %dma_wait3A_391 = arith.constant 0 : i32
        %dma_wait3A_392 = arith.constant 0 : i32
        %dma_wait3A_393 = tpu.memref_slice %arg10[%dma_wait3A_391, %dma_wait3A_392] : memref<10240x16xf32, #tpu.memory_space<vmem_shared>> -> memref<10240x16xf32, #tpu.memory_space<vmem_shared>>
        tpu.wait_indirect_dma semaphore(%run_scoped3A_375 : memref<!tpu.dma_semaphore, #tpu.memory_space<semaphore_mem>>) src(%dma_wait3A_387 : memref<128x16xf32, #tpu.memory_space<vmem>>) dst(%dma_wait3A_393 : memref<10240x16xf32, #tpu.memory_space<vmem_shared>>)
        tpu.yield
      }) : () -> ()
      %add3A_298 = arith.constant 8 : i32
      %add3A_299 = arith.addi %add3A_288, %add3A_298 : i32
      %dma_start3A_300 = arith.constant 512 : i32
      %dma_start3A_301 = arith.constant 0 : i32
      %dma_start3A_302 = tpu.memref_slice %arg9[%dma_start3A_300, %dma_start3A_301] : memref<1024x16xf32, #tpu.memory_space<vmem>> -> memref<128x16xf32, #tpu.memory_space<vmem>>
      %dma_start3A_303 = arith.constant 0 : i32
      %dma_start3A_304 = tpu.memref_slice %arg7[%add3A_299, %dma_start3A_303] : memref<80x128xi32, #tpu.memory_space<vmem>> -> memref<1x128xi32, #tpu.memory_space<vmem>>
      %dma_start3A_305 = tpu.memref_squeeze %dma_start3A_304 : memref<1x128xi32, #tpu.memory_space<vmem>> -> memref<128xi32, #tpu.memory_space<vmem>>
      %dma_start3A_306 = arith.constant 0 : i32
      %dma_start3A_307 = arith.constant 0 : i32
      %dma_start3A_308 = tpu.memref_slice %arg2[%dma_start3A_306, %dma_start3A_307] : memref<10240x16xf32, #tpu.memory_space<hbm>> -> memref<10240x16xf32, #tpu.memory_space<hbm>>
      tpu.enqueue_indirect_dma source(%dma_start3A_308 : memref<10240x16xf32, #tpu.memory_space<hbm>>) target(%dma_start3A_302 : memref<128x16xf32, #tpu.memory_space<vmem>>) offsets(%dma_start3A_305 : memref<128xi32, #tpu.memory_space<vmem>>) semaphore(%arg15 : memref<!tpu.dma_semaphore, #tpu.memory_space<semaphore_mem>>)
      %add3A_309 = arith.constant 5 : i32
      %add3A_310 = arith.addi %mul3A_198, %add3A_309 : i32
      %dma_wait3A_311 = arith.constant 640 : i32
      %dma_wait3A_312 = arith.constant 0 : i32
      %dma_wait3A_313 = tpu.memref_slice %arg9[%dma_wait3A_311, %dma_wait3A_312] : memref<1024x16xf32, #tpu.memory_space<vmem>> -> memref<128x16xf32, #tpu.memory_space<vmem>>
      %dma_wait3A_314 = arith.constant 0 : i32
      %dma_wait3A_315 = tpu.memref_slice %arg7[%add3A_310, %dma_wait3A_314] : memref<80x128xi32, #tpu.memory_space<vmem>> -> memref<1x128xi32, #tpu.memory_space<vmem>>
      %dma_wait3A_316 = tpu.memref_squeeze %dma_wait3A_315 : memref<1x128xi32, #tpu.memory_space<vmem>> -> memref<128xi32, #tpu.memory_space<vmem>>
      %dma_wait3A_317 = arith.constant 0 : i32
      %dma_wait3A_318 = arith.constant 0 : i32
      %dma_wait3A_319 = tpu.memref_slice %arg2[%dma_wait3A_317, %dma_wait3A_318] : memref<10240x16xf32, #tpu.memory_space<hbm>> -> memref<10240x16xf32, #tpu.memory_space<hbm>>
      tpu.wait_indirect_dma semaphore(%arg16 : memref<!tpu.dma_semaphore, #tpu.memory_space<semaphore_mem>>) src(%dma_wait3A_319 : memref<10240x16xf32, #tpu.memory_space<hbm>>) dst(%dma_wait3A_313 : memref<128x16xf32, #tpu.memory_space<vmem>>)
      "tpu.region"() ({
        %run_scoped3A_375 = tpu.sem_alloc : memref<!tpu.dma_semaphore, #tpu.memory_space<semaphore_mem>>
        %dma_start3A_376 = arith.constant 640 : i32
        %dma_start3A_377 = arith.constant 0 : i32
        %dma_start3A_378 = tpu.memref_slice %arg9[%dma_start3A_376, %dma_start3A_377] : memref<1024x16xf32, #tpu.memory_space<vmem>> -> memref<128x16xf32, #tpu.memory_space<vmem>>
        %dma_start3A_379 = arith.constant 0 : i32
        %dma_start3A_380 = tpu.memref_slice %arg8[%add3A_310, %dma_start3A_379] : memref<80x128xi32, #tpu.memory_space<vmem>> -> memref<1x128xi32, #tpu.memory_space<vmem>>
        %dma_start3A_381 = tpu.memref_squeeze %dma_start3A_380 : memref<1x128xi32, #tpu.memory_space<vmem>> -> memref<128xi32, #tpu.memory_space<vmem>>
        %dma_start3A_382 = arith.constant 0 : i32
        %dma_start3A_383 = arith.constant 0 : i32
        %dma_start3A_384 = tpu.memref_slice %arg10[%dma_start3A_382, %dma_start3A_383] : memref<10240x16xf32, #tpu.memory_space<vmem_shared>> -> memref<10240x16xf32, #tpu.memory_space<vmem_shared>>
        tpu.enqueue_indirect_dma source(%dma_start3A_378 : memref<128x16xf32, #tpu.memory_space<vmem>>) target(%dma_start3A_384 : memref<10240x16xf32, #tpu.memory_space<vmem_shared>>) offsets(%dma_start3A_381 : memref<128xi32, #tpu.memory_space<vmem>>) semaphore(%run_scoped3A_375 : memref<!tpu.dma_semaphore, #tpu.memory_space<semaphore_mem>>) {add = true}
        %dma_wait3A_385 = arith.constant 640 : i32
        %dma_wait3A_386 = arith.constant 0 : i32
        %dma_wait3A_387 = tpu.memref_slice %arg9[%dma_wait3A_385, %dma_wait3A_386] : memref<1024x16xf32, #tpu.memory_space<vmem>> -> memref<128x16xf32, #tpu.memory_space<vmem>>
        %dma_wait3A_388 = arith.constant 0 : i32
        %dma_wait3A_389 = tpu.memref_slice %arg8[%add3A_310, %dma_wait3A_388] : memref<80x128xi32, #tpu.memory_space<vmem>> -> memref<1x128xi32, #tpu.memory_space<vmem>>
        %dma_wait3A_390 = tpu.memref_squeeze %dma_wait3A_389 : memref<1x128xi32, #tpu.memory_space<vmem>> -> memref<128xi32, #tpu.memory_space<vmem>>
        %dma_wait3A_391 = arith.constant 0 : i32
        %dma_wait3A_392 = arith.constant 0 : i32
        %dma_wait3A_393 = tpu.memref_slice %arg10[%dma_wait3A_391, %dma_wait3A_392] : memref<10240x16xf32, #tpu.memory_space<vmem_shared>> -> memref<10240x16xf32, #tpu.memory_space<vmem_shared>>
        tpu.wait_indirect_dma semaphore(%run_scoped3A_375 : memref<!tpu.dma_semaphore, #tpu.memory_space<semaphore_mem>>) src(%dma_wait3A_387 : memref<128x16xf32, #tpu.memory_space<vmem>>) dst(%dma_wait3A_393 : memref<10240x16xf32, #tpu.memory_space<vmem_shared>>)
        tpu.yield
      }) : () -> ()
      %add3A_320 = arith.constant 8 : i32
      %add3A_321 = arith.addi %add3A_310, %add3A_320 : i32
      %dma_start3A_322 = arith.constant 640 : i32
      %dma_start3A_323 = arith.constant 0 : i32
      %dma_start3A_324 = tpu.memref_slice %arg9[%dma_start3A_322, %dma_start3A_323] : memref<1024x16xf32, #tpu.memory_space<vmem>> -> memref<128x16xf32, #tpu.memory_space<vmem>>
      %dma_start3A_325 = arith.constant 0 : i32
      %dma_start3A_326 = tpu.memref_slice %arg7[%add3A_321, %dma_start3A_325] : memref<80x128xi32, #tpu.memory_space<vmem>> -> memref<1x128xi32, #tpu.memory_space<vmem>>
      %dma_start3A_327 = tpu.memref_squeeze %dma_start3A_326 : memref<1x128xi32, #tpu.memory_space<vmem>> -> memref<128xi32, #tpu.memory_space<vmem>>
      %dma_start3A_328 = arith.constant 0 : i32
      %dma_start3A_329 = arith.constant 0 : i32
      %dma_start3A_330 = tpu.memref_slice %arg2[%dma_start3A_328, %dma_start3A_329] : memref<10240x16xf32, #tpu.memory_space<hbm>> -> memref<10240x16xf32, #tpu.memory_space<hbm>>
      tpu.enqueue_indirect_dma source(%dma_start3A_330 : memref<10240x16xf32, #tpu.memory_space<hbm>>) target(%dma_start3A_324 : memref<128x16xf32, #tpu.memory_space<vmem>>) offsets(%dma_start3A_327 : memref<128xi32, #tpu.memory_space<vmem>>) semaphore(%arg16 : memref<!tpu.dma_semaphore, #tpu.memory_space<semaphore_mem>>)
      %add3A_331 = arith.constant 6 : i32
      %add3A_332 = arith.addi %mul3A_198, %add3A_331 : i32
      %dma_wait3A_333 = arith.constant 768 : i32
      %dma_wait3A_334 = arith.constant 0 : i32
      %dma_wait3A_335 = tpu.memref_slice %arg9[%dma_wait3A_333, %dma_wait3A_334] : memref<1024x16xf32, #tpu.memory_space<vmem>> -> memref<128x16xf32, #tpu.memory_space<vmem>>
      %dma_wait3A_336 = arith.constant 0 : i32
      %dma_wait3A_337 = tpu.memref_slice %arg7[%add3A_332, %dma_wait3A_336] : memref<80x128xi32, #tpu.memory_space<vmem>> -> memref<1x128xi32, #tpu.memory_space<vmem>>
      %dma_wait3A_338 = tpu.memref_squeeze %dma_wait3A_337 : memref<1x128xi32, #tpu.memory_space<vmem>> -> memref<128xi32, #tpu.memory_space<vmem>>
      %dma_wait3A_339 = arith.constant 0 : i32
      %dma_wait3A_340 = arith.constant 0 : i32
      %dma_wait3A_341 = tpu.memref_slice %arg2[%dma_wait3A_339, %dma_wait3A_340] : memref<10240x16xf32, #tpu.memory_space<hbm>> -> memref<10240x16xf32, #tpu.memory_space<hbm>>
      tpu.wait_indirect_dma semaphore(%arg17 : memref<!tpu.dma_semaphore, #tpu.memory_space<semaphore_mem>>) src(%dma_wait3A_341 : memref<10240x16xf32, #tpu.memory_space<hbm>>) dst(%dma_wait3A_335 : memref<128x16xf32, #tpu.memory_space<vmem>>)
      "tpu.region"() ({
        %run_scoped3A_375 = tpu.sem_alloc : memref<!tpu.dma_semaphore, #tpu.memory_space<semaphore_mem>>
        %dma_start3A_376 = arith.constant 768 : i32
        %dma_start3A_377 = arith.constant 0 : i32
        %dma_start3A_378 = tpu.memref_slice %arg9[%dma_start3A_376, %dma_start3A_377] : memref<1024x16xf32, #tpu.memory_space<vmem>> -> memref<128x16xf32, #tpu.memory_space<vmem>>
        %dma_start3A_379 = arith.constant 0 : i32
        %dma_start3A_380 = tpu.memref_slice %arg8[%add3A_332, %dma_start3A_379] : memref<80x128xi32, #tpu.memory_space<vmem>> -> memref<1x128xi32, #tpu.memory_space<vmem>>
        %dma_start3A_381 = tpu.memref_squeeze %dma_start3A_380 : memref<1x128xi32, #tpu.memory_space<vmem>> -> memref<128xi32, #tpu.memory_space<vmem>>
        %dma_start3A_382 = arith.constant 0 : i32
        %dma_start3A_383 = arith.constant 0 : i32
        %dma_start3A_384 = tpu.memref_slice %arg10[%dma_start3A_382, %dma_start3A_383] : memref<10240x16xf32, #tpu.memory_space<vmem_shared>> -> memref<10240x16xf32, #tpu.memory_space<vmem_shared>>
        tpu.enqueue_indirect_dma source(%dma_start3A_378 : memref<128x16xf32, #tpu.memory_space<vmem>>) target(%dma_start3A_384 : memref<10240x16xf32, #tpu.memory_space<vmem_shared>>) offsets(%dma_start3A_381 : memref<128xi32, #tpu.memory_space<vmem>>) semaphore(%run_scoped3A_375 : memref<!tpu.dma_semaphore, #tpu.memory_space<semaphore_mem>>) {add = true}
        %dma_wait3A_385 = arith.constant 768 : i32
        %dma_wait3A_386 = arith.constant 0 : i32
        %dma_wait3A_387 = tpu.memref_slice %arg9[%dma_wait3A_385, %dma_wait3A_386] : memref<1024x16xf32, #tpu.memory_space<vmem>> -> memref<128x16xf32, #tpu.memory_space<vmem>>
        %dma_wait3A_388 = arith.constant 0 : i32
        %dma_wait3A_389 = tpu.memref_slice %arg8[%add3A_332, %dma_wait3A_388] : memref<80x128xi32, #tpu.memory_space<vmem>> -> memref<1x128xi32, #tpu.memory_space<vmem>>
        %dma_wait3A_390 = tpu.memref_squeeze %dma_wait3A_389 : memref<1x128xi32, #tpu.memory_space<vmem>> -> memref<128xi32, #tpu.memory_space<vmem>>
        %dma_wait3A_391 = arith.constant 0 : i32
        %dma_wait3A_392 = arith.constant 0 : i32
        %dma_wait3A_393 = tpu.memref_slice %arg10[%dma_wait3A_391, %dma_wait3A_392] : memref<10240x16xf32, #tpu.memory_space<vmem_shared>> -> memref<10240x16xf32, #tpu.memory_space<vmem_shared>>
        tpu.wait_indirect_dma semaphore(%run_scoped3A_375 : memref<!tpu.dma_semaphore, #tpu.memory_space<semaphore_mem>>) src(%dma_wait3A_387 : memref<128x16xf32, #tpu.memory_space<vmem>>) dst(%dma_wait3A_393 : memref<10240x16xf32, #tpu.memory_space<vmem_shared>>)
        tpu.yield
      }) : () -> ()
      %add3A_342 = arith.constant 8 : i32
      %add3A_343 = arith.addi %add3A_332, %add3A_342 : i32
      %dma_start3A_344 = arith.constant 768 : i32
      %dma_start3A_345 = arith.constant 0 : i32
      %dma_start3A_346 = tpu.memref_slice %arg9[%dma_start3A_344, %dma_start3A_345] : memref<1024x16xf32, #tpu.memory_space<vmem>> -> memref<128x16xf32, #tpu.memory_space<vmem>>
      %dma_start3A_347 = arith.constant 0 : i32
      %dma_start3A_348 = tpu.memref_slice %arg7[%add3A_343, %dma_start3A_347] : memref<80x128xi32, #tpu.memory_space<vmem>> -> memref<1x128xi32, #tpu.memory_space<vmem>>
      %dma_start3A_349 = tpu.memref_squeeze %dma_start3A_348 : memref<1x128xi32, #tpu.memory_space<vmem>> -> memref<128xi32, #tpu.memory_space<vmem>>
      %dma_start3A_350 = arith.constant 0 : i32
      %dma_start3A_351 = arith.constant 0 : i32
      %dma_start3A_352 = tpu.memref_slice %arg2[%dma_start3A_350, %dma_start3A_351] : memref<10240x16xf32, #tpu.memory_space<hbm>> -> memref<10240x16xf32, #tpu.memory_space<hbm>>
      tpu.enqueue_indirect_dma source(%dma_start3A_352 : memref<10240x16xf32, #tpu.memory_space<hbm>>) target(%dma_start3A_346 : memref<128x16xf32, #tpu.memory_space<vmem>>) offsets(%dma_start3A_349 : memref<128xi32, #tpu.memory_space<vmem>>) semaphore(%arg17 : memref<!tpu.dma_semaphore, #tpu.memory_space<semaphore_mem>>)
      %add3A_353 = arith.constant 7 : i32
      %add3A_354 = arith.addi %mul3A_198, %add3A_353 : i32
      %dma_wait3A_355 = arith.constant 896 : i32
      %dma_wait3A_356 = arith.constant 0 : i32
      %dma_wait3A_357 = tpu.memref_slice %arg9[%dma_wait3A_355, %dma_wait3A_356] : memref<1024x16xf32, #tpu.memory_space<vmem>> -> memref<128x16xf32, #tpu.memory_space<vmem>>
      %dma_wait3A_358 = arith.constant 0 : i32
      %dma_wait3A_359 = tpu.memref_slice %arg7[%add3A_354, %dma_wait3A_358] : memref<80x128xi32, #tpu.memory_space<vmem>> -> memref<1x128xi32, #tpu.memory_space<vmem>>
      %dma_wait3A_360 = tpu.memref_squeeze %dma_wait3A_359 : memref<1x128xi32, #tpu.memory_space<vmem>> -> memref<128xi32, #tpu.memory_space<vmem>>
      %dma_wait3A_361 = arith.constant 0 : i32
      %dma_wait3A_362 = arith.constant 0 : i32
      %dma_wait3A_363 = tpu.memref_slice %arg2[%dma_wait3A_361, %dma_wait3A_362] : memref<10240x16xf32, #tpu.memory_space<hbm>> -> memref<10240x16xf32, #tpu.memory_space<hbm>>
      tpu.wait_indirect_dma semaphore(%arg18 : memref<!tpu.dma_semaphore, #tpu.memory_space<semaphore_mem>>) src(%dma_wait3A_363 : memref<10240x16xf32, #tpu.memory_space<hbm>>) dst(%dma_wait3A_357 : memref<128x16xf32, #tpu.memory_space<vmem>>)
      "tpu.region"() ({
        %run_scoped3A_375 = tpu.sem_alloc : memref<!tpu.dma_semaphore, #tpu.memory_space<semaphore_mem>>
        %dma_start3A_376 = arith.constant 896 : i32
        %dma_start3A_377 = arith.constant 0 : i32
        %dma_start3A_378 = tpu.memref_slice %arg9[%dma_start3A_376, %dma_start3A_377] : memref<1024x16xf32, #tpu.memory_space<vmem>> -> memref<128x16xf32, #tpu.memory_space<vmem>>
        %dma_start3A_379 = arith.constant 0 : i32
        %dma_start3A_380 = tpu.memref_slice %arg8[%add3A_354, %dma_start3A_379] : memref<80x128xi32, #tpu.memory_space<vmem>> -> memref<1x128xi32, #tpu.memory_space<vmem>>
        %dma_start3A_381 = tpu.memref_squeeze %dma_start3A_380 : memref<1x128xi32, #tpu.memory_space<vmem>> -> memref<128xi32, #tpu.memory_space<vmem>>
        %dma_start3A_382 = arith.constant 0 : i32
        %dma_start3A_383 = arith.constant 0 : i32
        %dma_start3A_384 = tpu.memref_slice %arg10[%dma_start3A_382, %dma_start3A_383] : memref<10240x16xf32, #tpu.memory_space<vmem_shared>> -> memref<10240x16xf32, #tpu.memory_space<vmem_shared>>
        tpu.enqueue_indirect_dma source(%dma_start3A_378 : memref<128x16xf32, #tpu.memory_space<vmem>>) target(%dma_start3A_384 : memref<10240x16xf32, #tpu.memory_space<vmem_shared>>) offsets(%dma_start3A_381 : memref<128xi32, #tpu.memory_space<vmem>>) semaphore(%run_scoped3A_375 : memref<!tpu.dma_semaphore, #tpu.memory_space<semaphore_mem>>) {add = true}
        %dma_wait3A_385 = arith.constant 896 : i32
        %dma_wait3A_386 = arith.constant 0 : i32
        %dma_wait3A_387 = tpu.memref_slice %arg9[%dma_wait3A_385, %dma_wait3A_386] : memref<1024x16xf32, #tpu.memory_space<vmem>> -> memref<128x16xf32, #tpu.memory_space<vmem>>
        %dma_wait3A_388 = arith.constant 0 : i32
        %dma_wait3A_389 = tpu.memref_slice %arg8[%add3A_354, %dma_wait3A_388] : memref<80x128xi32, #tpu.memory_space<vmem>> -> memref<1x128xi32, #tpu.memory_space<vmem>>
        %dma_wait3A_390 = tpu.memref_squeeze %dma_wait3A_389 : memref<1x128xi32, #tpu.memory_space<vmem>> -> memref<128xi32, #tpu.memory_space<vmem>>
        %dma_wait3A_391 = arith.constant 0 : i32
        %dma_wait3A_392 = arith.constant 0 : i32
        %dma_wait3A_393 = tpu.memref_slice %arg10[%dma_wait3A_391, %dma_wait3A_392] : memref<10240x16xf32, #tpu.memory_space<vmem_shared>> -> memref<10240x16xf32, #tpu.memory_space<vmem_shared>>
        tpu.wait_indirect_dma semaphore(%run_scoped3A_375 : memref<!tpu.dma_semaphore, #tpu.memory_space<semaphore_mem>>) src(%dma_wait3A_387 : memref<128x16xf32, #tpu.memory_space<vmem>>) dst(%dma_wait3A_393 : memref<10240x16xf32, #tpu.memory_space<vmem_shared>>)
        tpu.yield
      }) : () -> ()
      %add3A_364 = arith.constant 8 : i32
      %add3A_365 = arith.addi %add3A_354, %add3A_364 : i32
      %dma_start3A_366 = arith.constant 896 : i32
      %dma_start3A_367 = arith.constant 0 : i32
      %dma_start3A_368 = tpu.memref_slice %arg9[%dma_start3A_366, %dma_start3A_367] : memref<1024x16xf32, #tpu.memory_space<vmem>> -> memref<128x16xf32, #tpu.memory_space<vmem>>
      %dma_start3A_369 = arith.constant 0 : i32
      %dma_start3A_370 = tpu.memref_slice %arg7[%add3A_365, %dma_start3A_369] : memref<80x128xi32, #tpu.memory_space<vmem>> -> memref<1x128xi32, #tpu.memory_space<vmem>>
      %dma_start3A_371 = tpu.memref_squeeze %dma_start3A_370 : memref<1x128xi32, #tpu.memory_space<vmem>> -> memref<128xi32, #tpu.memory_space<vmem>>
      %dma_start3A_372 = arith.constant 0 : i32
      %dma_start3A_373 = arith.constant 0 : i32
      %dma_start3A_374 = tpu.memref_slice %arg2[%dma_start3A_372, %dma_start3A_373] : memref<10240x16xf32, #tpu.memory_space<hbm>> -> memref<10240x16xf32, #tpu.memory_space<hbm>>
      tpu.enqueue_indirect_dma source(%dma_start3A_374 : memref<10240x16xf32, #tpu.memory_space<hbm>>) target(%dma_start3A_368 : memref<128x16xf32, #tpu.memory_space<vmem>>) offsets(%dma_start3A_371 : memref<128xi32, #tpu.memory_space<vmem>>) semaphore(%arg18 : memref<!tpu.dma_semaphore, #tpu.memory_space<semaphore_mem>>)
    }
    %scan3A_104 = arith.constant 9 : i32
    %dma_wait3A = arith.constant 72 : i32
    %dma_wait3A_105 = arith.constant 0 : i32
    %dma_wait3A_106 = arith.constant 0 : i32
    %dma_wait3A_107 = tpu.memref_slice %arg9[%dma_wait3A_105, %dma_wait3A_106] : memref<1024x16xf32, #tpu.memory_space<vmem>> -> memref<128x16xf32, #tpu.memory_space<vmem>>
    %dma_wait3A_108 = arith.constant 0 : i32
    %dma_wait3A_109 = tpu.memref_slice %arg7[%dma_wait3A, %dma_wait3A_108] : memref<80x128xi32, #tpu.memory_space<vmem>> -> memref<1x128xi32, #tpu.memory_space<vmem>>
    %dma_wait3A_110 = tpu.memref_squeeze %dma_wait3A_109 : memref<1x128xi32, #tpu.memory_space<vmem>> -> memref<128xi32, #tpu.memory_space<vmem>>
    %dma_wait3A_111 = arith.constant 0 : i32
    %dma_wait3A_112 = arith.constant 0 : i32
    %dma_wait3A_113 = tpu.memref_slice %arg2[%dma_wait3A_111, %dma_wait3A_112] : memref<10240x16xf32, #tpu.memory_space<hbm>> -> memref<10240x16xf32, #tpu.memory_space<hbm>>
    tpu.wait_indirect_dma semaphore(%arg11 : memref<!tpu.dma_semaphore, #tpu.memory_space<semaphore_mem>>) src(%dma_wait3A_113 : memref<10240x16xf32, #tpu.memory_space<hbm>>) dst(%dma_wait3A_107 : memref<128x16xf32, #tpu.memory_space<vmem>>)
    %run_scoped3A = arith.constant 72 : i32
    "tpu.region"() ({
      %run_scoped3A_196 = tpu.sem_alloc : memref<!tpu.dma_semaphore, #tpu.memory_space<semaphore_mem>>
      %dma_start3A_197 = arith.constant 0 : i32
      %dma_start3A_198 = arith.constant 0 : i32
      %dma_start3A_199 = tpu.memref_slice %arg9[%dma_start3A_197, %dma_start3A_198] : memref<1024x16xf32, #tpu.memory_space<vmem>> -> memref<128x16xf32, #tpu.memory_space<vmem>>
      %dma_start3A_200 = arith.constant 0 : i32
      %dma_start3A_201 = tpu.memref_slice %arg8[%run_scoped3A, %dma_start3A_200] : memref<80x128xi32, #tpu.memory_space<vmem>> -> memref<1x128xi32, #tpu.memory_space<vmem>>
      %dma_start3A_202 = tpu.memref_squeeze %dma_start3A_201 : memref<1x128xi32, #tpu.memory_space<vmem>> -> memref<128xi32, #tpu.memory_space<vmem>>
      %dma_start3A_203 = arith.constant 0 : i32
      %dma_start3A_204 = arith.constant 0 : i32
      %dma_start3A_205 = tpu.memref_slice %arg10[%dma_start3A_203, %dma_start3A_204] : memref<10240x16xf32, #tpu.memory_space<vmem_shared>> -> memref<10240x16xf32, #tpu.memory_space<vmem_shared>>
      tpu.enqueue_indirect_dma source(%dma_start3A_199 : memref<128x16xf32, #tpu.memory_space<vmem>>) target(%dma_start3A_205 : memref<10240x16xf32, #tpu.memory_space<vmem_shared>>) offsets(%dma_start3A_202 : memref<128xi32, #tpu.memory_space<vmem>>) semaphore(%run_scoped3A_196 : memref<!tpu.dma_semaphore, #tpu.memory_space<semaphore_mem>>) {add = true}
      %dma_wait3A_206 = arith.constant 0 : i32
      %dma_wait3A_207 = arith.constant 0 : i32
      %dma_wait3A_208 = tpu.memref_slice %arg9[%dma_wait3A_206, %dma_wait3A_207] : memref<1024x16xf32, #tpu.memory_space<vmem>> -> memref<128x16xf32, #tpu.memory_space<vmem>>
      %dma_wait3A_209 = arith.constant 0 : i32
      %dma_wait3A_210 = tpu.memref_slice %arg8[%run_scoped3A, %dma_wait3A_209] : memref<80x128xi32, #tpu.memory_space<vmem>> -> memref<1x128xi32, #tpu.memory_space<vmem>>
      %dma_wait3A_211 = tpu.memref_squeeze %dma_wait3A_210 : memref<1x128xi32, #tpu.memory_space<vmem>> -> memref<128xi32, #tpu.memory_space<vmem>>
      %dma_wait3A_212 = arith.constant 0 : i32
      %dma_wait3A_213 = arith.constant 0 : i32
      %dma_wait3A_214 = tpu.memref_slice %arg10[%dma_wait3A_212, %dma_wait3A_213] : memref<10240x16xf32, #tpu.memory_space<vmem_shared>> -> memref<10240x16xf32, #tpu.memory_space<vmem_shared>>
      tpu.wait_indirect_dma semaphore(%run_scoped3A_196 : memref<!tpu.dma_semaphore, #tpu.memory_space<semaphore_mem>>) src(%dma_wait3A_208 : memref<128x16xf32, #tpu.memory_space<vmem>>) dst(%dma_wait3A_214 : memref<10240x16xf32, #tpu.memory_space<vmem_shared>>)
      tpu.yield
    }) : () -> ()
    %dma_wait3A_114 = arith.constant 73 : i32
    %dma_wait3A_115 = arith.constant 128 : i32
    %dma_wait3A_116 = arith.constant 0 : i32
    %dma_wait3A_117 = tpu.memref_slice %arg9[%dma_wait3A_115, %dma_wait3A_116] : memref<1024x16xf32, #tpu.memory_space<vmem>> -> memref<128x16xf32, #tpu.memory_space<vmem>>
    %dma_wait3A_118 = arith.constant 0 : i32
    %dma_wait3A_119 = tpu.memref_slice %arg7[%dma_wait3A_114, %dma_wait3A_118] : memref<80x128xi32, #tpu.memory_space<vmem>> -> memref<1x128xi32, #tpu.memory_space<vmem>>
    %dma_wait3A_120 = tpu.memref_squeeze %dma_wait3A_119 : memref<1x128xi32, #tpu.memory_space<vmem>> -> memref<128xi32, #tpu.memory_space<vmem>>
    %dma_wait3A_121 = arith.constant 0 : i32
    %dma_wait3A_122 = arith.constant 0 : i32
    %dma_wait3A_123 = tpu.memref_slice %arg2[%dma_wait3A_121, %dma_wait3A_122] : memref<10240x16xf32, #tpu.memory_space<hbm>> -> memref<10240x16xf32, #tpu.memory_space<hbm>>
    tpu.wait_indirect_dma semaphore(%arg12 : memref<!tpu.dma_semaphore, #tpu.memory_space<semaphore_mem>>) src(%dma_wait3A_123 : memref<10240x16xf32, #tpu.memory_space<hbm>>) dst(%dma_wait3A_117 : memref<128x16xf32, #tpu.memory_space<vmem>>)
    %run_scoped3A_124 = arith.constant 73 : i32
    "tpu.region"() ({
      %run_scoped3A_196 = tpu.sem_alloc : memref<!tpu.dma_semaphore, #tpu.memory_space<semaphore_mem>>
      %dma_start3A_197 = arith.constant 128 : i32
      %dma_start3A_198 = arith.constant 0 : i32
      %dma_start3A_199 = tpu.memref_slice %arg9[%dma_start3A_197, %dma_start3A_198] : memref<1024x16xf32, #tpu.memory_space<vmem>> -> memref<128x16xf32, #tpu.memory_space<vmem>>
      %dma_start3A_200 = arith.constant 0 : i32
      %dma_start3A_201 = tpu.memref_slice %arg8[%run_scoped3A_124, %dma_start3A_200] : memref<80x128xi32, #tpu.memory_space<vmem>> -> memref<1x128xi32, #tpu.memory_space<vmem>>
      %dma_start3A_202 = tpu.memref_squeeze %dma_start3A_201 : memref<1x128xi32, #tpu.memory_space<vmem>> -> memref<128xi32, #tpu.memory_space<vmem>>
      %dma_start3A_203 = arith.constant 0 : i32
      %dma_start3A_204 = arith.constant 0 : i32
      %dma_start3A_205 = tpu.memref_slice %arg10[%dma_start3A_203, %dma_start3A_204] : memref<10240x16xf32, #tpu.memory_space<vmem_shared>> -> memref<10240x16xf32, #tpu.memory_space<vmem_shared>>
      tpu.enqueue_indirect_dma source(%dma_start3A_199 : memref<128x16xf32, #tpu.memory_space<vmem>>) target(%dma_start3A_205 : memref<10240x16xf32, #tpu.memory_space<vmem_shared>>) offsets(%dma_start3A_202 : memref<128xi32, #tpu.memory_space<vmem>>) semaphore(%run_scoped3A_196 : memref<!tpu.dma_semaphore, #tpu.memory_space<semaphore_mem>>) {add = true}
      %dma_wait3A_206 = arith.constant 128 : i32
      %dma_wait3A_207 = arith.constant 0 : i32
      %dma_wait3A_208 = tpu.memref_slice %arg9[%dma_wait3A_206, %dma_wait3A_207] : memref<1024x16xf32, #tpu.memory_space<vmem>> -> memref<128x16xf32, #tpu.memory_space<vmem>>
      %dma_wait3A_209 = arith.constant 0 : i32
      %dma_wait3A_210 = tpu.memref_slice %arg8[%run_scoped3A_124, %dma_wait3A_209] : memref<80x128xi32, #tpu.memory_space<vmem>> -> memref<1x128xi32, #tpu.memory_space<vmem>>
      %dma_wait3A_211 = tpu.memref_squeeze %dma_wait3A_210 : memref<1x128xi32, #tpu.memory_space<vmem>> -> memref<128xi32, #tpu.memory_space<vmem>>
      %dma_wait3A_212 = arith.constant 0 : i32
      %dma_wait3A_213 = arith.constant 0 : i32
      %dma_wait3A_214 = tpu.memref_slice %arg10[%dma_wait3A_212, %dma_wait3A_213] : memref<10240x16xf32, #tpu.memory_space<vmem_shared>> -> memref<10240x16xf32, #tpu.memory_space<vmem_shared>>
      tpu.wait_indirect_dma semaphore(%run_scoped3A_196 : memref<!tpu.dma_semaphore, #tpu.memory_space<semaphore_mem>>) src(%dma_wait3A_208 : memref<128x16xf32, #tpu.memory_space<vmem>>) dst(%dma_wait3A_214 : memref<10240x16xf32, #tpu.memory_space<vmem_shared>>)
      tpu.yield
    }) : () -> ()
    %dma_wait3A_125 = arith.constant 74 : i32
    %dma_wait3A_126 = arith.constant 256 : i32
    %dma_wait3A_127 = arith.constant 0 : i32
    %dma_wait3A_128 = tpu.memref_slice %arg9[%dma_wait3A_126, %dma_wait3A_127] : memref<1024x16xf32, #tpu.memory_space<vmem>> -> memref<128x16xf32, #tpu.memory_space<vmem>>
    %dma_wait3A_129 = arith.constant 0 : i32
    %dma_wait3A_130 = tpu.memref_slice %arg7[%dma_wait3A_125, %dma_wait3A_129] : memref<80x128xi32, #tpu.memory_space<vmem>> -> memref<1x128xi32, #tpu.memory_space<vmem>>
    %dma_wait3A_131 = tpu.memref_squeeze %dma_wait3A_130 : memref<1x128xi32, #tpu.memory_space<vmem>> -> memref<128xi32, #tpu.memory_space<vmem>>
    %dma_wait3A_132 = arith.constant 0 : i32
    %dma_wait3A_133 = arith.constant 0 : i32
    %dma_wait3A_134 = tpu.memref_slice %arg2[%dma_wait3A_132, %dma_wait3A_133] : memref<10240x16xf32, #tpu.memory_space<hbm>> -> memref<10240x16xf32, #tpu.memory_space<hbm>>
    tpu.wait_indirect_dma semaphore(%arg13 : memref<!tpu.dma_semaphore, #tpu.memory_space<semaphore_mem>>) src(%dma_wait3A_134 : memref<10240x16xf32, #tpu.memory_space<hbm>>) dst(%dma_wait3A_128 : memref<128x16xf32, #tpu.memory_space<vmem>>)
    %run_scoped3A_135 = arith.constant 74 : i32
    "tpu.region"() ({
      %run_scoped3A_196 = tpu.sem_alloc : memref<!tpu.dma_semaphore, #tpu.memory_space<semaphore_mem>>
      %dma_start3A_197 = arith.constant 256 : i32
      %dma_start3A_198 = arith.constant 0 : i32
      %dma_start3A_199 = tpu.memref_slice %arg9[%dma_start3A_197, %dma_start3A_198] : memref<1024x16xf32, #tpu.memory_space<vmem>> -> memref<128x16xf32, #tpu.memory_space<vmem>>
      %dma_start3A_200 = arith.constant 0 : i32
      %dma_start3A_201 = tpu.memref_slice %arg8[%run_scoped3A_135, %dma_start3A_200] : memref<80x128xi32, #tpu.memory_space<vmem>> -> memref<1x128xi32, #tpu.memory_space<vmem>>
      %dma_start3A_202 = tpu.memref_squeeze %dma_start3A_201 : memref<1x128xi32, #tpu.memory_space<vmem>> -> memref<128xi32, #tpu.memory_space<vmem>>
      %dma_start3A_203 = arith.constant 0 : i32
      %dma_start3A_204 = arith.constant 0 : i32
      %dma_start3A_205 = tpu.memref_slice %arg10[%dma_start3A_203, %dma_start3A_204] : memref<10240x16xf32, #tpu.memory_space<vmem_shared>> -> memref<10240x16xf32, #tpu.memory_space<vmem_shared>>
      tpu.enqueue_indirect_dma source(%dma_start3A_199 : memref<128x16xf32, #tpu.memory_space<vmem>>) target(%dma_start3A_205 : memref<10240x16xf32, #tpu.memory_space<vmem_shared>>) offsets(%dma_start3A_202 : memref<128xi32, #tpu.memory_space<vmem>>) semaphore(%run_scoped3A_196 : memref<!tpu.dma_semaphore, #tpu.memory_space<semaphore_mem>>) {add = true}
      %dma_wait3A_206 = arith.constant 256 : i32
      %dma_wait3A_207 = arith.constant 0 : i32
      %dma_wait3A_208 = tpu.memref_slice %arg9[%dma_wait3A_206, %dma_wait3A_207] : memref<1024x16xf32, #tpu.memory_space<vmem>> -> memref<128x16xf32, #tpu.memory_space<vmem>>
      %dma_wait3A_209 = arith.constant 0 : i32
      %dma_wait3A_210 = tpu.memref_slice %arg8[%run_scoped3A_135, %dma_wait3A_209] : memref<80x128xi32, #tpu.memory_space<vmem>> -> memref<1x128xi32, #tpu.memory_space<vmem>>
      %dma_wait3A_211 = tpu.memref_squeeze %dma_wait3A_210 : memref<1x128xi32, #tpu.memory_space<vmem>> -> memref<128xi32, #tpu.memory_space<vmem>>
      %dma_wait3A_212 = arith.constant 0 : i32
      %dma_wait3A_213 = arith.constant 0 : i32
      %dma_wait3A_214 = tpu.memref_slice %arg10[%dma_wait3A_212, %dma_wait3A_213] : memref<10240x16xf32, #tpu.memory_space<vmem_shared>> -> memref<10240x16xf32, #tpu.memory_space<vmem_shared>>
      tpu.wait_indirect_dma semaphore(%run_scoped3A_196 : memref<!tpu.dma_semaphore, #tpu.memory_space<semaphore_mem>>) src(%dma_wait3A_208 : memref<128x16xf32, #tpu.memory_space<vmem>>) dst(%dma_wait3A_214 : memref<10240x16xf32, #tpu.memory_space<vmem_shared>>)
      tpu.yield
    }) : () -> ()
    %dma_wait3A_136 = arith.constant 75 : i32
    %dma_wait3A_137 = arith.constant 384 : i32
    %dma_wait3A_138 = arith.constant 0 : i32
    %dma_wait3A_139 = tpu.memref_slice %arg9[%dma_wait3A_137, %dma_wait3A_138] : memref<1024x16xf32, #tpu.memory_space<vmem>> -> memref<128x16xf32, #tpu.memory_space<vmem>>
    %dma_wait3A_140 = arith.constant 0 : i32
    %dma_wait3A_141 = tpu.memref_slice %arg7[%dma_wait3A_136, %dma_wait3A_140] : memref<80x128xi32, #tpu.memory_space<vmem>> -> memref<1x128xi32, #tpu.memory_space<vmem>>
    %dma_wait3A_142 = tpu.memref_squeeze %dma_wait3A_141 : memref<1x128xi32, #tpu.memory_space<vmem>> -> memref<128xi32, #tpu.memory_space<vmem>>
    %dma_wait3A_143 = arith.constant 0 : i32
    %dma_wait3A_144 = arith.constant 0 : i32
    %dma_wait3A_145 = tpu.memref_slice %arg2[%dma_wait3A_143, %dma_wait3A_144] : memref<10240x16xf32, #tpu.memory_space<hbm>> -> memref<10240x16xf32, #tpu.memory_space<hbm>>
    tpu.wait_indirect_dma semaphore(%arg14 : memref<!tpu.dma_semaphore, #tpu.memory_space<semaphore_mem>>) src(%dma_wait3A_145 : memref<10240x16xf32, #tpu.memory_space<hbm>>) dst(%dma_wait3A_139 : memref<128x16xf32, #tpu.memory_space<vmem>>)
    %run_scoped3A_146 = arith.constant 75 : i32
    "tpu.region"() ({
      %run_scoped3A_196 = tpu.sem_alloc : memref<!tpu.dma_semaphore, #tpu.memory_space<semaphore_mem>>
      %dma_start3A_197 = arith.constant 384 : i32
      %dma_start3A_198 = arith.constant 0 : i32
      %dma_start3A_199 = tpu.memref_slice %arg9[%dma_start3A_197, %dma_start3A_198] : memref<1024x16xf32, #tpu.memory_space<vmem>> -> memref<128x16xf32, #tpu.memory_space<vmem>>
      %dma_start3A_200 = arith.constant 0 : i32
      %dma_start3A_201 = tpu.memref_slice %arg8[%run_scoped3A_146, %dma_start3A_200] : memref<80x128xi32, #tpu.memory_space<vmem>> -> memref<1x128xi32, #tpu.memory_space<vmem>>
      %dma_start3A_202 = tpu.memref_squeeze %dma_start3A_201 : memref<1x128xi32, #tpu.memory_space<vmem>> -> memref<128xi32, #tpu.memory_space<vmem>>
      %dma_start3A_203 = arith.constant 0 : i32
      %dma_start3A_204 = arith.constant 0 : i32
      %dma_start3A_205 = tpu.memref_slice %arg10[%dma_start3A_203, %dma_start3A_204] : memref<10240x16xf32, #tpu.memory_space<vmem_shared>> -> memref<10240x16xf32, #tpu.memory_space<vmem_shared>>
      tpu.enqueue_indirect_dma source(%dma_start3A_199 : memref<128x16xf32, #tpu.memory_space<vmem>>) target(%dma_start3A_205 : memref<10240x16xf32, #tpu.memory_space<vmem_shared>>) offsets(%dma_start3A_202 : memref<128xi32, #tpu.memory_space<vmem>>) semaphore(%run_scoped3A_196 : memref<!tpu.dma_semaphore, #tpu.memory_space<semaphore_mem>>) {add = true}
      %dma_wait3A_206 = arith.constant 384 : i32
      %dma_wait3A_207 = arith.constant 0 : i32
      %dma_wait3A_208 = tpu.memref_slice %arg9[%dma_wait3A_206, %dma_wait3A_207] : memref<1024x16xf32, #tpu.memory_space<vmem>> -> memref<128x16xf32, #tpu.memory_space<vmem>>
      %dma_wait3A_209 = arith.constant 0 : i32
      %dma_wait3A_210 = tpu.memref_slice %arg8[%run_scoped3A_146, %dma_wait3A_209] : memref<80x128xi32, #tpu.memory_space<vmem>> -> memref<1x128xi32, #tpu.memory_space<vmem>>
      %dma_wait3A_211 = tpu.memref_squeeze %dma_wait3A_210 : memref<1x128xi32, #tpu.memory_space<vmem>> -> memref<128xi32, #tpu.memory_space<vmem>>
      %dma_wait3A_212 = arith.constant 0 : i32
      %dma_wait3A_213 = arith.constant 0 : i32
      %dma_wait3A_214 = tpu.memref_slice %arg10[%dma_wait3A_212, %dma_wait3A_213] : memref<10240x16xf32, #tpu.memory_space<vmem_shared>> -> memref<10240x16xf32, #tpu.memory_space<vmem_shared>>
      tpu.wait_indirect_dma semaphore(%run_scoped3A_196 : memref<!tpu.dma_semaphore, #tpu.memory_space<semaphore_mem>>) src(%dma_wait3A_208 : memref<128x16xf32, #tpu.memory_space<vmem>>) dst(%dma_wait3A_214 : memref<10240x16xf32, #tpu.memory_space<vmem_shared>>)
      tpu.yield
    }) : () -> ()
    %dma_wait3A_147 = arith.constant 76 : i32
    %dma_wait3A_148 = arith.constant 512 : i32
    %dma_wait3A_149 = arith.constant 0 : i32
    %dma_wait3A_150 = tpu.memref_slice %arg9[%dma_wait3A_148, %dma_wait3A_149] : memref<1024x16xf32, #tpu.memory_space<vmem>> -> memref<128x16xf32, #tpu.memory_space<vmem>>
    %dma_wait3A_151 = arith.constant 0 : i32
    %dma_wait3A_152 = tpu.memref_slice %arg7[%dma_wait3A_147, %dma_wait3A_151] : memref<80x128xi32, #tpu.memory_space<vmem>> -> memref<1x128xi32, #tpu.memory_space<vmem>>
    %dma_wait3A_153 = tpu.memref_squeeze %dma_wait3A_152 : memref<1x128xi32, #tpu.memory_space<vmem>> -> memref<128xi32, #tpu.memory_space<vmem>>
    %dma_wait3A_154 = arith.constant 0 : i32
    %dma_wait3A_155 = arith.constant 0 : i32
    %dma_wait3A_156 = tpu.memref_slice %arg2[%dma_wait3A_154, %dma_wait3A_155] : memref<10240x16xf32, #tpu.memory_space<hbm>> -> memref<10240x16xf32, #tpu.memory_space<hbm>>
    tpu.wait_indirect_dma semaphore(%arg15 : memref<!tpu.dma_semaphore, #tpu.memory_space<semaphore_mem>>) src(%dma_wait3A_156 : memref<10240x16xf32, #tpu.memory_space<hbm>>) dst(%dma_wait3A_150 : memref<128x16xf32, #tpu.memory_space<vmem>>)
    %run_scoped3A_157 = arith.constant 76 : i32
    "tpu.region"() ({
      %run_scoped3A_196 = tpu.sem_alloc : memref<!tpu.dma_semaphore, #tpu.memory_space<semaphore_mem>>
      %dma_start3A_197 = arith.constant 512 : i32
      %dma_start3A_198 = arith.constant 0 : i32
      %dma_start3A_199 = tpu.memref_slice %arg9[%dma_start3A_197, %dma_start3A_198] : memref<1024x16xf32, #tpu.memory_space<vmem>> -> memref<128x16xf32, #tpu.memory_space<vmem>>
      %dma_start3A_200 = arith.constant 0 : i32
      %dma_start3A_201 = tpu.memref_slice %arg8[%run_scoped3A_157, %dma_start3A_200] : memref<80x128xi32, #tpu.memory_space<vmem>> -> memref<1x128xi32, #tpu.memory_space<vmem>>
      %dma_start3A_202 = tpu.memref_squeeze %dma_start3A_201 : memref<1x128xi32, #tpu.memory_space<vmem>> -> memref<128xi32, #tpu.memory_space<vmem>>
      %dma_start3A_203 = arith.constant 0 : i32
      %dma_start3A_204 = arith.constant 0 : i32
      %dma_start3A_205 = tpu.memref_slice %arg10[%dma_start3A_203, %dma_start3A_204] : memref<10240x16xf32, #tpu.memory_space<vmem_shared>> -> memref<10240x16xf32, #tpu.memory_space<vmem_shared>>
      tpu.enqueue_indirect_dma source(%dma_start3A_199 : memref<128x16xf32, #tpu.memory_space<vmem>>) target(%dma_start3A_205 : memref<10240x16xf32, #tpu.memory_space<vmem_shared>>) offsets(%dma_start3A_202 : memref<128xi32, #tpu.memory_space<vmem>>) semaphore(%run_scoped3A_196 : memref<!tpu.dma_semaphore, #tpu.memory_space<semaphore_mem>>) {add = true}
      %dma_wait3A_206 = arith.constant 512 : i32
      %dma_wait3A_207 = arith.constant 0 : i32
      %dma_wait3A_208 = tpu.memref_slice %arg9[%dma_wait3A_206, %dma_wait3A_207] : memref<1024x16xf32, #tpu.memory_space<vmem>> -> memref<128x16xf32, #tpu.memory_space<vmem>>
      %dma_wait3A_209 = arith.constant 0 : i32
      %dma_wait3A_210 = tpu.memref_slice %arg8[%run_scoped3A_157, %dma_wait3A_209] : memref<80x128xi32, #tpu.memory_space<vmem>> -> memref<1x128xi32, #tpu.memory_space<vmem>>
      %dma_wait3A_211 = tpu.memref_squeeze %dma_wait3A_210 : memref<1x128xi32, #tpu.memory_space<vmem>> -> memref<128xi32, #tpu.memory_space<vmem>>
      %dma_wait3A_212 = arith.constant 0 : i32
      %dma_wait3A_213 = arith.constant 0 : i32
      %dma_wait3A_214 = tpu.memref_slice %arg10[%dma_wait3A_212, %dma_wait3A_213] : memref<10240x16xf32, #tpu.memory_space<vmem_shared>> -> memref<10240x16xf32, #tpu.memory_space<vmem_shared>>
      tpu.wait_indirect_dma semaphore(%run_scoped3A_196 : memref<!tpu.dma_semaphore, #tpu.memory_space<semaphore_mem>>) src(%dma_wait3A_208 : memref<128x16xf32, #tpu.memory_space<vmem>>) dst(%dma_wait3A_214 : memref<10240x16xf32, #tpu.memory_space<vmem_shared>>)
      tpu.yield
    }) : () -> ()
    %dma_wait3A_158 = arith.constant 77 : i32
    %dma_wait3A_159 = arith.constant 640 : i32
    %dma_wait3A_160 = arith.constant 0 : i32
    %dma_wait3A_161 = tpu.memref_slice %arg9[%dma_wait3A_159, %dma_wait3A_160] : memref<1024x16xf32, #tpu.memory_space<vmem>> -> memref<128x16xf32, #tpu.memory_space<vmem>>
    %dma_wait3A_162 = arith.constant 0 : i32
    %dma_wait3A_163 = tpu.memref_slice %arg7[%dma_wait3A_158, %dma_wait3A_162] : memref<80x128xi32, #tpu.memory_space<vmem>> -> memref<1x128xi32, #tpu.memory_space<vmem>>
    %dma_wait3A_164 = tpu.memref_squeeze %dma_wait3A_163 : memref<1x128xi32, #tpu.memory_space<vmem>> -> memref<128xi32, #tpu.memory_space<vmem>>
    %dma_wait3A_165 = arith.constant 0 : i32
    %dma_wait3A_166 = arith.constant 0 : i32
    %dma_wait3A_167 = tpu.memref_slice %arg2[%dma_wait3A_165, %dma_wait3A_166] : memref<10240x16xf32, #tpu.memory_space<hbm>> -> memref<10240x16xf32, #tpu.memory_space<hbm>>
    tpu.wait_indirect_dma semaphore(%arg16 : memref<!tpu.dma_semaphore, #tpu.memory_space<semaphore_mem>>) src(%dma_wait3A_167 : memref<10240x16xf32, #tpu.memory_space<hbm>>) dst(%dma_wait3A_161 : memref<128x16xf32, #tpu.memory_space<vmem>>)
    %run_scoped3A_168 = arith.constant 77 : i32
    "tpu.region"() ({
      %run_scoped3A_196 = tpu.sem_alloc : memref<!tpu.dma_semaphore, #tpu.memory_space<semaphore_mem>>
      %dma_start3A_197 = arith.constant 640 : i32
      %dma_start3A_198 = arith.constant 0 : i32
      %dma_start3A_199 = tpu.memref_slice %arg9[%dma_start3A_197, %dma_start3A_198] : memref<1024x16xf32, #tpu.memory_space<vmem>> -> memref<128x16xf32, #tpu.memory_space<vmem>>
      %dma_start3A_200 = arith.constant 0 : i32
      %dma_start3A_201 = tpu.memref_slice %arg8[%run_scoped3A_168, %dma_start3A_200] : memref<80x128xi32, #tpu.memory_space<vmem>> -> memref<1x128xi32, #tpu.memory_space<vmem>>
      %dma_start3A_202 = tpu.memref_squeeze %dma_start3A_201 : memref<1x128xi32, #tpu.memory_space<vmem>> -> memref<128xi32, #tpu.memory_space<vmem>>
      %dma_start3A_203 = arith.constant 0 : i32
      %dma_start3A_204 = arith.constant 0 : i32
      %dma_start3A_205 = tpu.memref_slice %arg10[%dma_start3A_203, %dma_start3A_204] : memref<10240x16xf32, #tpu.memory_space<vmem_shared>> -> memref<10240x16xf32, #tpu.memory_space<vmem_shared>>
      tpu.enqueue_indirect_dma source(%dma_start3A_199 : memref<128x16xf32, #tpu.memory_space<vmem>>) target(%dma_start3A_205 : memref<10240x16xf32, #tpu.memory_space<vmem_shared>>) offsets(%dma_start3A_202 : memref<128xi32, #tpu.memory_space<vmem>>) semaphore(%run_scoped3A_196 : memref<!tpu.dma_semaphore, #tpu.memory_space<semaphore_mem>>) {add = true}
      %dma_wait3A_206 = arith.constant 640 : i32
      %dma_wait3A_207 = arith.constant 0 : i32
      %dma_wait3A_208 = tpu.memref_slice %arg9[%dma_wait3A_206, %dma_wait3A_207] : memref<1024x16xf32, #tpu.memory_space<vmem>> -> memref<128x16xf32, #tpu.memory_space<vmem>>
      %dma_wait3A_209 = arith.constant 0 : i32
      %dma_wait3A_210 = tpu.memref_slice %arg8[%run_scoped3A_168, %dma_wait3A_209] : memref<80x128xi32, #tpu.memory_space<vmem>> -> memref<1x128xi32, #tpu.memory_space<vmem>>
      %dma_wait3A_211 = tpu.memref_squeeze %dma_wait3A_210 : memref<1x128xi32, #tpu.memory_space<vmem>> -> memref<128xi32, #tpu.memory_space<vmem>>
      %dma_wait3A_212 = arith.constant 0 : i32
      %dma_wait3A_213 = arith.constant 0 : i32
      %dma_wait3A_214 = tpu.memref_slice %arg10[%dma_wait3A_212, %dma_wait3A_213] : memref<10240x16xf32, #tpu.memory_space<vmem_shared>> -> memref<10240x16xf32, #tpu.memory_space<vmem_shared>>
      tpu.wait_indirect_dma semaphore(%run_scoped3A_196 : memref<!tpu.dma_semaphore, #tpu.memory_space<semaphore_mem>>) src(%dma_wait3A_208 : memref<128x16xf32, #tpu.memory_space<vmem>>) dst(%dma_wait3A_214 : memref<10240x16xf32, #tpu.memory_space<vmem_shared>>)
      tpu.yield
    }) : () -> ()
    %dma_wait3A_169 = arith.constant 78 : i32
    %dma_wait3A_170 = arith.constant 768 : i32
    %dma_wait3A_171 = arith.constant 0 : i32
    %dma_wait3A_172 = tpu.memref_slice %arg9[%dma_wait3A_170, %dma_wait3A_171] : memref<1024x16xf32, #tpu.memory_space<vmem>> -> memref<128x16xf32, #tpu.memory_space<vmem>>
    %dma_wait3A_173 = arith.constant 0 : i32
    %dma_wait3A_174 = tpu.memref_slice %arg7[%dma_wait3A_169, %dma_wait3A_173] : memref<80x128xi32, #tpu.memory_space<vmem>> -> memref<1x128xi32, #tpu.memory_space<vmem>>
    %dma_wait3A_175 = tpu.memref_squeeze %dma_wait3A_174 : memref<1x128xi32, #tpu.memory_space<vmem>> -> memref<128xi32, #tpu.memory_space<vmem>>
    %dma_wait3A_176 = arith.constant 0 : i32
    %dma_wait3A_177 = arith.constant 0 : i32
    %dma_wait3A_178 = tpu.memref_slice %arg2[%dma_wait3A_176, %dma_wait3A_177] : memref<10240x16xf32, #tpu.memory_space<hbm>> -> memref<10240x16xf32, #tpu.memory_space<hbm>>
    tpu.wait_indirect_dma semaphore(%arg17 : memref<!tpu.dma_semaphore, #tpu.memory_space<semaphore_mem>>) src(%dma_wait3A_178 : memref<10240x16xf32, #tpu.memory_space<hbm>>) dst(%dma_wait3A_172 : memref<128x16xf32, #tpu.memory_space<vmem>>)
    %run_scoped3A_179 = arith.constant 78 : i32
    "tpu.region"() ({
      %run_scoped3A_196 = tpu.sem_alloc : memref<!tpu.dma_semaphore, #tpu.memory_space<semaphore_mem>>
      %dma_start3A_197 = arith.constant 768 : i32
      %dma_start3A_198 = arith.constant 0 : i32
      %dma_start3A_199 = tpu.memref_slice %arg9[%dma_start3A_197, %dma_start3A_198] : memref<1024x16xf32, #tpu.memory_space<vmem>> -> memref<128x16xf32, #tpu.memory_space<vmem>>
      %dma_start3A_200 = arith.constant 0 : i32
      %dma_start3A_201 = tpu.memref_slice %arg8[%run_scoped3A_179, %dma_start3A_200] : memref<80x128xi32, #tpu.memory_space<vmem>> -> memref<1x128xi32, #tpu.memory_space<vmem>>
      %dma_start3A_202 = tpu.memref_squeeze %dma_start3A_201 : memref<1x128xi32, #tpu.memory_space<vmem>> -> memref<128xi32, #tpu.memory_space<vmem>>
      %dma_start3A_203 = arith.constant 0 : i32
      %dma_start3A_204 = arith.constant 0 : i32
      %dma_start3A_205 = tpu.memref_slice %arg10[%dma_start3A_203, %dma_start3A_204] : memref<10240x16xf32, #tpu.memory_space<vmem_shared>> -> memref<10240x16xf32, #tpu.memory_space<vmem_shared>>
      tpu.enqueue_indirect_dma source(%dma_start3A_199 : memref<128x16xf32, #tpu.memory_space<vmem>>) target(%dma_start3A_205 : memref<10240x16xf32, #tpu.memory_space<vmem_shared>>) offsets(%dma_start3A_202 : memref<128xi32, #tpu.memory_space<vmem>>) semaphore(%run_scoped3A_196 : memref<!tpu.dma_semaphore, #tpu.memory_space<semaphore_mem>>) {add = true}
      %dma_wait3A_206 = arith.constant 768 : i32
      %dma_wait3A_207 = arith.constant 0 : i32
      %dma_wait3A_208 = tpu.memref_slice %arg9[%dma_wait3A_206, %dma_wait3A_207] : memref<1024x16xf32, #tpu.memory_space<vmem>> -> memref<128x16xf32, #tpu.memory_space<vmem>>
      %dma_wait3A_209 = arith.constant 0 : i32
      %dma_wait3A_210 = tpu.memref_slice %arg8[%run_scoped3A_179, %dma_wait3A_209] : memref<80x128xi32, #tpu.memory_space<vmem>> -> memref<1x128xi32, #tpu.memory_space<vmem>>
      %dma_wait3A_211 = tpu.memref_squeeze %dma_wait3A_210 : memref<1x128xi32, #tpu.memory_space<vmem>> -> memref<128xi32, #tpu.memory_space<vmem>>
      %dma_wait3A_212 = arith.constant 0 : i32
      %dma_wait3A_213 = arith.constant 0 : i32
      %dma_wait3A_214 = tpu.memref_slice %arg10[%dma_wait3A_212, %dma_wait3A_213] : memref<10240x16xf32, #tpu.memory_space<vmem_shared>> -> memref<10240x16xf32, #tpu.memory_space<vmem_shared>>
      tpu.wait_indirect_dma semaphore(%run_scoped3A_196 : memref<!tpu.dma_semaphore, #tpu.memory_space<semaphore_mem>>) src(%dma_wait3A_208 : memref<128x16xf32, #tpu.memory_space<vmem>>) dst(%dma_wait3A_214 : memref<10240x16xf32, #tpu.memory_space<vmem_shared>>)
      tpu.yield
    }) : () -> ()
    %dma_wait3A_180 = arith.constant 79 : i32
    %dma_wait3A_181 = arith.constant 896 : i32
    %dma_wait3A_182 = arith.constant 0 : i32
    %dma_wait3A_183 = tpu.memref_slice %arg9[%dma_wait3A_181, %dma_wait3A_182] : memref<1024x16xf32, #tpu.memory_space<vmem>> -> memref<128x16xf32, #tpu.memory_space<vmem>>
    %dma_wait3A_184 = arith.constant 0 : i32
    %dma_wait3A_185 = tpu.memref_slice %arg7[%dma_wait3A_180, %dma_wait3A_184] : memref<80x128xi32, #tpu.memory_space<vmem>> -> memref<1x128xi32, #tpu.memory_space<vmem>>
    %dma_wait3A_186 = tpu.memref_squeeze %dma_wait3A_185 : memref<1x128xi32, #tpu.memory_space<vmem>> -> memref<128xi32, #tpu.memory_space<vmem>>
    %dma_wait3A_187 = arith.constant 0 : i32
    %dma_wait3A_188 = arith.constant 0 : i32
    %dma_wait3A_189 = tpu.memref_slice %arg2[%dma_wait3A_187, %dma_wait3A_188] : memref<10240x16xf32, #tpu.memory_space<hbm>> -> memref<10240x16xf32, #tpu.memory_space<hbm>>
    tpu.wait_indirect_dma semaphore(%arg18 : memref<!tpu.dma_semaphore, #tpu.memory_space<semaphore_mem>>) src(%dma_wait3A_189 : memref<10240x16xf32, #tpu.memory_space<hbm>>) dst(%dma_wait3A_183 : memref<128x16xf32, #tpu.memory_space<vmem>>)
    %run_scoped3A_190 = arith.constant 79 : i32
    "tpu.region"() ({
      %run_scoped3A_196 = tpu.sem_alloc : memref<!tpu.dma_semaphore, #tpu.memory_space<semaphore_mem>>
      %dma_start3A_197 = arith.constant 896 : i32
      %dma_start3A_198 = arith.constant 0 : i32
      %dma_start3A_199 = tpu.memref_slice %arg9[%dma_start3A_197, %dma_start3A_198] : memref<1024x16xf32, #tpu.memory_space<vmem>> -> memref<128x16xf32, #tpu.memory_space<vmem>>
      %dma_start3A_200 = arith.constant 0 : i32
      %dma_start3A_201 = tpu.memref_slice %arg8[%run_scoped3A_190, %dma_start3A_200] : memref<80x128xi32, #tpu.memory_space<vmem>> -> memref<1x128xi32, #tpu.memory_space<vmem>>
      %dma_start3A_202 = tpu.memref_squeeze %dma_start3A_201 : memref<1x128xi32, #tpu.memory_space<vmem>> -> memref<128xi32, #tpu.memory_space<vmem>>
      %dma_start3A_203 = arith.constant 0 : i32
      %dma_start3A_204 = arith.constant 0 : i32
      %dma_start3A_205 = tpu.memref_slice %arg10[%dma_start3A_203, %dma_start3A_204] : memref<10240x16xf32, #tpu.memory_space<vmem_shared>> -> memref<10240x16xf32, #tpu.memory_space<vmem_shared>>
      tpu.enqueue_indirect_dma source(%dma_start3A_199 : memref<128x16xf32, #tpu.memory_space<vmem>>) target(%dma_start3A_205 : memref<10240x16xf32, #tpu.memory_space<vmem_shared>>) offsets(%dma_start3A_202 : memref<128xi32, #tpu.memory_space<vmem>>) semaphore(%run_scoped3A_196 : memref<!tpu.dma_semaphore, #tpu.memory_space<semaphore_mem>>) {add = true}
      %dma_wait3A_206 = arith.constant 896 : i32
      %dma_wait3A_207 = arith.constant 0 : i32
      %dma_wait3A_208 = tpu.memref_slice %arg9[%dma_wait3A_206, %dma_wait3A_207] : memref<1024x16xf32, #tpu.memory_space<vmem>> -> memref<128x16xf32, #tpu.memory_space<vmem>>
      %dma_wait3A_209 = arith.constant 0 : i32
      %dma_wait3A_210 = tpu.memref_slice %arg8[%run_scoped3A_190, %dma_wait3A_209] : memref<80x128xi32, #tpu.memory_space<vmem>> -> memref<1x128xi32, #tpu.memory_space<vmem>>
      %dma_wait3A_211 = tpu.memref_squeeze %dma_wait3A_210 : memref<1x128xi32, #tpu.memory_space<vmem>> -> memref<128xi32, #tpu.memory_space<vmem>>
      %dma_wait3A_212 = arith.constant 0 : i32
      %dma_wait3A_213 = arith.constant 0 : i32
      %dma_wait3A_214 = tpu.memref_slice %arg10[%dma_wait3A_212, %dma_wait3A_213] : memref<10240x16xf32, #tpu.memory_space<vmem_shared>> -> memref<10240x16xf32, #tpu.memory_space<vmem_shared>>
      tpu.wait_indirect_dma semaphore(%run_scoped3A_196 : memref<!tpu.dma_semaphore, #tpu.memory_space<semaphore_mem>>) src(%dma_wait3A_208 : memref<128x16xf32, #tpu.memory_space<vmem>>) dst(%dma_wait3A_214 : memref<10240x16xf32, #tpu.memory_space<vmem_shared>>)
      tpu.yield
    }) : () -> ()
    %barrier3A_191 = arith.constant 0 : index
    tpu.barrier barrier_id(%barrier3A_191)
    %mul3A_192 = arith.constant 640 : i32
    %mul3A_193 = arith.muli %arg1, %mul3A_192 : i32
    %mul3A_194 = arith.constant 640 : i32
    %mul3A_195 = arith.muli %arg1, %mul3A_194 : i32
    "tpu.region"() ({
      %run_scoped3A_196 = tpu.sem_alloc : memref<!tpu.dma_semaphore, #tpu.memory_space<semaphore_mem>>
      %dma_start3A_197 = arith.constant 0 : i32
      %dma_start3A_198 = tpu.memref_slice %arg6[%arg0, %mul3A_195, %dma_start3A_197] : memref<2x10240x16xf32, #tpu.memory_space<hbm>> -> memref<1x640x16xf32, #tpu.memory_space<hbm>>
      %dma_start3A_199 = tpu.memref_squeeze %dma_start3A_198 : memref<1x640x16xf32, #tpu.memory_space<hbm>> -> memref<640x16xf32, #tpu.memory_space<hbm>>
      %dma_start3A_200 = arith.constant 0 : i32
      %dma_start3A_201 = tpu.memref_slice %arg10[%mul3A_193, %dma_start3A_200] : memref<10240x16xf32, #tpu.memory_space<vmem_shared>> -> memref<640x16xf32, #tpu.memory_space<vmem_shared>>
      tpu.enqueue_dma source(%dma_start3A_201 : memref<640x16xf32, #tpu.memory_space<vmem_shared>>) target(%dma_start3A_199 : memref<640x16xf32, #tpu.memory_space<hbm>>) target_semaphore(%run_scoped3A_196 : memref<!tpu.dma_semaphore, #tpu.memory_space<semaphore_mem>>)
      %dma_wait3A_202 = arith.constant 0 : i32
      %dma_wait3A_203 = tpu.memref_slice %arg6[%arg0, %mul3A_195, %dma_wait3A_202] : memref<2x10240x16xf32, #tpu.memory_space<hbm>> -> memref<1x640x16xf32, #tpu.memory_space<hbm>>
      %dma_wait3A_204 = tpu.memref_squeeze %dma_wait3A_203 : memref<1x640x16xf32, #tpu.memory_space<hbm>> -> memref<640x16xf32, #tpu.memory_space<hbm>>
      %dma_wait3A_205 = arith.constant 0 : i32
      %dma_wait3A_206 = tpu.memref_slice %arg10[%mul3A_193, %dma_wait3A_205] : memref<10240x16xf32, #tpu.memory_space<vmem_shared>> -> memref<640x16xf32, #tpu.memory_space<vmem_shared>>
      tpu.wait_dma2 semaphore(%run_scoped3A_196 : memref<!tpu.dma_semaphore, #tpu.memory_space<semaphore_mem>>) src(%dma_wait3A_206 : memref<640x16xf32, #tpu.memory_space<vmem_shared>>) dst(%dma_wait3A_204 : memref<640x16xf32, #tpu.memory_space<hbm>>)
      tpu.yield
    }) : () -> ()
    return
  }
}

#map = affine_map<(d0, d1) -> (0, 0, 0)>
#map1 = affine_map<(d0, d1) -> (0, 0)>
module attributes {stable_mosaic.version = 14 : i64} {
  func.func @agg(%arg0: i32, %arg1: i32, %arg2: memref<2x10240x64xf32, #tpu.memory_space<hbm>>, %arg3: memref<16x160x128xi32, #tpu.memory_space<hbm>>, %arg4: memref<16x160x128xi32, #tpu.memory_space<hbm>>, %arg5: memref<128x64xf32, #tpu.memory_space<hbm>>, %arg6: memref<2x10240x64xf32, #tpu.memory_space<hbm>>, %arg7: memref<160x128xi32, #tpu.memory_space<vmem>>, %arg8: memref<160x128xi32, #tpu.memory_space<vmem>>, %arg9: memref<640x64xf32, #tpu.memory_space<vmem>>, %arg10: memref<10240x64xf32, #tpu.memory_space<vmem_shared>>, %arg11: memref<!tpu.dma_semaphore, #tpu.memory_space<semaphore_mem>>, %arg12: memref<!tpu.dma_semaphore, #tpu.memory_space<semaphore_mem>>, %arg13: memref<!tpu.dma_semaphore, #tpu.memory_space<semaphore_mem>>, %arg14: memref<!tpu.dma_semaphore, #tpu.memory_space<semaphore_mem>>, %arg15: memref<!tpu.dma_semaphore, #tpu.memory_space<semaphore_mem>>) attributes {dimension_semantics = [#tpu.dimension_semantics<core_parallel>, #tpu.dimension_semantics<subcore_parallel>], iteration_bounds = array<i64: 2, 16>, scalar_prefetch = 0 : i64, scratch_operands = 9 : i64, tpu.core_type = #tpu.core_type<sc_vector_subcore>, window_params = [{transform_indices = #map}, {transform_indices = #map}, {transform_indices = #map}, {transform_indices = #map1}, {transform_indices = #map}]} {
    "tpu.region"() ({
      %run_scoped3A_170 = tpu.sem_alloc : memref<!tpu.dma_semaphore, #tpu.memory_space<semaphore_mem>>
      %dma_start3A_171 = arith.constant 0 : i32
      %dma_start3A_172 = arith.constant 0 : i32
      %dma_start3A_173 = tpu.memref_slice %arg3[%arg1, %dma_start3A_171, %dma_start3A_172] : memref<16x160x128xi32, #tpu.memory_space<hbm>> -> memref<1x160x128xi32, #tpu.memory_space<hbm>>
      %dma_start3A_174 = tpu.memref_squeeze %dma_start3A_173 : memref<1x160x128xi32, #tpu.memory_space<hbm>> -> memref<160x128xi32, #tpu.memory_space<hbm>>
      %dma_start3A_175 = arith.constant 0 : i32
      %dma_start3A_176 = arith.constant 0 : i32
      %dma_start3A_177 = tpu.memref_slice %arg3[%arg1, %dma_start3A_175, %dma_start3A_176] : memref<16x160x128xi32, #tpu.memory_space<hbm>> -> memref<1x160x128xi32, #tpu.memory_space<hbm>>
      %dma_start3A_178 = tpu.memref_squeeze %dma_start3A_177 : memref<1x160x128xi32, #tpu.memory_space<hbm>> -> memref<160x128xi32, #tpu.memory_space<hbm>>
      tpu.enqueue_dma source(%dma_start3A_178 : memref<160x128xi32, #tpu.memory_space<hbm>>) target(%arg7 : memref<160x128xi32, #tpu.memory_space<vmem>>) target_semaphore(%run_scoped3A_170 : memref<!tpu.dma_semaphore, #tpu.memory_space<semaphore_mem>>)
      %dma_wait3A_179 = arith.constant 0 : i32
      %dma_wait3A_180 = arith.constant 0 : i32
      %dma_wait3A_181 = tpu.memref_slice %arg3[%arg1, %dma_wait3A_179, %dma_wait3A_180] : memref<16x160x128xi32, #tpu.memory_space<hbm>> -> memref<1x160x128xi32, #tpu.memory_space<hbm>>
      %dma_wait3A_182 = tpu.memref_squeeze %dma_wait3A_181 : memref<1x160x128xi32, #tpu.memory_space<hbm>> -> memref<160x128xi32, #tpu.memory_space<hbm>>
      %dma_wait3A_183 = arith.constant 0 : i32
      %dma_wait3A_184 = arith.constant 0 : i32
      %dma_wait3A_185 = tpu.memref_slice %arg3[%arg1, %dma_wait3A_183, %dma_wait3A_184] : memref<16x160x128xi32, #tpu.memory_space<hbm>> -> memref<1x160x128xi32, #tpu.memory_space<hbm>>
      %dma_wait3A_186 = tpu.memref_squeeze %dma_wait3A_185 : memref<1x160x128xi32, #tpu.memory_space<hbm>> -> memref<160x128xi32, #tpu.memory_space<hbm>>
      tpu.wait_dma2 semaphore(%run_scoped3A_170 : memref<!tpu.dma_semaphore, #tpu.memory_space<semaphore_mem>>) src(%dma_wait3A_186 : memref<160x128xi32, #tpu.memory_space<hbm>>) dst(%arg7 : memref<160x128xi32, #tpu.memory_space<vmem>>)
      tpu.yield
    }) : () -> ()
    "tpu.region"() ({
      %run_scoped3A_170 = tpu.sem_alloc : memref<!tpu.dma_semaphore, #tpu.memory_space<semaphore_mem>>
      %dma_start3A_171 = arith.constant 0 : i32
      %dma_start3A_172 = arith.constant 0 : i32
      %dma_start3A_173 = tpu.memref_slice %arg4[%arg1, %dma_start3A_171, %dma_start3A_172] : memref<16x160x128xi32, #tpu.memory_space<hbm>> -> memref<1x160x128xi32, #tpu.memory_space<hbm>>
      %dma_start3A_174 = tpu.memref_squeeze %dma_start3A_173 : memref<1x160x128xi32, #tpu.memory_space<hbm>> -> memref<160x128xi32, #tpu.memory_space<hbm>>
      %dma_start3A_175 = arith.constant 0 : i32
      %dma_start3A_176 = arith.constant 0 : i32
      %dma_start3A_177 = tpu.memref_slice %arg4[%arg1, %dma_start3A_175, %dma_start3A_176] : memref<16x160x128xi32, #tpu.memory_space<hbm>> -> memref<1x160x128xi32, #tpu.memory_space<hbm>>
      %dma_start3A_178 = tpu.memref_squeeze %dma_start3A_177 : memref<1x160x128xi32, #tpu.memory_space<hbm>> -> memref<160x128xi32, #tpu.memory_space<hbm>>
      tpu.enqueue_dma source(%dma_start3A_178 : memref<160x128xi32, #tpu.memory_space<hbm>>) target(%arg8 : memref<160x128xi32, #tpu.memory_space<vmem>>) target_semaphore(%run_scoped3A_170 : memref<!tpu.dma_semaphore, #tpu.memory_space<semaphore_mem>>)
      %dma_wait3A_179 = arith.constant 0 : i32
      %dma_wait3A_180 = arith.constant 0 : i32
      %dma_wait3A_181 = tpu.memref_slice %arg4[%arg1, %dma_wait3A_179, %dma_wait3A_180] : memref<16x160x128xi32, #tpu.memory_space<hbm>> -> memref<1x160x128xi32, #tpu.memory_space<hbm>>
      %dma_wait3A_182 = tpu.memref_squeeze %dma_wait3A_181 : memref<1x160x128xi32, #tpu.memory_space<hbm>> -> memref<160x128xi32, #tpu.memory_space<hbm>>
      %dma_wait3A_183 = arith.constant 0 : i32
      %dma_wait3A_184 = arith.constant 0 : i32
      %dma_wait3A_185 = tpu.memref_slice %arg4[%arg1, %dma_wait3A_183, %dma_wait3A_184] : memref<16x160x128xi32, #tpu.memory_space<hbm>> -> memref<1x160x128xi32, #tpu.memory_space<hbm>>
      %dma_wait3A_186 = tpu.memref_squeeze %dma_wait3A_185 : memref<1x160x128xi32, #tpu.memory_space<hbm>> -> memref<160x128xi32, #tpu.memory_space<hbm>>
      tpu.wait_dma2 semaphore(%run_scoped3A_170 : memref<!tpu.dma_semaphore, #tpu.memory_space<semaphore_mem>>) src(%dma_wait3A_186 : memref<160x128xi32, #tpu.memory_space<hbm>>) dst(%arg8 : memref<160x128xi32, #tpu.memory_space<vmem>>)
      tpu.yield
    }) : () -> ()
    "tpu.region"() ({
      %run_scoped3A_170 = tpu.sem_alloc : memref<!tpu.dma_semaphore, #tpu.memory_space<semaphore_mem>>
      %dma_start3A_171 = arith.constant 0 : i32
      %dma_start3A_172 = arith.constant 0 : i32
      %dma_start3A_173 = tpu.memref_slice %arg9[%dma_start3A_171, %dma_start3A_172] : memref<640x64xf32, #tpu.memory_space<vmem>> -> memref<128x64xf32, #tpu.memory_space<vmem>>
      %dma_start3A_174 = arith.constant 0 : i32
      %dma_start3A_175 = arith.constant 0 : i32
      %dma_start3A_176 = tpu.memref_slice %arg9[%dma_start3A_174, %dma_start3A_175] : memref<640x64xf32, #tpu.memory_space<vmem>> -> memref<128x64xf32, #tpu.memory_space<vmem>>
      tpu.enqueue_dma source(%arg5 : memref<128x64xf32, #tpu.memory_space<hbm>>) target(%dma_start3A_176 : memref<128x64xf32, #tpu.memory_space<vmem>>) target_semaphore(%run_scoped3A_170 : memref<!tpu.dma_semaphore, #tpu.memory_space<semaphore_mem>>)
      %dma_wait3A_177 = arith.constant 0 : i32
      %dma_wait3A_178 = arith.constant 0 : i32
      %dma_wait3A_179 = tpu.memref_slice %arg9[%dma_wait3A_177, %dma_wait3A_178] : memref<640x64xf32, #tpu.memory_space<vmem>> -> memref<128x64xf32, #tpu.memory_space<vmem>>
      %dma_wait3A_180 = arith.constant 0 : i32
      %dma_wait3A_181 = arith.constant 0 : i32
      %dma_wait3A_182 = tpu.memref_slice %arg9[%dma_wait3A_180, %dma_wait3A_181] : memref<640x64xf32, #tpu.memory_space<vmem>> -> memref<128x64xf32, #tpu.memory_space<vmem>>
      tpu.wait_dma2 semaphore(%run_scoped3A_170 : memref<!tpu.dma_semaphore, #tpu.memory_space<semaphore_mem>>) src(%arg5 : memref<128x64xf32, #tpu.memory_space<hbm>>) dst(%dma_wait3A_182 : memref<128x64xf32, #tpu.memory_space<vmem>>)
      tpu.yield
    }) : () -> ()
    %mul3A = arith.constant 640 : i32
    %mul3A_0 = arith.muli %arg1, %mul3A : i32
    %add3A = arith.constant 0 : i32
    %add3A_1 = arith.addi %mul3A_0, %add3A : i32
    "tpu.region"() ({
      %run_scoped3A_170 = tpu.sem_alloc : memref<!tpu.dma_semaphore, #tpu.memory_space<semaphore_mem>>
      %dma_start3A_171 = arith.constant 0 : i32
      %dma_start3A_172 = arith.constant 0 : i32
      %dma_start3A_173 = tpu.memref_slice %arg9[%dma_start3A_171, %dma_start3A_172] : memref<640x64xf32, #tpu.memory_space<vmem>> -> memref<128x64xf32, #tpu.memory_space<vmem>>
      %dma_start3A_174 = arith.constant 0 : i32
      %dma_start3A_175 = tpu.memref_slice %arg10[%add3A_1, %dma_start3A_174] : memref<10240x64xf32, #tpu.memory_space<vmem_shared>> -> memref<128x64xf32, #tpu.memory_space<vmem_shared>>
      %dma_start3A_176 = arith.constant 0 : i32
      %dma_start3A_177 = tpu.memref_slice %arg10[%add3A_1, %dma_start3A_176] : memref<10240x64xf32, #tpu.memory_space<vmem_shared>> -> memref<128x64xf32, #tpu.memory_space<vmem_shared>>
      %dma_start3A_178 = arith.constant 0 : i32
      %dma_start3A_179 = arith.constant 0 : i32
      %dma_start3A_180 = tpu.memref_slice %arg9[%dma_start3A_178, %dma_start3A_179] : memref<640x64xf32, #tpu.memory_space<vmem>> -> memref<128x64xf32, #tpu.memory_space<vmem>>
      tpu.enqueue_dma source(%dma_start3A_180 : memref<128x64xf32, #tpu.memory_space<vmem>>) target(%dma_start3A_177 : memref<128x64xf32, #tpu.memory_space<vmem_shared>>) target_semaphore(%run_scoped3A_170 : memref<!tpu.dma_semaphore, #tpu.memory_space<semaphore_mem>>)
      %dma_wait3A_181 = arith.constant 0 : i32
      %dma_wait3A_182 = arith.constant 0 : i32
      %dma_wait3A_183 = tpu.memref_slice %arg9[%dma_wait3A_181, %dma_wait3A_182] : memref<640x64xf32, #tpu.memory_space<vmem>> -> memref<128x64xf32, #tpu.memory_space<vmem>>
      %dma_wait3A_184 = arith.constant 0 : i32
      %dma_wait3A_185 = tpu.memref_slice %arg10[%add3A_1, %dma_wait3A_184] : memref<10240x64xf32, #tpu.memory_space<vmem_shared>> -> memref<128x64xf32, #tpu.memory_space<vmem_shared>>
      %dma_wait3A_186 = arith.constant 0 : i32
      %dma_wait3A_187 = tpu.memref_slice %arg10[%add3A_1, %dma_wait3A_186] : memref<10240x64xf32, #tpu.memory_space<vmem_shared>> -> memref<128x64xf32, #tpu.memory_space<vmem_shared>>
      %dma_wait3A_188 = arith.constant 0 : i32
      %dma_wait3A_189 = arith.constant 0 : i32
      %dma_wait3A_190 = tpu.memref_slice %arg9[%dma_wait3A_188, %dma_wait3A_189] : memref<640x64xf32, #tpu.memory_space<vmem>> -> memref<128x64xf32, #tpu.memory_space<vmem>>
      tpu.wait_dma2 semaphore(%run_scoped3A_170 : memref<!tpu.dma_semaphore, #tpu.memory_space<semaphore_mem>>) src(%dma_wait3A_190 : memref<128x64xf32, #tpu.memory_space<vmem>>) dst(%dma_wait3A_187 : memref<128x64xf32, #tpu.memory_space<vmem_shared>>)
      tpu.yield
    }) : () -> ()
    %mul3A_2 = arith.constant 640 : i32
    %mul3A_3 = arith.muli %arg1, %mul3A_2 : i32
    %add3A_4 = arith.constant 128 : i32
    %add3A_5 = arith.addi %mul3A_3, %add3A_4 : i32
    "tpu.region"() ({
      %run_scoped3A_170 = tpu.sem_alloc : memref<!tpu.dma_semaphore, #tpu.memory_space<semaphore_mem>>
      %dma_start3A_171 = arith.constant 0 : i32
      %dma_start3A_172 = arith.constant 0 : i32
      %dma_start3A_173 = tpu.memref_slice %arg9[%dma_start3A_171, %dma_start3A_172] : memref<640x64xf32, #tpu.memory_space<vmem>> -> memref<128x64xf32, #tpu.memory_space<vmem>>
      %dma_start3A_174 = arith.constant 0 : i32
      %dma_start3A_175 = tpu.memref_slice %arg10[%add3A_5, %dma_start3A_174] : memref<10240x64xf32, #tpu.memory_space<vmem_shared>> -> memref<128x64xf32, #tpu.memory_space<vmem_shared>>
      %dma_start3A_176 = arith.constant 0 : i32
      %dma_start3A_177 = tpu.memref_slice %arg10[%add3A_5, %dma_start3A_176] : memref<10240x64xf32, #tpu.memory_space<vmem_shared>> -> memref<128x64xf32, #tpu.memory_space<vmem_shared>>
      %dma_start3A_178 = arith.constant 0 : i32
      %dma_start3A_179 = arith.constant 0 : i32
      %dma_start3A_180 = tpu.memref_slice %arg9[%dma_start3A_178, %dma_start3A_179] : memref<640x64xf32, #tpu.memory_space<vmem>> -> memref<128x64xf32, #tpu.memory_space<vmem>>
      tpu.enqueue_dma source(%dma_start3A_180 : memref<128x64xf32, #tpu.memory_space<vmem>>) target(%dma_start3A_177 : memref<128x64xf32, #tpu.memory_space<vmem_shared>>) target_semaphore(%run_scoped3A_170 : memref<!tpu.dma_semaphore, #tpu.memory_space<semaphore_mem>>)
      %dma_wait3A_181 = arith.constant 0 : i32
      %dma_wait3A_182 = arith.constant 0 : i32
      %dma_wait3A_183 = tpu.memref_slice %arg9[%dma_wait3A_181, %dma_wait3A_182] : memref<640x64xf32, #tpu.memory_space<vmem>> -> memref<128x64xf32, #tpu.memory_space<vmem>>
      %dma_wait3A_184 = arith.constant 0 : i32
      %dma_wait3A_185 = tpu.memref_slice %arg10[%add3A_5, %dma_wait3A_184] : memref<10240x64xf32, #tpu.memory_space<vmem_shared>> -> memref<128x64xf32, #tpu.memory_space<vmem_shared>>
      %dma_wait3A_186 = arith.constant 0 : i32
      %dma_wait3A_187 = tpu.memref_slice %arg10[%add3A_5, %dma_wait3A_186] : memref<10240x64xf32, #tpu.memory_space<vmem_shared>> -> memref<128x64xf32, #tpu.memory_space<vmem_shared>>
      %dma_wait3A_188 = arith.constant 0 : i32
      %dma_wait3A_189 = arith.constant 0 : i32
      %dma_wait3A_190 = tpu.memref_slice %arg9[%dma_wait3A_188, %dma_wait3A_189] : memref<640x64xf32, #tpu.memory_space<vmem>> -> memref<128x64xf32, #tpu.memory_space<vmem>>
      tpu.wait_dma2 semaphore(%run_scoped3A_170 : memref<!tpu.dma_semaphore, #tpu.memory_space<semaphore_mem>>) src(%dma_wait3A_190 : memref<128x64xf32, #tpu.memory_space<vmem>>) dst(%dma_wait3A_187 : memref<128x64xf32, #tpu.memory_space<vmem_shared>>)
      tpu.yield
    }) : () -> ()
    %mul3A_6 = arith.constant 640 : i32
    %mul3A_7 = arith.muli %arg1, %mul3A_6 : i32
    %add3A_8 = arith.constant 256 : i32
    %add3A_9 = arith.addi %mul3A_7, %add3A_8 : i32
    "tpu.region"() ({
      %run_scoped3A_170 = tpu.sem_alloc : memref<!tpu.dma_semaphore, #tpu.memory_space<semaphore_mem>>
      %dma_start3A_171 = arith.constant 0 : i32
      %dma_start3A_172 = arith.constant 0 : i32
      %dma_start3A_173 = tpu.memref_slice %arg9[%dma_start3A_171, %dma_start3A_172] : memref<640x64xf32, #tpu.memory_space<vmem>> -> memref<128x64xf32, #tpu.memory_space<vmem>>
      %dma_start3A_174 = arith.constant 0 : i32
      %dma_start3A_175 = tpu.memref_slice %arg10[%add3A_9, %dma_start3A_174] : memref<10240x64xf32, #tpu.memory_space<vmem_shared>> -> memref<128x64xf32, #tpu.memory_space<vmem_shared>>
      %dma_start3A_176 = arith.constant 0 : i32
      %dma_start3A_177 = tpu.memref_slice %arg10[%add3A_9, %dma_start3A_176] : memref<10240x64xf32, #tpu.memory_space<vmem_shared>> -> memref<128x64xf32, #tpu.memory_space<vmem_shared>>
      %dma_start3A_178 = arith.constant 0 : i32
      %dma_start3A_179 = arith.constant 0 : i32
      %dma_start3A_180 = tpu.memref_slice %arg9[%dma_start3A_178, %dma_start3A_179] : memref<640x64xf32, #tpu.memory_space<vmem>> -> memref<128x64xf32, #tpu.memory_space<vmem>>
      tpu.enqueue_dma source(%dma_start3A_180 : memref<128x64xf32, #tpu.memory_space<vmem>>) target(%dma_start3A_177 : memref<128x64xf32, #tpu.memory_space<vmem_shared>>) target_semaphore(%run_scoped3A_170 : memref<!tpu.dma_semaphore, #tpu.memory_space<semaphore_mem>>)
      %dma_wait3A_181 = arith.constant 0 : i32
      %dma_wait3A_182 = arith.constant 0 : i32
      %dma_wait3A_183 = tpu.memref_slice %arg9[%dma_wait3A_181, %dma_wait3A_182] : memref<640x64xf32, #tpu.memory_space<vmem>> -> memref<128x64xf32, #tpu.memory_space<vmem>>
      %dma_wait3A_184 = arith.constant 0 : i32
      %dma_wait3A_185 = tpu.memref_slice %arg10[%add3A_9, %dma_wait3A_184] : memref<10240x64xf32, #tpu.memory_space<vmem_shared>> -> memref<128x64xf32, #tpu.memory_space<vmem_shared>>
      %dma_wait3A_186 = arith.constant 0 : i32
      %dma_wait3A_187 = tpu.memref_slice %arg10[%add3A_9, %dma_wait3A_186] : memref<10240x64xf32, #tpu.memory_space<vmem_shared>> -> memref<128x64xf32, #tpu.memory_space<vmem_shared>>
      %dma_wait3A_188 = arith.constant 0 : i32
      %dma_wait3A_189 = arith.constant 0 : i32
      %dma_wait3A_190 = tpu.memref_slice %arg9[%dma_wait3A_188, %dma_wait3A_189] : memref<640x64xf32, #tpu.memory_space<vmem>> -> memref<128x64xf32, #tpu.memory_space<vmem>>
      tpu.wait_dma2 semaphore(%run_scoped3A_170 : memref<!tpu.dma_semaphore, #tpu.memory_space<semaphore_mem>>) src(%dma_wait3A_190 : memref<128x64xf32, #tpu.memory_space<vmem>>) dst(%dma_wait3A_187 : memref<128x64xf32, #tpu.memory_space<vmem_shared>>)
      tpu.yield
    }) : () -> ()
    %mul3A_10 = arith.constant 640 : i32
    %mul3A_11 = arith.muli %arg1, %mul3A_10 : i32
    %add3A_12 = arith.constant 384 : i32
    %add3A_13 = arith.addi %mul3A_11, %add3A_12 : i32
    "tpu.region"() ({
      %run_scoped3A_170 = tpu.sem_alloc : memref<!tpu.dma_semaphore, #tpu.memory_space<semaphore_mem>>
      %dma_start3A_171 = arith.constant 0 : i32
      %dma_start3A_172 = arith.constant 0 : i32
      %dma_start3A_173 = tpu.memref_slice %arg9[%dma_start3A_171, %dma_start3A_172] : memref<640x64xf32, #tpu.memory_space<vmem>> -> memref<128x64xf32, #tpu.memory_space<vmem>>
      %dma_start3A_174 = arith.constant 0 : i32
      %dma_start3A_175 = tpu.memref_slice %arg10[%add3A_13, %dma_start3A_174] : memref<10240x64xf32, #tpu.memory_space<vmem_shared>> -> memref<128x64xf32, #tpu.memory_space<vmem_shared>>
      %dma_start3A_176 = arith.constant 0 : i32
      %dma_start3A_177 = tpu.memref_slice %arg10[%add3A_13, %dma_start3A_176] : memref<10240x64xf32, #tpu.memory_space<vmem_shared>> -> memref<128x64xf32, #tpu.memory_space<vmem_shared>>
      %dma_start3A_178 = arith.constant 0 : i32
      %dma_start3A_179 = arith.constant 0 : i32
      %dma_start3A_180 = tpu.memref_slice %arg9[%dma_start3A_178, %dma_start3A_179] : memref<640x64xf32, #tpu.memory_space<vmem>> -> memref<128x64xf32, #tpu.memory_space<vmem>>
      tpu.enqueue_dma source(%dma_start3A_180 : memref<128x64xf32, #tpu.memory_space<vmem>>) target(%dma_start3A_177 : memref<128x64xf32, #tpu.memory_space<vmem_shared>>) target_semaphore(%run_scoped3A_170 : memref<!tpu.dma_semaphore, #tpu.memory_space<semaphore_mem>>)
      %dma_wait3A_181 = arith.constant 0 : i32
      %dma_wait3A_182 = arith.constant 0 : i32
      %dma_wait3A_183 = tpu.memref_slice %arg9[%dma_wait3A_181, %dma_wait3A_182] : memref<640x64xf32, #tpu.memory_space<vmem>> -> memref<128x64xf32, #tpu.memory_space<vmem>>
      %dma_wait3A_184 = arith.constant 0 : i32
      %dma_wait3A_185 = tpu.memref_slice %arg10[%add3A_13, %dma_wait3A_184] : memref<10240x64xf32, #tpu.memory_space<vmem_shared>> -> memref<128x64xf32, #tpu.memory_space<vmem_shared>>
      %dma_wait3A_186 = arith.constant 0 : i32
      %dma_wait3A_187 = tpu.memref_slice %arg10[%add3A_13, %dma_wait3A_186] : memref<10240x64xf32, #tpu.memory_space<vmem_shared>> -> memref<128x64xf32, #tpu.memory_space<vmem_shared>>
      %dma_wait3A_188 = arith.constant 0 : i32
      %dma_wait3A_189 = arith.constant 0 : i32
      %dma_wait3A_190 = tpu.memref_slice %arg9[%dma_wait3A_188, %dma_wait3A_189] : memref<640x64xf32, #tpu.memory_space<vmem>> -> memref<128x64xf32, #tpu.memory_space<vmem>>
      tpu.wait_dma2 semaphore(%run_scoped3A_170 : memref<!tpu.dma_semaphore, #tpu.memory_space<semaphore_mem>>) src(%dma_wait3A_190 : memref<128x64xf32, #tpu.memory_space<vmem>>) dst(%dma_wait3A_187 : memref<128x64xf32, #tpu.memory_space<vmem_shared>>)
      tpu.yield
    }) : () -> ()
    %mul3A_14 = arith.constant 640 : i32
    %mul3A_15 = arith.muli %arg1, %mul3A_14 : i32
    %add3A_16 = arith.constant 512 : i32
    %add3A_17 = arith.addi %mul3A_15, %add3A_16 : i32
    "tpu.region"() ({
      %run_scoped3A_170 = tpu.sem_alloc : memref<!tpu.dma_semaphore, #tpu.memory_space<semaphore_mem>>
      %dma_start3A_171 = arith.constant 0 : i32
      %dma_start3A_172 = arith.constant 0 : i32
      %dma_start3A_173 = tpu.memref_slice %arg9[%dma_start3A_171, %dma_start3A_172] : memref<640x64xf32, #tpu.memory_space<vmem>> -> memref<128x64xf32, #tpu.memory_space<vmem>>
      %dma_start3A_174 = arith.constant 0 : i32
      %dma_start3A_175 = tpu.memref_slice %arg10[%add3A_17, %dma_start3A_174] : memref<10240x64xf32, #tpu.memory_space<vmem_shared>> -> memref<128x64xf32, #tpu.memory_space<vmem_shared>>
      %dma_start3A_176 = arith.constant 0 : i32
      %dma_start3A_177 = tpu.memref_slice %arg10[%add3A_17, %dma_start3A_176] : memref<10240x64xf32, #tpu.memory_space<vmem_shared>> -> memref<128x64xf32, #tpu.memory_space<vmem_shared>>
      %dma_start3A_178 = arith.constant 0 : i32
      %dma_start3A_179 = arith.constant 0 : i32
      %dma_start3A_180 = tpu.memref_slice %arg9[%dma_start3A_178, %dma_start3A_179] : memref<640x64xf32, #tpu.memory_space<vmem>> -> memref<128x64xf32, #tpu.memory_space<vmem>>
      tpu.enqueue_dma source(%dma_start3A_180 : memref<128x64xf32, #tpu.memory_space<vmem>>) target(%dma_start3A_177 : memref<128x64xf32, #tpu.memory_space<vmem_shared>>) target_semaphore(%run_scoped3A_170 : memref<!tpu.dma_semaphore, #tpu.memory_space<semaphore_mem>>)
      %dma_wait3A_181 = arith.constant 0 : i32
      %dma_wait3A_182 = arith.constant 0 : i32
      %dma_wait3A_183 = tpu.memref_slice %arg9[%dma_wait3A_181, %dma_wait3A_182] : memref<640x64xf32, #tpu.memory_space<vmem>> -> memref<128x64xf32, #tpu.memory_space<vmem>>
      %dma_wait3A_184 = arith.constant 0 : i32
      %dma_wait3A_185 = tpu.memref_slice %arg10[%add3A_17, %dma_wait3A_184] : memref<10240x64xf32, #tpu.memory_space<vmem_shared>> -> memref<128x64xf32, #tpu.memory_space<vmem_shared>>
      %dma_wait3A_186 = arith.constant 0 : i32
      %dma_wait3A_187 = tpu.memref_slice %arg10[%add3A_17, %dma_wait3A_186] : memref<10240x64xf32, #tpu.memory_space<vmem_shared>> -> memref<128x64xf32, #tpu.memory_space<vmem_shared>>
      %dma_wait3A_188 = arith.constant 0 : i32
      %dma_wait3A_189 = arith.constant 0 : i32
      %dma_wait3A_190 = tpu.memref_slice %arg9[%dma_wait3A_188, %dma_wait3A_189] : memref<640x64xf32, #tpu.memory_space<vmem>> -> memref<128x64xf32, #tpu.memory_space<vmem>>
      tpu.wait_dma2 semaphore(%run_scoped3A_170 : memref<!tpu.dma_semaphore, #tpu.memory_space<semaphore_mem>>) src(%dma_wait3A_190 : memref<128x64xf32, #tpu.memory_space<vmem>>) dst(%dma_wait3A_187 : memref<128x64xf32, #tpu.memory_space<vmem_shared>>)
      tpu.yield
    }) : () -> ()
    %barrier3A = arith.constant 0 : index
    tpu.barrier barrier_id(%barrier3A)
    %dma_start3A = arith.constant 0 : i32
    %dma_start3A_18 = arith.constant 0 : i32
    %dma_start3A_19 = arith.constant 0 : i32
    %dma_start3A_20 = tpu.memref_slice %arg9[%dma_start3A_18, %dma_start3A_19] : memref<640x64xf32, #tpu.memory_space<vmem>> -> memref<128x64xf32, #tpu.memory_space<vmem>>
    %dma_start3A_21 = arith.constant 0 : i32
    %dma_start3A_22 = tpu.memref_slice %arg7[%dma_start3A, %dma_start3A_21] : memref<160x128xi32, #tpu.memory_space<vmem>> -> memref<1x128xi32, #tpu.memory_space<vmem>>
    %dma_start3A_23 = tpu.memref_squeeze %dma_start3A_22 : memref<1x128xi32, #tpu.memory_space<vmem>> -> memref<128xi32, #tpu.memory_space<vmem>>
    %dma_start3A_24 = arith.constant 0 : i32
    %dma_start3A_25 = arith.constant 0 : i32
    %dma_start3A_26 = tpu.memref_slice %arg2[%arg0, %dma_start3A_24, %dma_start3A_25] : memref<2x10240x64xf32, #tpu.memory_space<hbm>> -> memref<1x10240x64xf32, #tpu.memory_space<hbm>>
    %dma_start3A_27 = tpu.memref_squeeze %dma_start3A_26 : memref<1x10240x64xf32, #tpu.memory_space<hbm>> -> memref<10240x64xf32, #tpu.memory_space<hbm>>
    %dma_start3A_28 = arith.constant 0 : i32
    %dma_start3A_29 = arith.constant 0 : i32
    %dma_start3A_30 = tpu.memref_slice %dma_start3A_27[%dma_start3A_28, %dma_start3A_29] : memref<10240x64xf32, #tpu.memory_space<hbm>> -> memref<10240x64xf32, #tpu.memory_space<hbm>>
    tpu.enqueue_indirect_dma source(%dma_start3A_30 : memref<10240x64xf32, #tpu.memory_space<hbm>>) target(%dma_start3A_20 : memref<128x64xf32, #tpu.memory_space<vmem>>) offsets(%dma_start3A_23 : memref<128xi32, #tpu.memory_space<vmem>>) semaphore(%arg11 : memref<!tpu.dma_semaphore, #tpu.memory_space<semaphore_mem>>)
    %dma_start3A_31 = arith.constant 1 : i32
    %dma_start3A_32 = arith.constant 128 : i32
    %dma_start3A_33 = arith.constant 0 : i32
    %dma_start3A_34 = tpu.memref_slice %arg9[%dma_start3A_32, %dma_start3A_33] : memref<640x64xf32, #tpu.memory_space<vmem>> -> memref<128x64xf32, #tpu.memory_space<vmem>>
    %dma_start3A_35 = arith.constant 0 : i32
    %dma_start3A_36 = tpu.memref_slice %arg7[%dma_start3A_31, %dma_start3A_35] : memref<160x128xi32, #tpu.memory_space<vmem>> -> memref<1x128xi32, #tpu.memory_space<vmem>>
    %dma_start3A_37 = tpu.memref_squeeze %dma_start3A_36 : memref<1x128xi32, #tpu.memory_space<vmem>> -> memref<128xi32, #tpu.memory_space<vmem>>
    %dma_start3A_38 = arith.constant 0 : i32
    %dma_start3A_39 = arith.constant 0 : i32
    %dma_start3A_40 = tpu.memref_slice %arg2[%arg0, %dma_start3A_38, %dma_start3A_39] : memref<2x10240x64xf32, #tpu.memory_space<hbm>> -> memref<1x10240x64xf32, #tpu.memory_space<hbm>>
    %dma_start3A_41 = tpu.memref_squeeze %dma_start3A_40 : memref<1x10240x64xf32, #tpu.memory_space<hbm>> -> memref<10240x64xf32, #tpu.memory_space<hbm>>
    %dma_start3A_42 = arith.constant 0 : i32
    %dma_start3A_43 = arith.constant 0 : i32
    %dma_start3A_44 = tpu.memref_slice %dma_start3A_41[%dma_start3A_42, %dma_start3A_43] : memref<10240x64xf32, #tpu.memory_space<hbm>> -> memref<10240x64xf32, #tpu.memory_space<hbm>>
    tpu.enqueue_indirect_dma source(%dma_start3A_44 : memref<10240x64xf32, #tpu.memory_space<hbm>>) target(%dma_start3A_34 : memref<128x64xf32, #tpu.memory_space<vmem>>) offsets(%dma_start3A_37 : memref<128xi32, #tpu.memory_space<vmem>>) semaphore(%arg12 : memref<!tpu.dma_semaphore, #tpu.memory_space<semaphore_mem>>)
    %dma_start3A_45 = arith.constant 2 : i32
    %dma_start3A_46 = arith.constant 256 : i32
    %dma_start3A_47 = arith.constant 0 : i32
    %dma_start3A_48 = tpu.memref_slice %arg9[%dma_start3A_46, %dma_start3A_47] : memref<640x64xf32, #tpu.memory_space<vmem>> -> memref<128x64xf32, #tpu.memory_space<vmem>>
    %dma_start3A_49 = arith.constant 0 : i32
    %dma_start3A_50 = tpu.memref_slice %arg7[%dma_start3A_45, %dma_start3A_49] : memref<160x128xi32, #tpu.memory_space<vmem>> -> memref<1x128xi32, #tpu.memory_space<vmem>>
    %dma_start3A_51 = tpu.memref_squeeze %dma_start3A_50 : memref<1x128xi32, #tpu.memory_space<vmem>> -> memref<128xi32, #tpu.memory_space<vmem>>
    %dma_start3A_52 = arith.constant 0 : i32
    %dma_start3A_53 = arith.constant 0 : i32
    %dma_start3A_54 = tpu.memref_slice %arg2[%arg0, %dma_start3A_52, %dma_start3A_53] : memref<2x10240x64xf32, #tpu.memory_space<hbm>> -> memref<1x10240x64xf32, #tpu.memory_space<hbm>>
    %dma_start3A_55 = tpu.memref_squeeze %dma_start3A_54 : memref<1x10240x64xf32, #tpu.memory_space<hbm>> -> memref<10240x64xf32, #tpu.memory_space<hbm>>
    %dma_start3A_56 = arith.constant 0 : i32
    %dma_start3A_57 = arith.constant 0 : i32
    %dma_start3A_58 = tpu.memref_slice %dma_start3A_55[%dma_start3A_56, %dma_start3A_57] : memref<10240x64xf32, #tpu.memory_space<hbm>> -> memref<10240x64xf32, #tpu.memory_space<hbm>>
    tpu.enqueue_indirect_dma source(%dma_start3A_58 : memref<10240x64xf32, #tpu.memory_space<hbm>>) target(%dma_start3A_48 : memref<128x64xf32, #tpu.memory_space<vmem>>) offsets(%dma_start3A_51 : memref<128xi32, #tpu.memory_space<vmem>>) semaphore(%arg13 : memref<!tpu.dma_semaphore, #tpu.memory_space<semaphore_mem>>)
    %dma_start3A_59 = arith.constant 3 : i32
    %dma_start3A_60 = arith.constant 384 : i32
    %dma_start3A_61 = arith.constant 0 : i32
    %dma_start3A_62 = tpu.memref_slice %arg9[%dma_start3A_60, %dma_start3A_61] : memref<640x64xf32, #tpu.memory_space<vmem>> -> memref<128x64xf32, #tpu.memory_space<vmem>>
    %dma_start3A_63 = arith.constant 0 : i32
    %dma_start3A_64 = tpu.memref_slice %arg7[%dma_start3A_59, %dma_start3A_63] : memref<160x128xi32, #tpu.memory_space<vmem>> -> memref<1x128xi32, #tpu.memory_space<vmem>>
    %dma_start3A_65 = tpu.memref_squeeze %dma_start3A_64 : memref<1x128xi32, #tpu.memory_space<vmem>> -> memref<128xi32, #tpu.memory_space<vmem>>
    %dma_start3A_66 = arith.constant 0 : i32
    %dma_start3A_67 = arith.constant 0 : i32
    %dma_start3A_68 = tpu.memref_slice %arg2[%arg0, %dma_start3A_66, %dma_start3A_67] : memref<2x10240x64xf32, #tpu.memory_space<hbm>> -> memref<1x10240x64xf32, #tpu.memory_space<hbm>>
    %dma_start3A_69 = tpu.memref_squeeze %dma_start3A_68 : memref<1x10240x64xf32, #tpu.memory_space<hbm>> -> memref<10240x64xf32, #tpu.memory_space<hbm>>
    %dma_start3A_70 = arith.constant 0 : i32
    %dma_start3A_71 = arith.constant 0 : i32
    %dma_start3A_72 = tpu.memref_slice %dma_start3A_69[%dma_start3A_70, %dma_start3A_71] : memref<10240x64xf32, #tpu.memory_space<hbm>> -> memref<10240x64xf32, #tpu.memory_space<hbm>>
    tpu.enqueue_indirect_dma source(%dma_start3A_72 : memref<10240x64xf32, #tpu.memory_space<hbm>>) target(%dma_start3A_62 : memref<128x64xf32, #tpu.memory_space<vmem>>) offsets(%dma_start3A_65 : memref<128xi32, #tpu.memory_space<vmem>>) semaphore(%arg14 : memref<!tpu.dma_semaphore, #tpu.memory_space<semaphore_mem>>)
    %dma_start3A_73 = arith.constant 4 : i32
    %dma_start3A_74 = arith.constant 512 : i32
    %dma_start3A_75 = arith.constant 0 : i32
    %dma_start3A_76 = tpu.memref_slice %arg9[%dma_start3A_74, %dma_start3A_75] : memref<640x64xf32, #tpu.memory_space<vmem>> -> memref<128x64xf32, #tpu.memory_space<vmem>>
    %dma_start3A_77 = arith.constant 0 : i32
    %dma_start3A_78 = tpu.memref_slice %arg7[%dma_start3A_73, %dma_start3A_77] : memref<160x128xi32, #tpu.memory_space<vmem>> -> memref<1x128xi32, #tpu.memory_space<vmem>>
    %dma_start3A_79 = tpu.memref_squeeze %dma_start3A_78 : memref<1x128xi32, #tpu.memory_space<vmem>> -> memref<128xi32, #tpu.memory_space<vmem>>
    %dma_start3A_80 = arith.constant 0 : i32
    %dma_start3A_81 = arith.constant 0 : i32
    %dma_start3A_82 = tpu.memref_slice %arg2[%arg0, %dma_start3A_80, %dma_start3A_81] : memref<2x10240x64xf32, #tpu.memory_space<hbm>> -> memref<1x10240x64xf32, #tpu.memory_space<hbm>>
    %dma_start3A_83 = tpu.memref_squeeze %dma_start3A_82 : memref<1x10240x64xf32, #tpu.memory_space<hbm>> -> memref<10240x64xf32, #tpu.memory_space<hbm>>
    %dma_start3A_84 = arith.constant 0 : i32
    %dma_start3A_85 = arith.constant 0 : i32
    %dma_start3A_86 = tpu.memref_slice %dma_start3A_83[%dma_start3A_84, %dma_start3A_85] : memref<10240x64xf32, #tpu.memory_space<hbm>> -> memref<10240x64xf32, #tpu.memory_space<hbm>>
    tpu.enqueue_indirect_dma source(%dma_start3A_86 : memref<10240x64xf32, #tpu.memory_space<hbm>>) target(%dma_start3A_76 : memref<128x64xf32, #tpu.memory_space<vmem>>) offsets(%dma_start3A_79 : memref<128xi32, #tpu.memory_space<vmem>>) semaphore(%arg15 : memref<!tpu.dma_semaphore, #tpu.memory_space<semaphore_mem>>)
    %scan3A = arith.constant 0 : i32
    %scan3A_87 = arith.constant 0 : i32
    %scan3A_88 = arith.constant 31 : i32
    %scan3A_89 = arith.addi %scan3A_87, %scan3A_88 : i32
    %scan3A_90 = arith.constant 1 : i32
    scf.for %scan3A_170 = %scan3A_87 to %scan3A_89 step %scan3A_90  : i32 {
      %mul3A_171 = arith.constant 5 : i32
      %mul3A_172 = arith.muli %scan3A_170, %mul3A_171 : i32
      %add3A_173 = arith.constant 0 : i32
      %add3A_174 = arith.addi %mul3A_172, %add3A_173 : i32
      %dma_wait3A_175 = arith.constant 0 : i32
      %dma_wait3A_176 = arith.constant 0 : i32
      %dma_wait3A_177 = tpu.memref_slice %arg9[%dma_wait3A_175, %dma_wait3A_176] : memref<640x64xf32, #tpu.memory_space<vmem>> -> memref<128x64xf32, #tpu.memory_space<vmem>>
      %dma_wait3A_178 = arith.constant 0 : i32
      %dma_wait3A_179 = tpu.memref_slice %arg7[%add3A_174, %dma_wait3A_178] : memref<160x128xi32, #tpu.memory_space<vmem>> -> memref<1x128xi32, #tpu.memory_space<vmem>>
      %dma_wait3A_180 = tpu.memref_squeeze %dma_wait3A_179 : memref<1x128xi32, #tpu.memory_space<vmem>> -> memref<128xi32, #tpu.memory_space<vmem>>
      %dma_wait3A_181 = arith.constant 0 : i32
      %dma_wait3A_182 = arith.constant 0 : i32
      %dma_wait3A_183 = tpu.memref_slice %arg2[%arg0, %dma_wait3A_181, %dma_wait3A_182] : memref<2x10240x64xf32, #tpu.memory_space<hbm>> -> memref<1x10240x64xf32, #tpu.memory_space<hbm>>
      %dma_wait3A_184 = tpu.memref_squeeze %dma_wait3A_183 : memref<1x10240x64xf32, #tpu.memory_space<hbm>> -> memref<10240x64xf32, #tpu.memory_space<hbm>>
      %dma_wait3A_185 = arith.constant 0 : i32
      %dma_wait3A_186 = arith.constant 0 : i32
      %dma_wait3A_187 = tpu.memref_slice %dma_wait3A_184[%dma_wait3A_185, %dma_wait3A_186] : memref<10240x64xf32, #tpu.memory_space<hbm>> -> memref<10240x64xf32, #tpu.memory_space<hbm>>
      tpu.wait_indirect_dma semaphore(%arg11 : memref<!tpu.dma_semaphore, #tpu.memory_space<semaphore_mem>>) src(%dma_wait3A_187 : memref<10240x64xf32, #tpu.memory_space<hbm>>) dst(%dma_wait3A_177 : memref<128x64xf32, #tpu.memory_space<vmem>>)
      "tpu.region"() ({
        %run_scoped3A_323 = tpu.sem_alloc : memref<!tpu.dma_semaphore, #tpu.memory_space<semaphore_mem>>
        %dma_start3A_324 = arith.constant 0 : i32
        %dma_start3A_325 = arith.constant 0 : i32
        %dma_start3A_326 = tpu.memref_slice %arg9[%dma_start3A_324, %dma_start3A_325] : memref<640x64xf32, #tpu.memory_space<vmem>> -> memref<128x64xf32, #tpu.memory_space<vmem>>
        %dma_start3A_327 = arith.constant 0 : i32
        %dma_start3A_328 = tpu.memref_slice %arg8[%add3A_174, %dma_start3A_327] : memref<160x128xi32, #tpu.memory_space<vmem>> -> memref<1x128xi32, #tpu.memory_space<vmem>>
        %dma_start3A_329 = tpu.memref_squeeze %dma_start3A_328 : memref<1x128xi32, #tpu.memory_space<vmem>> -> memref<128xi32, #tpu.memory_space<vmem>>
        %dma_start3A_330 = arith.constant 0 : i32
        %dma_start3A_331 = arith.constant 0 : i32
        %dma_start3A_332 = tpu.memref_slice %arg10[%dma_start3A_330, %dma_start3A_331] : memref<10240x64xf32, #tpu.memory_space<vmem_shared>> -> memref<10240x64xf32, #tpu.memory_space<vmem_shared>>
        tpu.enqueue_indirect_dma source(%dma_start3A_326 : memref<128x64xf32, #tpu.memory_space<vmem>>) target(%dma_start3A_332 : memref<10240x64xf32, #tpu.memory_space<vmem_shared>>) offsets(%dma_start3A_329 : memref<128xi32, #tpu.memory_space<vmem>>) semaphore(%run_scoped3A_323 : memref<!tpu.dma_semaphore, #tpu.memory_space<semaphore_mem>>) {add = true}
        %dma_wait3A_333 = arith.constant 0 : i32
        %dma_wait3A_334 = arith.constant 0 : i32
        %dma_wait3A_335 = tpu.memref_slice %arg9[%dma_wait3A_333, %dma_wait3A_334] : memref<640x64xf32, #tpu.memory_space<vmem>> -> memref<128x64xf32, #tpu.memory_space<vmem>>
        %dma_wait3A_336 = arith.constant 0 : i32
        %dma_wait3A_337 = tpu.memref_slice %arg8[%add3A_174, %dma_wait3A_336] : memref<160x128xi32, #tpu.memory_space<vmem>> -> memref<1x128xi32, #tpu.memory_space<vmem>>
        %dma_wait3A_338 = tpu.memref_squeeze %dma_wait3A_337 : memref<1x128xi32, #tpu.memory_space<vmem>> -> memref<128xi32, #tpu.memory_space<vmem>>
        %dma_wait3A_339 = arith.constant 0 : i32
        %dma_wait3A_340 = arith.constant 0 : i32
        %dma_wait3A_341 = tpu.memref_slice %arg10[%dma_wait3A_339, %dma_wait3A_340] : memref<10240x64xf32, #tpu.memory_space<vmem_shared>> -> memref<10240x64xf32, #tpu.memory_space<vmem_shared>>
        tpu.wait_indirect_dma semaphore(%run_scoped3A_323 : memref<!tpu.dma_semaphore, #tpu.memory_space<semaphore_mem>>) src(%dma_wait3A_335 : memref<128x64xf32, #tpu.memory_space<vmem>>) dst(%dma_wait3A_341 : memref<10240x64xf32, #tpu.memory_space<vmem_shared>>)
        tpu.yield
      }) : () -> ()
      %add3A_188 = arith.constant 5 : i32
      %add3A_189 = arith.addi %add3A_174, %add3A_188 : i32
      %dma_start3A_190 = arith.constant 0 : i32
      %dma_start3A_191 = arith.constant 0 : i32
      %dma_start3A_192 = tpu.memref_slice %arg9[%dma_start3A_190, %dma_start3A_191] : memref<640x64xf32, #tpu.memory_space<vmem>> -> memref<128x64xf32, #tpu.memory_space<vmem>>
      %dma_start3A_193 = arith.constant 0 : i32
      %dma_start3A_194 = tpu.memref_slice %arg7[%add3A_189, %dma_start3A_193] : memref<160x128xi32, #tpu.memory_space<vmem>> -> memref<1x128xi32, #tpu.memory_space<vmem>>
      %dma_start3A_195 = tpu.memref_squeeze %dma_start3A_194 : memref<1x128xi32, #tpu.memory_space<vmem>> -> memref<128xi32, #tpu.memory_space<vmem>>
      %dma_start3A_196 = arith.constant 0 : i32
      %dma_start3A_197 = arith.constant 0 : i32
      %dma_start3A_198 = tpu.memref_slice %arg2[%arg0, %dma_start3A_196, %dma_start3A_197] : memref<2x10240x64xf32, #tpu.memory_space<hbm>> -> memref<1x10240x64xf32, #tpu.memory_space<hbm>>
      %dma_start3A_199 = tpu.memref_squeeze %dma_start3A_198 : memref<1x10240x64xf32, #tpu.memory_space<hbm>> -> memref<10240x64xf32, #tpu.memory_space<hbm>>
      %dma_start3A_200 = arith.constant 0 : i32
      %dma_start3A_201 = arith.constant 0 : i32
      %dma_start3A_202 = tpu.memref_slice %dma_start3A_199[%dma_start3A_200, %dma_start3A_201] : memref<10240x64xf32, #tpu.memory_space<hbm>> -> memref<10240x64xf32, #tpu.memory_space<hbm>>
      tpu.enqueue_indirect_dma source(%dma_start3A_202 : memref<10240x64xf32, #tpu.memory_space<hbm>>) target(%dma_start3A_192 : memref<128x64xf32, #tpu.memory_space<vmem>>) offsets(%dma_start3A_195 : memref<128xi32, #tpu.memory_space<vmem>>) semaphore(%arg11 : memref<!tpu.dma_semaphore, #tpu.memory_space<semaphore_mem>>)
      %add3A_203 = arith.constant 1 : i32
      %add3A_204 = arith.addi %mul3A_172, %add3A_203 : i32
      %dma_wait3A_205 = arith.constant 128 : i32
      %dma_wait3A_206 = arith.constant 0 : i32
      %dma_wait3A_207 = tpu.memref_slice %arg9[%dma_wait3A_205, %dma_wait3A_206] : memref<640x64xf32, #tpu.memory_space<vmem>> -> memref<128x64xf32, #tpu.memory_space<vmem>>
      %dma_wait3A_208 = arith.constant 0 : i32
      %dma_wait3A_209 = tpu.memref_slice %arg7[%add3A_204, %dma_wait3A_208] : memref<160x128xi32, #tpu.memory_space<vmem>> -> memref<1x128xi32, #tpu.memory_space<vmem>>
      %dma_wait3A_210 = tpu.memref_squeeze %dma_wait3A_209 : memref<1x128xi32, #tpu.memory_space<vmem>> -> memref<128xi32, #tpu.memory_space<vmem>>
      %dma_wait3A_211 = arith.constant 0 : i32
      %dma_wait3A_212 = arith.constant 0 : i32
      %dma_wait3A_213 = tpu.memref_slice %arg2[%arg0, %dma_wait3A_211, %dma_wait3A_212] : memref<2x10240x64xf32, #tpu.memory_space<hbm>> -> memref<1x10240x64xf32, #tpu.memory_space<hbm>>
      %dma_wait3A_214 = tpu.memref_squeeze %dma_wait3A_213 : memref<1x10240x64xf32, #tpu.memory_space<hbm>> -> memref<10240x64xf32, #tpu.memory_space<hbm>>
      %dma_wait3A_215 = arith.constant 0 : i32
      %dma_wait3A_216 = arith.constant 0 : i32
      %dma_wait3A_217 = tpu.memref_slice %dma_wait3A_214[%dma_wait3A_215, %dma_wait3A_216] : memref<10240x64xf32, #tpu.memory_space<hbm>> -> memref<10240x64xf32, #tpu.memory_space<hbm>>
      tpu.wait_indirect_dma semaphore(%arg12 : memref<!tpu.dma_semaphore, #tpu.memory_space<semaphore_mem>>) src(%dma_wait3A_217 : memref<10240x64xf32, #tpu.memory_space<hbm>>) dst(%dma_wait3A_207 : memref<128x64xf32, #tpu.memory_space<vmem>>)
      "tpu.region"() ({
        %run_scoped3A_323 = tpu.sem_alloc : memref<!tpu.dma_semaphore, #tpu.memory_space<semaphore_mem>>
        %dma_start3A_324 = arith.constant 128 : i32
        %dma_start3A_325 = arith.constant 0 : i32
        %dma_start3A_326 = tpu.memref_slice %arg9[%dma_start3A_324, %dma_start3A_325] : memref<640x64xf32, #tpu.memory_space<vmem>> -> memref<128x64xf32, #tpu.memory_space<vmem>>
        %dma_start3A_327 = arith.constant 0 : i32
        %dma_start3A_328 = tpu.memref_slice %arg8[%add3A_204, %dma_start3A_327] : memref<160x128xi32, #tpu.memory_space<vmem>> -> memref<1x128xi32, #tpu.memory_space<vmem>>
        %dma_start3A_329 = tpu.memref_squeeze %dma_start3A_328 : memref<1x128xi32, #tpu.memory_space<vmem>> -> memref<128xi32, #tpu.memory_space<vmem>>
        %dma_start3A_330 = arith.constant 0 : i32
        %dma_start3A_331 = arith.constant 0 : i32
        %dma_start3A_332 = tpu.memref_slice %arg10[%dma_start3A_330, %dma_start3A_331] : memref<10240x64xf32, #tpu.memory_space<vmem_shared>> -> memref<10240x64xf32, #tpu.memory_space<vmem_shared>>
        tpu.enqueue_indirect_dma source(%dma_start3A_326 : memref<128x64xf32, #tpu.memory_space<vmem>>) target(%dma_start3A_332 : memref<10240x64xf32, #tpu.memory_space<vmem_shared>>) offsets(%dma_start3A_329 : memref<128xi32, #tpu.memory_space<vmem>>) semaphore(%run_scoped3A_323 : memref<!tpu.dma_semaphore, #tpu.memory_space<semaphore_mem>>) {add = true}
        %dma_wait3A_333 = arith.constant 128 : i32
        %dma_wait3A_334 = arith.constant 0 : i32
        %dma_wait3A_335 = tpu.memref_slice %arg9[%dma_wait3A_333, %dma_wait3A_334] : memref<640x64xf32, #tpu.memory_space<vmem>> -> memref<128x64xf32, #tpu.memory_space<vmem>>
        %dma_wait3A_336 = arith.constant 0 : i32
        %dma_wait3A_337 = tpu.memref_slice %arg8[%add3A_204, %dma_wait3A_336] : memref<160x128xi32, #tpu.memory_space<vmem>> -> memref<1x128xi32, #tpu.memory_space<vmem>>
        %dma_wait3A_338 = tpu.memref_squeeze %dma_wait3A_337 : memref<1x128xi32, #tpu.memory_space<vmem>> -> memref<128xi32, #tpu.memory_space<vmem>>
        %dma_wait3A_339 = arith.constant 0 : i32
        %dma_wait3A_340 = arith.constant 0 : i32
        %dma_wait3A_341 = tpu.memref_slice %arg10[%dma_wait3A_339, %dma_wait3A_340] : memref<10240x64xf32, #tpu.memory_space<vmem_shared>> -> memref<10240x64xf32, #tpu.memory_space<vmem_shared>>
        tpu.wait_indirect_dma semaphore(%run_scoped3A_323 : memref<!tpu.dma_semaphore, #tpu.memory_space<semaphore_mem>>) src(%dma_wait3A_335 : memref<128x64xf32, #tpu.memory_space<vmem>>) dst(%dma_wait3A_341 : memref<10240x64xf32, #tpu.memory_space<vmem_shared>>)
        tpu.yield
      }) : () -> ()
      %add3A_218 = arith.constant 5 : i32
      %add3A_219 = arith.addi %add3A_204, %add3A_218 : i32
      %dma_start3A_220 = arith.constant 128 : i32
      %dma_start3A_221 = arith.constant 0 : i32
      %dma_start3A_222 = tpu.memref_slice %arg9[%dma_start3A_220, %dma_start3A_221] : memref<640x64xf32, #tpu.memory_space<vmem>> -> memref<128x64xf32, #tpu.memory_space<vmem>>
      %dma_start3A_223 = arith.constant 0 : i32
      %dma_start3A_224 = tpu.memref_slice %arg7[%add3A_219, %dma_start3A_223] : memref<160x128xi32, #tpu.memory_space<vmem>> -> memref<1x128xi32, #tpu.memory_space<vmem>>
      %dma_start3A_225 = tpu.memref_squeeze %dma_start3A_224 : memref<1x128xi32, #tpu.memory_space<vmem>> -> memref<128xi32, #tpu.memory_space<vmem>>
      %dma_start3A_226 = arith.constant 0 : i32
      %dma_start3A_227 = arith.constant 0 : i32
      %dma_start3A_228 = tpu.memref_slice %arg2[%arg0, %dma_start3A_226, %dma_start3A_227] : memref<2x10240x64xf32, #tpu.memory_space<hbm>> -> memref<1x10240x64xf32, #tpu.memory_space<hbm>>
      %dma_start3A_229 = tpu.memref_squeeze %dma_start3A_228 : memref<1x10240x64xf32, #tpu.memory_space<hbm>> -> memref<10240x64xf32, #tpu.memory_space<hbm>>
      %dma_start3A_230 = arith.constant 0 : i32
      %dma_start3A_231 = arith.constant 0 : i32
      %dma_start3A_232 = tpu.memref_slice %dma_start3A_229[%dma_start3A_230, %dma_start3A_231] : memref<10240x64xf32, #tpu.memory_space<hbm>> -> memref<10240x64xf32, #tpu.memory_space<hbm>>
      tpu.enqueue_indirect_dma source(%dma_start3A_232 : memref<10240x64xf32, #tpu.memory_space<hbm>>) target(%dma_start3A_222 : memref<128x64xf32, #tpu.memory_space<vmem>>) offsets(%dma_start3A_225 : memref<128xi32, #tpu.memory_space<vmem>>) semaphore(%arg12 : memref<!tpu.dma_semaphore, #tpu.memory_space<semaphore_mem>>)
      %add3A_233 = arith.constant 2 : i32
      %add3A_234 = arith.addi %mul3A_172, %add3A_233 : i32
      %dma_wait3A_235 = arith.constant 256 : i32
      %dma_wait3A_236 = arith.constant 0 : i32
      %dma_wait3A_237 = tpu.memref_slice %arg9[%dma_wait3A_235, %dma_wait3A_236] : memref<640x64xf32, #tpu.memory_space<vmem>> -> memref<128x64xf32, #tpu.memory_space<vmem>>
      %dma_wait3A_238 = arith.constant 0 : i32
      %dma_wait3A_239 = tpu.memref_slice %arg7[%add3A_234, %dma_wait3A_238] : memref<160x128xi32, #tpu.memory_space<vmem>> -> memref<1x128xi32, #tpu.memory_space<vmem>>
      %dma_wait3A_240 = tpu.memref_squeeze %dma_wait3A_239 : memref<1x128xi32, #tpu.memory_space<vmem>> -> memref<128xi32, #tpu.memory_space<vmem>>
      %dma_wait3A_241 = arith.constant 0 : i32
      %dma_wait3A_242 = arith.constant 0 : i32
      %dma_wait3A_243 = tpu.memref_slice %arg2[%arg0, %dma_wait3A_241, %dma_wait3A_242] : memref<2x10240x64xf32, #tpu.memory_space<hbm>> -> memref<1x10240x64xf32, #tpu.memory_space<hbm>>
      %dma_wait3A_244 = tpu.memref_squeeze %dma_wait3A_243 : memref<1x10240x64xf32, #tpu.memory_space<hbm>> -> memref<10240x64xf32, #tpu.memory_space<hbm>>
      %dma_wait3A_245 = arith.constant 0 : i32
      %dma_wait3A_246 = arith.constant 0 : i32
      %dma_wait3A_247 = tpu.memref_slice %dma_wait3A_244[%dma_wait3A_245, %dma_wait3A_246] : memref<10240x64xf32, #tpu.memory_space<hbm>> -> memref<10240x64xf32, #tpu.memory_space<hbm>>
      tpu.wait_indirect_dma semaphore(%arg13 : memref<!tpu.dma_semaphore, #tpu.memory_space<semaphore_mem>>) src(%dma_wait3A_247 : memref<10240x64xf32, #tpu.memory_space<hbm>>) dst(%dma_wait3A_237 : memref<128x64xf32, #tpu.memory_space<vmem>>)
      "tpu.region"() ({
        %run_scoped3A_323 = tpu.sem_alloc : memref<!tpu.dma_semaphore, #tpu.memory_space<semaphore_mem>>
        %dma_start3A_324 = arith.constant 256 : i32
        %dma_start3A_325 = arith.constant 0 : i32
        %dma_start3A_326 = tpu.memref_slice %arg9[%dma_start3A_324, %dma_start3A_325] : memref<640x64xf32, #tpu.memory_space<vmem>> -> memref<128x64xf32, #tpu.memory_space<vmem>>
        %dma_start3A_327 = arith.constant 0 : i32
        %dma_start3A_328 = tpu.memref_slice %arg8[%add3A_234, %dma_start3A_327] : memref<160x128xi32, #tpu.memory_space<vmem>> -> memref<1x128xi32, #tpu.memory_space<vmem>>
        %dma_start3A_329 = tpu.memref_squeeze %dma_start3A_328 : memref<1x128xi32, #tpu.memory_space<vmem>> -> memref<128xi32, #tpu.memory_space<vmem>>
        %dma_start3A_330 = arith.constant 0 : i32
        %dma_start3A_331 = arith.constant 0 : i32
        %dma_start3A_332 = tpu.memref_slice %arg10[%dma_start3A_330, %dma_start3A_331] : memref<10240x64xf32, #tpu.memory_space<vmem_shared>> -> memref<10240x64xf32, #tpu.memory_space<vmem_shared>>
        tpu.enqueue_indirect_dma source(%dma_start3A_326 : memref<128x64xf32, #tpu.memory_space<vmem>>) target(%dma_start3A_332 : memref<10240x64xf32, #tpu.memory_space<vmem_shared>>) offsets(%dma_start3A_329 : memref<128xi32, #tpu.memory_space<vmem>>) semaphore(%run_scoped3A_323 : memref<!tpu.dma_semaphore, #tpu.memory_space<semaphore_mem>>) {add = true}
        %dma_wait3A_333 = arith.constant 256 : i32
        %dma_wait3A_334 = arith.constant 0 : i32
        %dma_wait3A_335 = tpu.memref_slice %arg9[%dma_wait3A_333, %dma_wait3A_334] : memref<640x64xf32, #tpu.memory_space<vmem>> -> memref<128x64xf32, #tpu.memory_space<vmem>>
        %dma_wait3A_336 = arith.constant 0 : i32
        %dma_wait3A_337 = tpu.memref_slice %arg8[%add3A_234, %dma_wait3A_336] : memref<160x128xi32, #tpu.memory_space<vmem>> -> memref<1x128xi32, #tpu.memory_space<vmem>>
        %dma_wait3A_338 = tpu.memref_squeeze %dma_wait3A_337 : memref<1x128xi32, #tpu.memory_space<vmem>> -> memref<128xi32, #tpu.memory_space<vmem>>
        %dma_wait3A_339 = arith.constant 0 : i32
        %dma_wait3A_340 = arith.constant 0 : i32
        %dma_wait3A_341 = tpu.memref_slice %arg10[%dma_wait3A_339, %dma_wait3A_340] : memref<10240x64xf32, #tpu.memory_space<vmem_shared>> -> memref<10240x64xf32, #tpu.memory_space<vmem_shared>>
        tpu.wait_indirect_dma semaphore(%run_scoped3A_323 : memref<!tpu.dma_semaphore, #tpu.memory_space<semaphore_mem>>) src(%dma_wait3A_335 : memref<128x64xf32, #tpu.memory_space<vmem>>) dst(%dma_wait3A_341 : memref<10240x64xf32, #tpu.memory_space<vmem_shared>>)
        tpu.yield
      }) : () -> ()
      %add3A_248 = arith.constant 5 : i32
      %add3A_249 = arith.addi %add3A_234, %add3A_248 : i32
      %dma_start3A_250 = arith.constant 256 : i32
      %dma_start3A_251 = arith.constant 0 : i32
      %dma_start3A_252 = tpu.memref_slice %arg9[%dma_start3A_250, %dma_start3A_251] : memref<640x64xf32, #tpu.memory_space<vmem>> -> memref<128x64xf32, #tpu.memory_space<vmem>>
      %dma_start3A_253 = arith.constant 0 : i32
      %dma_start3A_254 = tpu.memref_slice %arg7[%add3A_249, %dma_start3A_253] : memref<160x128xi32, #tpu.memory_space<vmem>> -> memref<1x128xi32, #tpu.memory_space<vmem>>
      %dma_start3A_255 = tpu.memref_squeeze %dma_start3A_254 : memref<1x128xi32, #tpu.memory_space<vmem>> -> memref<128xi32, #tpu.memory_space<vmem>>
      %dma_start3A_256 = arith.constant 0 : i32
      %dma_start3A_257 = arith.constant 0 : i32
      %dma_start3A_258 = tpu.memref_slice %arg2[%arg0, %dma_start3A_256, %dma_start3A_257] : memref<2x10240x64xf32, #tpu.memory_space<hbm>> -> memref<1x10240x64xf32, #tpu.memory_space<hbm>>
      %dma_start3A_259 = tpu.memref_squeeze %dma_start3A_258 : memref<1x10240x64xf32, #tpu.memory_space<hbm>> -> memref<10240x64xf32, #tpu.memory_space<hbm>>
      %dma_start3A_260 = arith.constant 0 : i32
      %dma_start3A_261 = arith.constant 0 : i32
      %dma_start3A_262 = tpu.memref_slice %dma_start3A_259[%dma_start3A_260, %dma_start3A_261] : memref<10240x64xf32, #tpu.memory_space<hbm>> -> memref<10240x64xf32, #tpu.memory_space<hbm>>
      tpu.enqueue_indirect_dma source(%dma_start3A_262 : memref<10240x64xf32, #tpu.memory_space<hbm>>) target(%dma_start3A_252 : memref<128x64xf32, #tpu.memory_space<vmem>>) offsets(%dma_start3A_255 : memref<128xi32, #tpu.memory_space<vmem>>) semaphore(%arg13 : memref<!tpu.dma_semaphore, #tpu.memory_space<semaphore_mem>>)
      %add3A_263 = arith.constant 3 : i32
      %add3A_264 = arith.addi %mul3A_172, %add3A_263 : i32
      %dma_wait3A_265 = arith.constant 384 : i32
      %dma_wait3A_266 = arith.constant 0 : i32
      %dma_wait3A_267 = tpu.memref_slice %arg9[%dma_wait3A_265, %dma_wait3A_266] : memref<640x64xf32, #tpu.memory_space<vmem>> -> memref<128x64xf32, #tpu.memory_space<vmem>>
      %dma_wait3A_268 = arith.constant 0 : i32
      %dma_wait3A_269 = tpu.memref_slice %arg7[%add3A_264, %dma_wait3A_268] : memref<160x128xi32, #tpu.memory_space<vmem>> -> memref<1x128xi32, #tpu.memory_space<vmem>>
      %dma_wait3A_270 = tpu.memref_squeeze %dma_wait3A_269 : memref<1x128xi32, #tpu.memory_space<vmem>> -> memref<128xi32, #tpu.memory_space<vmem>>
      %dma_wait3A_271 = arith.constant 0 : i32
      %dma_wait3A_272 = arith.constant 0 : i32
      %dma_wait3A_273 = tpu.memref_slice %arg2[%arg0, %dma_wait3A_271, %dma_wait3A_272] : memref<2x10240x64xf32, #tpu.memory_space<hbm>> -> memref<1x10240x64xf32, #tpu.memory_space<hbm>>
      %dma_wait3A_274 = tpu.memref_squeeze %dma_wait3A_273 : memref<1x10240x64xf32, #tpu.memory_space<hbm>> -> memref<10240x64xf32, #tpu.memory_space<hbm>>
      %dma_wait3A_275 = arith.constant 0 : i32
      %dma_wait3A_276 = arith.constant 0 : i32
      %dma_wait3A_277 = tpu.memref_slice %dma_wait3A_274[%dma_wait3A_275, %dma_wait3A_276] : memref<10240x64xf32, #tpu.memory_space<hbm>> -> memref<10240x64xf32, #tpu.memory_space<hbm>>
      tpu.wait_indirect_dma semaphore(%arg14 : memref<!tpu.dma_semaphore, #tpu.memory_space<semaphore_mem>>) src(%dma_wait3A_277 : memref<10240x64xf32, #tpu.memory_space<hbm>>) dst(%dma_wait3A_267 : memref<128x64xf32, #tpu.memory_space<vmem>>)
      "tpu.region"() ({
        %run_scoped3A_323 = tpu.sem_alloc : memref<!tpu.dma_semaphore, #tpu.memory_space<semaphore_mem>>
        %dma_start3A_324 = arith.constant 384 : i32
        %dma_start3A_325 = arith.constant 0 : i32
        %dma_start3A_326 = tpu.memref_slice %arg9[%dma_start3A_324, %dma_start3A_325] : memref<640x64xf32, #tpu.memory_space<vmem>> -> memref<128x64xf32, #tpu.memory_space<vmem>>
        %dma_start3A_327 = arith.constant 0 : i32
        %dma_start3A_328 = tpu.memref_slice %arg8[%add3A_264, %dma_start3A_327] : memref<160x128xi32, #tpu.memory_space<vmem>> -> memref<1x128xi32, #tpu.memory_space<vmem>>
        %dma_start3A_329 = tpu.memref_squeeze %dma_start3A_328 : memref<1x128xi32, #tpu.memory_space<vmem>> -> memref<128xi32, #tpu.memory_space<vmem>>
        %dma_start3A_330 = arith.constant 0 : i32
        %dma_start3A_331 = arith.constant 0 : i32
        %dma_start3A_332 = tpu.memref_slice %arg10[%dma_start3A_330, %dma_start3A_331] : memref<10240x64xf32, #tpu.memory_space<vmem_shared>> -> memref<10240x64xf32, #tpu.memory_space<vmem_shared>>
        tpu.enqueue_indirect_dma source(%dma_start3A_326 : memref<128x64xf32, #tpu.memory_space<vmem>>) target(%dma_start3A_332 : memref<10240x64xf32, #tpu.memory_space<vmem_shared>>) offsets(%dma_start3A_329 : memref<128xi32, #tpu.memory_space<vmem>>) semaphore(%run_scoped3A_323 : memref<!tpu.dma_semaphore, #tpu.memory_space<semaphore_mem>>) {add = true}
        %dma_wait3A_333 = arith.constant 384 : i32
        %dma_wait3A_334 = arith.constant 0 : i32
        %dma_wait3A_335 = tpu.memref_slice %arg9[%dma_wait3A_333, %dma_wait3A_334] : memref<640x64xf32, #tpu.memory_space<vmem>> -> memref<128x64xf32, #tpu.memory_space<vmem>>
        %dma_wait3A_336 = arith.constant 0 : i32
        %dma_wait3A_337 = tpu.memref_slice %arg8[%add3A_264, %dma_wait3A_336] : memref<160x128xi32, #tpu.memory_space<vmem>> -> memref<1x128xi32, #tpu.memory_space<vmem>>
        %dma_wait3A_338 = tpu.memref_squeeze %dma_wait3A_337 : memref<1x128xi32, #tpu.memory_space<vmem>> -> memref<128xi32, #tpu.memory_space<vmem>>
        %dma_wait3A_339 = arith.constant 0 : i32
        %dma_wait3A_340 = arith.constant 0 : i32
        %dma_wait3A_341 = tpu.memref_slice %arg10[%dma_wait3A_339, %dma_wait3A_340] : memref<10240x64xf32, #tpu.memory_space<vmem_shared>> -> memref<10240x64xf32, #tpu.memory_space<vmem_shared>>
        tpu.wait_indirect_dma semaphore(%run_scoped3A_323 : memref<!tpu.dma_semaphore, #tpu.memory_space<semaphore_mem>>) src(%dma_wait3A_335 : memref<128x64xf32, #tpu.memory_space<vmem>>) dst(%dma_wait3A_341 : memref<10240x64xf32, #tpu.memory_space<vmem_shared>>)
        tpu.yield
      }) : () -> ()
      %add3A_278 = arith.constant 5 : i32
      %add3A_279 = arith.addi %add3A_264, %add3A_278 : i32
      %dma_start3A_280 = arith.constant 384 : i32
      %dma_start3A_281 = arith.constant 0 : i32
      %dma_start3A_282 = tpu.memref_slice %arg9[%dma_start3A_280, %dma_start3A_281] : memref<640x64xf32, #tpu.memory_space<vmem>> -> memref<128x64xf32, #tpu.memory_space<vmem>>
      %dma_start3A_283 = arith.constant 0 : i32
      %dma_start3A_284 = tpu.memref_slice %arg7[%add3A_279, %dma_start3A_283] : memref<160x128xi32, #tpu.memory_space<vmem>> -> memref<1x128xi32, #tpu.memory_space<vmem>>
      %dma_start3A_285 = tpu.memref_squeeze %dma_start3A_284 : memref<1x128xi32, #tpu.memory_space<vmem>> -> memref<128xi32, #tpu.memory_space<vmem>>
      %dma_start3A_286 = arith.constant 0 : i32
      %dma_start3A_287 = arith.constant 0 : i32
      %dma_start3A_288 = tpu.memref_slice %arg2[%arg0, %dma_start3A_286, %dma_start3A_287] : memref<2x10240x64xf32, #tpu.memory_space<hbm>> -> memref<1x10240x64xf32, #tpu.memory_space<hbm>>
      %dma_start3A_289 = tpu.memref_squeeze %dma_start3A_288 : memref<1x10240x64xf32, #tpu.memory_space<hbm>> -> memref<10240x64xf32, #tpu.memory_space<hbm>>
      %dma_start3A_290 = arith.constant 0 : i32
      %dma_start3A_291 = arith.constant 0 : i32
      %dma_start3A_292 = tpu.memref_slice %dma_start3A_289[%dma_start3A_290, %dma_start3A_291] : memref<10240x64xf32, #tpu.memory_space<hbm>> -> memref<10240x64xf32, #tpu.memory_space<hbm>>
      tpu.enqueue_indirect_dma source(%dma_start3A_292 : memref<10240x64xf32, #tpu.memory_space<hbm>>) target(%dma_start3A_282 : memref<128x64xf32, #tpu.memory_space<vmem>>) offsets(%dma_start3A_285 : memref<128xi32, #tpu.memory_space<vmem>>) semaphore(%arg14 : memref<!tpu.dma_semaphore, #tpu.memory_space<semaphore_mem>>)
      %add3A_293 = arith.constant 4 : i32
      %add3A_294 = arith.addi %mul3A_172, %add3A_293 : i32
      %dma_wait3A_295 = arith.constant 512 : i32
      %dma_wait3A_296 = arith.constant 0 : i32
      %dma_wait3A_297 = tpu.memref_slice %arg9[%dma_wait3A_295, %dma_wait3A_296] : memref<640x64xf32, #tpu.memory_space<vmem>> -> memref<128x64xf32, #tpu.memory_space<vmem>>
      %dma_wait3A_298 = arith.constant 0 : i32
      %dma_wait3A_299 = tpu.memref_slice %arg7[%add3A_294, %dma_wait3A_298] : memref<160x128xi32, #tpu.memory_space<vmem>> -> memref<1x128xi32, #tpu.memory_space<vmem>>
      %dma_wait3A_300 = tpu.memref_squeeze %dma_wait3A_299 : memref<1x128xi32, #tpu.memory_space<vmem>> -> memref<128xi32, #tpu.memory_space<vmem>>
      %dma_wait3A_301 = arith.constant 0 : i32
      %dma_wait3A_302 = arith.constant 0 : i32
      %dma_wait3A_303 = tpu.memref_slice %arg2[%arg0, %dma_wait3A_301, %dma_wait3A_302] : memref<2x10240x64xf32, #tpu.memory_space<hbm>> -> memref<1x10240x64xf32, #tpu.memory_space<hbm>>
      %dma_wait3A_304 = tpu.memref_squeeze %dma_wait3A_303 : memref<1x10240x64xf32, #tpu.memory_space<hbm>> -> memref<10240x64xf32, #tpu.memory_space<hbm>>
      %dma_wait3A_305 = arith.constant 0 : i32
      %dma_wait3A_306 = arith.constant 0 : i32
      %dma_wait3A_307 = tpu.memref_slice %dma_wait3A_304[%dma_wait3A_305, %dma_wait3A_306] : memref<10240x64xf32, #tpu.memory_space<hbm>> -> memref<10240x64xf32, #tpu.memory_space<hbm>>
      tpu.wait_indirect_dma semaphore(%arg15 : memref<!tpu.dma_semaphore, #tpu.memory_space<semaphore_mem>>) src(%dma_wait3A_307 : memref<10240x64xf32, #tpu.memory_space<hbm>>) dst(%dma_wait3A_297 : memref<128x64xf32, #tpu.memory_space<vmem>>)
      "tpu.region"() ({
        %run_scoped3A_323 = tpu.sem_alloc : memref<!tpu.dma_semaphore, #tpu.memory_space<semaphore_mem>>
        %dma_start3A_324 = arith.constant 512 : i32
        %dma_start3A_325 = arith.constant 0 : i32
        %dma_start3A_326 = tpu.memref_slice %arg9[%dma_start3A_324, %dma_start3A_325] : memref<640x64xf32, #tpu.memory_space<vmem>> -> memref<128x64xf32, #tpu.memory_space<vmem>>
        %dma_start3A_327 = arith.constant 0 : i32
        %dma_start3A_328 = tpu.memref_slice %arg8[%add3A_294, %dma_start3A_327] : memref<160x128xi32, #tpu.memory_space<vmem>> -> memref<1x128xi32, #tpu.memory_space<vmem>>
        %dma_start3A_329 = tpu.memref_squeeze %dma_start3A_328 : memref<1x128xi32, #tpu.memory_space<vmem>> -> memref<128xi32, #tpu.memory_space<vmem>>
        %dma_start3A_330 = arith.constant 0 : i32
        %dma_start3A_331 = arith.constant 0 : i32
        %dma_start3A_332 = tpu.memref_slice %arg10[%dma_start3A_330, %dma_start3A_331] : memref<10240x64xf32, #tpu.memory_space<vmem_shared>> -> memref<10240x64xf32, #tpu.memory_space<vmem_shared>>
        tpu.enqueue_indirect_dma source(%dma_start3A_326 : memref<128x64xf32, #tpu.memory_space<vmem>>) target(%dma_start3A_332 : memref<10240x64xf32, #tpu.memory_space<vmem_shared>>) offsets(%dma_start3A_329 : memref<128xi32, #tpu.memory_space<vmem>>) semaphore(%run_scoped3A_323 : memref<!tpu.dma_semaphore, #tpu.memory_space<semaphore_mem>>) {add = true}
        %dma_wait3A_333 = arith.constant 512 : i32
        %dma_wait3A_334 = arith.constant 0 : i32
        %dma_wait3A_335 = tpu.memref_slice %arg9[%dma_wait3A_333, %dma_wait3A_334] : memref<640x64xf32, #tpu.memory_space<vmem>> -> memref<128x64xf32, #tpu.memory_space<vmem>>
        %dma_wait3A_336 = arith.constant 0 : i32
        %dma_wait3A_337 = tpu.memref_slice %arg8[%add3A_294, %dma_wait3A_336] : memref<160x128xi32, #tpu.memory_space<vmem>> -> memref<1x128xi32, #tpu.memory_space<vmem>>
        %dma_wait3A_338 = tpu.memref_squeeze %dma_wait3A_337 : memref<1x128xi32, #tpu.memory_space<vmem>> -> memref<128xi32, #tpu.memory_space<vmem>>
        %dma_wait3A_339 = arith.constant 0 : i32
        %dma_wait3A_340 = arith.constant 0 : i32
        %dma_wait3A_341 = tpu.memref_slice %arg10[%dma_wait3A_339, %dma_wait3A_340] : memref<10240x64xf32, #tpu.memory_space<vmem_shared>> -> memref<10240x64xf32, #tpu.memory_space<vmem_shared>>
        tpu.wait_indirect_dma semaphore(%run_scoped3A_323 : memref<!tpu.dma_semaphore, #tpu.memory_space<semaphore_mem>>) src(%dma_wait3A_335 : memref<128x64xf32, #tpu.memory_space<vmem>>) dst(%dma_wait3A_341 : memref<10240x64xf32, #tpu.memory_space<vmem_shared>>)
        tpu.yield
      }) : () -> ()
      %add3A_308 = arith.constant 5 : i32
      %add3A_309 = arith.addi %add3A_294, %add3A_308 : i32
      %dma_start3A_310 = arith.constant 512 : i32
      %dma_start3A_311 = arith.constant 0 : i32
      %dma_start3A_312 = tpu.memref_slice %arg9[%dma_start3A_310, %dma_start3A_311] : memref<640x64xf32, #tpu.memory_space<vmem>> -> memref<128x64xf32, #tpu.memory_space<vmem>>
      %dma_start3A_313 = arith.constant 0 : i32
      %dma_start3A_314 = tpu.memref_slice %arg7[%add3A_309, %dma_start3A_313] : memref<160x128xi32, #tpu.memory_space<vmem>> -> memref<1x128xi32, #tpu.memory_space<vmem>>
      %dma_start3A_315 = tpu.memref_squeeze %dma_start3A_314 : memref<1x128xi32, #tpu.memory_space<vmem>> -> memref<128xi32, #tpu.memory_space<vmem>>
      %dma_start3A_316 = arith.constant 0 : i32
      %dma_start3A_317 = arith.constant 0 : i32
      %dma_start3A_318 = tpu.memref_slice %arg2[%arg0, %dma_start3A_316, %dma_start3A_317] : memref<2x10240x64xf32, #tpu.memory_space<hbm>> -> memref<1x10240x64xf32, #tpu.memory_space<hbm>>
      %dma_start3A_319 = tpu.memref_squeeze %dma_start3A_318 : memref<1x10240x64xf32, #tpu.memory_space<hbm>> -> memref<10240x64xf32, #tpu.memory_space<hbm>>
      %dma_start3A_320 = arith.constant 0 : i32
      %dma_start3A_321 = arith.constant 0 : i32
      %dma_start3A_322 = tpu.memref_slice %dma_start3A_319[%dma_start3A_320, %dma_start3A_321] : memref<10240x64xf32, #tpu.memory_space<hbm>> -> memref<10240x64xf32, #tpu.memory_space<hbm>>
      tpu.enqueue_indirect_dma source(%dma_start3A_322 : memref<10240x64xf32, #tpu.memory_space<hbm>>) target(%dma_start3A_312 : memref<128x64xf32, #tpu.memory_space<vmem>>) offsets(%dma_start3A_315 : memref<128xi32, #tpu.memory_space<vmem>>) semaphore(%arg15 : memref<!tpu.dma_semaphore, #tpu.memory_space<semaphore_mem>>)
    }
    %scan3A_91 = arith.constant 31 : i32
    %dma_wait3A = arith.constant 155 : i32
    %dma_wait3A_92 = arith.constant 0 : i32
    %dma_wait3A_93 = arith.constant 0 : i32
    %dma_wait3A_94 = tpu.memref_slice %arg9[%dma_wait3A_92, %dma_wait3A_93] : memref<640x64xf32, #tpu.memory_space<vmem>> -> memref<128x64xf32, #tpu.memory_space<vmem>>
    %dma_wait3A_95 = arith.constant 0 : i32
    %dma_wait3A_96 = tpu.memref_slice %arg7[%dma_wait3A, %dma_wait3A_95] : memref<160x128xi32, #tpu.memory_space<vmem>> -> memref<1x128xi32, #tpu.memory_space<vmem>>
    %dma_wait3A_97 = tpu.memref_squeeze %dma_wait3A_96 : memref<1x128xi32, #tpu.memory_space<vmem>> -> memref<128xi32, #tpu.memory_space<vmem>>
    %dma_wait3A_98 = arith.constant 0 : i32
    %dma_wait3A_99 = arith.constant 0 : i32
    %dma_wait3A_100 = tpu.memref_slice %arg2[%arg0, %dma_wait3A_98, %dma_wait3A_99] : memref<2x10240x64xf32, #tpu.memory_space<hbm>> -> memref<1x10240x64xf32, #tpu.memory_space<hbm>>
    %dma_wait3A_101 = tpu.memref_squeeze %dma_wait3A_100 : memref<1x10240x64xf32, #tpu.memory_space<hbm>> -> memref<10240x64xf32, #tpu.memory_space<hbm>>
    %dma_wait3A_102 = arith.constant 0 : i32
    %dma_wait3A_103 = arith.constant 0 : i32
    %dma_wait3A_104 = tpu.memref_slice %dma_wait3A_101[%dma_wait3A_102, %dma_wait3A_103] : memref<10240x64xf32, #tpu.memory_space<hbm>> -> memref<10240x64xf32, #tpu.memory_space<hbm>>
    tpu.wait_indirect_dma semaphore(%arg11 : memref<!tpu.dma_semaphore, #tpu.memory_space<semaphore_mem>>) src(%dma_wait3A_104 : memref<10240x64xf32, #tpu.memory_space<hbm>>) dst(%dma_wait3A_94 : memref<128x64xf32, #tpu.memory_space<vmem>>)
    %run_scoped3A = arith.constant 155 : i32
    "tpu.region"() ({
      %run_scoped3A_170 = tpu.sem_alloc : memref<!tpu.dma_semaphore, #tpu.memory_space<semaphore_mem>>
      %dma_start3A_171 = arith.constant 0 : i32
      %dma_start3A_172 = arith.constant 0 : i32
      %dma_start3A_173 = tpu.memref_slice %arg9[%dma_start3A_171, %dma_start3A_172] : memref<640x64xf32, #tpu.memory_space<vmem>> -> memref<128x64xf32, #tpu.memory_space<vmem>>
      %dma_start3A_174 = arith.constant 0 : i32
      %dma_start3A_175 = tpu.memref_slice %arg8[%run_scoped3A, %dma_start3A_174] : memref<160x128xi32, #tpu.memory_space<vmem>> -> memref<1x128xi32, #tpu.memory_space<vmem>>
      %dma_start3A_176 = tpu.memref_squeeze %dma_start3A_175 : memref<1x128xi32, #tpu.memory_space<vmem>> -> memref<128xi32, #tpu.memory_space<vmem>>
      %dma_start3A_177 = arith.constant 0 : i32
      %dma_start3A_178 = arith.constant 0 : i32
      %dma_start3A_179 = tpu.memref_slice %arg10[%dma_start3A_177, %dma_start3A_178] : memref<10240x64xf32, #tpu.memory_space<vmem_shared>> -> memref<10240x64xf32, #tpu.memory_space<vmem_shared>>
      tpu.enqueue_indirect_dma source(%dma_start3A_173 : memref<128x64xf32, #tpu.memory_space<vmem>>) target(%dma_start3A_179 : memref<10240x64xf32, #tpu.memory_space<vmem_shared>>) offsets(%dma_start3A_176 : memref<128xi32, #tpu.memory_space<vmem>>) semaphore(%run_scoped3A_170 : memref<!tpu.dma_semaphore, #tpu.memory_space<semaphore_mem>>) {add = true}
      %dma_wait3A_180 = arith.constant 0 : i32
      %dma_wait3A_181 = arith.constant 0 : i32
      %dma_wait3A_182 = tpu.memref_slice %arg9[%dma_wait3A_180, %dma_wait3A_181] : memref<640x64xf32, #tpu.memory_space<vmem>> -> memref<128x64xf32, #tpu.memory_space<vmem>>
      %dma_wait3A_183 = arith.constant 0 : i32
      %dma_wait3A_184 = tpu.memref_slice %arg8[%run_scoped3A, %dma_wait3A_183] : memref<160x128xi32, #tpu.memory_space<vmem>> -> memref<1x128xi32, #tpu.memory_space<vmem>>
      %dma_wait3A_185 = tpu.memref_squeeze %dma_wait3A_184 : memref<1x128xi32, #tpu.memory_space<vmem>> -> memref<128xi32, #tpu.memory_space<vmem>>
      %dma_wait3A_186 = arith.constant 0 : i32
      %dma_wait3A_187 = arith.constant 0 : i32
      %dma_wait3A_188 = tpu.memref_slice %arg10[%dma_wait3A_186, %dma_wait3A_187] : memref<10240x64xf32, #tpu.memory_space<vmem_shared>> -> memref<10240x64xf32, #tpu.memory_space<vmem_shared>>
      tpu.wait_indirect_dma semaphore(%run_scoped3A_170 : memref<!tpu.dma_semaphore, #tpu.memory_space<semaphore_mem>>) src(%dma_wait3A_182 : memref<128x64xf32, #tpu.memory_space<vmem>>) dst(%dma_wait3A_188 : memref<10240x64xf32, #tpu.memory_space<vmem_shared>>)
      tpu.yield
    }) : () -> ()
    %dma_wait3A_105 = arith.constant 156 : i32
    %dma_wait3A_106 = arith.constant 128 : i32
    %dma_wait3A_107 = arith.constant 0 : i32
    %dma_wait3A_108 = tpu.memref_slice %arg9[%dma_wait3A_106, %dma_wait3A_107] : memref<640x64xf32, #tpu.memory_space<vmem>> -> memref<128x64xf32, #tpu.memory_space<vmem>>
    %dma_wait3A_109 = arith.constant 0 : i32
    %dma_wait3A_110 = tpu.memref_slice %arg7[%dma_wait3A_105, %dma_wait3A_109] : memref<160x128xi32, #tpu.memory_space<vmem>> -> memref<1x128xi32, #tpu.memory_space<vmem>>
    %dma_wait3A_111 = tpu.memref_squeeze %dma_wait3A_110 : memref<1x128xi32, #tpu.memory_space<vmem>> -> memref<128xi32, #tpu.memory_space<vmem>>
    %dma_wait3A_112 = arith.constant 0 : i32
    %dma_wait3A_113 = arith.constant 0 : i32
    %dma_wait3A_114 = tpu.memref_slice %arg2[%arg0, %dma_wait3A_112, %dma_wait3A_113] : memref<2x10240x64xf32, #tpu.memory_space<hbm>> -> memref<1x10240x64xf32, #tpu.memory_space<hbm>>
    %dma_wait3A_115 = tpu.memref_squeeze %dma_wait3A_114 : memref<1x10240x64xf32, #tpu.memory_space<hbm>> -> memref<10240x64xf32, #tpu.memory_space<hbm>>
    %dma_wait3A_116 = arith.constant 0 : i32
    %dma_wait3A_117 = arith.constant 0 : i32
    %dma_wait3A_118 = tpu.memref_slice %dma_wait3A_115[%dma_wait3A_116, %dma_wait3A_117] : memref<10240x64xf32, #tpu.memory_space<hbm>> -> memref<10240x64xf32, #tpu.memory_space<hbm>>
    tpu.wait_indirect_dma semaphore(%arg12 : memref<!tpu.dma_semaphore, #tpu.memory_space<semaphore_mem>>) src(%dma_wait3A_118 : memref<10240x64xf32, #tpu.memory_space<hbm>>) dst(%dma_wait3A_108 : memref<128x64xf32, #tpu.memory_space<vmem>>)
    %run_scoped3A_119 = arith.constant 156 : i32
    "tpu.region"() ({
      %run_scoped3A_170 = tpu.sem_alloc : memref<!tpu.dma_semaphore, #tpu.memory_space<semaphore_mem>>
      %dma_start3A_171 = arith.constant 128 : i32
      %dma_start3A_172 = arith.constant 0 : i32
      %dma_start3A_173 = tpu.memref_slice %arg9[%dma_start3A_171, %dma_start3A_172] : memref<640x64xf32, #tpu.memory_space<vmem>> -> memref<128x64xf32, #tpu.memory_space<vmem>>
      %dma_start3A_174 = arith.constant 0 : i32
      %dma_start3A_175 = tpu.memref_slice %arg8[%run_scoped3A_119, %dma_start3A_174] : memref<160x128xi32, #tpu.memory_space<vmem>> -> memref<1x128xi32, #tpu.memory_space<vmem>>
      %dma_start3A_176 = tpu.memref_squeeze %dma_start3A_175 : memref<1x128xi32, #tpu.memory_space<vmem>> -> memref<128xi32, #tpu.memory_space<vmem>>
      %dma_start3A_177 = arith.constant 0 : i32
      %dma_start3A_178 = arith.constant 0 : i32
      %dma_start3A_179 = tpu.memref_slice %arg10[%dma_start3A_177, %dma_start3A_178] : memref<10240x64xf32, #tpu.memory_space<vmem_shared>> -> memref<10240x64xf32, #tpu.memory_space<vmem_shared>>
      tpu.enqueue_indirect_dma source(%dma_start3A_173 : memref<128x64xf32, #tpu.memory_space<vmem>>) target(%dma_start3A_179 : memref<10240x64xf32, #tpu.memory_space<vmem_shared>>) offsets(%dma_start3A_176 : memref<128xi32, #tpu.memory_space<vmem>>) semaphore(%run_scoped3A_170 : memref<!tpu.dma_semaphore, #tpu.memory_space<semaphore_mem>>) {add = true}
      %dma_wait3A_180 = arith.constant 128 : i32
      %dma_wait3A_181 = arith.constant 0 : i32
      %dma_wait3A_182 = tpu.memref_slice %arg9[%dma_wait3A_180, %dma_wait3A_181] : memref<640x64xf32, #tpu.memory_space<vmem>> -> memref<128x64xf32, #tpu.memory_space<vmem>>
      %dma_wait3A_183 = arith.constant 0 : i32
      %dma_wait3A_184 = tpu.memref_slice %arg8[%run_scoped3A_119, %dma_wait3A_183] : memref<160x128xi32, #tpu.memory_space<vmem>> -> memref<1x128xi32, #tpu.memory_space<vmem>>
      %dma_wait3A_185 = tpu.memref_squeeze %dma_wait3A_184 : memref<1x128xi32, #tpu.memory_space<vmem>> -> memref<128xi32, #tpu.memory_space<vmem>>
      %dma_wait3A_186 = arith.constant 0 : i32
      %dma_wait3A_187 = arith.constant 0 : i32
      %dma_wait3A_188 = tpu.memref_slice %arg10[%dma_wait3A_186, %dma_wait3A_187] : memref<10240x64xf32, #tpu.memory_space<vmem_shared>> -> memref<10240x64xf32, #tpu.memory_space<vmem_shared>>
      tpu.wait_indirect_dma semaphore(%run_scoped3A_170 : memref<!tpu.dma_semaphore, #tpu.memory_space<semaphore_mem>>) src(%dma_wait3A_182 : memref<128x64xf32, #tpu.memory_space<vmem>>) dst(%dma_wait3A_188 : memref<10240x64xf32, #tpu.memory_space<vmem_shared>>)
      tpu.yield
    }) : () -> ()
    %dma_wait3A_120 = arith.constant 157 : i32
    %dma_wait3A_121 = arith.constant 256 : i32
    %dma_wait3A_122 = arith.constant 0 : i32
    %dma_wait3A_123 = tpu.memref_slice %arg9[%dma_wait3A_121, %dma_wait3A_122] : memref<640x64xf32, #tpu.memory_space<vmem>> -> memref<128x64xf32, #tpu.memory_space<vmem>>
    %dma_wait3A_124 = arith.constant 0 : i32
    %dma_wait3A_125 = tpu.memref_slice %arg7[%dma_wait3A_120, %dma_wait3A_124] : memref<160x128xi32, #tpu.memory_space<vmem>> -> memref<1x128xi32, #tpu.memory_space<vmem>>
    %dma_wait3A_126 = tpu.memref_squeeze %dma_wait3A_125 : memref<1x128xi32, #tpu.memory_space<vmem>> -> memref<128xi32, #tpu.memory_space<vmem>>
    %dma_wait3A_127 = arith.constant 0 : i32
    %dma_wait3A_128 = arith.constant 0 : i32
    %dma_wait3A_129 = tpu.memref_slice %arg2[%arg0, %dma_wait3A_127, %dma_wait3A_128] : memref<2x10240x64xf32, #tpu.memory_space<hbm>> -> memref<1x10240x64xf32, #tpu.memory_space<hbm>>
    %dma_wait3A_130 = tpu.memref_squeeze %dma_wait3A_129 : memref<1x10240x64xf32, #tpu.memory_space<hbm>> -> memref<10240x64xf32, #tpu.memory_space<hbm>>
    %dma_wait3A_131 = arith.constant 0 : i32
    %dma_wait3A_132 = arith.constant 0 : i32
    %dma_wait3A_133 = tpu.memref_slice %dma_wait3A_130[%dma_wait3A_131, %dma_wait3A_132] : memref<10240x64xf32, #tpu.memory_space<hbm>> -> memref<10240x64xf32, #tpu.memory_space<hbm>>
    tpu.wait_indirect_dma semaphore(%arg13 : memref<!tpu.dma_semaphore, #tpu.memory_space<semaphore_mem>>) src(%dma_wait3A_133 : memref<10240x64xf32, #tpu.memory_space<hbm>>) dst(%dma_wait3A_123 : memref<128x64xf32, #tpu.memory_space<vmem>>)
    %run_scoped3A_134 = arith.constant 157 : i32
    "tpu.region"() ({
      %run_scoped3A_170 = tpu.sem_alloc : memref<!tpu.dma_semaphore, #tpu.memory_space<semaphore_mem>>
      %dma_start3A_171 = arith.constant 256 : i32
      %dma_start3A_172 = arith.constant 0 : i32
      %dma_start3A_173 = tpu.memref_slice %arg9[%dma_start3A_171, %dma_start3A_172] : memref<640x64xf32, #tpu.memory_space<vmem>> -> memref<128x64xf32, #tpu.memory_space<vmem>>
      %dma_start3A_174 = arith.constant 0 : i32
      %dma_start3A_175 = tpu.memref_slice %arg8[%run_scoped3A_134, %dma_start3A_174] : memref<160x128xi32, #tpu.memory_space<vmem>> -> memref<1x128xi32, #tpu.memory_space<vmem>>
      %dma_start3A_176 = tpu.memref_squeeze %dma_start3A_175 : memref<1x128xi32, #tpu.memory_space<vmem>> -> memref<128xi32, #tpu.memory_space<vmem>>
      %dma_start3A_177 = arith.constant 0 : i32
      %dma_start3A_178 = arith.constant 0 : i32
      %dma_start3A_179 = tpu.memref_slice %arg10[%dma_start3A_177, %dma_start3A_178] : memref<10240x64xf32, #tpu.memory_space<vmem_shared>> -> memref<10240x64xf32, #tpu.memory_space<vmem_shared>>
      tpu.enqueue_indirect_dma source(%dma_start3A_173 : memref<128x64xf32, #tpu.memory_space<vmem>>) target(%dma_start3A_179 : memref<10240x64xf32, #tpu.memory_space<vmem_shared>>) offsets(%dma_start3A_176 : memref<128xi32, #tpu.memory_space<vmem>>) semaphore(%run_scoped3A_170 : memref<!tpu.dma_semaphore, #tpu.memory_space<semaphore_mem>>) {add = true}
      %dma_wait3A_180 = arith.constant 256 : i32
      %dma_wait3A_181 = arith.constant 0 : i32
      %dma_wait3A_182 = tpu.memref_slice %arg9[%dma_wait3A_180, %dma_wait3A_181] : memref<640x64xf32, #tpu.memory_space<vmem>> -> memref<128x64xf32, #tpu.memory_space<vmem>>
      %dma_wait3A_183 = arith.constant 0 : i32
      %dma_wait3A_184 = tpu.memref_slice %arg8[%run_scoped3A_134, %dma_wait3A_183] : memref<160x128xi32, #tpu.memory_space<vmem>> -> memref<1x128xi32, #tpu.memory_space<vmem>>
      %dma_wait3A_185 = tpu.memref_squeeze %dma_wait3A_184 : memref<1x128xi32, #tpu.memory_space<vmem>> -> memref<128xi32, #tpu.memory_space<vmem>>
      %dma_wait3A_186 = arith.constant 0 : i32
      %dma_wait3A_187 = arith.constant 0 : i32
      %dma_wait3A_188 = tpu.memref_slice %arg10[%dma_wait3A_186, %dma_wait3A_187] : memref<10240x64xf32, #tpu.memory_space<vmem_shared>> -> memref<10240x64xf32, #tpu.memory_space<vmem_shared>>
      tpu.wait_indirect_dma semaphore(%run_scoped3A_170 : memref<!tpu.dma_semaphore, #tpu.memory_space<semaphore_mem>>) src(%dma_wait3A_182 : memref<128x64xf32, #tpu.memory_space<vmem>>) dst(%dma_wait3A_188 : memref<10240x64xf32, #tpu.memory_space<vmem_shared>>)
      tpu.yield
    }) : () -> ()
    %dma_wait3A_135 = arith.constant 158 : i32
    %dma_wait3A_136 = arith.constant 384 : i32
    %dma_wait3A_137 = arith.constant 0 : i32
    %dma_wait3A_138 = tpu.memref_slice %arg9[%dma_wait3A_136, %dma_wait3A_137] : memref<640x64xf32, #tpu.memory_space<vmem>> -> memref<128x64xf32, #tpu.memory_space<vmem>>
    %dma_wait3A_139 = arith.constant 0 : i32
    %dma_wait3A_140 = tpu.memref_slice %arg7[%dma_wait3A_135, %dma_wait3A_139] : memref<160x128xi32, #tpu.memory_space<vmem>> -> memref<1x128xi32, #tpu.memory_space<vmem>>
    %dma_wait3A_141 = tpu.memref_squeeze %dma_wait3A_140 : memref<1x128xi32, #tpu.memory_space<vmem>> -> memref<128xi32, #tpu.memory_space<vmem>>
    %dma_wait3A_142 = arith.constant 0 : i32
    %dma_wait3A_143 = arith.constant 0 : i32
    %dma_wait3A_144 = tpu.memref_slice %arg2[%arg0, %dma_wait3A_142, %dma_wait3A_143] : memref<2x10240x64xf32, #tpu.memory_space<hbm>> -> memref<1x10240x64xf32, #tpu.memory_space<hbm>>
    %dma_wait3A_145 = tpu.memref_squeeze %dma_wait3A_144 : memref<1x10240x64xf32, #tpu.memory_space<hbm>> -> memref<10240x64xf32, #tpu.memory_space<hbm>>
    %dma_wait3A_146 = arith.constant 0 : i32
    %dma_wait3A_147 = arith.constant 0 : i32
    %dma_wait3A_148 = tpu.memref_slice %dma_wait3A_145[%dma_wait3A_146, %dma_wait3A_147] : memref<10240x64xf32, #tpu.memory_space<hbm>> -> memref<10240x64xf32, #tpu.memory_space<hbm>>
    tpu.wait_indirect_dma semaphore(%arg14 : memref<!tpu.dma_semaphore, #tpu.memory_space<semaphore_mem>>) src(%dma_wait3A_148 : memref<10240x64xf32, #tpu.memory_space<hbm>>) dst(%dma_wait3A_138 : memref<128x64xf32, #tpu.memory_space<vmem>>)
    %run_scoped3A_149 = arith.constant 158 : i32
    "tpu.region"() ({
      %run_scoped3A_170 = tpu.sem_alloc : memref<!tpu.dma_semaphore, #tpu.memory_space<semaphore_mem>>
      %dma_start3A_171 = arith.constant 384 : i32
      %dma_start3A_172 = arith.constant 0 : i32
      %dma_start3A_173 = tpu.memref_slice %arg9[%dma_start3A_171, %dma_start3A_172] : memref<640x64xf32, #tpu.memory_space<vmem>> -> memref<128x64xf32, #tpu.memory_space<vmem>>
      %dma_start3A_174 = arith.constant 0 : i32
      %dma_start3A_175 = tpu.memref_slice %arg8[%run_scoped3A_149, %dma_start3A_174] : memref<160x128xi32, #tpu.memory_space<vmem>> -> memref<1x128xi32, #tpu.memory_space<vmem>>
      %dma_start3A_176 = tpu.memref_squeeze %dma_start3A_175 : memref<1x128xi32, #tpu.memory_space<vmem>> -> memref<128xi32, #tpu.memory_space<vmem>>
      %dma_start3A_177 = arith.constant 0 : i32
      %dma_start3A_178 = arith.constant 0 : i32
      %dma_start3A_179 = tpu.memref_slice %arg10[%dma_start3A_177, %dma_start3A_178] : memref<10240x64xf32, #tpu.memory_space<vmem_shared>> -> memref<10240x64xf32, #tpu.memory_space<vmem_shared>>
      tpu.enqueue_indirect_dma source(%dma_start3A_173 : memref<128x64xf32, #tpu.memory_space<vmem>>) target(%dma_start3A_179 : memref<10240x64xf32, #tpu.memory_space<vmem_shared>>) offsets(%dma_start3A_176 : memref<128xi32, #tpu.memory_space<vmem>>) semaphore(%run_scoped3A_170 : memref<!tpu.dma_semaphore, #tpu.memory_space<semaphore_mem>>) {add = true}
      %dma_wait3A_180 = arith.constant 384 : i32
      %dma_wait3A_181 = arith.constant 0 : i32
      %dma_wait3A_182 = tpu.memref_slice %arg9[%dma_wait3A_180, %dma_wait3A_181] : memref<640x64xf32, #tpu.memory_space<vmem>> -> memref<128x64xf32, #tpu.memory_space<vmem>>
      %dma_wait3A_183 = arith.constant 0 : i32
      %dma_wait3A_184 = tpu.memref_slice %arg8[%run_scoped3A_149, %dma_wait3A_183] : memref<160x128xi32, #tpu.memory_space<vmem>> -> memref<1x128xi32, #tpu.memory_space<vmem>>
      %dma_wait3A_185 = tpu.memref_squeeze %dma_wait3A_184 : memref<1x128xi32, #tpu.memory_space<vmem>> -> memref<128xi32, #tpu.memory_space<vmem>>
      %dma_wait3A_186 = arith.constant 0 : i32
      %dma_wait3A_187 = arith.constant 0 : i32
      %dma_wait3A_188 = tpu.memref_slice %arg10[%dma_wait3A_186, %dma_wait3A_187] : memref<10240x64xf32, #tpu.memory_space<vmem_shared>> -> memref<10240x64xf32, #tpu.memory_space<vmem_shared>>
      tpu.wait_indirect_dma semaphore(%run_scoped3A_170 : memref<!tpu.dma_semaphore, #tpu.memory_space<semaphore_mem>>) src(%dma_wait3A_182 : memref<128x64xf32, #tpu.memory_space<vmem>>) dst(%dma_wait3A_188 : memref<10240x64xf32, #tpu.memory_space<vmem_shared>>)
      tpu.yield
    }) : () -> ()
    %dma_wait3A_150 = arith.constant 159 : i32
    %dma_wait3A_151 = arith.constant 512 : i32
    %dma_wait3A_152 = arith.constant 0 : i32
    %dma_wait3A_153 = tpu.memref_slice %arg9[%dma_wait3A_151, %dma_wait3A_152] : memref<640x64xf32, #tpu.memory_space<vmem>> -> memref<128x64xf32, #tpu.memory_space<vmem>>
    %dma_wait3A_154 = arith.constant 0 : i32
    %dma_wait3A_155 = tpu.memref_slice %arg7[%dma_wait3A_150, %dma_wait3A_154] : memref<160x128xi32, #tpu.memory_space<vmem>> -> memref<1x128xi32, #tpu.memory_space<vmem>>
    %dma_wait3A_156 = tpu.memref_squeeze %dma_wait3A_155 : memref<1x128xi32, #tpu.memory_space<vmem>> -> memref<128xi32, #tpu.memory_space<vmem>>
    %dma_wait3A_157 = arith.constant 0 : i32
    %dma_wait3A_158 = arith.constant 0 : i32
    %dma_wait3A_159 = tpu.memref_slice %arg2[%arg0, %dma_wait3A_157, %dma_wait3A_158] : memref<2x10240x64xf32, #tpu.memory_space<hbm>> -> memref<1x10240x64xf32, #tpu.memory_space<hbm>>
    %dma_wait3A_160 = tpu.memref_squeeze %dma_wait3A_159 : memref<1x10240x64xf32, #tpu.memory_space<hbm>> -> memref<10240x64xf32, #tpu.memory_space<hbm>>
    %dma_wait3A_161 = arith.constant 0 : i32
    %dma_wait3A_162 = arith.constant 0 : i32
    %dma_wait3A_163 = tpu.memref_slice %dma_wait3A_160[%dma_wait3A_161, %dma_wait3A_162] : memref<10240x64xf32, #tpu.memory_space<hbm>> -> memref<10240x64xf32, #tpu.memory_space<hbm>>
    tpu.wait_indirect_dma semaphore(%arg15 : memref<!tpu.dma_semaphore, #tpu.memory_space<semaphore_mem>>) src(%dma_wait3A_163 : memref<10240x64xf32, #tpu.memory_space<hbm>>) dst(%dma_wait3A_153 : memref<128x64xf32, #tpu.memory_space<vmem>>)
    %run_scoped3A_164 = arith.constant 159 : i32
    "tpu.region"() ({
      %run_scoped3A_170 = tpu.sem_alloc : memref<!tpu.dma_semaphore, #tpu.memory_space<semaphore_mem>>
      %dma_start3A_171 = arith.constant 512 : i32
      %dma_start3A_172 = arith.constant 0 : i32
      %dma_start3A_173 = tpu.memref_slice %arg9[%dma_start3A_171, %dma_start3A_172] : memref<640x64xf32, #tpu.memory_space<vmem>> -> memref<128x64xf32, #tpu.memory_space<vmem>>
      %dma_start3A_174 = arith.constant 0 : i32
      %dma_start3A_175 = tpu.memref_slice %arg8[%run_scoped3A_164, %dma_start3A_174] : memref<160x128xi32, #tpu.memory_space<vmem>> -> memref<1x128xi32, #tpu.memory_space<vmem>>
      %dma_start3A_176 = tpu.memref_squeeze %dma_start3A_175 : memref<1x128xi32, #tpu.memory_space<vmem>> -> memref<128xi32, #tpu.memory_space<vmem>>
      %dma_start3A_177 = arith.constant 0 : i32
      %dma_start3A_178 = arith.constant 0 : i32
      %dma_start3A_179 = tpu.memref_slice %arg10[%dma_start3A_177, %dma_start3A_178] : memref<10240x64xf32, #tpu.memory_space<vmem_shared>> -> memref<10240x64xf32, #tpu.memory_space<vmem_shared>>
      tpu.enqueue_indirect_dma source(%dma_start3A_173 : memref<128x64xf32, #tpu.memory_space<vmem>>) target(%dma_start3A_179 : memref<10240x64xf32, #tpu.memory_space<vmem_shared>>) offsets(%dma_start3A_176 : memref<128xi32, #tpu.memory_space<vmem>>) semaphore(%run_scoped3A_170 : memref<!tpu.dma_semaphore, #tpu.memory_space<semaphore_mem>>) {add = true}
      %dma_wait3A_180 = arith.constant 512 : i32
      %dma_wait3A_181 = arith.constant 0 : i32
      %dma_wait3A_182 = tpu.memref_slice %arg9[%dma_wait3A_180, %dma_wait3A_181] : memref<640x64xf32, #tpu.memory_space<vmem>> -> memref<128x64xf32, #tpu.memory_space<vmem>>
      %dma_wait3A_183 = arith.constant 0 : i32
      %dma_wait3A_184 = tpu.memref_slice %arg8[%run_scoped3A_164, %dma_wait3A_183] : memref<160x128xi32, #tpu.memory_space<vmem>> -> memref<1x128xi32, #tpu.memory_space<vmem>>
      %dma_wait3A_185 = tpu.memref_squeeze %dma_wait3A_184 : memref<1x128xi32, #tpu.memory_space<vmem>> -> memref<128xi32, #tpu.memory_space<vmem>>
      %dma_wait3A_186 = arith.constant 0 : i32
      %dma_wait3A_187 = arith.constant 0 : i32
      %dma_wait3A_188 = tpu.memref_slice %arg10[%dma_wait3A_186, %dma_wait3A_187] : memref<10240x64xf32, #tpu.memory_space<vmem_shared>> -> memref<10240x64xf32, #tpu.memory_space<vmem_shared>>
      tpu.wait_indirect_dma semaphore(%run_scoped3A_170 : memref<!tpu.dma_semaphore, #tpu.memory_space<semaphore_mem>>) src(%dma_wait3A_182 : memref<128x64xf32, #tpu.memory_space<vmem>>) dst(%dma_wait3A_188 : memref<10240x64xf32, #tpu.memory_space<vmem_shared>>)
      tpu.yield
    }) : () -> ()
    %barrier3A_165 = arith.constant 0 : index
    tpu.barrier barrier_id(%barrier3A_165)
    %mul3A_166 = arith.constant 640 : i32
    %mul3A_167 = arith.muli %arg1, %mul3A_166 : i32
    %mul3A_168 = arith.constant 640 : i32
    %mul3A_169 = arith.muli %arg1, %mul3A_168 : i32
    "tpu.region"() ({
      %run_scoped3A_170 = tpu.sem_alloc : memref<!tpu.dma_semaphore, #tpu.memory_space<semaphore_mem>>
      %dma_start3A_171 = arith.constant 0 : i32
      %dma_start3A_172 = tpu.memref_slice %arg6[%arg0, %mul3A_169, %dma_start3A_171] : memref<2x10240x64xf32, #tpu.memory_space<hbm>> -> memref<1x640x64xf32, #tpu.memory_space<hbm>>
      %dma_start3A_173 = tpu.memref_squeeze %dma_start3A_172 : memref<1x640x64xf32, #tpu.memory_space<hbm>> -> memref<640x64xf32, #tpu.memory_space<hbm>>
      %dma_start3A_174 = arith.constant 0 : i32
      %dma_start3A_175 = tpu.memref_slice %arg10[%mul3A_167, %dma_start3A_174] : memref<10240x64xf32, #tpu.memory_space<vmem_shared>> -> memref<640x64xf32, #tpu.memory_space<vmem_shared>>
      tpu.enqueue_dma source(%dma_start3A_175 : memref<640x64xf32, #tpu.memory_space<vmem_shared>>) target(%dma_start3A_173 : memref<640x64xf32, #tpu.memory_space<hbm>>) target_semaphore(%run_scoped3A_170 : memref<!tpu.dma_semaphore, #tpu.memory_space<semaphore_mem>>)
      %dma_wait3A_176 = arith.constant 0 : i32
      %dma_wait3A_177 = tpu.memref_slice %arg6[%arg0, %mul3A_169, %dma_wait3A_176] : memref<2x10240x64xf32, #tpu.memory_space<hbm>> -> memref<1x640x64xf32, #tpu.memory_space<hbm>>
      %dma_wait3A_178 = tpu.memref_squeeze %dma_wait3A_177 : memref<1x640x64xf32, #tpu.memory_space<hbm>> -> memref<640x64xf32, #tpu.memory_space<hbm>>
      %dma_wait3A_179 = arith.constant 0 : i32
      %dma_wait3A_180 = tpu.memref_slice %arg10[%mul3A_167, %dma_wait3A_179] : memref<10240x64xf32, #tpu.memory_space<vmem_shared>> -> memref<640x64xf32, #tpu.memory_space<vmem_shared>>
      tpu.wait_dma2 semaphore(%run_scoped3A_170 : memref<!tpu.dma_semaphore, #tpu.memory_space<semaphore_mem>>) src(%dma_wait3A_180 : memref<640x64xf32, #tpu.memory_space<vmem_shared>>) dst(%dma_wait3A_178 : memref<640x64xf32, #tpu.memory_space<hbm>>)
      tpu.yield
    }) : () -> ()
    return
  }
}

module attributes {stable_mosaic.version = 14 : i64} {
  func.func @_tc_a_body(%arg0: memref<10240x128xf32, #tpu.memory_space<vmem>>, %arg1: memref<2x10240x16xf32, #tpu.memory_space<vmem>>, %arg2: memref<128x128xf32, #tpu.memory_space<vmem>>, %arg3: memref<2x10240x64xf32, #tpu.memory_space<vmem>>, %arg4: memref<10240x1xf32, #tpu.memory_space<vmem>>) attributes {dimension_semantics = [], scalar_prefetch = 0 : i64, scratch_operands = 0 : i64, tpu.core_type = #tpu.core_type<tc>} {
    %get3A = arith.constant 0 : index
    %get3A_0 = arith.constant 0 : index
    %get3A_1 = arith.constant 0 : index
    %get3A_2 = vector.load %arg1[%get3A, %get3A_0, %get3A_1] : memref<2x10240x16xf32, #tpu.memory_space<vmem>>, vector<1x10240x1xf32>
    %get3A_3 = vector.shape_cast %get3A_2 : vector<1x10240x1xf32> to vector<10240x1xf32>
    %get3A_4 = arith.constant 1 : index
    %get3A_5 = arith.constant 0 : index
    %get3A_6 = arith.constant 0 : index
    %get3A_7 = vector.load %arg1[%get3A_4, %get3A_5, %get3A_6] : memref<2x10240x16xf32, #tpu.memory_space<vmem>>, vector<1x10240x1xf32>
    %get3A_8 = vector.shape_cast %get3A_7 : vector<1x10240x1xf32> to vector<10240x1xf32>
    %add3A = arith.addf %get3A_3, %get3A_8 : vector<10240x1xf32>
    %add3A_9 = arith.constant 1.000000e+00 : f32
    %add3A_10 = vector.broadcast %add3A_9 : f32 to vector<10240x1xf32>
    %add3A_11 = arith.addf %add3A, %add3A_10 : vector<10240x1xf32>
    %rsqrt3A = math.rsqrt %add3A_11 : vector<10240x1xf32>
    %swap3A = arith.constant 0 : index
    %swap3A_12 = arith.constant 0 : index
    %swap3A_13 = vector.load %arg4[%swap3A, %swap3A_12] : memref<10240x1xf32, #tpu.memory_space<vmem>>, vector<10240x1xf32>
    tpu.vector_store %arg4[%swap3A, %swap3A_12], %rsqrt3A {strides = array<i32>} : memref<10240x1xf32, #tpu.memory_space<vmem>>, vector<10240x1xf32>,
    %get3A_14 = arith.constant 0 : index
    %get3A_15 = arith.constant 0 : index
    %get3A_16 = vector.load %arg0[%get3A_14, %get3A_15] : memref<10240x128xf32, #tpu.memory_space<vmem>>, vector<10240x128xf32>
    %get3A_17 = arith.constant 0 : index
    %get3A_18 = arith.constant 0 : index
    %get3A_19 = vector.load %arg2[%get3A_17, %get3A_18] : memref<128x128xf32, #tpu.memory_space<vmem>>, vector<128x128xf32>
    %dot_general3A = arith.constant dense<0.000000e+00> : vector<10240x128xf32>
    %dot_general3A_20 = tpu.matmul %get3A_16, %get3A_19, %dot_general3A {dimension_numbers = #tpu.dot_dimension_numbers<[1], [0], [0], [1], [0, 0, 1, 1], [], []>, transpose_lhs_hint = false} : vector<10240x128xf32>, vector<128x128xf32>, vector<10240x128xf32> -> vector<10240x128xf32>
    %mul3A = vector.broadcast %rsqrt3A : vector<10240x1xf32> to vector<10240x128xf32>
    %mul3A_21 = arith.mulf %dot_general3A_20, %mul3A : vector<10240x128xf32>
    %slice3A = vector.extract_strided_slice %mul3A_21 {offsets = [0, 0], sizes = [10240, 64], strides = [1, 1]} : vector<10240x128xf32> to vector<10240x64xf32>
    %swap3A_22 = arith.constant 0 : index
    %swap3A_23 = arith.constant 0 : index
    %swap3A_24 = arith.constant 0 : index
    %swap3A_25 = vector.load %arg3[%swap3A_22, %swap3A_23, %swap3A_24] : memref<2x10240x64xf32, #tpu.memory_space<vmem>>, vector<1x10240x64xf32>
    %swap3A_26 = vector.shape_cast %swap3A_25 : vector<1x10240x64xf32> to vector<10240x64xf32>
    %swap3A_27 = vector.shape_cast %slice3A : vector<10240x64xf32> to vector<1x10240x64xf32>
    tpu.vector_store %arg3[%swap3A_22, %swap3A_23, %swap3A_24], %swap3A_27 {strides = array<i32>} : memref<2x10240x64xf32, #tpu.memory_space<vmem>>, vector<1x10240x64xf32>,
    %slice3A_28 = vector.extract_strided_slice %mul3A_21 {offsets = [0, 64], sizes = [10240, 64], strides = [1, 1]} : vector<10240x128xf32> to vector<10240x64xf32>
    %swap3A_29 = arith.constant 1 : index
    %swap3A_30 = arith.constant 0 : index
    %swap3A_31 = arith.constant 0 : index
    %swap3A_32 = vector.load %arg3[%swap3A_29, %swap3A_30, %swap3A_31] : memref<2x10240x64xf32, #tpu.memory_space<vmem>>, vector<1x10240x64xf32>
    %swap3A_33 = vector.shape_cast %swap3A_32 : vector<1x10240x64xf32> to vector<10240x64xf32>
    %swap3A_34 = vector.shape_cast %slice3A_28 : vector<10240x64xf32> to vector<1x10240x64xf32>
    tpu.vector_store %arg3[%swap3A_29, %swap3A_30, %swap3A_31], %swap3A_34 {strides = array<i32>} : memref<2x10240x64xf32, #tpu.memory_space<vmem>>, vector<1x10240x64xf32>,
    return
  }
}

module attributes {stable_mosaic.version = 14 : i64} {
  func.func @_tc_b_body(%arg0: memref<2x10240x64xf32, #tpu.memory_space<vmem>>, %arg1: memref<2x10240x64xf32, #tpu.memory_space<vmem>>, %arg2: memref<10240x1xf32, #tpu.memory_space<vmem>>, %arg3: memref<1x128xf32, #tpu.memory_space<vmem>>, %arg4: memref<1x128xf32, #tpu.memory_space<vmem>>, %arg5: memref<1x128xf32, #tpu.memory_space<vmem>>, %arg6: memref<128x64xf32, #tpu.memory_space<vmem>>, %arg7: memref<10240x128xf32, #tpu.memory_space<vmem>>, %arg8: memref<2x10240x32xf32, #tpu.memory_space<vmem>>) attributes {dimension_semantics = [], scalar_prefetch = 0 : i64, scratch_operands = 0 : i64, tpu.core_type = #tpu.core_type<tc>} {
    %get3A = arith.constant 0 : index
    %get3A_0 = arith.constant 0 : index
    %get3A_1 = vector.load %arg2[%get3A, %get3A_0] : memref<10240x1xf32, #tpu.memory_space<vmem>>, vector<10240x1xf32>
    %get3A_2 = arith.constant 0 : index
    %get3A_3 = arith.constant 0 : index
    %get3A_4 = arith.constant 0 : index
    %get3A_5 = vector.load %arg0[%get3A_2, %get3A_3, %get3A_4] : memref<2x10240x64xf32, #tpu.memory_space<vmem>>, vector<1x10240x64xf32>
    %get3A_6 = vector.shape_cast %get3A_5 : vector<1x10240x64xf32> to vector<10240x64xf32>
    %get3A_7 = arith.constant 1 : index
    %get3A_8 = arith.constant 0 : index
    %get3A_9 = arith.constant 0 : index
    %get3A_10 = vector.load %arg0[%get3A_7, %get3A_8, %get3A_9] : memref<2x10240x64xf32, #tpu.memory_space<vmem>>, vector<1x10240x64xf32>
    %get3A_11 = vector.shape_cast %get3A_10 : vector<1x10240x64xf32> to vector<10240x64xf32>
    %concatenate3A = tpu.concatenate %get3A_6, %get3A_11 in 1 : vector<10240x64xf32>, vector<10240x64xf32> -> vector<10240x128xf32>
    %get3A_12 = arith.constant 0 : index
    %get3A_13 = arith.constant 0 : index
    %get3A_14 = arith.constant 0 : index
    %get3A_15 = vector.load %arg1[%get3A_12, %get3A_13, %get3A_14] : memref<2x10240x64xf32, #tpu.memory_space<vmem>>, vector<1x10240x64xf32>
    %get3A_16 = vector.shape_cast %get3A_15 : vector<1x10240x64xf32> to vector<10240x64xf32>
    %get3A_17 = arith.constant 1 : index
    %get3A_18 = arith.constant 0 : index
    %get3A_19 = arith.constant 0 : index
    %get3A_20 = vector.load %arg1[%get3A_17, %get3A_18, %get3A_19] : memref<2x10240x64xf32, #tpu.memory_space<vmem>>, vector<1x10240x64xf32>
    %get3A_21 = vector.shape_cast %get3A_20 : vector<1x10240x64xf32> to vector<10240x64xf32>
    %concatenate3A_22 = tpu.concatenate %get3A_16, %get3A_21 in 1 : vector<10240x64xf32>, vector<10240x64xf32> -> vector<10240x128xf32>
    %add3A = arith.addf %concatenate3A, %concatenate3A_22 : vector<10240x128xf32>
    %mul3A = vector.broadcast %get3A_1 : vector<10240x1xf32> to vector<10240x128xf32>
    %mul3A_23 = arith.mulf %mul3A, %add3A : vector<10240x128xf32>
    %get3A_24 = arith.constant 0 : index
    %get3A_25 = arith.constant 0 : index
    %get3A_26 = vector.load %arg3[%get3A_24, %get3A_25] : memref<1x128xf32, #tpu.memory_space<vmem>>, vector<1x128xf32>
    %add3A_27 = vector.broadcast %get3A_26 : vector<1x128xf32> to vector<10240x128xf32>
    %add3A_28 = arith.addf %mul3A_23, %add3A_27 : vector<10240x128xf32>
    %get3A_29 = arith.constant 0 : index
    %get3A_30 = arith.constant 0 : index
    %get3A_31 = vector.load %arg4[%get3A_29, %get3A_30] : memref<1x128xf32, #tpu.memory_space<vmem>>, vector<1x128xf32>
    %get3A_32 = arith.constant 0 : index
    %get3A_33 = arith.constant 0 : index
    %get3A_34 = vector.load %arg5[%get3A_32, %get3A_33] : memref<1x128xf32, #tpu.memory_space<vmem>>, vector<1x128xf32>
    %iota3A = tpu.iota {dimensions = array<i32: 0>} : vector<10240x1xi32>
    %lt3A = arith.constant 10000 : i32
    %lt3A_35 = vector.broadcast %lt3A : i32 to vector<10240x1xi32>
    %lt3A_36 = arith.cmpi slt, %iota3A, %lt3A_35 : vector<10240x1xi32>
    %jit3A = arith.constant 0.000000e+00 : f32
    %broadcast_in_dim3A = vector.shape_cast %lt3A_36 : vector<10240x1xi1> to vector<10240x1xi1>
    %broadcast_in_dim3A_37 = vector.broadcast %broadcast_in_dim3A : vector<10240x1xi1> to vector<10240x128xi1>
    %broadcast_in_dim3A_38 = vector.broadcast %jit3A : f32 to vector<10240x128xf32>
    %select_n3A = arith.select %broadcast_in_dim3A_37, %add3A_28, %broadcast_in_dim3A_38 : vector<10240x128xi1>, vector<10240x128xf32>
    %reduce_sum3A = arith.constant dense<0.000000e+00> : vector<128xf32>
    %reduce_sum3A_39 = vector.multi_reduction <add>, %select_n3A, %reduce_sum3A [0] : vector<10240x128xf32> to vector<128xf32>
    %broadcast_in_dim3A_40 = vector.shape_cast %reduce_sum3A_39 : vector<128xf32> to vector<1x128xf32>
    %mul3A_41 = arith.constant 9.99999974E-5 : f32
    %mul3A_42 = vector.broadcast %mul3A_41 : f32 to vector<1x128xf32>
    %mul3A_43 = arith.mulf %broadcast_in_dim3A_40, %mul3A_42 : vector<1x128xf32>
    %sub3A = vector.broadcast %mul3A_43 : vector<1x128xf32> to vector<10240x128xf32>
    %sub3A_44 = arith.subf %add3A_28, %sub3A : vector<10240x128xf32>
    %mul3A_45 = arith.mulf %sub3A_44, %sub3A_44 : vector<10240x128xf32>
    %jit3A_46 = arith.constant 0.000000e+00 : f32
    %broadcast_in_dim3A_47 = vector.shape_cast %lt3A_36 : vector<10240x1xi1> to vector<10240x1xi1>
    %broadcast_in_dim3A_48 = vector.broadcast %broadcast_in_dim3A_47 : vector<10240x1xi1> to vector<10240x128xi1>
    %broadcast_in_dim3A_49 = vector.broadcast %jit3A_46 : f32 to vector<10240x128xf32>
    %select_n3A_50 = arith.select %broadcast_in_dim3A_48, %mul3A_45, %broadcast_in_dim3A_49 : vector<10240x128xi1>, vector<10240x128xf32>
    %reduce_sum3A_51 = arith.constant dense<0.000000e+00> : vector<128xf32>
    %reduce_sum3A_52 = vector.multi_reduction <add>, %select_n3A_50, %reduce_sum3A_51 [0] : vector<10240x128xf32> to vector<128xf32>
    %broadcast_in_dim3A_53 = vector.shape_cast %reduce_sum3A_52 : vector<128xf32> to vector<1x128xf32>
    %mul3A_54 = arith.constant 9.99999974E-5 : f32
    %mul3A_55 = vector.broadcast %mul3A_54 : f32 to vector<1x128xf32>
    %mul3A_56 = arith.mulf %broadcast_in_dim3A_53, %mul3A_55 : vector<1x128xf32>
    %mul3A_57 = vector.broadcast %get3A_31 : vector<1x128xf32> to vector<10240x128xf32>
    %mul3A_58 = arith.mulf %mul3A_57, %sub3A_44 : vector<10240x128xf32>
    %add3A_59 = arith.constant 9.99999974E-6 : f32
    %add3A_60 = vector.broadcast %add3A_59 : f32 to vector<1x128xf32>
    %add3A_61 = arith.addf %mul3A_56, %add3A_60 : vector<1x128xf32>
    %sqrt3A = math.sqrt %add3A_61 : vector<1x128xf32>
    %div3A = vector.broadcast %sqrt3A : vector<1x128xf32> to vector<10240x128xf32>
    %div3A_62 = arith.divf %mul3A_58, %div3A : vector<10240x128xf32>
    %add3A_63 = vector.broadcast %get3A_34 : vector<1x128xf32> to vector<10240x128xf32>
    %add3A_64 = arith.addf %div3A_62, %add3A_63 : vector<10240x128xf32>
    %max3A = arith.constant 0.000000e+00 : f32
    %max3A_65 = vector.broadcast %max3A : f32 to vector<10240x128xf32>
    %max3A_66 = arith.maximumf %add3A_64, %max3A_65 : vector<10240x128xf32>
    %swap3A = arith.constant 0 : index
    %swap3A_67 = arith.constant 0 : index
    %swap3A_68 = vector.load %arg7[%swap3A, %swap3A_67] : memref<10240x128xf32, #tpu.memory_space<vmem>>, vector<10240x128xf32>
    tpu.vector_store %arg7[%swap3A, %swap3A_67], %max3A_66 {strides = array<i32>} : memref<10240x128xf32, #tpu.memory_space<vmem>>, vector<10240x128xf32>,
    %get3A_69 = arith.constant 0 : index
    %get3A_70 = arith.constant 0 : index
    %get3A_71 = vector.load %arg6[%get3A_69, %get3A_70] : memref<128x64xf32, #tpu.memory_space<vmem>>, vector<128x64xf32>
    %dot_general3A = arith.constant dense<0.000000e+00> : vector<10240x64xf32>
    %dot_general3A_72 = tpu.matmul %max3A_66, %get3A_71, %dot_general3A {dimension_numbers = #tpu.dot_dimension_numbers<[1], [0], [0], [1], [0, 0, 1, 1], [], []>, transpose_lhs_hint = false} : vector<10240x128xf32>, vector<128x64xf32>, vector<10240x64xf32> -> vector<10240x64xf32>
    %mul3A_73 = vector.broadcast %get3A_1 : vector<10240x1xf32> to vector<10240x64xf32>
    %mul3A_74 = arith.mulf %dot_general3A_72, %mul3A_73 : vector<10240x64xf32>
    %slice3A = vector.extract_strided_slice %mul3A_74 {offsets = [0, 0], sizes = [10240, 32], strides = [1, 1]} : vector<10240x64xf32> to vector<10240x32xf32>
    %swap3A_75 = arith.constant 0 : index
    %swap3A_76 = arith.constant 0 : index
    %swap3A_77 = arith.constant 0 : index
    %swap3A_78 = vector.load %arg8[%swap3A_75, %swap3A_76, %swap3A_77] : memref<2x10240x32xf32, #tpu.memory_space<vmem>>, vector<1x10240x32xf32>
    %swap3A_79 = vector.shape_cast %swap3A_78 : vector<1x10240x32xf32> to vector<10240x32xf32>
    %swap3A_80 = vector.shape_cast %slice3A : vector<10240x32xf32> to vector<1x10240x32xf32>
    tpu.vector_store %arg8[%swap3A_75, %swap3A_76, %swap3A_77], %swap3A_80 {strides = array<i32>} : memref<2x10240x32xf32, #tpu.memory_space<vmem>>, vector<1x10240x32xf32>,
    %slice3A_81 = vector.extract_strided_slice %mul3A_74 {offsets = [0, 32], sizes = [10240, 32], strides = [1, 1]} : vector<10240x64xf32> to vector<10240x32xf32>
    %swap3A_82 = arith.constant 1 : index
    %swap3A_83 = arith.constant 0 : index
    %swap3A_84 = arith.constant 0 : index
    %swap3A_85 = vector.load %arg8[%swap3A_82, %swap3A_83, %swap3A_84] : memref<2x10240x32xf32, #tpu.memory_space<vmem>>, vector<1x10240x32xf32>
    %swap3A_86 = vector.shape_cast %swap3A_85 : vector<1x10240x32xf32> to vector<10240x32xf32>
    %swap3A_87 = vector.shape_cast %slice3A_81 : vector<10240x32xf32> to vector<1x10240x32xf32>
    tpu.vector_store %arg8[%swap3A_82, %swap3A_83, %swap3A_84], %swap3A_87 {strides = array<i32>} : memref<2x10240x32xf32, #tpu.memory_space<vmem>>, vector<1x10240x32xf32>,
    return
  }
}

module attributes {stable_mosaic.version = 14 : i64} {
  func.func @_tc_c_body(%arg0: memref<2x10240x32xf32, #tpu.memory_space<vmem>>, %arg1: memref<2x10240x32xf32, #tpu.memory_space<vmem>>, %arg2: memref<10240x128xf32, #tpu.memory_space<vmem>>, %arg3: memref<10240x1xf32, #tpu.memory_space<vmem>>, %arg4: memref<1x64xf32, #tpu.memory_space<vmem>>, %arg5: memref<1x64xf32, #tpu.memory_space<vmem>>, %arg6: memref<1x64xf32, #tpu.memory_space<vmem>>, %arg7: memref<64x16xf32, #tpu.memory_space<vmem>>, %arg8: memref<10240x16xf32, #tpu.memory_space<vmem>>) attributes {dimension_semantics = [], scalar_prefetch = 0 : i64, scratch_operands = 0 : i64, tpu.core_type = #tpu.core_type<tc>} {
    %get3A = arith.constant 0 : index
    %get3A_0 = arith.constant 0 : index
    %get3A_1 = vector.load %arg3[%get3A, %get3A_0] : memref<10240x1xf32, #tpu.memory_space<vmem>>, vector<10240x1xf32>
    %get3A_2 = arith.constant 0 : index
    %get3A_3 = arith.constant 0 : index
    %get3A_4 = arith.constant 0 : index
    %get3A_5 = vector.load %arg0[%get3A_2, %get3A_3, %get3A_4] : memref<2x10240x32xf32, #tpu.memory_space<vmem>>, vector<1x10240x32xf32>
    %get3A_6 = vector.shape_cast %get3A_5 : vector<1x10240x32xf32> to vector<10240x32xf32>
    %get3A_7 = arith.constant 1 : index
    %get3A_8 = arith.constant 0 : index
    %get3A_9 = arith.constant 0 : index
    %get3A_10 = vector.load %arg0[%get3A_7, %get3A_8, %get3A_9] : memref<2x10240x32xf32, #tpu.memory_space<vmem>>, vector<1x10240x32xf32>
    %get3A_11 = vector.shape_cast %get3A_10 : vector<1x10240x32xf32> to vector<10240x32xf32>
    %concatenate3A = tpu.concatenate %get3A_6, %get3A_11 in 1 : vector<10240x32xf32>, vector<10240x32xf32> -> vector<10240x64xf32>
    %get3A_12 = arith.constant 0 : index
    %get3A_13 = arith.constant 0 : index
    %get3A_14 = arith.constant 0 : index
    %get3A_15 = vector.load %arg1[%get3A_12, %get3A_13, %get3A_14] : memref<2x10240x32xf32, #tpu.memory_space<vmem>>, vector<1x10240x32xf32>
    %get3A_16 = vector.shape_cast %get3A_15 : vector<1x10240x32xf32> to vector<10240x32xf32>
    %get3A_17 = arith.constant 1 : index
    %get3A_18 = arith.constant 0 : index
    %get3A_19 = arith.constant 0 : index
    %get3A_20 = vector.load %arg1[%get3A_17, %get3A_18, %get3A_19] : memref<2x10240x32xf32, #tpu.memory_space<vmem>>, vector<1x10240x32xf32>
    %get3A_21 = vector.shape_cast %get3A_20 : vector<1x10240x32xf32> to vector<10240x32xf32>
    %concatenate3A_22 = tpu.concatenate %get3A_16, %get3A_21 in 1 : vector<10240x32xf32>, vector<10240x32xf32> -> vector<10240x64xf32>
    %add3A = arith.addf %concatenate3A, %concatenate3A_22 : vector<10240x64xf32>
    %mul3A = vector.broadcast %get3A_1 : vector<10240x1xf32> to vector<10240x64xf32>
    %mul3A_23 = arith.mulf %mul3A, %add3A : vector<10240x64xf32>
    %get3A_24 = arith.constant 0 : index
    %get3A_25 = arith.constant 0 : index
    %get3A_26 = vector.load %arg4[%get3A_24, %get3A_25] : memref<1x64xf32, #tpu.memory_space<vmem>>, vector<1x64xf32>
    %add3A_27 = vector.broadcast %get3A_26 : vector<1x64xf32> to vector<10240x64xf32>
    %add3A_28 = arith.addf %mul3A_23, %add3A_27 : vector<10240x64xf32>
    %get3A_29 = arith.constant 0 : index
    %get3A_30 = arith.constant 0 : index
    %get3A_31 = vector.load %arg5[%get3A_29, %get3A_30] : memref<1x64xf32, #tpu.memory_space<vmem>>, vector<1x64xf32>
    %get3A_32 = arith.constant 0 : index
    %get3A_33 = arith.constant 0 : index
    %get3A_34 = vector.load %arg6[%get3A_32, %get3A_33] : memref<1x64xf32, #tpu.memory_space<vmem>>, vector<1x64xf32>
    %iota3A = tpu.iota {dimensions = array<i32: 0>} : vector<10240x1xi32>
    %lt3A = arith.constant 10000 : i32
    %lt3A_35 = vector.broadcast %lt3A : i32 to vector<10240x1xi32>
    %lt3A_36 = arith.cmpi slt, %iota3A, %lt3A_35 : vector<10240x1xi32>
    %jit3A = arith.constant 0.000000e+00 : f32
    %broadcast_in_dim3A = vector.shape_cast %lt3A_36 : vector<10240x1xi1> to vector<10240x1xi1>
    %broadcast_in_dim3A_37 = vector.broadcast %broadcast_in_dim3A : vector<10240x1xi1> to vector<10240x64xi1>
    %broadcast_in_dim3A_38 = vector.broadcast %jit3A : f32 to vector<10240x64xf32>
    %select_n3A = arith.select %broadcast_in_dim3A_37, %add3A_28, %broadcast_in_dim3A_38 : vector<10240x64xi1>, vector<10240x64xf32>
    %reduce_sum3A = arith.constant dense<0.000000e+00> : vector<64xf32>
    %reduce_sum3A_39 = vector.multi_reduction <add>, %select_n3A, %reduce_sum3A [0] : vector<10240x64xf32> to vector<64xf32>
    %broadcast_in_dim3A_40 = vector.shape_cast %reduce_sum3A_39 : vector<64xf32> to vector<1x64xf32>
    %mul3A_41 = arith.constant 9.99999974E-5 : f32
    %mul3A_42 = vector.broadcast %mul3A_41 : f32 to vector<1x64xf32>
    %mul3A_43 = arith.mulf %broadcast_in_dim3A_40, %mul3A_42 : vector<1x64xf32>
    %sub3A = vector.broadcast %mul3A_43 : vector<1x64xf32> to vector<10240x64xf32>
    %sub3A_44 = arith.subf %add3A_28, %sub3A : vector<10240x64xf32>
    %mul3A_45 = arith.mulf %sub3A_44, %sub3A_44 : vector<10240x64xf32>
    %jit3A_46 = arith.constant 0.000000e+00 : f32
    %broadcast_in_dim3A_47 = vector.shape_cast %lt3A_36 : vector<10240x1xi1> to vector<10240x1xi1>
    %broadcast_in_dim3A_48 = vector.broadcast %broadcast_in_dim3A_47 : vector<10240x1xi1> to vector<10240x64xi1>
    %broadcast_in_dim3A_49 = vector.broadcast %jit3A_46 : f32 to vector<10240x64xf32>
    %select_n3A_50 = arith.select %broadcast_in_dim3A_48, %mul3A_45, %broadcast_in_dim3A_49 : vector<10240x64xi1>, vector<10240x64xf32>
    %reduce_sum3A_51 = arith.constant dense<0.000000e+00> : vector<64xf32>
    %reduce_sum3A_52 = vector.multi_reduction <add>, %select_n3A_50, %reduce_sum3A_51 [0] : vector<10240x64xf32> to vector<64xf32>
    %broadcast_in_dim3A_53 = vector.shape_cast %reduce_sum3A_52 : vector<64xf32> to vector<1x64xf32>
    %mul3A_54 = arith.constant 9.99999974E-5 : f32
    %mul3A_55 = vector.broadcast %mul3A_54 : f32 to vector<1x64xf32>
    %mul3A_56 = arith.mulf %broadcast_in_dim3A_53, %mul3A_55 : vector<1x64xf32>
    %mul3A_57 = vector.broadcast %get3A_31 : vector<1x64xf32> to vector<10240x64xf32>
    %mul3A_58 = arith.mulf %mul3A_57, %sub3A_44 : vector<10240x64xf32>
    %add3A_59 = arith.constant 9.99999974E-6 : f32
    %add3A_60 = vector.broadcast %add3A_59 : f32 to vector<1x64xf32>
    %add3A_61 = arith.addf %mul3A_56, %add3A_60 : vector<1x64xf32>
    %sqrt3A = math.sqrt %add3A_61 : vector<1x64xf32>
    %div3A = vector.broadcast %sqrt3A : vector<1x64xf32> to vector<10240x64xf32>
    %div3A_62 = arith.divf %mul3A_58, %div3A : vector<10240x64xf32>
    %add3A_63 = vector.broadcast %get3A_34 : vector<1x64xf32> to vector<10240x64xf32>
    %add3A_64 = arith.addf %div3A_62, %add3A_63 : vector<10240x64xf32>
    %max3A = arith.constant 0.000000e+00 : f32
    %max3A_65 = vector.broadcast %max3A : f32 to vector<10240x64xf32>
    %max3A_66 = arith.maximumf %add3A_64, %max3A_65 : vector<10240x64xf32>
    %get3A_67 = arith.constant 0 : index
    %get3A_68 = arith.constant 0 : index
    %get3A_69 = vector.load %arg2[%get3A_67, %get3A_68] : memref<10240x128xf32, #tpu.memory_space<vmem>>, vector<10240x64xf32>
    %add3A_70 = arith.addf %get3A_69, %max3A_66 : vector<10240x64xf32>
    %get3A_71 = arith.constant 0 : index
    %get3A_72 = arith.constant 0 : index
    %get3A_73 = vector.load %arg7[%get3A_71, %get3A_72] : memref<64x16xf32, #tpu.memory_space<vmem>>, vector<64x16xf32>
    %dot_general3A = arith.constant dense<0.000000e+00> : vector<10240x16xf32>
    %dot_general3A_74 = tpu.matmul %add3A_70, %get3A_73, %dot_general3A {dimension_numbers = #tpu.dot_dimension_numbers<[1], [0], [0], [1], [0, 0, 1, 1], [], []>, transpose_lhs_hint = false} : vector<10240x64xf32>, vector<64x16xf32>, vector<10240x16xf32> -> vector<10240x16xf32>
    %mul3A_75 = vector.broadcast %get3A_1 : vector<10240x1xf32> to vector<10240x16xf32>
    %mul3A_76 = arith.mulf %dot_general3A_74, %mul3A_75 : vector<10240x16xf32>
    %swap3A = arith.constant 0 : index
    %swap3A_77 = arith.constant 0 : index
    %swap3A_78 = vector.load %arg8[%swap3A, %swap3A_77] : memref<10240x16xf32, #tpu.memory_space<vmem>>, vector<10240x16xf32>
    tpu.vector_store %arg8[%swap3A, %swap3A_77], %mul3A_76 {strides = array<i32>} : memref<10240x16xf32, #tpu.memory_space<vmem>>, vector<10240x16xf32>,
    return
  }
}

module attributes {stable_mosaic.version = 14 : i64} {
  func.func @_tc_d_body(%arg0: memref<2x10240x16xf32, #tpu.memory_space<vmem>>, %arg1: memref<10240x16xf32, #tpu.memory_space<vmem>>, %arg2: memref<10240x1xf32, #tpu.memory_space<vmem>>, %arg3: memref<1x2xf32, #tpu.memory_space<vmem>>, %arg4: memref<10240x2xf32, #tpu.memory_space<vmem>>) attributes {dimension_semantics = [], scalar_prefetch = 0 : i64, scratch_operands = 0 : i64, tpu.core_type = #tpu.core_type<tc>} {
    %get3A = arith.constant 0 : index
    %get3A_0 = arith.constant 0 : index
    %get3A_1 = vector.load %arg2[%get3A, %get3A_0] : memref<10240x1xf32, #tpu.memory_space<vmem>>, vector<10240x1xf32>
    %get3A_2 = arith.constant 0 : index
    %get3A_3 = arith.constant 0 : index
    %get3A_4 = arith.constant 0 : index
    %get3A_5 = vector.load %arg0[%get3A_2, %get3A_3, %get3A_4] : memref<2x10240x16xf32, #tpu.memory_space<vmem>>, vector<1x10240x16xf32>
    %get3A_6 = vector.shape_cast %get3A_5 : vector<1x10240x16xf32> to vector<10240x16xf32>
    %get3A_7 = arith.constant 1 : index
    %get3A_8 = arith.constant 0 : index
    %get3A_9 = arith.constant 0 : index
    %get3A_10 = vector.load %arg0[%get3A_7, %get3A_8, %get3A_9] : memref<2x10240x16xf32, #tpu.memory_space<vmem>>, vector<1x10240x16xf32>
    %get3A_11 = vector.shape_cast %get3A_10 : vector<1x10240x16xf32> to vector<10240x16xf32>
    %add3A = arith.addf %get3A_6, %get3A_11 : vector<10240x16xf32>
    %get3A_12 = arith.constant 0 : index
    %get3A_13 = arith.constant 0 : index
    %get3A_14 = vector.load %arg1[%get3A_12, %get3A_13] : memref<10240x16xf32, #tpu.memory_space<vmem>>, vector<10240x16xf32>
    %add3A_15 = arith.addf %add3A, %get3A_14 : vector<10240x16xf32>
    %mul3A = vector.broadcast %get3A_1 : vector<10240x1xf32> to vector<10240x16xf32>
    %mul3A_16 = arith.mulf %mul3A, %add3A_15 : vector<10240x16xf32>
    %slice3A = vector.extract_strided_slice %mul3A_16 {offsets = [0, 0], sizes = [10240, 2], strides = [1, 1]} : vector<10240x16xf32> to vector<10240x2xf32>
    %get3A_17 = arith.constant 0 : index
    %get3A_18 = arith.constant 0 : index
    %get3A_19 = vector.load %arg3[%get3A_17, %get3A_18] : memref<1x2xf32, #tpu.memory_space<vmem>>, vector<1x2xf32>
    %add3A_20 = vector.broadcast %get3A_19 : vector<1x2xf32> to vector<10240x2xf32>
    %add3A_21 = arith.addf %slice3A, %add3A_20 : vector<10240x2xf32>
    %reduce_max3A = arith.constant dense<0xFF800000> : vector<10240xf32>
    %reduce_max3A_22 = vector.multi_reduction <maximumf>, %add3A_21, %reduce_max3A [1] : vector<10240x2xf32> to vector<10240xf32>
    %broadcast_in_dim3A = vector.shape_cast %reduce_max3A_22 : vector<10240xf32> to vector<10240x1xf32>
    %sub3A = vector.broadcast %broadcast_in_dim3A : vector<10240x1xf32> to vector<10240x2xf32>
    %sub3A_23 = arith.subf %add3A_21, %sub3A : vector<10240x2xf32>
    %exp3A = math.exp %sub3A_23 : vector<10240x2xf32>
    %slice3A_24 = vector.extract_strided_slice %exp3A {offsets = [0, 0], sizes = [10240, 1], strides = [1, 1]} : vector<10240x2xf32> to vector<10240x1xf32>
    %slice3A_25 = vector.extract_strided_slice %exp3A {offsets = [0, 1], sizes = [10240, 1], strides = [1, 1]} : vector<10240x2xf32> to vector<10240x1xf32>
    %add3A_26 = arith.addf %slice3A_24, %slice3A_25 : vector<10240x1xf32>
    %log3A = math.log %add3A_26 : vector<10240x1xf32>
    %add3A_27 = arith.addf %log3A, %broadcast_in_dim3A : vector<10240x1xf32>
    %sub3A_28 = vector.broadcast %add3A_27 : vector<10240x1xf32> to vector<10240x2xf32>
    %sub3A_29 = arith.subf %add3A_21, %sub3A_28 : vector<10240x2xf32>
    %swap3A = arith.constant 0 : index
    %swap3A_30 = arith.constant 0 : index
    %swap3A_31 = vector.load %arg4[%swap3A, %swap3A_30] : memref<10240x2xf32, #tpu.memory_space<vmem>>, vector<10240x2xf32>
    tpu.vector_store %arg4[%swap3A, %swap3A_30], %sub3A_29 {strides = array<i32>} : memref<10240x2xf32, #tpu.memory_space<vmem>>, vector<10240x2xf32>,
    return
  }
}

</mosaic_0001>

<sc_bundles>
// kernel: kernel.10.cloned.1.call-start
scs
__scs_entry_jumppad:
0x0: {  	(pc) =	sbr.rel $0x88, $3  }
0x1: {  	(tag) =	ssettag $0x0;
	lr =	simm.s32 $0x1  }
0x2: {  	[smem:$0x3F95] =	sst lr;
	_ =	strace $0xD0000000  }
0x3: {  	_ = 	snop  }
0x4: {  	_ = 	snop  }
0x5: {  	_ = 	snop  }
0x6: {  	_ = 	snop  }
0x7: {  	_ = 	snop  }
__scs_overlays_trampoline_lowered:
0x8: {  	[smem:$0x3FA4] =	sst s0  }
0x9: {  	[smem:$0x3FA5] =	sst s1  }
0xa: {  	[smem:$0x3FA6] =	sst s2  }
0xb: {  	[smem:$0x3FA7] =	sst s3  }
0xc: {  	[smem:$0x3FA8] =	sst s4  }
0xd: {  	[smem:$0x3FA9] =	sst s5  }
0xe: {  	[smem:$0x3FAA] =	sst s6  }
0xf: {  	[smem:$0x3FAB] =	sst s7  }
0x10: {  	[smem:$0x3FAC] =	sst s8  }
0x11: {  	[smem:$0x3FAD] =	sst s9;
	s0 =	simm.s32 @!p0 $0x0  }
0x12: {  	s1 =	sld [smem:$0x3F93];
	s0 =	simm.s32 @p0 $0x1  }
0x13: {  	[smem:$0x3FAE] =	sst s0;
	s0 =	simm.s32 @!p1 $0x0  }
0x14: {  	s2 =	sld [smem:$0x3F92];
	s0 =	simm.s32 @p1 $0x1  }
0x15: {  	[smem:$0x3FAF] =	sst s0;
	s0 =	simm.s32 @!p2 $0x0  }
0x16: {  	s3 =	sld [smem:$0x3FDB];
	s0 =	simm.s32 @p2 $0x1  }
0x17: {  	s4 =	simm.s32 $0x1BF5;
	[smem:$0x3FB1] =	sst s0  }
0x18: {  	s0 =	sld [smem:$0x3F94];
	_ =	swait.ge [sflag:s4], $0x0  }
0x19: {  	s7 =	sld [smem:$0x3F95]  }
0x1a: {  	s8 =	sadd.s32 $0xFFFFE003, lr  }
0x1b: {  	s9 =	sadd.s32 $0xFFFFFEF7, lr;
	s5 =	simm.s32 $0xFFFFFFFF;
	p2 =	slt.u32 s8, $0xFFFFF086  }
0x1c: {  	p1 =	slt.u32 s9, $0xF7A;
	s5 =	simm.s32 @!p2 $0x0  }
0x1d: {  	s5 =	simm.s32 @p1 $0x1;
	p0 =	seq.s32 s7, s2  }
0x1e: {  	s7 =	smul.u32 @!p0 $0xF7A, s2;
	p2 =	seq.s32 @!p0 s5, $0x0  }
0x1f: {  	s9 =	smul.u32 $0xF7A, s1;
	s8 =	simm.s32 @!p0 $0x1BF5;
	p2 =	por !p2, p0  }
0x20: {  	[sflag:s8] =	ssyncset.s32 @!p0 $0xFFFFF086;
	s6 =	sadd.s32 @!p0 s3, s7;
	s7 =	simm.s32 @!p0 $0x108  }
0x21: {  	s3 =	sadd.s32 s3, s9;
	s6 =	sadd.s32 @!p0 $0x88, s6;
	s7 =	simm.s32 @p2 $0x1082  }
0x22: {  	[simem:s7], [sflag:s8] =	dma.local @!p0 [hbm:s6], $0xF7A  }
0x23: {  	s9 =	sor.u32 $0xD0000000, s2;
	s6 =	simm.s32 $0x108;
	_ =	swait.ge @!p0 [sflag:s8], $0x0  }
0x24: {  	s3 =	sadd.s32 $0x88, s3;
	s6 =	simm.s32 @!p1 $0x1082;
	[sflag:s4] =	ssyncset.s32 $0xFFFFF086  }
0x25: {  	[simem:s6], [sflag:s4] =	dma.local [hbm:s3], $0xF7A  }
0x26: {  	[smem:$0x3F95] =	sst s1;
	(tag) =	ssettag s2;
	_ =	strace s9  }
0x27: {  	s1 =	sld [smem:$0x3FA5]  }
0x28: {  	s2 =	sld [smem:$0x3FA6]  }
0x29: {  	s4 =	sld [smem:$0x3FA8]  }
0x2a: {  	p0 =	seq.s32 s5, $0x0;
	s5 =	sld [smem:$0x3FA9]  }
0x2b: {  	s6 =	sld [smem:$0x3FAA]  }
0x2c: {  	s7 =	sld [smem:$0x3FAB]  }
0x2d: {  	s3 =	simm.s32 $0x108;
	s8 =	sld [smem:$0x3FAC]  }
0x2e: {  	s3 =	simm.s32 @!p0 $0x1082;
	s9 =	sld [smem:$0x3FAD]  }
0x2f: {  	lr =	sadd.s32 s0, s3;
	s0 =	sld [smem:$0x3FA4]  }
0x30: {  	s3 =	sld [smem:$0x3FA7]  }
0x31: {  	[smem:$0x3FB0] =	sst s10  }
0x32: {  	s10 =	sld [smem:$0x3FAE];
	_ =	sdelay $0x3  }
0x33: {  	p0 =	seq.s32 s10, $0x1;
	s10 =	sld [smem:$0x3FB0];
	_ =	sdelay $0x3  }
0x34: {  	[smem:$0x3FB0] =	sst s10  }
0x35: {  	s10 =	sld [smem:$0x3FAF];
	_ =	sdelay $0x3  }
0x36: {  	p1 =	seq.s32 s10, $0x1;
	s10 =	sld [smem:$0x3FB0];
	_ =	sdelay $0x3  }
0x37: {  	[smem:$0x3FB0] =	sst s10  }
0x38: {  	s10 =	sld [smem:$0x3FB1]  }
0x39: {  	_ = 	snop;
	(pc) =	sbr.ind lr, $3  }
0x3a: {  	_ = 	snop  }
0x3b: {  	_ = 	snop  }
0x3c: {  	p2 =	seq.s32 s10, $0x1;
	s10 =	sld [smem:$0x3FB0]  }
0x3d: {  	_ =	shalt  }
0x3e: {  	_ =	shalt  }
0x3f: {  	_ =	shalt  }
0x40: {  	_ =	shalt  }
0x41: {  	_ =	shalt  }
0x42: {  	_ =	shalt  }
0x43: {  	_ =	shalt  }
0x44: {  	_ =	shalt  }
0x45: {  	_ =	shalt  }
0x46: {  	_ =	shalt  }
0x47: {  	_ =	shalt  }
0x48: {  	_ =	shalt  }
0x49: {  	_ =	shalt  }
0x4a: {  	_ =	shalt  }
0x4b: {  	_ =	shalt  }
0x4c: {  	_ =	shalt  }
0x4d: {  	_ =	shalt  }
0x4e: {  	_ =	shalt  }
0x4f: {  	_ =	shalt  }
0x50: {  	_ =	shalt  }
0x51: {  	_ =	shalt  }
0x52: {  	_ =	shalt  }
0x53: {  	_ =	shalt  }
0x54: {  	_ =	shalt  }
0x55: {  	_ =	shalt  }
0x56: {  	_ =	shalt  }
0x57: {  	_ =	shalt  }
0x58: {  	_ =	shalt  }
0x59: {  	_ =	shalt  }
0x5a: {  	_ =	shalt  }
0x5b: {  	_ =	shalt  }
0x5c: {  	_ =	shalt  }
0x5d: {  	_ =	shalt  }
0x5e: {  	_ =	shalt  }
0x5f: {  	_ =	shalt  }
0x60: {  	_ =	shalt  }
0x61: {  	_ =	shalt  }
0x62: {  	_ =	shalt  }
0x63: {  	_ =	shalt  }
0x64: {  	_ =	shalt  }
0x65: {  	_ =	shalt  }
0x66: {  	_ =	shalt  }
0x67: {  	_ =	shalt  }
0x68: {  	_ =	shalt  }
0x69: {  	_ =	shalt  }
0x6a: {  	_ =	shalt  }
0x6b: {  	_ =	shalt  }
0x6c: {  	_ =	shalt  }
0x6d: {  	_ =	shalt  }
0x6e: {  	_ =	shalt  }
0x6f: {  	_ =	shalt  }
0x70: {  	_ =	shalt  }
0x71: {  	_ =	shalt  }
0x72: {  	_ =	shalt  }
0x73: {  	_ =	shalt  }
0x74: {  	_ =	shalt  }
0x75: {  	_ =	shalt  }
0x76: {  	_ =	shalt  }
0x77: {  	_ =	shalt  }
0x78: {  	_ =	shalt  }
0x79: {  	_ =	shalt  }
0x7a: {  	_ =	shalt  }
0x7b: {  	_ =	shalt  }
0x7c: {  	_ =	shalt  }
0x7d: {  	_ =	shalt  }
0x7e: {  	_ =	shalt  }
0x7f: {  	_ =	shalt  }
0x80: {  	_ =	shalt  }
0x81: {  	_ =	shalt  }
0x82: {  	_ =	shalt  }
0x83: {  	_ =	shalt  }
0x84: {  	_ =	shalt  }
0x85: {  	_ =	shalt  }
0x86: {  	_ =	shalt  }
0x87: {  	_ =	shalt  }
.Lfunc_end0:
.L_simem_size_0:
called_computation_lowered:
.L_overlay_start_0:
0x88: {  	s2 =	sld [smem:$0x3FD9]  }
0x89: {  	s3 =	sld [smem:$0x3FFE];
	_ =	sdelay $0x1  }
0x8a: {  	s1 =	srdreg.scid  }
0x8b: {  	s0 =	sand.u32 $0x1, s1  }
0x8c: {  	s17 =	sshll.u32 s0, $0xA;
	s2 =	sadd.s32 s3, s2  }
0x8d: {  	s2 =	sadd.s32 s2, s17  }
0x8e: {  	[smem:$0x3FBC] =	sst s2  }
0x8f: {  	_ = 	snop  }
0x90: {  	s2 =	sld [smem:$0x3FD0];
	(tm) =	ssettm $0x1  }
0x91: {  	s18 =	sld [smem:$0x3FFB];
	_ =	sdelay $0x3  }
0x92: {  	_ =	strace s18  }
0x93: {  	s3 =	sld [smem:$0x3FFC];
	_ =	sdelay $0x3  }
0x94: {  	_ =	strace s3  }
0x95: {  	s3 =	sld [smem:$0x3FFD];
	_ =	sdelay $0x3  }
0x96: {  	_ =	strace s3  }
0x97: {  	_ =	strace $0x8FFFFFFF  }
0x98: {  	s19 =	sld [smem:$0x3FDB];
	_ =	sdelay $0x1  }
0x99: {  	s4 =	simm.s32 $_scs_section_size  }
0x9a: {  	s5 =	simm.s32 $_size__tile_overlayer_lowered;
	s6 =	simm.s32 $_tile_overlayer_lowered  }
0x9b: {  	s22 =	simm.s32 $0x1BFF;
	s21 =	sshll.u32 s6, $0x1;
	s3 =	sadd.s32 s4, s19  }
0x9c: {  	s7 =	simm.s32 $0x0;
	s20 =	sshll.u32 s5, $0x1;
	s5 =	sadd.s32 s21, s3  }
0x9d: {  	[timem:s7], [sflag:s22] =	dma.local [hbm:s5], s20  }
0x9e: {  	_ =	swait.ge [sflag:s22], s20  }
0x9f: {  	s4 =	ssub.s32 $0x0, s20;
	[sflag:s22] =	ssyncset.done $0x0  }
0xa0: {  	[sflag:s22] =	ssyncadd.s32 s4;
	_ =	sdelay $0x1  }
0xa1: {  	s23 =	simm.s32 $0x1B8B  }
0xa2: {  	_ =	swait.ge [sflag:s23], $0x1  }
0xa3: {  	[sflag:s23] =	ssyncset.done $0x0  }
0xa4: {  	s25 =	simm.s32 $0x1B8E;
	s24 =	sld [smem:$0x3FFE];
	[sflag:s23] =	ssyncadd.s32 $0xFFFFFFFF  }
0xa5: {  	s26 =	simm.s32 $execute0_lowered;
	[smem:$0x3FD2] =	sst s25  }
0xa6: {  	s5 =	sshll.u32 s26, $0x1;
	_ =	strace $0x80000046;
	[dreg:$0x1] =	wrdreg $0xFFFFFFFF  }
0xa7: {  	s28 =	simm.s32 $_size_execute0_lowered;
	s3 =	sadd.s32 s3, s5;
	[dreg:$0x0] =	wrdreg $0x0  }
0xa8: {  	s5 =	sshll.u32 s28, $0x1;
	[dreg:$0x2] =	wrdreg s3  }
0xa9: {  	[dreg:$0x3] =	wrdreg s5  }
0xaa: {  	[dreg:$0x4] =	wrdreg $0xC0  }
0xab: {  	_ =	task [dreg:s7], $0x5FFFF  }
0xac: {  	[dreg:$0x1] =	wrdreg $0xFFFFFFFF  }
0xad: {  	[dreg:$0x0] =	wrdreg $0x60  }
0xae: {  	[dreg:$0x2] =	wrdreg s24  }
0xaf: {  	[dreg:$0x3] =	wrdreg s2  }
0xb0: {  	[dreg:$0x4] =	wrdreg $0x30000  }
0xb1: {  	[dreg:$0x5] =	wrdreg $0x9  }
0xb2: {  	_ =	task.clear_ibuf [dreg:s7], $0x6FFFF;
	_ =	strace $0x90000046  }
0xb3: {  	s29 =	simm.s32 $0x9;
	_ =	strace $0x80000048  }
0xb4: {  	_ =	swait.ge [sflag:s29], $0x1  }
0xb5: {  	[sflag:s29] =	ssyncadd.s32 $0xFFFFFFFF  }
0xb6: {  	_ =	strace $0x90000048  }
0xb7: {  	_ =	sfence  }
0xb8: {  	s30 =	sld [smem:$0x0];
	_ =	sdelay $0x2  }
0xb9: {  	s31 =	sshll.u32 s1, $0xD;
	s1 =	sshrl.u32 s1, $0x2  }
0xba: {  	s3 =	sand.u32 $0x4000, s31;
	s1 =	sadd.s32 s1, s30  }
0xbb: {  	s0 =	sor.u32 s3, s0;
	s1 =	sshll.u32 s1, $0x11  }
0xbc: {  	s0 =	sor.u32 s1, s0  }
0xbd: {  	s0 =	sadd.s32 $0x8F2B, s0  }
0xbe: {  	[sflag:s0] =	ssyncadd.remote.s32 $0x1  }
0xbf: {  	_ =	sfence.sel $0xFFFF  }
0xc0: {  	[dreg:$0x0] =	wrdreg $0xFFFFFFFF;
	(pc) =	sbr.abs _section_cstart, $3  }
0xc1: {  	[dreg:$0x1] =	wrdreg $0xFFFFFFFF  }
0xc2: {  	_ =	task.clear_ibuf [dreg:s7], $0x2FFFF;
	_ =	strace $0x9FFFFFFF  }
0xc3: {  	(tm) =	ssettm $0x7FFFFFFF  }
tec
execute0_lowered:
.L_overlay_start_1:
0x0: {  	(tag) =	ssettag $0x1  }
0x1: {  	s7 =	rddreg [dreg:$0x0]  }
0x2: {  	s2 =	rddreg [dreg:$0x1]  }
0x3: {  	s0 =	srdreg.scid;
	s3 =	rddreg [dreg:$0x2];
	s4 =	simm.s32 $0x0  }
0x4: {  	s15 =	simm.s32 $0x2800;
	s6 =	sand.u32 $0x1, s0;
	s0 =	stileid.u32  }
0x5: {  	s16 =	simm.s32 $0x80;
	s19 =	simm.s32 $0x0;
	s8 =	smul.u32 $0x2800, s0  }
0x6: {  	[smem:$0x7FF] =	sst s4;
	s1 =	sshll.u32 s6, $0x4;
	s9 =	smul.u32 $0x28000, s6  }
0x7: {  	s11 =	smul.u32 $0xA000, s0;
	s6 =	ssub.s32 $0x2, s6;
	s17 =	sshll.u32 s0, $0x6  }
0x8: {  	s1 =	sor.u32 s0, s1;
	s12 =	sshrl.u32 s6, $0x1;
	s17 =	sor.u32 $0x1C01, s17  }
0x9: {  	s5 =	smul.u32 $0x500, s1;
	s1 =	rddreg [dreg:$0x3];
	_ =	strace $0x80000047  }
0xa: {  	s9 =	sadd.s32 s8, s9;
	s11 =	sshrl.u32 s11, $0x2;
	s14 =	ssub.s32 s6, s12  }
0xb: {  	s9 =	sshrl.u32 s9, $0x3;
	s11 =	sadd.s32 s11, s3;
	s10 =	sadd.s32 s5, s7  }
0xc: {  	s5 =	sadd.s32 $0x16E00, s7;
	s13 =	sadd.s32 s9, s7;
	s7 =	sadd.s32 s8, s3  }
0xd: {  	s8 =	sadd.s32 $0x800, s11;
	s9 =	sadd.s32 $0x1000, s11;
	s6 =	sadd.s32 $0xCE00, s10  }
0xe: {  	s10 =	sadd.s32 $0x1800, s11;
	s11 =	sadd.s32 $0x2000, s11;
	s12 =	sadd.s32 $0x17000, s13  }
0xf: {  	s13 =	smax.u32 s14, $0x1;
	s14 =	simm.s32 $0x1;
	s18 =	sshrl.u32 s7, $0x3  }
.LBB2_1:
0x10: {  	[tilespmem:s4], [sflag:$0x1] =	stream.linear.gather [hbm4b:s6+s4], $0x2800, $0x38;
	[tilespmem:$0x5800] =	vst v63  }
0x11: {  	_ =	swait.ge [sflag:s14], $0x2800  }
0x12: {  	[sflag:s14] =	ssyncset.done $0x0  }
0x13: {  	[sflag:s14] =	ssyncadd.s32 $0xFFFFD800  }
0x14: {  	[tilespmem:s15], [sflag:$0x1] =	stream.linear.gather [hbm4b:s5+s4], $0x800, $0x38;
	[tilespmem:$0x5800] =	vst v63  }
0x15: {  	_ =	swait.ge [sflag:s14], $0x800  }
0x16: {  	[sflag:s14] =	ssyncset.done $0x0  }
0x17: {  	[sflag:s14] =	ssyncadd.s32 $0xFFFFF800  }
0x18: {  	[spmem:s7] =	stream.linear.scatter [tilespmem:s15], [sflag:$0x1], $0x800, $0x38;
	[tilespmem:$0x5800] =	vst v63  }
0x19: {  	_ =	swait.ge [sflag:s14], $0x800  }
0x1a: {  	[sflag:s14] =	ssyncset.done $0x0  }
0x1b: {  	[sflag:s14] =	ssyncadd.s32 $0xFFFFF800  }
0x1c: {  	[spmem:s8] =	stream.linear.scatter [tilespmem:s15], [sflag:$0x1], $0x800, $0x38;
	[tilespmem:$0x5800] =	vst v63  }
0x1d: {  	_ =	swait.ge [sflag:s14], $0x800  }
0x1e: {  	[sflag:s14] =	ssyncset.done $0x0  }
0x1f: {  	[sflag:s14] =	ssyncadd.s32 $0xFFFFF800  }
0x20: {  	[spmem:s9] =	stream.linear.scatter [tilespmem:s15], [sflag:$0x1], $0x800, $0x38;
	[tilespmem:$0x5800] =	vst v63  }
0x21: {  	_ =	swait.ge [sflag:s14], $0x800  }
0x22: {  	[sflag:s14] =	ssyncset.done $0x0  }
0x23: {  	[sflag:s14] =	ssyncadd.s32 $0xFFFFF800  }
0x24: {  	[spmem:s10] =	stream.linear.scatter [tilespmem:s15], [sflag:$0x1], $0x800, $0x38;
	[tilespmem:$0x5800] =	vst v63  }
0x25: {  	_ =	swait.ge [sflag:s14], $0x800  }
0x26: {  	[sflag:s14] =	ssyncset.done $0x0  }
0x27: {  	[sflag:s14] =	ssyncadd.s32 $0xFFFFF800  }
0x28: {  	[spmem:s11] =	stream.linear.scatter [tilespmem:s15], [sflag:$0x1], $0x800, $0x38;
	[tilespmem:$0x5800] =	vst v63  }
0x29: {  	_ =	swait.ge [sflag:s14], $0x800  }
0x2a: {  	[sflag:s14] =	ssyncset.done $0x0  }
0x2b: {  	[sflag:s14] =	ssyncadd.s32 $0xFFFFF800  }
0x2c: {  	[bflag:$0x0] =	sbarrier.arrive $0xFFFF  }
0x2d: {  	[tilespmem:s15], [sflag:$0x1] =	stream.linear.gather [hbm4b:s2+s4], $0x800, $0x38;
	[tilespmem:$0x5800] =	vst v63  }
0x2e: {  	_ =	swait.ge [sflag:s14], $0x800  }
0x2f: {  	[sflag:s14] =	ssyncset.done $0x0  }
0x30: {  	s20 =	simm.s32 $0x0;
	[sflag:s14] =	ssyncadd.s32 $0xFFFFF800  }
0x31: {  	[spmem:s3] =	stream.indirect.scatter.add.f32 [tilespmem:s15], [sflag:$0x1], $0x10, s20, s16, $0xb8;
	[tilespmem:$0x5800] =	vst v63  }
0x32: {  	_ =	swait.ge [sflag:s14], $0x800  }
0x33: {  	s20 =	simm.s32 $0x200;
	[sflag:s14] =	ssyncset.done $0x0  }
.LBB2_2:
0x34: {  	s21 =	sshra.s32 s20, $0x2;
	[sflag:s14] =	ssyncadd.s32 $0xFFFFF800;
	p0 =	sne.s32 s20, $0x9E00  }
0x35: {  	[spmem:s3] =	stream.indirect.scatter.add.f32 [tilespmem:s15], [sflag:$0x1], $0x10, s21, s16, $0xb8;
	[tilespmem:$0x5800] =	vst v63  }
.Ltmp0:
0x36: {  	_ = 	snop;
	(pc) =	sbr.rel @p0 .LBB2_2-.Ltmp0, $4  }
0x37: {  	_ = 	snop  }
0x38: {  	s20 =	sadd.s32 $0x200, s20  }
0x39: {  	_ =	swait.ge [sflag:s14], $0x800  }
0x3a: {  	[sflag:s14] =	ssyncset.done $0x0  }
0x3b: {  	s19 =	sadd.s32 $0x1, s19  }
0x3c: {  	[sflag:s14] =	ssyncadd.s32 $0xFFFFF800;
	p0 =	sne.s32 s19, s13  }
.Ltmp1:
0x3d: {  	[bflag:$0x0] =	sbarrier.arrive $0xFFFF;
	(pc) =	sbr.rel @p0 .LBB2_1-.Ltmp1, $4  }
0x3e: {  	[hbm:s12], [sflag:s17] =	dma.local [spmem:s18], $0x500  }
0x3f: {  	_ =	swait.ge [sflag:s14], $0x500  }
0x40: {  	[sflag:s14] =	ssyncset.done $0x0  }
0x41: {  	[sflag:s14] =	ssyncadd.s32 $0xFFFFFB00  }
0x42: {  	_ =	sfence.sel $0x180000  }
0x43: {  	[bflag:$0x0] =	sbarrier.arrive $0xFFFF  }
0x44: {  	p0 =	sne.s32 s0, $0x0;
	_ =	strace $0x90000047  }
0x45: {  	s0 =	sadd.s32 @!p0 $0x100000, s1;
	[bflag:$0x2] =	sbarrier.arrive $0xFFFF  }
0x46: {  	[sflag:s0] =	ssyncadd.tile.s32 @!p0 $0x1;
	_ =	shalt  }
.Lfunc_end2:
_tile_overlayer_lowered:
.L_overlay_start_2:
0x47: {  	(tag) =	ssettag $0x2  }
0x48: {  	s0 =	rddreg [dreg:$0x0];
	s2 =	stileid.u32  }
0x49: {  	s1 =	rddreg [dreg:$0x1];
	p0 =	sne.s32 s2, $0x0  }
0x4a: {  	s3 =	rddreg [dreg:$0x2];
	[bflag:$0x3] =	sbarrier.arrive $0xFFFF;
	s2 =	simm.s32 @!p0 $0x1C01  }
0x4b: {  	[timem:s3], [sflag:s2] =	dma.local @!p0 [hbm:s0], s1  }
0x4c: {  	s0 =	simm.s32 @!p0 $0x1  }
0x4d: {  	_ =	swait.ge @!p0 [sflag:s0], s1  }
0x4e: {  	s1 =	ssub.s32 @!p0 $0x0, s1;
	[sflag:s0] =	ssyncset.done @!p0 $0x0  }
0x4f: {  	[sflag:s0] =	ssyncadd.s32 @!p0 s1  }
0x50: {  	[bflag:$0x3] =	sbarrier.arrive $0xFFFF  }
0x51: {  	_ =	shalt  }

// kernel: kernel.13.cloned.1.call-start
scs
__scs_entry_jumppad:
0x0: {  	(pc) =	sbr.rel $0x88, $3  }
0x1: {  	(tag) =	ssettag $0x0;
	lr =	simm.s32 $0x1  }
0x2: {  	[smem:$0x3F95] =	sst lr;
	_ =	strace $0xD0000000  }
0x3: {  	_ = 	snop  }
0x4: {  	_ = 	snop  }
0x5: {  	_ = 	snop  }
0x6: {  	_ = 	snop  }
0x7: {  	_ = 	snop  }
__scs_overlays_trampoline_lowered:
0x8: {  	[smem:$0x3FA4] =	sst s0  }
0x9: {  	[smem:$0x3FA5] =	sst s1  }
0xa: {  	[smem:$0x3FA6] =	sst s2  }
0xb: {  	[smem:$0x3FA7] =	sst s3  }
0xc: {  	[smem:$0x3FA8] =	sst s4  }
0xd: {  	[smem:$0x3FA9] =	sst s5  }
0xe: {  	[smem:$0x3FAA] =	sst s6  }
0xf: {  	[smem:$0x3FAB] =	sst s7  }
0x10: {  	[smem:$0x3FAC] =	sst s8  }
0x11: {  	[smem:$0x3FAD] =	sst s9;
	s0 =	simm.s32 @!p0 $0x0  }
0x12: {  	s1 =	sld [smem:$0x3F93];
	s0 =	simm.s32 @p0 $0x1  }
0x13: {  	[smem:$0x3FAE] =	sst s0;
	s0 =	simm.s32 @!p1 $0x0  }
0x14: {  	s2 =	sld [smem:$0x3F92];
	s0 =	simm.s32 @p1 $0x1  }
0x15: {  	[smem:$0x3FAF] =	sst s0;
	s0 =	simm.s32 @!p2 $0x0  }
0x16: {  	s3 =	sld [smem:$0x3FDB];
	s0 =	simm.s32 @p2 $0x1  }
0x17: {  	s4 =	simm.s32 $0x1BF5;
	[smem:$0x3FB1] =	sst s0  }
0x18: {  	s0 =	sld [smem:$0x3F94];
	_ =	swait.ge [sflag:s4], $0x0  }
0x19: {  	s7 =	sld [smem:$0x3F95]  }
0x1a: {  	s8 =	sadd.s32 $0xFFFFE003, lr  }
0x1b: {  	s9 =	sadd.s32 $0xFFFFFEF7, lr;
	s5 =	simm.s32 $0xFFFFFFFF;
	p2 =	slt.u32 s8, $0xFFFFF086  }
0x1c: {  	p1 =	slt.u32 s9, $0xF7A;
	s5 =	simm.s32 @!p2 $0x0  }
0x1d: {  	s5 =	simm.s32 @p1 $0x1;
	p0 =	seq.s32 s7, s2  }
0x1e: {  	s7 =	smul.u32 @!p0 $0xF7A, s2;
	p2 =	seq.s32 @!p0 s5, $0x0  }
0x1f: {  	s9 =	smul.u32 $0xF7A, s1;
	s8 =	simm.s32 @!p0 $0x1BF5;
	p2 =	por !p2, p0  }
0x20: {  	[sflag:s8] =	ssyncset.s32 @!p0 $0xFFFFF086;
	s6 =	sadd.s32 @!p0 s3, s7;
	s7 =	simm.s32 @!p0 $0x108  }
0x21: {  	s3 =	sadd.s32 s3, s9;
	s6 =	sadd.s32 @!p0 $0x88, s6;
	s7 =	simm.s32 @p2 $0x1082  }
0x22: {  	[simem:s7], [sflag:s8] =	dma.local @!p0 [hbm:s6], $0xF7A  }
0x23: {  	s9 =	sor.u32 $0xD0000000, s2;
	s6 =	simm.s32 $0x108;
	_ =	swait.ge @!p0 [sflag:s8], $0x0  }
0x24: {  	s3 =	sadd.s32 $0x88, s3;
	s6 =	simm.s32 @!p1 $0x1082;
	[sflag:s4] =	ssyncset.s32 $0xFFFFF086  }
0x25: {  	[simem:s6], [sflag:s4] =	dma.local [hbm:s3], $0xF7A  }
0x26: {  	[smem:$0x3F95] =	sst s1;
	(tag) =	ssettag s2;
	_ =	strace s9  }
0x27: {  	s1 =	sld [smem:$0x3FA5]  }
0x28: {  	s2 =	sld [smem:$0x3FA6]  }
0x29: {  	s4 =	sld [smem:$0x3FA8]  }
0x2a: {  	p0 =	seq.s32 s5, $0x0;
	s5 =	sld [smem:$0x3FA9]  }
0x2b: {  	s6 =	sld [smem:$0x3FAA]  }
0x2c: {  	s7 =	sld [smem:$0x3FAB]  }
0x2d: {  	s3 =	simm.s32 $0x108;
	s8 =	sld [smem:$0x3FAC]  }
0x2e: {  	s3 =	simm.s32 @!p0 $0x1082;
	s9 =	sld [smem:$0x3FAD]  }
0x2f: {  	lr =	sadd.s32 s0, s3;
	s0 =	sld [smem:$0x3FA4]  }
0x30: {  	s3 =	sld [smem:$0x3FA7]  }
0x31: {  	[smem:$0x3FB0] =	sst s10  }
0x32: {  	s10 =	sld [smem:$0x3FAE];
	_ =	sdelay $0x3  }
0x33: {  	p0 =	seq.s32 s10, $0x1;
	s10 =	sld [smem:$0x3FB0];
	_ =	sdelay $0x3  }
0x34: {  	[smem:$0x3FB0] =	sst s10  }
0x35: {  	s10 =	sld [smem:$0x3FAF];
	_ =	sdelay $0x3  }
0x36: {  	p1 =	seq.s32 s10, $0x1;
	s10 =	sld [smem:$0x3FB0];
	_ =	sdelay $0x3  }
0x37: {  	[smem:$0x3FB0] =	sst s10  }
0x38: {  	s10 =	sld [smem:$0x3FB1]  }
0x39: {  	_ = 	snop;
	(pc) =	sbr.ind lr, $3  }
0x3a: {  	_ = 	snop  }
0x3b: {  	_ = 	snop  }
0x3c: {  	p2 =	seq.s32 s10, $0x1;
	s10 =	sld [smem:$0x3FB0]  }
0x3d: {  	_ =	shalt  }
0x3e: {  	_ =	shalt  }
0x3f: {  	_ =	shalt  }
0x40: {  	_ =	shalt  }
0x41: {  	_ =	shalt  }
0x42: {  	_ =	shalt  }
0x43: {  	_ =	shalt  }
0x44: {  	_ =	shalt  }
0x45: {  	_ =	shalt  }
0x46: {  	_ =	shalt  }
0x47: {  	_ =	shalt  }
0x48: {  	_ =	shalt  }
0x49: {  	_ =	shalt  }
0x4a: {  	_ =	shalt  }
0x4b: {  	_ =	shalt  }
0x4c: {  	_ =	shalt  }
0x4d: {  	_ =	shalt  }
0x4e: {  	_ =	shalt  }
0x4f: {  	_ =	shalt  }
0x50: {  	_ =	shalt  }
0x51: {  	_ =	shalt  }
0x52: {  	_ =	shalt  }
0x53: {  	_ =	shalt  }
0x54: {  	_ =	shalt  }
0x55: {  	_ =	shalt  }
0x56: {  	_ =	shalt  }
0x57: {  	_ =	shalt  }
0x58: {  	_ =	shalt  }
0x59: {  	_ =	shalt  }
0x5a: {  	_ =	shalt  }
0x5b: {  	_ =	shalt  }
0x5c: {  	_ =	shalt  }
0x5d: {  	_ =	shalt  }
0x5e: {  	_ =	shalt  }
0x5f: {  	_ =	shalt  }
0x60: {  	_ =	shalt  }
0x61: {  	_ =	shalt  }
0x62: {  	_ =	shalt  }
0x63: {  	_ =	shalt  }
0x64: {  	_ =	shalt  }
0x65: {  	_ =	shalt  }
0x66: {  	_ =	shalt  }
0x67: {  	_ =	shalt  }
0x68: {  	_ =	shalt  }
0x69: {  	_ =	shalt  }
0x6a: {  	_ =	shalt  }
0x6b: {  	_ =	shalt  }
0x6c: {  	_ =	shalt  }
0x6d: {  	_ =	shalt  }
0x6e: {  	_ =	shalt  }
0x6f: {  	_ =	shalt  }
0x70: {  	_ =	shalt  }
0x71: {  	_ =	shalt  }
0x72: {  	_ =	shalt  }
0x73: {  	_ =	shalt  }
0x74: {  	_ =	shalt  }
0x75: {  	_ =	shalt  }
0x76: {  	_ =	shalt  }
0x77: {  	_ =	shalt  }
0x78: {  	_ =	shalt  }
0x79: {  	_ =	shalt  }
0x7a: {  	_ =	shalt  }
0x7b: {  	_ =	shalt  }
0x7c: {  	_ =	shalt  }
0x7d: {  	_ =	shalt  }
0x7e: {  	_ =	shalt  }
0x7f: {  	_ =	shalt  }
0x80: {  	_ =	shalt  }
0x81: {  	_ =	shalt  }
0x82: {  	_ =	shalt  }
0x83: {  	_ =	shalt  }
0x84: {  	_ =	shalt  }
0x85: {  	_ =	shalt  }
0x86: {  	_ =	shalt  }
0x87: {  	_ =	shalt  }
.Lfunc_end0:
.L_simem_size_0:
called_computation.1_lowered:
.L_overlay_start_0:
0x88: {  	s2 =	sld [smem:$0x3FD9]  }
0x89: {  	s3 =	sld [smem:$0x3FFE];
	_ =	sdelay $0x1  }
0x8a: {  	s1 =	srdreg.scid  }
0x8b: {  	s0 =	sand.u32 $0x1, s1  }
0x8c: {  	s17 =	sshll.u32 s0, $0xA;
	s2 =	sadd.s32 s3, s2  }
0x8d: {  	s2 =	sadd.s32 s2, s17  }
0x8e: {  	[smem:$0x3FBC] =	sst s2  }
0x8f: {  	_ = 	snop  }
0x90: {  	s2 =	sld [smem:$0x3FD0];
	(tm) =	ssettm $0x1  }
0x91: {  	s18 =	sld [smem:$0x3FFB];
	_ =	sdelay $0x3  }
0x92: {  	_ =	strace s18  }
0x93: {  	s3 =	sld [smem:$0x3FFC];
	_ =	sdelay $0x3  }
0x94: {  	_ =	strace s3  }
0x95: {  	s3 =	sld [smem:$0x3FFD];
	_ =	sdelay $0x3  }
0x96: {  	_ =	strace s3  }
0x97: {  	_ =	strace $0x8FFFFFFF  }
0x98: {  	s19 =	sld [smem:$0x3FDB];
	_ =	sdelay $0x1  }
0x99: {  	s4 =	simm.s32 $_scs_section_size  }
0x9a: {  	s5 =	simm.s32 $_size__tile_overlayer_lowered;
	s6 =	simm.s32 $_tile_overlayer_lowered  }
0x9b: {  	s22 =	simm.s32 $0x1BFF;
	s21 =	sshll.u32 s6, $0x1;
	s3 =	sadd.s32 s4, s19  }
0x9c: {  	s7 =	simm.s32 $0x0;
	s20 =	sshll.u32 s5, $0x1;
	s5 =	sadd.s32 s21, s3  }
0x9d: {  	[timem:s7], [sflag:s22] =	dma.local [hbm:s5], s20  }
0x9e: {  	_ =	swait.ge [sflag:s22], s20  }
0x9f: {  	s4 =	ssub.s32 $0x0, s20;
	[sflag:s22] =	ssyncset.done $0x0  }
0xa0: {  	[sflag:s22] =	ssyncadd.s32 s4;
	_ =	sdelay $0x1  }
0xa1: {  	s23 =	simm.s32 $0x1B8B  }
0xa2: {  	_ =	swait.ge [sflag:s23], $0x1  }
0xa3: {  	[sflag:s23] =	ssyncset.done $0x0  }
0xa4: {  	s25 =	simm.s32 $0x1B8E;
	s24 =	sld [smem:$0x3FFE];
	[sflag:s23] =	ssyncadd.s32 $0xFFFFFFFF  }
0xa5: {  	s26 =	simm.s32 $execute0_lowered;
	[smem:$0x3FD2] =	sst s25  }
0xa6: {  	s5 =	sshll.u32 s26, $0x1;
	_ =	strace $0x80000049;
	[dreg:$0x1] =	wrdreg $0xFFFFFFFF  }
0xa7: {  	s28 =	simm.s32 $_size_execute0_lowered;
	s3 =	sadd.s32 s3, s5;
	[dreg:$0x0] =	wrdreg $0x0  }
0xa8: {  	s5 =	sshll.u32 s28, $0x1;
	[dreg:$0x2] =	wrdreg s3  }
0xa9: {  	[dreg:$0x3] =	wrdreg s5  }
0xaa: {  	[dreg:$0x4] =	wrdreg $0xC0  }
0xab: {  	_ =	task [dreg:s7], $0x5FFFF  }
0xac: {  	[dreg:$0x1] =	wrdreg $0xFFFFFFFF  }
0xad: {  	[dreg:$0x0] =	wrdreg $0x60  }
0xae: {  	[dreg:$0x2] =	wrdreg s24  }
0xaf: {  	[dreg:$0x3] =	wrdreg s2  }
0xb0: {  	[dreg:$0x4] =	wrdreg $0x140000  }
0xb1: {  	[dreg:$0x5] =	wrdreg $0x9  }
0xb2: {  	_ =	task.clear_ibuf [dreg:s7], $0x6FFFF;
	_ =	strace $0x90000049  }
0xb3: {  	s29 =	simm.s32 $0x9;
	_ =	strace $0x8000004B  }
0xb4: {  	_ =	swait.ge [sflag:s29], $0x1  }
0xb5: {  	[sflag:s29] =	ssyncadd.s32 $0xFFFFFFFF  }
0xb6: {  	_ =	strace $0x9000004B  }
0xb7: {  	_ =	sfence  }
0xb8: {  	s30 =	sld [smem:$0x0];
	_ =	sdelay $0x2  }
0xb9: {  	s31 =	sshll.u32 s1, $0xD;
	s1 =	sshrl.u32 s1, $0x2  }
0xba: {  	s3 =	sand.u32 $0x4000, s31;
	s1 =	sadd.s32 s1, s30  }
0xbb: {  	s0 =	sor.u32 s3, s0;
	s1 =	sshll.u32 s1, $0x11  }
0xbc: {  	s0 =	sor.u32 s1, s0  }
0xbd: {  	s0 =	sadd.s32 $0x8F2B, s0  }
0xbe: {  	[sflag:s0] =	ssyncadd.remote.s32 $0x1  }
0xbf: {  	_ =	sfence.sel $0xFFFF  }
0xc0: {  	[dreg:$0x0] =	wrdreg $0xFFFFFFFF;
	(pc) =	sbr.abs _section_cstart, $3  }
0xc1: {  	[dreg:$0x1] =	wrdreg $0xFFFFFFFF  }
0xc2: {  	_ =	task.clear_ibuf [dreg:s7], $0x2FFFF;
	_ =	strace $0x9FFFFFFF  }
0xc3: {  	(tm) =	ssettm $0x7FFFFFFF  }
tec
execute0_lowered:
.L_overlay_start_1:
0x0: {  	(tag) =	ssettag $0x1  }
0x1: {  	s0 =	rddreg [dreg:$0x0]  }
0x2: {  	s1 =	srdreg.scid;
	s3 =	rddreg [dreg:$0x2];
	s4 =	simm.s32 $0x0  }
0x3: {  	s6 =	stileid.u32;
	s15 =	simm.s32 $0x6;
	s17 =	simm.s32 $0xA000  }
0x4: {  	s18 =	simm.s32 $0x80;
	s19 =	simm.s32 $0xC000;
	s21 =	simm.s32 $0xE000  }
0x5: {  	s23 =	simm.s32 $0x10000;
	s28 =	simm.s32 $0x2;
	s29 =	simm.s32 $0x3  }
0x6: {  	s30 =	simm.s32 $0x4;
	s31 =	simm.s32 $0x5;
	s7 =	smul.u32 $0xA000, s6  }
0x7: {  	s16 =	simm.s32 $0x9E80;
	s20 =	simm.s32 $0x9F80;
	s24 =	smul.u32 $0xA00, s6  }
0x8: {  	s22 =	simm.s32 $0x0;
	s1 =	sand.u32 $0x1, s1;
	s6 =	smul.u32 $0x28000, s6  }
0x9: {  	[smem:$0x7FF] =	sst s4;
	s2 =	smul.u32 $0xA0000, s1;
	s1 =	ssub.s32 $0x2, s1  }
0xa: {  	_ =	strace $0x8000004A;
	s8 =	sadd.s32 s24, s0;
	s25 =	sshrl.u32 s1, $0x1  }
0xb: {  	s26 =	sshrl.u32 s6, $0x2;
	s5 =	sshrl.u32 s2, $0x3;
	s2 =	sadd.s32 s7, s2  }
0xc: {  	s1 =	ssub.s32 s1, s25;
	s6 =	sadd.s32 $0xCE00, s8;
	s7 =	sadd.s32 s7, s3  }
0xd: {  	s25 =	simm.s32 $0x12000;
	s12 =	sadd.s32 s5, s0;
	s2 =	sshrl.u32 s2, $0x3  }
0xe: {  	s5 =	sadd.s32 $0x2E00, s8;
	s14 =	smax.u32 s1, $0x1;
	s0 =	sadd.s32 s2, s0  }
0xf: {  	s2 =	sadd.s32 s26, s3;
	s12 =	sadd.s32 $0x67000, s12;
	s26 =	simm.s32 $0x1  }
0x10: {  	s8 =	sadd.s32 $0x2000, s2;
	s9 =	sadd.s32 $0x4000, s2;
	s10 =	sadd.s32 $0x6000, s2  }
0x11: {  	s11 =	sadd.s32 $0x8000, s2;
	s13 =	sadd.s32 $0x8F000, s0;
	s2 =	simm.s32 $0x9F00  }
.LBB2_1:
0x12: {  	[tilespmem:s4], [sflag:$0x6] =	stream.linear.gather [hbm4b:s5+s4], $0x5000, $0x38;
	[tilespmem:$0x1E000] =	vst v63  }
0x13: {  	_ =	swait.ge [sflag:s15], $0x5000  }
0x14: {  	[sflag:s15] =	ssyncset.done $0x0  }
0x15: {  	s0 =	simm.s32 $0x5000;
	[sflag:s15] =	ssyncadd.s32 $0xFFFFB000  }
0x16: {  	[tilespmem:s0], [sflag:$0x6] =	stream.linear.gather [hbm4b:s6+s4], $0x5000, $0x38;
	[tilespmem:$0x1E000] =	vst v63  }
0x17: {  	_ =	swait.ge [sflag:s15], $0x5000  }
0x18: {  	[sflag:s15] =	ssyncset.done $0x0  }
0x19: {  	[sflag:s15] =	ssyncadd.s32 $0xFFFFB000  }
0x1a: {  	s24 =	rddreg [dreg:$0x1]  }
0x1b: {  	[tilespmem:s17], [sflag:$0x6] =	stream.linear.gather [hbm4b:s24+s4], $0x2000, $0x38;
	[tilespmem:$0x1E000] =	vst v63  }
0x1c: {  	_ =	swait.ge [sflag:s15], $0x2000  }
0x1d: {  	[sflag:s15] =	ssyncset.done $0x0  }
0x1e: {  	[sflag:s15] =	ssyncadd.s32 $0xFFFFE000  }
0x1f: {  	[spmem:s7] =	stream.linear.scatter [tilespmem:s17], [sflag:$0x6], $0x2000, $0x38;
	[tilespmem:$0x1E000] =	vst v63  }
0x20: {  	_ =	swait.ge [sflag:s15], $0x2000  }
0x21: {  	[sflag:s15] =	ssyncset.done $0x0  }
0x22: {  	[sflag:s15] =	ssyncadd.s32 $0xFFFFE000  }
0x23: {  	[spmem:s8] =	stream.linear.scatter [tilespmem:s17], [sflag:$0x6], $0x2000, $0x38;
	[tilespmem:$0x1E000] =	vst v63  }
0x24: {  	_ =	swait.ge [sflag:s15], $0x2000  }
0x25: {  	[sflag:s15] =	ssyncset.done $0x0  }
0x26: {  	[sflag:s15] =	ssyncadd.s32 $0xFFFFE000  }
0x27: {  	[spmem:s9] =	stream.linear.scatter [tilespmem:s17], [sflag:$0x6], $0x2000, $0x38;
	[tilespmem:$0x1E000] =	vst v63  }
0x28: {  	_ =	swait.ge [sflag:s15], $0x2000  }
0x29: {  	[sflag:s15] =	ssyncset.done $0x0  }
0x2a: {  	[sflag:s15] =	ssyncadd.s32 $0xFFFFE000  }
0x2b: {  	[spmem:s10] =	stream.linear.scatter [tilespmem:s17], [sflag:$0x6], $0x2000, $0x38;
	[tilespmem:$0x1E000] =	vst v63  }
0x2c: {  	_ =	swait.ge [sflag:s15], $0x2000  }
0x2d: {  	[sflag:s15] =	ssyncset.done $0x0  }
0x2e: {  	[sflag:s15] =	ssyncadd.s32 $0xFFFFE000  }
0x2f: {  	[spmem:s11] =	stream.linear.scatter [tilespmem:s17], [sflag:$0x6], $0x2000, $0x38;
	[tilespmem:$0x1E000] =	vst v63  }
0x30: {  	_ =	swait.ge [sflag:s15], $0x2000  }
0x31: {  	[sflag:s15] =	ssyncset.done $0x0  }
0x32: {  	[sflag:s15] =	ssyncadd.s32 $0xFFFFE000  }
0x33: {  	[bflag:$0x0] =	sbarrier.arrive $0xFFFF  }
0x34: {  	[tilespmem:s17], [sflag:$0x1] =	stream.indirect.gather [hbm4b:s12+s18], $0x40, s4, s18, $0xb8;
	[tilespmem:$0x1E000] =	vst v63  }
0x35: {  	_ = 	snop  }
0x36: {  	[tilespmem:s19], [sflag:$0x2] =	stream.indirect.gather [hbm4b:s12+s18], $0x40, s18, s18, $0xb8;
	[tilespmem:$0x1E000] =	vst v63  }
0x37: {  	s1 =	simm.s32 $0x100  }
0x38: {  	[tilespmem:s21], [sflag:$0x3] =	stream.indirect.gather [hbm4b:s12+s18], $0x40, s1, s18, $0xb8;
	[tilespmem:$0x1E000] =	vst v63  }
0x39: {  	s24 =	simm.s32 $0x180  }
0x3a: {  	[tilespmem:s23], [sflag:$0x4] =	stream.indirect.gather [hbm4b:s12+s18], $0x40, s24, s18, $0xb8;
	[tilespmem:$0x1E000] =	vst v63  }
0x3b: {  	s1 =	simm.s32 $0x200  }
0x3c: {  	[tilespmem:s25], [sflag:$0x5] =	stream.indirect.gather [hbm4b:s12+s18], $0x40, s1, s18, $0xb8;
	[tilespmem:$0x1E000] =	vst v63  }
0x3d: {  	_ =	swait.ge [sflag:s26], $0x2000  }
0x3e: {  	[sflag:s26] =	ssyncset.done $0x0  }
0x3f: {  	s24 =	simm.s32 $0x5000;
	[sflag:s26] =	ssyncadd.s32 $0xFFFFE000  }
0x40: {  	[spmem:s3] =	stream.indirect.scatter.add.f32 [tilespmem:s17], [sflag:$0x6], $0x40, s24, s18, $0xb8;
	[tilespmem:$0x1E000] =	vst v63  }
0x41: {  	_ =	swait.ge [sflag:s15], $0x2000  }
0x42: {  	[sflag:s15] =	ssyncset.done $0x0  }
0x43: {  	s1 =	simm.s32 $0x280;
	[sflag:s15] =	ssyncadd.s32 $0xFFFFE000  }
0x44: {  	[tilespmem:s17], [sflag:$0x1] =	stream.indirect.gather [hbm4b:s12+s18], $0x40, s1, s18, $0xb8;
	[tilespmem:$0x1E000] =	vst v63  }
0x45: {  	_ =	swait.ge [sflag:s28], $0x2000  }
0x46: {  	[sflag:s28] =	ssyncset.done $0x0  }
0x47: {  	s24 =	simm.s32 $0x5080;
	[sflag:s28] =	ssyncadd.s32 $0xFFFFE000  }
0x48: {  	[spmem:s3] =	stream.indirect.scatter.add.f32 [tilespmem:s19], [sflag:$0x6], $0x40, s24, s18, $0xb8;
	[tilespmem:$0x1E000] =	vst v63  }
0x49: {  	_ =	swait.ge [sflag:s15], $0x2000  }
0x4a: {  	[sflag:s15] =	ssyncset.done $0x0  }
0x4b: {  	s1 =	simm.s32 $0x300;
	[sflag:s15] =	ssyncadd.s32 $0xFFFFE000  }
0x4c: {  	[tilespmem:s19], [sflag:$0x2] =	stream.indirect.gather [hbm4b:s12+s18], $0x40, s1, s18, $0xb8;
	[tilespmem:$0x1E000] =	vst v63  }
0x4d: {  	_ =	swait.ge [sflag:s29], $0x2000  }
0x4e: {  	[sflag:s29] =	ssyncset.done $0x0  }
0x4f: {  	s24 =	simm.s32 $0x5100;
	[sflag:s29] =	ssyncadd.s32 $0xFFFFE000  }
0x50: {  	[spmem:s3] =	stream.indirect.scatter.add.f32 [tilespmem:s21], [sflag:$0x6], $0x40, s24, s18, $0xb8;
	[tilespmem:$0x1E000] =	vst v63  }
0x51: {  	_ =	swait.ge [sflag:s15], $0x2000  }
0x52: {  	[sflag:s15] =	ssyncset.done $0x0  }
0x53: {  	s1 =	simm.s32 $0x380;
	[sflag:s15] =	ssyncadd.s32 $0xFFFFE000  }
0x54: {  	[tilespmem:s21], [sflag:$0x3] =	stream.indirect.gather [hbm4b:s12+s18], $0x40, s1, s18, $0xb8;
	[tilespmem:$0x1E000] =	vst v63  }
0x55: {  	_ =	swait.ge [sflag:s30], $0x2000  }
0x56: {  	[sflag:s30] =	ssyncset.done $0x0  }
0x57: {  	s24 =	simm.s32 $0x5180;
	[sflag:s30] =	ssyncadd.s32 $0xFFFFE000  }
0x58: {  	[spmem:s3] =	stream.indirect.scatter.add.f32 [tilespmem:s23], [sflag:$0x6], $0x40, s24, s18, $0xb8;
	[tilespmem:$0x1E000] =	vst v63  }
0x59: {  	_ =	swait.ge [sflag:s15], $0x2000  }
0x5a: {  	[sflag:s15] =	ssyncset.done $0x0  }
0x5b: {  	s1 =	simm.s32 $0x400;
	[sflag:s15] =	ssyncadd.s32 $0xFFFFE000  }
0x5c: {  	[tilespmem:s23], [sflag:$0x4] =	stream.indirect.gather [hbm4b:s12+s18], $0x40, s1, s18, $0xb8;
	[tilespmem:$0x1E000] =	vst v63  }
0x5d: {  	_ =	swait.ge [sflag:s31], $0x2000  }
0x5e: {  	[sflag:s31] =	ssyncset.done $0x0  }
0x5f: {  	s24 =	simm.s32 $0x5200;
	[sflag:s31] =	ssyncadd.s32 $0xFFFFE000  }
0x60: {  	[spmem:s3] =	stream.indirect.scatter.add.f32 [tilespmem:s25], [sflag:$0x6], $0x40, s24, s18, $0xb8;
	[tilespmem:$0x1E000] =	vst v63  }
0x61: {  	_ =	swait.ge [sflag:s15], $0x2000  }
0x62: {  	[sflag:s15] =	ssyncset.done $0x0  }
0x63: {  	s0 =	simm.s32 $0x480;
	s24 =	simm.s32 $0xA00;
	[sflag:s15] =	ssyncadd.s32 $0xFFFFE000  }
.LBB2_2:
0x64: {  	[tilespmem:s25], [sflag:$0x5] =	stream.indirect.gather [hbm4b:s12+s18], $0x40, s0, s18, $0xb8;
	[tilespmem:$0x1E000] =	vst v63  }
0x65: {  	s0 =	smov.u32 s24  }
0x66: {  	p0 =	sne.s32 s24, $0x12C00;
	s24 =	sadd.s32 $0xA00, s24;
	_ =	swait.ge [sflag:s26], $0x2000  }
0x67: {  	s0 =	sshra.s32 s0, $0x2;
	[sflag:s26] =	ssyncset.done $0x0  }
0x68: {  	s1 =	sadd.s32 $0x5000, s0;
	[sflag:s26] =	ssyncadd.s32 $0xFFFFE000  }
0x69: {  	[spmem:s3] =	stream.indirect.scatter.add.f32 [tilespmem:s17], [sflag:$0x6], $0x40, s1, s18, $0xb8;
	[tilespmem:$0x1E000] =	vst v63  }
0x6a: {  	_ =	swait.ge [sflag:s15], $0x2000  }
0x6b: {  	[sflag:s15] =	ssyncset.done $0x0  }
0x6c: {  	s1 =	sadd.s32 $0x280, s0;
	[sflag:s15] =	ssyncadd.s32 $0xFFFFE000  }
0x6d: {  	[tilespmem:s17], [sflag:$0x1] =	stream.indirect.gather [hbm4b:s12+s18], $0x40, s1, s18, $0xb8;
	[tilespmem:$0x1E000] =	vst v63  }
0x6e: {  	_ =	swait.ge [sflag:s28], $0x2000  }
0x6f: {  	[sflag:s28] =	ssyncset.done $0x0  }
0x70: {  	s1 =	sadd.s32 $0x5080, s0;
	[sflag:s28] =	ssyncadd.s32 $0xFFFFE000  }
0x71: {  	[spmem:s3] =	stream.indirect.scatter.add.f32 [tilespmem:s19], [sflag:$0x6], $0x40, s1, s18, $0xb8;
	[tilespmem:$0x1E000] =	vst v63  }
0x72: {  	_ =	swait.ge [sflag:s15], $0x2000  }
0x73: {  	[sflag:s15] =	ssyncset.done $0x0  }
0x74: {  	s1 =	sadd.s32 $0x300, s0;
	[sflag:s15] =	ssyncadd.s32 $0xFFFFE000  }
0x75: {  	[tilespmem:s19], [sflag:$0x2] =	stream.indirect.gather [hbm4b:s12+s18], $0x40, s1, s18, $0xb8;
	[tilespmem:$0x1E000] =	vst v63  }
0x76: {  	_ =	swait.ge [sflag:s29], $0x2000  }
0x77: {  	[sflag:s29] =	ssyncset.done $0x0  }
0x78: {  	s1 =	sadd.s32 $0x5100, s0;
	[sflag:s29] =	ssyncadd.s32 $0xFFFFE000  }
0x79: {  	[spmem:s3] =	stream.indirect.scatter.add.f32 [tilespmem:s21], [sflag:$0x6], $0x40, s1, s18, $0xb8;
	[tilespmem:$0x1E000] =	vst v63  }
0x7a: {  	_ =	swait.ge [sflag:s15], $0x2000  }
0x7b: {  	[sflag:s15] =	ssyncset.done $0x0  }
0x7c: {  	s1 =	sadd.s32 $0x380, s0;
	[sflag:s15] =	ssyncadd.s32 $0xFFFFE000  }
0x7d: {  	[tilespmem:s21], [sflag:$0x3] =	stream.indirect.gather [hbm4b:s12+s18], $0x40, s1, s18, $0xb8;
	[tilespmem:$0x1E000] =	vst v63  }
0x7e: {  	_ =	swait.ge [sflag:s30], $0x2000  }
0x7f: {  	[sflag:s30] =	ssyncset.done $0x0  }
0x80: {  	s1 =	sadd.s32 $0x5180, s0;
	[sflag:s30] =	ssyncadd.s32 $0xFFFFE000  }
0x81: {  	[spmem:s3] =	stream.indirect.scatter.add.f32 [tilespmem:s23], [sflag:$0x6], $0x40, s1, s18, $0xb8;
	[tilespmem:$0x1E000] =	vst v63  }
0x82: {  	_ =	swait.ge [sflag:s15], $0x2000  }
0x83: {  	[sflag:s15] =	ssyncset.done $0x0  }
0x84: {  	s1 =	sadd.s32 $0x400, s0;
	[sflag:s15] =	ssyncadd.s32 $0xFFFFE000  }
0x85: {  	[tilespmem:s23], [sflag:$0x4] =	stream.indirect.gather [hbm4b:s12+s18], $0x40, s1, s18, $0xb8;
	[tilespmem:$0x1E000] =	vst v63  }
0x86: {  	_ =	swait.ge [sflag:s31], $0x2000  }
0x87: {  	[sflag:s31] =	ssyncset.done $0x0  }
.Ltmp0:
0x88: {  	s1 =	sadd.s32 $0x5200, s0;
	[sflag:s31] =	ssyncadd.s32 $0xFFFFE000;
	(pc) =	sbr.rel @p0 .LBB2_2-.Ltmp0, $4  }
0x89: {  	[spmem:s3] =	stream.indirect.scatter.add.f32 [tilespmem:s25], [sflag:$0x6], $0x40, s1, s18, $0xb8;
	[tilespmem:$0x1E000] =	vst v63  }
0x8a: {  	_ =	swait.ge [sflag:s15], $0x2000  }
0x8b: {  	[sflag:s15] =	ssyncset.done $0x0  }
0x8c: {  	s0 =	sadd.s32 $0x480, s0;
	[sflag:s15] =	ssyncadd.s32 $0xFFFFE000  }
0x8d: {  	[tilespmem:s25], [sflag:$0x5] =	stream.indirect.gather [hbm4b:s12+s18], $0x40, s0, s18, $0xb8;
	[tilespmem:$0x1E000] =	vst v63  }
0x8e: {  	_ =	swait.ge [sflag:s26], $0x2000  }
0x8f: {  	[sflag:s26] =	ssyncset.done $0x0  }
0x90: {  	s24 =	simm.s32 $0x9D80;
	[sflag:s26] =	ssyncadd.s32 $0xFFFFE000  }
0x91: {  	[spmem:s3] =	stream.indirect.scatter.add.f32 [tilespmem:s17], [sflag:$0x6], $0x40, s24, s18, $0xb8;
	[tilespmem:$0x1E000] =	vst v63  }
0x92: {  	_ =	swait.ge [sflag:s15], $0x2000  }
0x93: {  	[sflag:s15] =	ssyncset.done $0x0  }
0x94: {  	[sflag:s15] =	ssyncadd.s32 $0xFFFFE000  }
0x95: {  	_ =	swait.ge [sflag:s28], $0x2000  }
0x96: {  	[sflag:s28] =	ssyncset.done $0x0  }
0x97: {  	s1 =	simm.s32 $0x9E00;
	[sflag:s28] =	ssyncadd.s32 $0xFFFFE000  }
0x98: {  	[spmem:s3] =	stream.indirect.scatter.add.f32 [tilespmem:s19], [sflag:$0x6], $0x40, s1, s18, $0xb8;
	[tilespmem:$0x1E000] =	vst v63  }
0x99: {  	_ =	swait.ge [sflag:s15], $0x2000  }
0x9a: {  	[sflag:s15] =	ssyncset.done $0x0  }
0x9b: {  	[sflag:s15] =	ssyncadd.s32 $0xFFFFE000  }
0x9c: {  	_ =	swait.ge [sflag:s29], $0x2000  }
0x9d: {  	[sflag:s29] =	ssyncset.done $0x0  }
0x9e: {  	[sflag:s29] =	ssyncadd.s32 $0xFFFFE000  }
0x9f: {  	[spmem:s3] =	stream.indirect.scatter.add.f32 [tilespmem:s21], [sflag:$0x6], $0x40, s16, s18, $0xb8;
	[tilespmem:$0x1E000] =	vst v63  }
0xa0: {  	_ =	swait.ge [sflag:s15], $0x2000  }
0xa1: {  	[sflag:s15] =	ssyncset.done $0x0  }
0xa2: {  	[sflag:s15] =	ssyncadd.s32 $0xFFFFE000  }
0xa3: {  	_ =	swait.ge [sflag:s30], $0x2000  }
0xa4: {  	[sflag:s30] =	ssyncset.done $0x0  }
0xa5: {  	[sflag:s30] =	ssyncadd.s32 $0xFFFFE000  }
0xa6: {  	[spmem:s3] =	stream.indirect.scatter.add.f32 [tilespmem:s23], [sflag:$0x6], $0x40, s2, s18, $0xb8;
	[tilespmem:$0x1E000] =	vst v63  }
0xa7: {  	_ =	swait.ge [sflag:s15], $0x2000  }
0xa8: {  	[sflag:s15] =	ssyncset.done $0x0  }
0xa9: {  	[sflag:s15] =	ssyncadd.s32 $0xFFFFE000  }
0xaa: {  	_ =	swait.ge [sflag:s31], $0x2000  }
0xab: {  	[sflag:s31] =	ssyncset.done $0x0  }
0xac: {  	[sflag:s31] =	ssyncadd.s32 $0xFFFFE000  }
0xad: {  	[spmem:s3] =	stream.indirect.scatter.add.f32 [tilespmem:s25], [sflag:$0x6], $0x40, s20, s18, $0xb8;
	[tilespmem:$0x1E000] =	vst v63  }
0xae: {  	s24 =	stileid.u32;
	_ =	swait.ge [sflag:s15], $0x2000  }
0xaf: {  	s22 =	sadd.s32 $0x1, s22;
	s0 =	sshll.u32 s24, $0x6;
	[sflag:s15] =	ssyncset.done $0x0  }
0xb0: {  	p0 =	sne.s32 s22, s14;
	s0 =	sor.u32 $0x1C06, s0;
	[sflag:s15] =	ssyncadd.s32 $0xFFFFE000  }
.Ltmp1:
0xb1: {  	s1 =	sshrl.u32 s7, $0x3;
	[bflag:$0x0] =	sbarrier.arrive $0xFFFF;
	(pc) =	sbr.rel @p0 .LBB2_1-.Ltmp1, $4  }
0xb2: {  	[hbm:s13], [sflag:s0] =	dma.local [spmem:s1], $0x1400  }
0xb3: {  	_ =	swait.ge [sflag:s15], $0x1400  }
0xb4: {  	[sflag:s15] =	ssyncset.done $0x0  }
0xb5: {  	[sflag:s15] =	ssyncadd.s32 $0xFFFFEC00  }
0xb6: {  	_ =	sfence.sel $0x180000  }
0xb7: {  	[bflag:$0x0] =	sbarrier.arrive $0xFFFF  }
0xb8: {  	_ =	strace $0x9000004A  }
0xb9: {  	s0 =	stileid.u32;
	[bflag:$0x2] =	sbarrier.arrive $0xFFFF  }
0xba: {  	p0 =	sne.s32 s0, $0x0;
	s0 =	rddreg [dreg:$0x3]  }
0xbb: {  	s0 =	sadd.s32 @!p0 $0x100000, s0  }
0xbc: {  	[sflag:s0] =	ssyncadd.tile.s32 @!p0 $0x1;
	_ =	shalt  }
.Lfunc_end2:
_tile_overlayer_lowered:
.L_overlay_start_2:
0xbd: {  	(tag) =	ssettag $0x2  }
0xbe: {  	s0 =	rddreg [dreg:$0x0];
	s2 =	stileid.u32  }
0xbf: {  	s1 =	rddreg [dreg:$0x1];
	p0 =	sne.s32 s2, $0x0  }
0xc0: {  	s3 =	rddreg [dreg:$0x2];
	[bflag:$0x3] =	sbarrier.arrive $0xFFFF;
	s2 =	simm.s32 @!p0 $0x1C06  }
0xc1: {  	[timem:s3], [sflag:s2] =	dma.local @!p0 [hbm:s0], s1  }
0xc2: {  	s0 =	simm.s32 @!p0 $0x6  }
0xc3: {  	_ =	swait.ge @!p0 [sflag:s0], s1  }
0xc4: {  	s1 =	ssub.s32 @!p0 $0x0, s1;
	[sflag:s0] =	ssyncset.done @!p0 $0x0  }
0xc5: {  	[sflag:s0] =	ssyncadd.s32 @!p0 s1  }
0xc6: {  	[bflag:$0x3] =	sbarrier.arrive $0xFFFF  }
0xc7: {  	_ =	shalt  }

// kernel: kernel.16.cloned.1.call-start
scs
__scs_entry_jumppad:
0x0: {  	(pc) =	sbr.rel $0x88, $3  }
0x1: {  	(tag) =	ssettag $0x0;
	lr =	simm.s32 $0x1  }
0x2: {  	[smem:$0x3F95] =	sst lr;
	_ =	strace $0xD0000000  }
0x3: {  	_ = 	snop  }
0x4: {  	_ = 	snop  }
0x5: {  	_ = 	snop  }
0x6: {  	_ = 	snop  }
0x7: {  	_ = 	snop  }
__scs_overlays_trampoline_lowered:
0x8: {  	[smem:$0x3FA4] =	sst s0  }
0x9: {  	[smem:$0x3FA5] =	sst s1  }
0xa: {  	[smem:$0x3FA6] =	sst s2  }
0xb: {  	[smem:$0x3FA7] =	sst s3  }
0xc: {  	[smem:$0x3FA8] =	sst s4  }
0xd: {  	[smem:$0x3FA9] =	sst s5  }
0xe: {  	[smem:$0x3FAA] =	sst s6  }
0xf: {  	[smem:$0x3FAB] =	sst s7  }
0x10: {  	[smem:$0x3FAC] =	sst s8  }
0x11: {  	[smem:$0x3FAD] =	sst s9;
	s0 =	simm.s32 @!p0 $0x0  }
0x12: {  	s1 =	sld [smem:$0x3F93];
	s0 =	simm.s32 @p0 $0x1  }
0x13: {  	[smem:$0x3FAE] =	sst s0;
	s0 =	simm.s32 @!p1 $0x0  }
0x14: {  	s2 =	sld [smem:$0x3F92];
	s0 =	simm.s32 @p1 $0x1  }
0x15: {  	[smem:$0x3FAF] =	sst s0;
	s0 =	simm.s32 @!p2 $0x0  }
0x16: {  	s3 =	sld [smem:$0x3FDB];
	s0 =	simm.s32 @p2 $0x1  }
0x17: {  	s4 =	simm.s32 $0x1BF5;
	[smem:$0x3FB1] =	sst s0  }
0x18: {  	s0 =	sld [smem:$0x3F94];
	_ =	swait.ge [sflag:s4], $0x0  }
0x19: {  	s7 =	sld [smem:$0x3F95]  }
0x1a: {  	s8 =	sadd.s32 $0xFFFFE003, lr  }
0x1b: {  	s9 =	sadd.s32 $0xFFFFFEF7, lr;
	s5 =	simm.s32 $0xFFFFFFFF;
	p2 =	slt.u32 s8, $0xFFFFF086  }
0x1c: {  	p1 =	slt.u32 s9, $0xF7A;
	s5 =	simm.s32 @!p2 $0x0  }
0x1d: {  	s5 =	simm.s32 @p1 $0x1;
	p0 =	seq.s32 s7, s2  }
0x1e: {  	s7 =	smul.u32 @!p0 $0xF7A, s2;
	p2 =	seq.s32 @!p0 s5, $0x0  }
0x1f: {  	s9 =	smul.u32 $0xF7A, s1;
	s8 =	simm.s32 @!p0 $0x1BF5;
	p2 =	por !p2, p0  }
0x20: {  	[sflag:s8] =	ssyncset.s32 @!p0 $0xFFFFF086;
	s6 =	sadd.s32 @!p0 s3, s7;
	s7 =	simm.s32 @!p0 $0x108  }
0x21: {  	s3 =	sadd.s32 s3, s9;
	s6 =	sadd.s32 @!p0 $0x88, s6;
	s7 =	simm.s32 @p2 $0x1082  }
0x22: {  	[simem:s7], [sflag:s8] =	dma.local @!p0 [hbm:s6], $0xF7A  }
0x23: {  	s9 =	sor.u32 $0xD0000000, s2;
	s6 =	simm.s32 $0x108;
	_ =	swait.ge @!p0 [sflag:s8], $0x0  }
0x24: {  	s3 =	sadd.s32 $0x88, s3;
	s6 =	simm.s32 @!p1 $0x1082;
	[sflag:s4] =	ssyncset.s32 $0xFFFFF086  }
0x25: {  	[simem:s6], [sflag:s4] =	dma.local [hbm:s3], $0xF7A  }
0x26: {  	[smem:$0x3F95] =	sst s1;
	(tag) =	ssettag s2;
	_ =	strace s9  }
0x27: {  	s1 =	sld [smem:$0x3FA5]  }
0x28: {  	s2 =	sld [smem:$0x3FA6]  }
0x29: {  	s4 =	sld [smem:$0x3FA8]  }
0x2a: {  	p0 =	seq.s32 s5, $0x0;
	s5 =	sld [smem:$0x3FA9]  }
0x2b: {  	s6 =	sld [smem:$0x3FAA]  }
0x2c: {  	s7 =	sld [smem:$0x3FAB]  }
0x2d: {  	s3 =	simm.s32 $0x108;
	s8 =	sld [smem:$0x3FAC]  }
0x2e: {  	s3 =	simm.s32 @!p0 $0x1082;
	s9 =	sld [smem:$0x3FAD]  }
0x2f: {  	lr =	sadd.s32 s0, s3;
	s0 =	sld [smem:$0x3FA4]  }
0x30: {  	s3 =	sld [smem:$0x3FA7]  }
0x31: {  	[smem:$0x3FB0] =	sst s10  }
0x32: {  	s10 =	sld [smem:$0x3FAE];
	_ =	sdelay $0x3  }
0x33: {  	p0 =	seq.s32 s10, $0x1;
	s10 =	sld [smem:$0x3FB0];
	_ =	sdelay $0x3  }
0x34: {  	[smem:$0x3FB0] =	sst s10  }
0x35: {  	s10 =	sld [smem:$0x3FAF];
	_ =	sdelay $0x3  }
0x36: {  	p1 =	seq.s32 s10, $0x1;
	s10 =	sld [smem:$0x3FB0];
	_ =	sdelay $0x3  }
0x37: {  	[smem:$0x3FB0] =	sst s10  }
0x38: {  	s10 =	sld [smem:$0x3FB1]  }
0x39: {  	_ = 	snop;
	(pc) =	sbr.ind lr, $3  }
0x3a: {  	_ = 	snop  }
0x3b: {  	_ = 	snop  }
0x3c: {  	p2 =	seq.s32 s10, $0x1;
	s10 =	sld [smem:$0x3FB0]  }
0x3d: {  	_ =	shalt  }
0x3e: {  	_ =	shalt  }
0x3f: {  	_ =	shalt  }
0x40: {  	_ =	shalt  }
0x41: {  	_ =	shalt  }
0x42: {  	_ =	shalt  }
0x43: {  	_ =	shalt  }
0x44: {  	_ =	shalt  }
0x45: {  	_ =	shalt  }
0x46: {  	_ =	shalt  }
0x47: {  	_ =	shalt  }
0x48: {  	_ =	shalt  }
0x49: {  	_ =	shalt  }
0x4a: {  	_ =	shalt  }
0x4b: {  	_ =	shalt  }
0x4c: {  	_ =	shalt  }
0x4d: {  	_ =	shalt  }
0x4e: {  	_ =	shalt  }
0x4f: {  	_ =	shalt  }
0x50: {  	_ =	shalt  }
0x51: {  	_ =	shalt  }
0x52: {  	_ =	shalt  }
0x53: {  	_ =	shalt  }
0x54: {  	_ =	shalt  }
0x55: {  	_ =	shalt  }
0x56: {  	_ =	shalt  }
0x57: {  	_ =	shalt  }
0x58: {  	_ =	shalt  }
0x59: {  	_ =	shalt  }
0x5a: {  	_ =	shalt  }
0x5b: {  	_ =	shalt  }
0x5c: {  	_ =	shalt  }
0x5d: {  	_ =	shalt  }
0x5e: {  	_ =	shalt  }
0x5f: {  	_ =	shalt  }
0x60: {  	_ =	shalt  }
0x61: {  	_ =	shalt  }
0x62: {  	_ =	shalt  }
0x63: {  	_ =	shalt  }
0x64: {  	_ =	shalt  }
0x65: {  	_ =	shalt  }
0x66: {  	_ =	shalt  }
0x67: {  	_ =	shalt  }
0x68: {  	_ =	shalt  }
0x69: {  	_ =	shalt  }
0x6a: {  	_ =	shalt  }
0x6b: {  	_ =	shalt  }
0x6c: {  	_ =	shalt  }
0x6d: {  	_ =	shalt  }
0x6e: {  	_ =	shalt  }
0x6f: {  	_ =	shalt  }
0x70: {  	_ =	shalt  }
0x71: {  	_ =	shalt  }
0x72: {  	_ =	shalt  }
0x73: {  	_ =	shalt  }
0x74: {  	_ =	shalt  }
0x75: {  	_ =	shalt  }
0x76: {  	_ =	shalt  }
0x77: {  	_ =	shalt  }
0x78: {  	_ =	shalt  }
0x79: {  	_ =	shalt  }
0x7a: {  	_ =	shalt  }
0x7b: {  	_ =	shalt  }
0x7c: {  	_ =	shalt  }
0x7d: {  	_ =	shalt  }
0x7e: {  	_ =	shalt  }
0x7f: {  	_ =	shalt  }
0x80: {  	_ =	shalt  }
0x81: {  	_ =	shalt  }
0x82: {  	_ =	shalt  }
0x83: {  	_ =	shalt  }
0x84: {  	_ =	shalt  }
0x85: {  	_ =	shalt  }
0x86: {  	_ =	shalt  }
0x87: {  	_ =	shalt  }
.Lfunc_end0:
.L_simem_size_0:
called_computation.2_lowered:
.L_overlay_start_0:
0x88: {  	s2 =	sld [smem:$0x3FD9]  }
0x89: {  	s3 =	sld [smem:$0x3FFE];
	_ =	sdelay $0x1  }
0x8a: {  	s1 =	srdreg.scid  }
0x8b: {  	s0 =	sand.u32 $0x1, s1  }
0x8c: {  	s17 =	sshll.u32 s0, $0xA;
	s2 =	sadd.s32 s3, s2  }
0x8d: {  	s2 =	sadd.s32 s2, s17  }
0x8e: {  	[smem:$0x3FBC] =	sst s2  }
0x8f: {  	_ = 	snop  }
0x90: {  	s2 =	sld [smem:$0x3FD0];
	(tm) =	ssettm $0x1  }
0x91: {  	s18 =	sld [smem:$0x3FFB];
	_ =	sdelay $0x3  }
0x92: {  	_ =	strace s18  }
0x93: {  	s3 =	sld [smem:$0x3FFC];
	_ =	sdelay $0x3  }
0x94: {  	_ =	strace s3  }
0x95: {  	s3 =	sld [smem:$0x3FFD];
	_ =	sdelay $0x3  }
0x96: {  	_ =	strace s3  }
0x97: {  	_ =	strace $0x8FFFFFFF  }
0x98: {  	s19 =	sld [smem:$0x3FDB];
	_ =	sdelay $0x1  }
0x99: {  	s4 =	simm.s32 $_scs_section_size  }
0x9a: {  	s5 =	simm.s32 $_size__tile_overlayer_lowered;
	s6 =	simm.s32 $_tile_overlayer_lowered  }
0x9b: {  	s22 =	simm.s32 $0x1BFF;
	s21 =	sshll.u32 s6, $0x1;
	s3 =	sadd.s32 s4, s19  }
0x9c: {  	s7 =	simm.s32 $0x0;
	s20 =	sshll.u32 s5, $0x1;
	s5 =	sadd.s32 s21, s3  }
0x9d: {  	[timem:s7], [sflag:s22] =	dma.local [hbm:s5], s20  }
0x9e: {  	_ =	swait.ge [sflag:s22], s20  }
0x9f: {  	s4 =	ssub.s32 $0x0, s20;
	[sflag:s22] =	ssyncset.done $0x0  }
0xa0: {  	[sflag:s22] =	ssyncadd.s32 s4;
	_ =	sdelay $0x1  }
0xa1: {  	s23 =	simm.s32 $0x1B8B  }
0xa2: {  	_ =	swait.ge [sflag:s23], $0x1  }
0xa3: {  	[sflag:s23] =	ssyncset.done $0x0  }
0xa4: {  	s25 =	simm.s32 $0x1B8E;
	s24 =	sld [smem:$0x3FFE];
	[sflag:s23] =	ssyncadd.s32 $0xFFFFFFFF  }
0xa5: {  	s26 =	simm.s32 $execute0_lowered;
	[smem:$0x3FD2] =	sst s25  }
0xa6: {  	s5 =	sshll.u32 s26, $0x1;
	_ =	strace $0x8000004C;
	[dreg:$0x1] =	wrdreg $0xFFFFFFFF  }
0xa7: {  	s28 =	simm.s32 $_size_execute0_lowered;
	s3 =	sadd.s32 s3, s5;
	[dreg:$0x0] =	wrdreg $0x0  }
0xa8: {  	s5 =	sshll.u32 s28, $0x1;
	[dreg:$0x2] =	wrdreg s3  }
0xa9: {  	[dreg:$0x3] =	wrdreg s5  }
0xaa: {  	[dreg:$0x4] =	wrdreg $0xC0  }
0xab: {  	_ =	task [dreg:s7], $0x5FFFF  }
0xac: {  	[dreg:$0x1] =	wrdreg $0xFFFFFFFF  }
0xad: {  	[dreg:$0x0] =	wrdreg $0x60  }
0xae: {  	[dreg:$0x2] =	wrdreg s24  }
0xaf: {  	[dreg:$0x3] =	wrdreg s2  }
0xb0: {  	[dreg:$0x4] =	wrdreg $0x120000  }
0xb1: {  	[dreg:$0x5] =	wrdreg $0x9  }
0xb2: {  	_ =	task.clear_ibuf [dreg:s7], $0x6FFFF;
	_ =	strace $0x9000004C  }
0xb3: {  	s29 =	simm.s32 $0x9;
	_ =	strace $0x8000004E  }
0xb4: {  	_ =	swait.ge [sflag:s29], $0x1  }
0xb5: {  	[sflag:s29] =	ssyncadd.s32 $0xFFFFFFFF  }
0xb6: {  	_ =	strace $0x9000004E  }
0xb7: {  	_ =	sfence  }
0xb8: {  	s30 =	sld [smem:$0x0];
	_ =	sdelay $0x2  }
0xb9: {  	s31 =	sshll.u32 s1, $0xD;
	s1 =	sshrl.u32 s1, $0x2  }
0xba: {  	s3 =	sand.u32 $0x4000, s31;
	s1 =	sadd.s32 s1, s30  }
0xbb: {  	s0 =	sor.u32 s3, s0;
	s1 =	sshll.u32 s1, $0x11  }
0xbc: {  	s0 =	sor.u32 s1, s0  }
0xbd: {  	s0 =	sadd.s32 $0x8F2B, s0  }
0xbe: {  	[sflag:s0] =	ssyncadd.remote.s32 $0x1  }
0xbf: {  	_ =	sfence.sel $0xFFFF  }
0xc0: {  	[dreg:$0x0] =	wrdreg $0xFFFFFFFF;
	(pc) =	sbr.abs _section_cstart, $3  }
0xc1: {  	[dreg:$0x1] =	wrdreg $0xFFFFFFFF  }
0xc2: {  	_ =	task.clear_ibuf [dreg:s7], $0x2FFFF;
	_ =	strace $0x9FFFFFFF  }
0xc3: {  	(tm) =	ssettm $0x7FFFFFFF  }
tec
execute0_lowered:
.L_overlay_start_1:
0x0: {  	(tag) =	ssettag $0x1  }
0x1: {  	s0 =	rddreg [dreg:$0x0]  }
0x2: {  	s1 =	srdreg.scid;
	s3 =	rddreg [dreg:$0x2];
	s4 =	simm.s32 $0x0  }
0x3: {  	s8 =	stileid.u32;
	s15 =	simm.s32 $0x9;
	s17 =	simm.s32 $0xA000  }
0x4: {  	s18 =	simm.s32 $0x80;
	s19 =	simm.s32 $0xB000;
	s21 =	simm.s32 $0xC000  }
0x5: {  	s23 =	simm.s32 $0xD000;
	s28 =	simm.s32 $0xF000;
	s30 =	simm.s32 $0x10000  }
0x6: {  	s16 =	simm.s32 $0x2;
	s20 =	simm.s32 $0x3;
	s6 =	smul.u32 $0x5000, s8  }
0x7: {  	s22 =	simm.s32 $0x4;
	s29 =	simm.s32 $0x7;
	s7 =	smul.u32 $0xA00, s8  }
0x8: {  	s31 =	simm.s32 $0x8;
	s1 =	sand.u32 $0x1, s1;
	s8 =	smul.u32 $0x14000, s8  }
0x9: {  	[smem:$0x7FF] =	sst s4;
	s2 =	smul.u32 $0x50000, s1;
	s1 =	ssub.s32 $0x2, s1  }
0xa: {  	_ =	strace $0x8000004D;
	s7 =	sadd.s32 s7, s0;
	s9 =	sshrl.u32 s1, $0x1  }
0xb: {  	s24 =	sshrl.u32 s8, $0x2;
	s5 =	sshrl.u32 s2, $0x3;
	s2 =	sadd.s32 s6, s2  }
0xc: {  	s1 =	ssub.s32 s1, s9;
	s25 =	sadd.s32 $0x2E00, s7;
	s7 =	sadd.s32 $0xCE00, s7  }
0xd: {  	s5 =	sadd.s32 s5, s0;
	s2 =	sshrl.u32 s2, $0x3;
	[dreg:$0x4] =	wrdreg s25  }
0xe: {  	[dreg:$0x5] =	wrdreg s7;
	s7 =	sadd.s32 s6, s3;
	s14 =	smax.u32 s1, $0x1  }
0xf: {  	s25 =	simm.s32 $0xE000;
	s1 =	simm.s32 $0x1;
	s0 =	sadd.s32 s2, s0  }
0x10: {  	s2 =	sadd.s32 s24, s3;
	s12 =	sadd.s32 $0x67000, s5;
	s24 =	simm.s32 $0x5  }
0x11: {  	s26 =	sadd.s32 $0x1000, s2;
	s9 =	sadd.s32 $0x2000, s2;
	s10 =	sadd.s32 $0x3000, s2  }
0x12: {  	s11 =	sadd.s32 $0x4000, s2;
	s13 =	sadd.s32 $0x7B000, s0;
	s0 =	simm.s32 $0x11000  }
0x13: {  	s2 =	simm.s32 $0x0;
	[dreg:$0x6] =	wrdreg s26;
	s26 =	simm.s32 $0x6  }
.LBB2_1:
0x14: {  	s5 =	rddreg [dreg:$0x4]  }
0x15: {  	[tilespmem:s4], [sflag:$0x9] =	stream.linear.gather [hbm4b:s5+s4], $0x5000, $0x38;
	[tilespmem:$0x17000] =	vst v63  }
0x16: {  	_ =	swait.ge [sflag:s15], $0x5000  }
0x17: {  	[sflag:s15] =	ssyncset.done $0x0  }
0x18: {  	s6 =	simm.s32 $0x5000;
	s8 =	rddreg [dreg:$0x5];
	[sflag:s15] =	ssyncadd.s32 $0xFFFFB000  }
0x19: {  	[tilespmem:s6], [sflag:$0x9] =	stream.linear.gather [hbm4b:s8+s4], $0x5000, $0x38;
	[tilespmem:$0x17000] =	vst v63  }
0x1a: {  	_ =	swait.ge [sflag:s15], $0x5000  }
0x1b: {  	[sflag:s15] =	ssyncset.done $0x0  }
0x1c: {  	[sflag:s15] =	ssyncadd.s32 $0xFFFFB000  }
0x1d: {  	s8 =	rddreg [dreg:$0x1]  }
0x1e: {  	[tilespmem:s17], [sflag:$0x9] =	stream.linear.gather [hbm4b:s8+s4], $0x1000, $0x38;
	[tilespmem:$0x17000] =	vst v63  }
0x1f: {  	_ =	swait.ge [sflag:s15], $0x1000  }
0x20: {  	[sflag:s15] =	ssyncset.done $0x0  }
0x21: {  	[sflag:s15] =	ssyncadd.s32 $0xFFFFF000  }
0x22: {  	[spmem:s7] =	stream.linear.scatter [tilespmem:s17], [sflag:$0x9], $0x1000, $0x38;
	[tilespmem:$0x17000] =	vst v63  }
0x23: {  	_ =	swait.ge [sflag:s15], $0x1000  }
0x24: {  	[sflag:s15] =	ssyncset.done $0x0  }
0x25: {  	s6 =	rddreg [dreg:$0x6];
	[sflag:s15] =	ssyncadd.s32 $0xFFFFF000  }
0x26: {  	[spmem:s6] =	stream.linear.scatter [tilespmem:s17], [sflag:$0x9], $0x1000, $0x38;
	[tilespmem:$0x17000] =	vst v63  }
0x27: {  	_ =	swait.ge [sflag:s15], $0x1000  }
0x28: {  	[sflag:s15] =	ssyncset.done $0x0  }
0x29: {  	[sflag:s15] =	ssyncadd.s32 $0xFFFFF000  }
0x2a: {  	[spmem:s9] =	stream.linear.scatter [tilespmem:s17], [sflag:$0x9], $0x1000, $0x38;
	[tilespmem:$0x17000] =	vst v63  }
0x2b: {  	_ =	swait.ge [sflag:s15], $0x1000  }
0x2c: {  	[sflag:s15] =	ssyncset.done $0x0  }
0x2d: {  	[sflag:s15] =	ssyncadd.s32 $0xFFFFF000  }
0x2e: {  	[spmem:s10] =	stream.linear.scatter [tilespmem:s17], [sflag:$0x9], $0x1000, $0x38;
	[tilespmem:$0x17000] =	vst v63  }
0x2f: {  	_ =	swait.ge [sflag:s15], $0x1000  }
0x30: {  	[sflag:s15] =	ssyncset.done $0x0  }
0x31: {  	[sflag:s15] =	ssyncadd.s32 $0xFFFFF000  }
0x32: {  	[spmem:s11] =	stream.linear.scatter [tilespmem:s17], [sflag:$0x9], $0x1000, $0x38;
	[tilespmem:$0x17000] =	vst v63  }
0x33: {  	_ =	swait.ge [sflag:s15], $0x1000  }
0x34: {  	[sflag:s15] =	ssyncset.done $0x0  }
0x35: {  	[sflag:s15] =	ssyncadd.s32 $0xFFFFF000  }
0x36: {  	[bflag:$0x0] =	sbarrier.arrive $0xFFFF  }
0x37: {  	[tilespmem:s17], [sflag:$0x1] =	stream.indirect.gather [hbm4b:s12+s18], $0x20, s4, s18, $0xb8;
	[tilespmem:$0x17000] =	vst v63  }
0x38: {  	_ = 	snop  }
0x39: {  	[tilespmem:s19], [sflag:$0x2] =	stream.indirect.gather [hbm4b:s12+s18], $0x20, s18, s18, $0xb8;
	[tilespmem:$0x17000] =	vst v63  }
0x3a: {  	s8 =	simm.s32 $0x100  }
0x3b: {  	[tilespmem:s21], [sflag:$0x3] =	stream.indirect.gather [hbm4b:s12+s18], $0x20, s8, s18, $0xb8;
	[tilespmem:$0x17000] =	vst v63  }
0x3c: {  	s6 =	simm.s32 $0x180  }
0x3d: {  	[tilespmem:s23], [sflag:$0x4] =	stream.indirect.gather [hbm4b:s12+s18], $0x20, s6, s18, $0xb8;
	[tilespmem:$0x17000] =	vst v63  }
0x3e: {  	s8 =	simm.s32 $0x200  }
0x3f: {  	[tilespmem:s25], [sflag:$0x5] =	stream.indirect.gather [hbm4b:s12+s18], $0x20, s8, s18, $0xb8;
	[tilespmem:$0x17000] =	vst v63  }
0x40: {  	s6 =	simm.s32 $0x280  }
0x41: {  	[tilespmem:s28], [sflag:$0x6] =	stream.indirect.gather [hbm4b:s12+s18], $0x20, s6, s18, $0xb8;
	[tilespmem:$0x17000] =	vst v63  }
0x42: {  	s8 =	simm.s32 $0x300  }
0x43: {  	[tilespmem:s30], [sflag:$0x7] =	stream.indirect.gather [hbm4b:s12+s18], $0x20, s8, s18, $0xb8;
	[tilespmem:$0x17000] =	vst v63  }
0x44: {  	s6 =	simm.s32 $0x380  }
0x45: {  	[tilespmem:s0], [sflag:$0x8] =	stream.indirect.gather [hbm4b:s12+s18], $0x20, s6, s18, $0xb8;
	[tilespmem:$0x17000] =	vst v63  }
0x46: {  	_ =	swait.ge [sflag:s1], $0x1000  }
0x47: {  	[sflag:s1] =	ssyncset.done $0x0  }
0x48: {  	s8 =	simm.s32 $0x5000;
	[sflag:s1] =	ssyncadd.s32 $0xFFFFF000  }
0x49: {  	[spmem:s3] =	stream.indirect.scatter.add.f32 [tilespmem:s17], [sflag:$0x9], $0x20, s8, s18, $0xb8;
	[tilespmem:$0x17000] =	vst v63  }
0x4a: {  	_ =	swait.ge [sflag:s15], $0x1000  }
0x4b: {  	[sflag:s15] =	ssyncset.done $0x0  }
0x4c: {  	s6 =	simm.s32 $0x400;
	[sflag:s15] =	ssyncadd.s32 $0xFFFFF000  }
0x4d: {  	[tilespmem:s17], [sflag:$0x1] =	stream.indirect.gather [hbm4b:s12+s18], $0x20, s6, s18, $0xb8;
	[tilespmem:$0x17000] =	vst v63  }
0x4e: {  	_ =	swait.ge [sflag:s16], $0x1000  }
0x4f: {  	[sflag:s16] =	ssyncset.done $0x0  }
0x50: {  	s8 =	simm.s32 $0x5080;
	[sflag:s16] =	ssyncadd.s32 $0xFFFFF000  }
0x51: {  	[spmem:s3] =	stream.indirect.scatter.add.f32 [tilespmem:s19], [sflag:$0x9], $0x20, s8, s18, $0xb8;
	[tilespmem:$0x17000] =	vst v63  }
0x52: {  	_ =	swait.ge [sflag:s15], $0x1000  }
0x53: {  	[sflag:s15] =	ssyncset.done $0x0  }
0x54: {  	s6 =	simm.s32 $0x480;
	[sflag:s15] =	ssyncadd.s32 $0xFFFFF000  }
0x55: {  	[tilespmem:s19], [sflag:$0x2] =	stream.indirect.gather [hbm4b:s12+s18], $0x20, s6, s18, $0xb8;
	[tilespmem:$0x17000] =	vst v63  }
0x56: {  	_ =	swait.ge [sflag:s20], $0x1000  }
0x57: {  	[sflag:s20] =	ssyncset.done $0x0  }
0x58: {  	s8 =	simm.s32 $0x5100;
	[sflag:s20] =	ssyncadd.s32 $0xFFFFF000  }
0x59: {  	[spmem:s3] =	stream.indirect.scatter.add.f32 [tilespmem:s21], [sflag:$0x9], $0x20, s8, s18, $0xb8;
	[tilespmem:$0x17000] =	vst v63  }
0x5a: {  	_ =	swait.ge [sflag:s15], $0x1000  }
0x5b: {  	[sflag:s15] =	ssyncset.done $0x0  }
0x5c: {  	s6 =	simm.s32 $0x500;
	[sflag:s15] =	ssyncadd.s32 $0xFFFFF000  }
0x5d: {  	[tilespmem:s21], [sflag:$0x3] =	stream.indirect.gather [hbm4b:s12+s18], $0x20, s6, s18, $0xb8;
	[tilespmem:$0x17000] =	vst v63  }
0x5e: {  	_ =	swait.ge [sflag:s22], $0x1000  }
0x5f: {  	[sflag:s22] =	ssyncset.done $0x0  }
0x60: {  	s8 =	simm.s32 $0x5180;
	[sflag:s22] =	ssyncadd.s32 $0xFFFFF000  }
0x61: {  	[spmem:s3] =	stream.indirect.scatter.add.f32 [tilespmem:s23], [sflag:$0x9], $0x20, s8, s18, $0xb8;
	[tilespmem:$0x17000] =	vst v63  }
0x62: {  	_ =	swait.ge [sflag:s15], $0x1000  }
0x63: {  	[sflag:s15] =	ssyncset.done $0x0  }
0x64: {  	s6 =	simm.s32 $0x580;
	[sflag:s15] =	ssyncadd.s32 $0xFFFFF000  }
0x65: {  	[tilespmem:s23], [sflag:$0x4] =	stream.indirect.gather [hbm4b:s12+s18], $0x20, s6, s18, $0xb8;
	[tilespmem:$0x17000] =	vst v63  }
0x66: {  	_ =	swait.ge [sflag:s24], $0x1000  }
0x67: {  	[sflag:s24] =	ssyncset.done $0x0  }
0x68: {  	s8 =	simm.s32 $0x5200;
	[sflag:s24] =	ssyncadd.s32 $0xFFFFF000  }
0x69: {  	[spmem:s3] =	stream.indirect.scatter.add.f32 [tilespmem:s25], [sflag:$0x9], $0x20, s8, s18, $0xb8;
	[tilespmem:$0x17000] =	vst v63  }
0x6a: {  	_ =	swait.ge [sflag:s15], $0x1000  }
0x6b: {  	[sflag:s15] =	ssyncset.done $0x0  }
0x6c: {  	s6 =	simm.s32 $0x600;
	[sflag:s15] =	ssyncadd.s32 $0xFFFFF000  }
0x6d: {  	[tilespmem:s25], [sflag:$0x5] =	stream.indirect.gather [hbm4b:s12+s18], $0x20, s6, s18, $0xb8;
	[tilespmem:$0x17000] =	vst v63  }
0x6e: {  	_ =	swait.ge [sflag:s26], $0x1000  }
0x6f: {  	[sflag:s26] =	ssyncset.done $0x0  }
0x70: {  	s8 =	simm.s32 $0x5280;
	[sflag:s26] =	ssyncadd.s32 $0xFFFFF000  }
0x71: {  	[spmem:s3] =	stream.indirect.scatter.add.f32 [tilespmem:s28], [sflag:$0x9], $0x20, s8, s18, $0xb8;
	[tilespmem:$0x17000] =	vst v63  }
0x72: {  	_ =	swait.ge [sflag:s15], $0x1000  }
0x73: {  	[sflag:s15] =	ssyncset.done $0x0  }
0x74: {  	s6 =	simm.s32 $0x680;
	[sflag:s15] =	ssyncadd.s32 $0xFFFFF000  }
0x75: {  	[tilespmem:s28], [sflag:$0x6] =	stream.indirect.gather [hbm4b:s12+s18], $0x20, s6, s18, $0xb8;
	[tilespmem:$0x17000] =	vst v63  }
0x76: {  	_ =	swait.ge [sflag:s29], $0x1000  }
0x77: {  	[sflag:s29] =	ssyncset.done $0x0  }
0x78: {  	s8 =	simm.s32 $0x5300;
	[sflag:s29] =	ssyncadd.s32 $0xFFFFF000  }
0x79: {  	[spmem:s3] =	stream.indirect.scatter.add.f32 [tilespmem:s30], [sflag:$0x9], $0x20, s8, s18, $0xb8;
	[tilespmem:$0x17000] =	vst v63  }
0x7a: {  	_ =	swait.ge [sflag:s15], $0x1000  }
0x7b: {  	[sflag:s15] =	ssyncset.done $0x0  }
0x7c: {  	s6 =	simm.s32 $0x700;
	[sflag:s15] =	ssyncadd.s32 $0xFFFFF000  }
0x7d: {  	[tilespmem:s30], [sflag:$0x7] =	stream.indirect.gather [hbm4b:s12+s18], $0x20, s6, s18, $0xb8;
	[tilespmem:$0x17000] =	vst v63  }
0x7e: {  	_ =	swait.ge [sflag:s31], $0x1000  }
0x7f: {  	[sflag:s31] =	ssyncset.done $0x0  }
0x80: {  	s8 =	simm.s32 $0x5380;
	[sflag:s31] =	ssyncadd.s32 $0xFFFFF000  }
0x81: {  	[spmem:s3] =	stream.indirect.scatter.add.f32 [tilespmem:s0], [sflag:$0x9], $0x20, s8, s18, $0xb8;
	[tilespmem:$0x17000] =	vst v63  }
0x82: {  	_ =	swait.ge [sflag:s15], $0x1000  }
0x83: {  	[sflag:s15] =	ssyncset.done $0x0  }
0x84: {  	s5 =	simm.s32 $0x1000;
	s6 =	simm.s32 $0x780;
	[sflag:s15] =	ssyncadd.s32 $0xFFFFF000  }
.LBB2_2:
0x85: {  	[tilespmem:s0], [sflag:$0x8] =	stream.indirect.gather [hbm4b:s12+s18], $0x20, s6, s18, $0xb8;
	[tilespmem:$0x17000] =	vst v63  }
0x86: {  	s6 =	smov.u32 s5  }
0x87: {  	p0 =	sne.s32 s5, $0x12000;
	s5 =	sadd.s32 $0x1000, s5;
	_ =	swait.ge [sflag:s1], $0x1000  }
0x88: {  	s6 =	sshra.s32 s6, $0x2;
	[sflag:s1] =	ssyncset.done $0x0  }
0x89: {  	s8 =	sadd.s32 $0x5000, s6;
	[sflag:s1] =	ssyncadd.s32 $0xFFFFF000  }
0x8a: {  	[spmem:s3] =	stream.indirect.scatter.add.f32 [tilespmem:s17], [sflag:$0x9], $0x20, s8, s18, $0xb8;
	[tilespmem:$0x17000] =	vst v63  }
0x8b: {  	_ =	swait.ge [sflag:s15], $0x1000  }
0x8c: {  	[sflag:s15] =	ssyncset.done $0x0  }
0x8d: {  	s8 =	sadd.s32 $0x400, s6;
	[sflag:s15] =	ssyncadd.s32 $0xFFFFF000  }
0x8e: {  	[tilespmem:s17], [sflag:$0x1] =	stream.indirect.gather [hbm4b:s12+s18], $0x20, s8, s18, $0xb8;
	[tilespmem:$0x17000] =	vst v63  }
0x8f: {  	_ =	swait.ge [sflag:s16], $0x1000  }
0x90: {  	[sflag:s16] =	ssyncset.done $0x0  }
0x91: {  	s8 =	sadd.s32 $0x5080, s6;
	[sflag:s16] =	ssyncadd.s32 $0xFFFFF000  }
0x92: {  	[spmem:s3] =	stream.indirect.scatter.add.f32 [tilespmem:s19], [sflag:$0x9], $0x20, s8, s18, $0xb8;
	[tilespmem:$0x17000] =	vst v63  }
0x93: {  	_ =	swait.ge [sflag:s15], $0x1000  }
0x94: {  	[sflag:s15] =	ssyncset.done $0x0  }
0x95: {  	s8 =	sadd.s32 $0x480, s6;
	[sflag:s15] =	ssyncadd.s32 $0xFFFFF000  }
0x96: {  	[tilespmem:s19], [sflag:$0x2] =	stream.indirect.gather [hbm4b:s12+s18], $0x20, s8, s18, $0xb8;
	[tilespmem:$0x17000] =	vst v63  }
0x97: {  	_ =	swait.ge [sflag:s20], $0x1000  }
0x98: {  	[sflag:s20] =	ssyncset.done $0x0  }
0x99: {  	s8 =	sadd.s32 $0x5100, s6;
	[sflag:s20] =	ssyncadd.s32 $0xFFFFF000  }
0x9a: {  	[spmem:s3] =	stream.indirect.scatter.add.f32 [tilespmem:s21], [sflag:$0x9], $0x20, s8, s18, $0xb8;
	[tilespmem:$0x17000] =	vst v63  }
0x9b: {  	_ =	swait.ge [sflag:s15], $0x1000  }
0x9c: {  	[sflag:s15] =	ssyncset.done $0x0  }
0x9d: {  	s8 =	sadd.s32 $0x500, s6;
	[sflag:s15] =	ssyncadd.s32 $0xFFFFF000  }
0x9e: {  	[tilespmem:s21], [sflag:$0x3] =	stream.indirect.gather [hbm4b:s12+s18], $0x20, s8, s18, $0xb8;
	[tilespmem:$0x17000] =	vst v63  }
0x9f: {  	_ =	swait.ge [sflag:s22], $0x1000  }
0xa0: {  	[sflag:s22] =	ssyncset.done $0x0  }
0xa1: {  	s8 =	sadd.s32 $0x5180, s6;
	[sflag:s22] =	ssyncadd.s32 $0xFFFFF000  }
0xa2: {  	[spmem:s3] =	stream.indirect.scatter.add.f32 [tilespmem:s23], [sflag:$0x9], $0x20, s8, s18, $0xb8;
	[tilespmem:$0x17000] =	vst v63  }
0xa3: {  	_ =	swait.ge [sflag:s15], $0x1000  }
0xa4: {  	[sflag:s15] =	ssyncset.done $0x0  }
0xa5: {  	s8 =	sadd.s32 $0x580, s6;
	[sflag:s15] =	ssyncadd.s32 $0xFFFFF000  }
0xa6: {  	[tilespmem:s23], [sflag:$0x4] =	stream.indirect.gather [hbm4b:s12+s18], $0x20, s8, s18, $0xb8;
	[tilespmem:$0x17000] =	vst v63  }
0xa7: {  	_ =	swait.ge [sflag:s24], $0x1000  }
0xa8: {  	[sflag:s24] =	ssyncset.done $0x0  }
0xa9: {  	s8 =	sadd.s32 $0x5200, s6;
	[sflag:s24] =	ssyncadd.s32 $0xFFFFF000  }
0xaa: {  	[spmem:s3] =	stream.indirect.scatter.add.f32 [tilespmem:s25], [sflag:$0x9], $0x20, s8, s18, $0xb8;
	[tilespmem:$0x17000] =	vst v63  }
0xab: {  	_ =	swait.ge [sflag:s15], $0x1000  }
0xac: {  	[sflag:s15] =	ssyncset.done $0x0  }
0xad: {  	s8 =	sadd.s32 $0x600, s6;
	[sflag:s15] =	ssyncadd.s32 $0xFFFFF000  }
0xae: {  	[tilespmem:s25], [sflag:$0x5] =	stream.indirect.gather [hbm4b:s12+s18], $0x20, s8, s18, $0xb8;
	[tilespmem:$0x17000] =	vst v63  }
0xaf: {  	_ =	swait.ge [sflag:s26], $0x1000  }
0xb0: {  	[sflag:s26] =	ssyncset.done $0x0  }
0xb1: {  	s8 =	sadd.s32 $0x5280, s6;
	[sflag:s26] =	ssyncadd.s32 $0xFFFFF000  }
0xb2: {  	[spmem:s3] =	stream.indirect.scatter.add.f32 [tilespmem:s28], [sflag:$0x9], $0x20, s8, s18, $0xb8;
	[tilespmem:$0x17000] =	vst v63  }
0xb3: {  	_ =	swait.ge [sflag:s15], $0x1000  }
0xb4: {  	[sflag:s15] =	ssyncset.done $0x0  }
0xb5: {  	s8 =	sadd.s32 $0x680, s6;
	[sflag:s15] =	ssyncadd.s32 $0xFFFFF000  }
0xb6: {  	[tilespmem:s28], [sflag:$0x6] =	stream.indirect.gather [hbm4b:s12+s18], $0x20, s8, s18, $0xb8;
	[tilespmem:$0x17000] =	vst v63  }
0xb7: {  	_ =	swait.ge [sflag:s29], $0x1000  }
0xb8: {  	[sflag:s29] =	ssyncset.done $0x0  }
0xb9: {  	s8 =	sadd.s32 $0x5300, s6;
	[sflag:s29] =	ssyncadd.s32 $0xFFFFF000  }
0xba: {  	[spmem:s3] =	stream.indirect.scatter.add.f32 [tilespmem:s30], [sflag:$0x9], $0x20, s8, s18, $0xb8;
	[tilespmem:$0x17000] =	vst v63  }
0xbb: {  	_ =	swait.ge [sflag:s15], $0x1000  }
0xbc: {  	[sflag:s15] =	ssyncset.done $0x0  }
0xbd: {  	s8 =	sadd.s32 $0x700, s6;
	[sflag:s15] =	ssyncadd.s32 $0xFFFFF000  }
0xbe: {  	[tilespmem:s30], [sflag:$0x7] =	stream.indirect.gather [hbm4b:s12+s18], $0x20, s8, s18, $0xb8;
	[tilespmem:$0x17000] =	vst v63  }
0xbf: {  	_ =	swait.ge [sflag:s31], $0x1000  }
0xc0: {  	[sflag:s31] =	ssyncset.done $0x0  }
.Ltmp0:
0xc1: {  	s8 =	sadd.s32 $0x5380, s6;
	[sflag:s31] =	ssyncadd.s32 $0xFFFFF000;
	(pc) =	sbr.rel @p0 .LBB2_2-.Ltmp0, $4  }
0xc2: {  	[spmem:s3] =	stream.indirect.scatter.add.f32 [tilespmem:s0], [sflag:$0x9], $0x20, s8, s18, $0xb8;
	[tilespmem:$0x17000] =	vst v63  }
0xc3: {  	_ =	swait.ge [sflag:s15], $0x1000  }
0xc4: {  	[sflag:s15] =	ssyncset.done $0x0  }
0xc5: {  	s6 =	sadd.s32 $0x780, s6;
	[sflag:s15] =	ssyncadd.s32 $0xFFFFF000  }
0xc6: {  	[tilespmem:s0], [sflag:$0x8] =	stream.indirect.gather [hbm4b:s12+s18], $0x20, s6, s18, $0xb8;
	[tilespmem:$0x17000] =	vst v63  }
0xc7: {  	_ =	swait.ge [sflag:s1], $0x1000  }
0xc8: {  	[sflag:s1] =	ssyncset.done $0x0  }
0xc9: {  	s5 =	simm.s32 $0x9C00;
	[sflag:s1] =	ssyncadd.s32 $0xFFFFF000  }
0xca: {  	[spmem:s3] =	stream.indirect.scatter.add.f32 [tilespmem:s17], [sflag:$0x9], $0x20, s5, s18, $0xb8;
	[tilespmem:$0x17000] =	vst v63  }
0xcb: {  	_ =	swait.ge [sflag:s15], $0x1000  }
0xcc: {  	[sflag:s15] =	ssyncset.done $0x0  }
0xcd: {  	[sflag:s15] =	ssyncadd.s32 $0xFFFFF000  }
0xce: {  	_ =	swait.ge [sflag:s16], $0x1000  }
0xcf: {  	[sflag:s16] =	ssyncset.done $0x0  }
0xd0: {  	s8 =	simm.s32 $0x9C80;
	[sflag:s16] =	ssyncadd.s32 $0xFFFFF000  }
0xd1: {  	[spmem:s3] =	stream.indirect.scatter.add.f32 [tilespmem:s19], [sflag:$0x9], $0x20, s8, s18, $0xb8;
	[tilespmem:$0x17000] =	vst v63  }
0xd2: {  	_ =	swait.ge [sflag:s15], $0x1000  }
0xd3: {  	[sflag:s15] =	ssyncset.done $0x0  }
0xd4: {  	[sflag:s15] =	ssyncadd.s32 $0xFFFFF000  }
0xd5: {  	_ =	swait.ge [sflag:s20], $0x1000  }
0xd6: {  	[sflag:s20] =	ssyncset.done $0x0  }
0xd7: {  	s6 =	simm.s32 $0x9D00;
	[sflag:s20] =	ssyncadd.s32 $0xFFFFF000  }
0xd8: {  	[spmem:s3] =	stream.indirect.scatter.add.f32 [tilespmem:s21], [sflag:$0x9], $0x20, s6, s18, $0xb8;
	[tilespmem:$0x17000] =	vst v63  }
0xd9: {  	_ =	swait.ge [sflag:s15], $0x1000  }
0xda: {  	[sflag:s15] =	ssyncset.done $0x0  }
0xdb: {  	[sflag:s15] =	ssyncadd.s32 $0xFFFFF000  }
0xdc: {  	_ =	swait.ge [sflag:s22], $0x1000  }
0xdd: {  	[sflag:s22] =	ssyncset.done $0x0  }
0xde: {  	s8 =	simm.s32 $0x9D80;
	[sflag:s22] =	ssyncadd.s32 $0xFFFFF000  }
0xdf: {  	[spmem:s3] =	stream.indirect.scatter.add.f32 [tilespmem:s23], [sflag:$0x9], $0x20, s8, s18, $0xb8;
	[tilespmem:$0x17000] =	vst v63  }
0xe0: {  	_ =	swait.ge [sflag:s15], $0x1000  }
0xe1: {  	[sflag:s15] =	ssyncset.done $0x0  }
0xe2: {  	[sflag:s15] =	ssyncadd.s32 $0xFFFFF000  }
0xe3: {  	_ =	swait.ge [sflag:s24], $0x1000  }
0xe4: {  	[sflag:s24] =	ssyncset.done $0x0  }
0xe5: {  	s6 =	simm.s32 $0x9E00;
	[sflag:s24] =	ssyncadd.s32 $0xFFFFF000  }
0xe6: {  	[spmem:s3] =	stream.indirect.scatter.add.f32 [tilespmem:s25], [sflag:$0x9], $0x20, s6, s18, $0xb8;
	[tilespmem:$0x17000] =	vst v63  }
0xe7: {  	_ =	swait.ge [sflag:s15], $0x1000  }
0xe8: {  	[sflag:s15] =	ssyncset.done $0x0  }
0xe9: {  	[sflag:s15] =	ssyncadd.s32 $0xFFFFF000  }
0xea: {  	_ =	swait.ge [sflag:s26], $0x1000  }
0xeb: {  	[sflag:s26] =	ssyncset.done $0x0  }
0xec: {  	s8 =	simm.s32 $0x9E80;
	[sflag:s26] =	ssyncadd.s32 $0xFFFFF000  }
0xed: {  	[spmem:s3] =	stream.indirect.scatter.add.f32 [tilespmem:s28], [sflag:$0x9], $0x20, s8, s18, $0xb8;
	[tilespmem:$0x17000] =	vst v63  }
0xee: {  	_ =	swait.ge [sflag:s15], $0x1000  }
0xef: {  	[sflag:s15] =	ssyncset.done $0x0  }
0xf0: {  	[sflag:s15] =	ssyncadd.s32 $0xFFFFF000  }
0xf1: {  	_ =	swait.ge [sflag:s29], $0x1000  }
0xf2: {  	[sflag:s29] =	ssyncset.done $0x0  }
0xf3: {  	s6 =	simm.s32 $0x9F00;
	[sflag:s29] =	ssyncadd.s32 $0xFFFFF000  }
0xf4: {  	[spmem:s3] =	stream.indirect.scatter.add.f32 [tilespmem:s30], [sflag:$0x9], $0x20, s6, s18, $0xb8;
	[tilespmem:$0x17000] =	vst v63  }
0xf5: {  	_ =	swait.ge [sflag:s15], $0x1000  }
0xf6: {  	[sflag:s15] =	ssyncset.done $0x0  }
0xf7: {  	[sflag:s15] =	ssyncadd.s32 $0xFFFFF000  }
0xf8: {  	_ =	swait.ge [sflag:s31], $0x1000  }
0xf9: {  	[sflag:s31] =	ssyncset.done $0x0  }
0xfa: {  	s8 =	simm.s32 $0x9F80;
	[sflag:s31] =	ssyncadd.s32 $0xFFFFF000  }
0xfb: {  	[spmem:s3] =	stream.indirect.scatter.add.f32 [tilespmem:s0], [sflag:$0x9], $0x20, s8, s18, $0xb8;
	[tilespmem:$0x17000] =	vst v63  }
0xfc: {  	s6 =	stileid.u32;
	_ =	swait.ge [sflag:s15], $0x1000  }
0xfd: {  	s2 =	sadd.s32 $0x1, s2;
	s5 =	sshll.u32 s6, $0x6;
	[sflag:s15] =	ssyncset.done $0x0  }
0xfe: {  	p0 =	sne.s32 s2, s14;
	s5 =	sor.u32 $0x1C09, s5;
	[sflag:s15] =	ssyncadd.s32 $0xFFFFF000  }
.Ltmp1:
0xff: {  	s8 =	sshrl.u32 s7, $0x3;
	[bflag:$0x0] =	sbarrier.arrive $0xFFFF;
	(pc) =	sbr.rel @p0 .LBB2_1-.Ltmp1, $4  }
0x100: {  	[hbm:s13], [sflag:s5] =	dma.local [spmem:s8], $0xA00  }
0x101: {  	_ =	swait.ge [sflag:s15], $0xA00  }
0x102: {  	[sflag:s15] =	ssyncset.done $0x0  }
0x103: {  	[sflag:s15] =	ssyncadd.s32 $0xFFFFF600  }
0x104: {  	_ =	sfence.sel $0x180000  }
0x105: {  	[bflag:$0x0] =	sbarrier.arrive $0xFFFF  }
0x106: {  	_ =	strace $0x9000004D  }
0x107: {  	s0 =	stileid.u32;
	[bflag:$0x2] =	sbarrier.arrive $0xFFFF  }
0x108: {  	p0 =	sne.s32 s0, $0x0;
	s0 =	rddreg [dreg:$0x3]  }
0x109: {  	s0 =	sadd.s32 @!p0 $0x100000, s0  }
0x10a: {  	[sflag:s0] =	ssyncadd.tile.s32 @!p0 $0x1;
	_ =	shalt  }
.Lfunc_end2:
_tile_overlayer_lowered:
.L_overlay_start_2:
0x10b: {  	(tag) =	ssettag $0x2  }
0x10c: {  	s0 =	rddreg [dreg:$0x0];
	s2 =	stileid.u32  }
0x10d: {  	s1 =	rddreg [dreg:$0x1];
	p0 =	sne.s32 s2, $0x0  }
0x10e: {  	s3 =	rddreg [dreg:$0x2];
	[bflag:$0x3] =	sbarrier.arrive $0xFFFF;
	s2 =	simm.s32 @!p0 $0x1C09  }
0x10f: {  	[timem:s3], [sflag:s2] =	dma.local @!p0 [hbm:s0], s1  }
0x110: {  	s0 =	simm.s32 @!p0 $0x9  }
0x111: {  	_ =	swait.ge @!p0 [sflag:s0], s1  }
0x112: {  	s1 =	ssub.s32 @!p0 $0x0, s1;
	[sflag:s0] =	ssyncset.done @!p0 $0x0  }
0x113: {  	[sflag:s0] =	ssyncadd.s32 @!p0 s1  }
0x114: {  	[bflag:$0x3] =	sbarrier.arrive $0xFFFF  }
0x115: {  	_ =	shalt  }

// kernel: kernel.19.cloned.1.call-start
scs
__scs_entry_jumppad:
0x0: {  	(pc) =	sbr.rel $0x88, $3  }
0x1: {  	(tag) =	ssettag $0x0;
	lr =	simm.s32 $0x1  }
0x2: {  	[smem:$0x3F95] =	sst lr;
	_ =	strace $0xD0000000  }
0x3: {  	_ = 	snop  }
0x4: {  	_ = 	snop  }
0x5: {  	_ = 	snop  }
0x6: {  	_ = 	snop  }
0x7: {  	_ = 	snop  }
__scs_overlays_trampoline_lowered:
0x8: {  	[smem:$0x3FA4] =	sst s0  }
0x9: {  	[smem:$0x3FA5] =	sst s1  }
0xa: {  	[smem:$0x3FA6] =	sst s2  }
0xb: {  	[smem:$0x3FA7] =	sst s3  }
0xc: {  	[smem:$0x3FA8] =	sst s4  }
0xd: {  	[smem:$0x3FA9] =	sst s5  }
0xe: {  	[smem:$0x3FAA] =	sst s6  }
0xf: {  	[smem:$0x3FAB] =	sst s7  }
0x10: {  	[smem:$0x3FAC] =	sst s8  }
0x11: {  	[smem:$0x3FAD] =	sst s9;
	s0 =	simm.s32 @!p0 $0x0  }
0x12: {  	s1 =	sld [smem:$0x3F93];
	s0 =	simm.s32 @p0 $0x1  }
0x13: {  	[smem:$0x3FAE] =	sst s0;
	s0 =	simm.s32 @!p1 $0x0  }
0x14: {  	s2 =	sld [smem:$0x3F92];
	s0 =	simm.s32 @p1 $0x1  }
0x15: {  	[smem:$0x3FAF] =	sst s0;
	s0 =	simm.s32 @!p2 $0x0  }
0x16: {  	s3 =	sld [smem:$0x3FDB];
	s0 =	simm.s32 @p2 $0x1  }
0x17: {  	s4 =	simm.s32 $0x1BF5;
	[smem:$0x3FB1] =	sst s0  }
0x18: {  	s0 =	sld [smem:$0x3F94];
	_ =	swait.ge [sflag:s4], $0x0  }
0x19: {  	s7 =	sld [smem:$0x3F95]  }
0x1a: {  	s8 =	sadd.s32 $0xFFFFE003, lr  }
0x1b: {  	s9 =	sadd.s32 $0xFFFFFEF7, lr;
	s5 =	simm.s32 $0xFFFFFFFF;
	p2 =	slt.u32 s8, $0xFFFFF086  }
0x1c: {  	p1 =	slt.u32 s9, $0xF7A;
	s5 =	simm.s32 @!p2 $0x0  }
0x1d: {  	s5 =	simm.s32 @p1 $0x1;
	p0 =	seq.s32 s7, s2  }
0x1e: {  	s7 =	smul.u32 @!p0 $0xF7A, s2;
	p2 =	seq.s32 @!p0 s5, $0x0  }
0x1f: {  	s9 =	smul.u32 $0xF7A, s1;
	s8 =	simm.s32 @!p0 $0x1BF5;
	p2 =	por !p2, p0  }
0x20: {  	[sflag:s8] =	ssyncset.s32 @!p0 $0xFFFFF086;
	s6 =	sadd.s32 @!p0 s3, s7;
	s7 =	simm.s32 @!p0 $0x108  }
0x21: {  	s3 =	sadd.s32 s3, s9;
	s6 =	sadd.s32 @!p0 $0x88, s6;
	s7 =	simm.s32 @p2 $0x1082  }
0x22: {  	[simem:s7], [sflag:s8] =	dma.local @!p0 [hbm:s6], $0xF7A  }
0x23: {  	s9 =	sor.u32 $0xD0000000, s2;
	s6 =	simm.s32 $0x108;
	_ =	swait.ge @!p0 [sflag:s8], $0x0  }
0x24: {  	s3 =	sadd.s32 $0x88, s3;
	s6 =	simm.s32 @!p1 $0x1082;
	[sflag:s4] =	ssyncset.s32 $0xFFFFF086  }
0x25: {  	[simem:s6], [sflag:s4] =	dma.local [hbm:s3], $0xF7A  }
0x26: {  	[smem:$0x3F95] =	sst s1;
	(tag) =	ssettag s2;
	_ =	strace s9  }
0x27: {  	s1 =	sld [smem:$0x3FA5]  }
0x28: {  	s2 =	sld [smem:$0x3FA6]  }
0x29: {  	s4 =	sld [smem:$0x3FA8]  }
0x2a: {  	p0 =	seq.s32 s5, $0x0;
	s5 =	sld [smem:$0x3FA9]  }
0x2b: {  	s6 =	sld [smem:$0x3FAA]  }
0x2c: {  	s7 =	sld [smem:$0x3FAB]  }
0x2d: {  	s3 =	simm.s32 $0x108;
	s8 =	sld [smem:$0x3FAC]  }
0x2e: {  	s3 =	simm.s32 @!p0 $0x1082;
	s9 =	sld [smem:$0x3FAD]  }
0x2f: {  	lr =	sadd.s32 s0, s3;
	s0 =	sld [smem:$0x3FA4]  }
0x30: {  	s3 =	sld [smem:$0x3FA7]  }
0x31: {  	[smem:$0x3FB0] =	sst s10  }
0x32: {  	s10 =	sld [smem:$0x3FAE];
	_ =	sdelay $0x3  }
0x33: {  	p0 =	seq.s32 s10, $0x1;
	s10 =	sld [smem:$0x3FB0];
	_ =	sdelay $0x3  }
0x34: {  	[smem:$0x3FB0] =	sst s10  }
0x35: {  	s10 =	sld [smem:$0x3FAF];
	_ =	sdelay $0x3  }
0x36: {  	p1 =	seq.s32 s10, $0x1;
	s10 =	sld [smem:$0x3FB0];
	_ =	sdelay $0x3  }
0x37: {  	[smem:$0x3FB0] =	sst s10  }
0x38: {  	s10 =	sld [smem:$0x3FB1]  }
0x39: {  	_ = 	snop;
	(pc) =	sbr.ind lr, $3  }
0x3a: {  	_ = 	snop  }
0x3b: {  	_ = 	snop  }
0x3c: {  	p2 =	seq.s32 s10, $0x1;
	s10 =	sld [smem:$0x3FB0]  }
0x3d: {  	_ =	shalt  }
0x3e: {  	_ =	shalt  }
0x3f: {  	_ =	shalt  }
0x40: {  	_ =	shalt  }
0x41: {  	_ =	shalt  }
0x42: {  	_ =	shalt  }
0x43: {  	_ =	shalt  }
0x44: {  	_ =	shalt  }
0x45: {  	_ =	shalt  }
0x46: {  	_ =	shalt  }
0x47: {  	_ =	shalt  }
0x48: {  	_ =	shalt  }
0x49: {  	_ =	shalt  }
0x4a: {  	_ =	shalt  }
0x4b: {  	_ =	shalt  }
0x4c: {  	_ =	shalt  }
0x4d: {  	_ =	shalt  }
0x4e: {  	_ =	shalt  }
0x4f: {  	_ =	shalt  }
0x50: {  	_ =	shalt  }
0x51: {  	_ =	shalt  }
0x52: {  	_ =	shalt  }
0x53: {  	_ =	shalt  }
0x54: {  	_ =	shalt  }
0x55: {  	_ =	shalt  }
0x56: {  	_ =	shalt  }
0x57: {  	_ =	shalt  }
0x58: {  	_ =	shalt  }
0x59: {  	_ =	shalt  }
0x5a: {  	_ =	shalt  }
0x5b: {  	_ =	shalt  }
0x5c: {  	_ =	shalt  }
0x5d: {  	_ =	shalt  }
0x5e: {  	_ =	shalt  }
0x5f: {  	_ =	shalt  }
0x60: {  	_ =	shalt  }
0x61: {  	_ =	shalt  }
0x62: {  	_ =	shalt  }
0x63: {  	_ =	shalt  }
0x64: {  	_ =	shalt  }
0x65: {  	_ =	shalt  }
0x66: {  	_ =	shalt  }
0x67: {  	_ =	shalt  }
0x68: {  	_ =	shalt  }
0x69: {  	_ =	shalt  }
0x6a: {  	_ =	shalt  }
0x6b: {  	_ =	shalt  }
0x6c: {  	_ =	shalt  }
0x6d: {  	_ =	shalt  }
0x6e: {  	_ =	shalt  }
0x6f: {  	_ =	shalt  }
0x70: {  	_ =	shalt  }
0x71: {  	_ =	shalt  }
0x72: {  	_ =	shalt  }
0x73: {  	_ =	shalt  }
0x74: {  	_ =	shalt  }
0x75: {  	_ =	shalt  }
0x76: {  	_ =	shalt  }
0x77: {  	_ =	shalt  }
0x78: {  	_ =	shalt  }
0x79: {  	_ =	shalt  }
0x7a: {  	_ =	shalt  }
0x7b: {  	_ =	shalt  }
0x7c: {  	_ =	shalt  }
0x7d: {  	_ =	shalt  }
0x7e: {  	_ =	shalt  }
0x7f: {  	_ =	shalt  }
0x80: {  	_ =	shalt  }
0x81: {  	_ =	shalt  }
0x82: {  	_ =	shalt  }
0x83: {  	_ =	shalt  }
0x84: {  	_ =	shalt  }
0x85: {  	_ =	shalt  }
0x86: {  	_ =	shalt  }
0x87: {  	_ =	shalt  }
.Lfunc_end0:
.L_simem_size_0:
called_computation.3_lowered:
.L_overlay_start_0:
0x88: {  	s2 =	sld [smem:$0x3FD9]  }
0x89: {  	s3 =	sld [smem:$0x3FFE];
	_ =	sdelay $0x1  }
0x8a: {  	s1 =	srdreg.scid  }
0x8b: {  	s0 =	sand.u32 $0x1, s1  }
0x8c: {  	s16 =	sshll.u32 s0, $0xA;
	s2 =	sadd.s32 s3, s2  }
0x8d: {  	s2 =	sadd.s32 s2, s16  }
0x8e: {  	[smem:$0x3FBC] =	sst s2  }
0x8f: {  	_ = 	snop  }
0x90: {  	(tm) =	ssettm $0x1  }
0x91: {  	s17 =	sld [smem:$0x3FFB];
	_ =	sdelay $0x3  }
0x92: {  	_ =	strace s17  }
0x93: {  	s2 =	sld [smem:$0x3FFC];
	_ =	sdelay $0x3  }
0x94: {  	_ =	strace s2  }
0x95: {  	s2 =	sld [smem:$0x3FFD];
	_ =	sdelay $0x3  }
0x96: {  	_ =	strace s2  }
0x97: {  	_ =	strace $0x8FFFFFFF  }
0x98: {  	s18 =	sld [smem:$0x3FDB];
	_ =	sdelay $0x1  }
0x99: {  	s19 =	simm.s32 $_scs_section_size  }
0x9a: {  	s4 =	simm.s32 $_size__tile_overlayer_lowered;
	s5 =	simm.s32 $_tile_overlayer_lowered  }
0x9b: {  	s22 =	simm.s32 $0x1BFF;
	s21 =	sshll.u32 s5, $0x1;
	s2 =	sadd.s32 s19, s18  }
0x9c: {  	s6 =	simm.s32 $0x0;
	s20 =	sshll.u32 s4, $0x1;
	s4 =	sadd.s32 s21, s2  }
0x9d: {  	[timem:s6], [sflag:s22] =	dma.local [hbm:s4], s20  }
0x9e: {  	_ =	swait.ge [sflag:s22], s20  }
0x9f: {  	s3 =	ssub.s32 $0x0, s20;
	[sflag:s22] =	ssyncset.done $0x0  }
0xa0: {  	[sflag:s22] =	ssyncadd.s32 s3;
	_ =	sdelay $0x1  }
0xa1: {  	s23 =	simm.s32 $0x1B8B  }
0xa2: {  	_ =	swait.ge [sflag:s23], $0x1  }
0xa3: {  	[sflag:s23] =	ssyncset.done $0x0  }
0xa4: {  	s25 =	simm.s32 $0x1B8E;
	s24 =	sld [smem:$0x3FFE];
	[sflag:s23] =	ssyncadd.s32 $0xFFFFFFFF  }
0xa5: {  	s26 =	simm.s32 $execute0_lowered;
	[smem:$0x3FD2] =	sst s25  }
0xa6: {  	s4 =	sshll.u32 s26, $0x1;
	_ =	strace $0x8000004F;
	[dreg:$0x1] =	wrdreg $0xFFFFFFFF  }
0xa7: {  	s28 =	simm.s32 $_size_execute0_lowered;
	s2 =	sadd.s32 s2, s4;
	[dreg:$0x0] =	wrdreg $0x0  }
0xa8: {  	s4 =	sshll.u32 s28, $0x1;
	[dreg:$0x2] =	wrdreg s2  }
0xa9: {  	[dreg:$0x3] =	wrdreg s4  }
0xaa: {  	[dreg:$0x4] =	wrdreg $0xC0  }
0xab: {  	_ =	task [dreg:s6], $0x5FFFF  }
0xac: {  	[dreg:$0x1] =	wrdreg $0xFFFFFFFF  }
0xad: {  	[dreg:$0x0] =	wrdreg $0x60  }
0xae: {  	[dreg:$0x2] =	wrdreg s24  }
0xaf: {  	[dreg:$0x3] =	wrdreg $0x90000  }
0xb0: {  	[dreg:$0x4] =	wrdreg $0x9  }
0xb1: {  	_ =	task.clear_ibuf [dreg:s6], $0x5FFFF;
	_ =	strace $0x9000004F  }
0xb2: {  	s29 =	simm.s32 $0x9;
	_ =	strace $0x80000051  }
0xb3: {  	_ =	swait.ge [sflag:s29], $0x1  }
0xb4: {  	[sflag:s29] =	ssyncadd.s32 $0xFFFFFFFF  }
0xb5: {  	_ =	strace $0x90000051  }
0xb6: {  	_ =	sfence  }
0xb7: {  	s30 =	sld [smem:$0x0];
	_ =	sdelay $0x2  }
0xb8: {  	s31 =	sshll.u32 s1, $0xD;
	s1 =	sshrl.u32 s1, $0x2  }
0xb9: {  	s3 =	sand.u32 $0x4000, s31;
	s1 =	sadd.s32 s1, s30  }
0xba: {  	s0 =	sor.u32 s3, s0;
	s1 =	sshll.u32 s1, $0x11  }
0xbb: {  	s0 =	sor.u32 s1, s0  }
0xbc: {  	s0 =	sadd.s32 $0x8F2B, s0  }
0xbd: {  	[sflag:s0] =	ssyncadd.remote.s32 $0x1  }
0xbe: {  	_ =	sfence.sel $0xFFFF  }
0xbf: {  	[dreg:$0x0] =	wrdreg $0xFFFFFFFF;
	(pc) =	sbr.abs _section_cstart, $3  }
0xc0: {  	[dreg:$0x1] =	wrdreg $0xFFFFFFFF  }
0xc1: {  	_ =	task.clear_ibuf [dreg:s6], $0x2FFFF;
	_ =	strace $0x9FFFFFFF  }
0xc2: {  	(tm) =	ssettm $0x7FFFFFFF  }
0xc3: {  	_ =	shalt  }
tec
execute0_lowered:
.L_overlay_start_1:
0x0: {  	(tag) =	ssettag $0x1  }
0x1: {  	s0 =	srdreg.scid  }
0x2: {  	s8 =	stileid.u32;
	s5 =	rddreg [dreg:$0x0]  }
0x3: {  	s2 =	rddreg [dreg:$0x1];
	s3 =	simm.s32 $0x0;
	s15 =	simm.s32 $0x9  }
0x4: {  	s17 =	simm.s32 $0x5000;
	s18 =	simm.s32 $0x80;
	s19 =	simm.s32 $0x5800  }
0x5: {  	s21 =	simm.s32 $0x6000;
	s28 =	simm.s32 $0x7800;
	s30 =	simm.s32 $0x8000  }
0x6: {  	s16 =	simm.s32 $0x1;
	s20 =	simm.s32 $0x2;
	s22 =	simm.s32 $0x3  }
0x7: {  	s29 =	simm.s32 $0x7;
	s31 =	simm.s32 $0x8;
	s0 =	sand.u32 $0x1, s0  }
0x8: {  	s6 =	smul.u32 $0x2800, s8;
	[smem:$0x7FF] =	sst s3;
	s4 =	sadd.s32 $0x17000, s5  }
0x9: {  	s9 =	sadd.s32 $0x16E00, s5;
	s1 =	sshll.u32 s0, $0x4;
	s7 =	smul.u32 $0x28000, s0  }
0xa: {  	_ =	strace $0x80000050;
	[dreg:$0x3] =	wrdreg s9;
	s0 =	ssub.s32 $0x2, s0  }
0xb: {  	s1 =	sor.u32 s8, s1;
	s8 =	smul.u32 $0xA000, s8;
	s23 =	sshrl.u32 s0, $0x1  }
0xc: {  	s1 =	smul.u32 $0x500, s1;
	s7 =	sadd.s32 s6, s7;
	s0 =	ssub.s32 s0, s23  }
0xd: {  	s23 =	simm.s32 $0x6800;
	s7 =	sshrl.u32 s7, $0x3;
	s8 =	sshrl.u32 s8, $0x2  }
0xe: {  	s14 =	smax.u32 s0, $0x1;
	s0 =	simm.s32 $0x5;
	s1 =	sadd.s32 s1, s5  }
0xf: {  	s5 =	sadd.s32 s7, s5;
	s25 =	sadd.s32 s8, s2;
	s8 =	sadd.s32 s6, s2  }
0x10: {  	s24 =	sadd.s32 $0x2E00, s1;
	s1 =	sadd.s32 $0xCE00, s1;
	s26 =	sadd.s32 $0x800, s25  }
0x11: {  	s10 =	sadd.s32 $0x1000, s25;
	s11 =	sadd.s32 $0x1800, s25;
	[dreg:$0x4] =	wrdreg s24  }
0x12: {  	s12 =	sadd.s32 $0x2000, s25;
	s13 =	sadd.s32 $0x1C000, s5;
	[dreg:$0x5] =	wrdreg s1  }
0x13: {  	s25 =	simm.s32 $0x7000;
	s5 =	simm.s32 $0x0;
	[dreg:$0x6] =	wrdreg s26  }
0x14: {  	s1 =	simm.s32 $0x8800;
	s24 =	simm.s32 $0x4;
	s26 =	simm.s32 $0x6  }
.LBB2_1:
0x15: {  	s6 =	rddreg [dreg:$0x4]  }
0x16: {  	[tilespmem:s3], [sflag:$0x9] =	stream.linear.gather [hbm4b:s6+s3], $0x2800, $0x38;
	[tilespmem:$0xB800] =	vst v63  }
0x17: {  	_ =	swait.ge [sflag:s15], $0x2800  }
0x18: {  	[sflag:s15] =	ssyncset.done $0x0  }
0x19: {  	s7 =	simm.s32 $0x2800;
	s9 =	rddreg [dreg:$0x5];
	[sflag:s15] =	ssyncadd.s32 $0xFFFFD800  }
0x1a: {  	[tilespmem:s7], [sflag:$0x9] =	stream.linear.gather [hbm4b:s9+s3], $0x2800, $0x38;
	[tilespmem:$0xB800] =	vst v63  }
0x1b: {  	_ =	swait.ge [sflag:s15], $0x2800  }
0x1c: {  	[sflag:s15] =	ssyncset.done $0x0  }
0x1d: {  	s9 =	rddreg [dreg:$0x3];
	[sflag:s15] =	ssyncadd.s32 $0xFFFFD800  }
0x1e: {  	[tilespmem:s17], [sflag:$0x9] =	stream.linear.gather [hbm4b:s9+s3], $0x800, $0x38;
	[tilespmem:$0xB800] =	vst v63  }
0x1f: {  	_ =	swait.ge [sflag:s15], $0x800  }
0x20: {  	[sflag:s15] =	ssyncset.done $0x0  }
0x21: {  	[sflag:s15] =	ssyncadd.s32 $0xFFFFF800  }
0x22: {  	[spmem:s8] =	stream.linear.scatter [tilespmem:s17], [sflag:$0x9], $0x800, $0x38;
	[tilespmem:$0xB800] =	vst v63  }
0x23: {  	_ =	swait.ge [sflag:s15], $0x800  }
0x24: {  	[sflag:s15] =	ssyncset.done $0x0  }
0x25: {  	s7 =	rddreg [dreg:$0x6];
	[sflag:s15] =	ssyncadd.s32 $0xFFFFF800  }
0x26: {  	[spmem:s7] =	stream.linear.scatter [tilespmem:s17], [sflag:$0x9], $0x800, $0x38;
	[tilespmem:$0xB800] =	vst v63  }
0x27: {  	_ =	swait.ge [sflag:s15], $0x800  }
0x28: {  	[sflag:s15] =	ssyncset.done $0x0  }
0x29: {  	[sflag:s15] =	ssyncadd.s32 $0xFFFFF800  }
0x2a: {  	[spmem:s10] =	stream.linear.scatter [tilespmem:s17], [sflag:$0x9], $0x800, $0x38;
	[tilespmem:$0xB800] =	vst v63  }
0x2b: {  	_ =	swait.ge [sflag:s15], $0x800  }
0x2c: {  	[sflag:s15] =	ssyncset.done $0x0  }
0x2d: {  	[sflag:s15] =	ssyncadd.s32 $0xFFFFF800  }
0x2e: {  	[spmem:s11] =	stream.linear.scatter [tilespmem:s17], [sflag:$0x9], $0x800, $0x38;
	[tilespmem:$0xB800] =	vst v63  }
0x2f: {  	_ =	swait.ge [sflag:s15], $0x800  }
0x30: {  	[sflag:s15] =	ssyncset.done $0x0  }
0x31: {  	[sflag:s15] =	ssyncadd.s32 $0xFFFFF800  }
0x32: {  	[spmem:s12] =	stream.linear.scatter [tilespmem:s17], [sflag:$0x9], $0x800, $0x38;
	[tilespmem:$0xB800] =	vst v63  }
0x33: {  	_ =	swait.ge [sflag:s15], $0x800  }
0x34: {  	[sflag:s15] =	ssyncset.done $0x0  }
0x35: {  	[sflag:s15] =	ssyncadd.s32 $0xFFFFF800  }
0x36: {  	[bflag:$0x0] =	sbarrier.arrive $0xFFFF  }
0x37: {  	[tilespmem:s17], [sflag:$0x1] =	stream.indirect.gather [hbm4b:s4+s18], $0x10, s3, s18, $0xb8;
	[tilespmem:$0xB800] =	vst v63  }
0x38: {  	_ = 	snop  }
0x39: {  	[tilespmem:s19], [sflag:$0x2] =	stream.indirect.gather [hbm4b:s4+s18], $0x10, s18, s18, $0xb8;
	[tilespmem:$0xB800] =	vst v63  }
0x3a: {  	s9 =	simm.s32 $0x100  }
0x3b: {  	[tilespmem:s21], [sflag:$0x3] =	stream.indirect.gather [hbm4b:s4+s18], $0x10, s9, s18, $0xb8;
	[tilespmem:$0xB800] =	vst v63  }
0x3c: {  	s7 =	simm.s32 $0x180  }
0x3d: {  	[tilespmem:s23], [sflag:$0x4] =	stream.indirect.gather [hbm4b:s4+s18], $0x10, s7, s18, $0xb8;
	[tilespmem:$0xB800] =	vst v63  }
0x3e: {  	s9 =	simm.s32 $0x200  }
0x3f: {  	[tilespmem:s25], [sflag:$0x5] =	stream.indirect.gather [hbm4b:s4+s18], $0x10, s9, s18, $0xb8;
	[tilespmem:$0xB800] =	vst v63  }
0x40: {  	s7 =	simm.s32 $0x280  }
0x41: {  	[tilespmem:s28], [sflag:$0x6] =	stream.indirect.gather [hbm4b:s4+s18], $0x10, s7, s18, $0xb8;
	[tilespmem:$0xB800] =	vst v63  }
0x42: {  	s9 =	simm.s32 $0x300  }
0x43: {  	[tilespmem:s30], [sflag:$0x7] =	stream.indirect.gather [hbm4b:s4+s18], $0x10, s9, s18, $0xb8;
	[tilespmem:$0xB800] =	vst v63  }
0x44: {  	s7 =	simm.s32 $0x380  }
0x45: {  	[tilespmem:s1], [sflag:$0x8] =	stream.indirect.gather [hbm4b:s4+s18], $0x10, s7, s18, $0xb8;
	[tilespmem:$0xB800] =	vst v63  }
0x46: {  	_ =	swait.ge [sflag:s16], $0x800  }
0x47: {  	[sflag:s16] =	ssyncset.done $0x0  }
0x48: {  	s9 =	simm.s32 $0x2800;
	[sflag:s16] =	ssyncadd.s32 $0xFFFFF800  }
0x49: {  	[spmem:s2] =	stream.indirect.scatter.add.f32 [tilespmem:s17], [sflag:$0x9], $0x10, s9, s18, $0xb8;
	[tilespmem:$0xB800] =	vst v63  }
0x4a: {  	_ =	swait.ge [sflag:s15], $0x800  }
0x4b: {  	[sflag:s15] =	ssyncset.done $0x0  }
0x4c: {  	s7 =	simm.s32 $0x400;
	[sflag:s15] =	ssyncadd.s32 $0xFFFFF800  }
0x4d: {  	[tilespmem:s17], [sflag:$0x1] =	stream.indirect.gather [hbm4b:s4+s18], $0x10, s7, s18, $0xb8;
	[tilespmem:$0xB800] =	vst v63  }
0x4e: {  	_ =	swait.ge [sflag:s20], $0x800  }
0x4f: {  	[sflag:s20] =	ssyncset.done $0x0  }
0x50: {  	s9 =	simm.s32 $0x2880;
	[sflag:s20] =	ssyncadd.s32 $0xFFFFF800  }
0x51: {  	[spmem:s2] =	stream.indirect.scatter.add.f32 [tilespmem:s19], [sflag:$0x9], $0x10, s9, s18, $0xb8;
	[tilespmem:$0xB800] =	vst v63  }
0x52: {  	_ =	swait.ge [sflag:s15], $0x800  }
0x53: {  	[sflag:s15] =	ssyncset.done $0x0  }
0x54: {  	s7 =	simm.s32 $0x480;
	[sflag:s15] =	ssyncadd.s32 $0xFFFFF800  }
0x55: {  	[tilespmem:s19], [sflag:$0x2] =	stream.indirect.gather [hbm4b:s4+s18], $0x10, s7, s18, $0xb8;
	[tilespmem:$0xB800] =	vst v63  }
0x56: {  	_ =	swait.ge [sflag:s22], $0x800  }
0x57: {  	[sflag:s22] =	ssyncset.done $0x0  }
0x58: {  	s9 =	simm.s32 $0x2900;
	[sflag:s22] =	ssyncadd.s32 $0xFFFFF800  }
0x59: {  	[spmem:s2] =	stream.indirect.scatter.add.f32 [tilespmem:s21], [sflag:$0x9], $0x10, s9, s18, $0xb8;
	[tilespmem:$0xB800] =	vst v63  }
0x5a: {  	_ =	swait.ge [sflag:s15], $0x800  }
0x5b: {  	[sflag:s15] =	ssyncset.done $0x0  }
0x5c: {  	s7 =	simm.s32 $0x500;
	[sflag:s15] =	ssyncadd.s32 $0xFFFFF800  }
0x5d: {  	[tilespmem:s21], [sflag:$0x3] =	stream.indirect.gather [hbm4b:s4+s18], $0x10, s7, s18, $0xb8;
	[tilespmem:$0xB800] =	vst v63  }
0x5e: {  	_ =	swait.ge [sflag:s24], $0x800  }
0x5f: {  	[sflag:s24] =	ssyncset.done $0x0  }
0x60: {  	s9 =	simm.s32 $0x2980;
	[sflag:s24] =	ssyncadd.s32 $0xFFFFF800  }
0x61: {  	[spmem:s2] =	stream.indirect.scatter.add.f32 [tilespmem:s23], [sflag:$0x9], $0x10, s9, s18, $0xb8;
	[tilespmem:$0xB800] =	vst v63  }
0x62: {  	_ =	swait.ge [sflag:s15], $0x800  }
0x63: {  	[sflag:s15] =	ssyncset.done $0x0  }
0x64: {  	s7 =	simm.s32 $0x580;
	[sflag:s15] =	ssyncadd.s32 $0xFFFFF800  }
0x65: {  	[tilespmem:s23], [sflag:$0x4] =	stream.indirect.gather [hbm4b:s4+s18], $0x10, s7, s18, $0xb8;
	[tilespmem:$0xB800] =	vst v63  }
0x66: {  	_ =	swait.ge [sflag:s0], $0x800  }
0x67: {  	[sflag:s0] =	ssyncset.done $0x0  }
0x68: {  	s9 =	simm.s32 $0x2A00;
	[sflag:s0] =	ssyncadd.s32 $0xFFFFF800  }
0x69: {  	[spmem:s2] =	stream.indirect.scatter.add.f32 [tilespmem:s25], [sflag:$0x9], $0x10, s9, s18, $0xb8;
	[tilespmem:$0xB800] =	vst v63  }
0x6a: {  	_ =	swait.ge [sflag:s15], $0x800  }
0x6b: {  	[sflag:s15] =	ssyncset.done $0x0  }
0x6c: {  	s7 =	simm.s32 $0x600;
	[sflag:s15] =	ssyncadd.s32 $0xFFFFF800  }
0x6d: {  	[tilespmem:s25], [sflag:$0x5] =	stream.indirect.gather [hbm4b:s4+s18], $0x10, s7, s18, $0xb8;
	[tilespmem:$0xB800] =	vst v63  }
0x6e: {  	_ =	swait.ge [sflag:s26], $0x800  }
0x6f: {  	[sflag:s26] =	ssyncset.done $0x0  }
0x70: {  	s9 =	simm.s32 $0x2A80;
	[sflag:s26] =	ssyncadd.s32 $0xFFFFF800  }
0x71: {  	[spmem:s2] =	stream.indirect.scatter.add.f32 [tilespmem:s28], [sflag:$0x9], $0x10, s9, s18, $0xb8;
	[tilespmem:$0xB800] =	vst v63  }
0x72: {  	_ =	swait.ge [sflag:s15], $0x800  }
0x73: {  	[sflag:s15] =	ssyncset.done $0x0  }
0x74: {  	s7 =	simm.s32 $0x680;
	[sflag:s15] =	ssyncadd.s32 $0xFFFFF800  }
0x75: {  	[tilespmem:s28], [sflag:$0x6] =	stream.indirect.gather [hbm4b:s4+s18], $0x10, s7, s18, $0xb8;
	[tilespmem:$0xB800] =	vst v63  }
0x76: {  	_ =	swait.ge [sflag:s29], $0x800  }
0x77: {  	[sflag:s29] =	ssyncset.done $0x0  }
0x78: {  	s9 =	simm.s32 $0x2B00;
	[sflag:s29] =	ssyncadd.s32 $0xFFFFF800  }
0x79: {  	[spmem:s2] =	stream.indirect.scatter.add.f32 [tilespmem:s30], [sflag:$0x9], $0x10, s9, s18, $0xb8;
	[tilespmem:$0xB800] =	vst v63  }
0x7a: {  	_ =	swait.ge [sflag:s15], $0x800  }
0x7b: {  	[sflag:s15] =	ssyncset.done $0x0  }
0x7c: {  	s7 =	simm.s32 $0x700;
	[sflag:s15] =	ssyncadd.s32 $0xFFFFF800  }
0x7d: {  	[tilespmem:s30], [sflag:$0x7] =	stream.indirect.gather [hbm4b:s4+s18], $0x10, s7, s18, $0xb8;
	[tilespmem:$0xB800] =	vst v63  }
0x7e: {  	_ =	swait.ge [sflag:s31], $0x800  }
0x7f: {  	[sflag:s31] =	ssyncset.done $0x0  }
0x80: {  	s9 =	simm.s32 $0x2B80;
	[sflag:s31] =	ssyncadd.s32 $0xFFFFF800  }
0x81: {  	[spmem:s2] =	stream.indirect.scatter.add.f32 [tilespmem:s1], [sflag:$0x9], $0x10, s9, s18, $0xb8;
	[tilespmem:$0xB800] =	vst v63  }
0x82: {  	_ =	swait.ge [sflag:s15], $0x800  }
0x83: {  	[sflag:s15] =	ssyncset.done $0x0  }
0x84: {  	s6 =	simm.s32 $0x1000;
	s7 =	simm.s32 $0x780;
	[sflag:s15] =	ssyncadd.s32 $0xFFFFF800  }
.LBB2_2:
0x85: {  	[tilespmem:s1], [sflag:$0x8] =	stream.indirect.gather [hbm4b:s4+s18], $0x10, s7, s18, $0xb8;
	[tilespmem:$0xB800] =	vst v63  }
0x86: {  	s7 =	smov.u32 s6  }
0x87: {  	p0 =	sne.s32 s6, $0x8000;
	s6 =	sadd.s32 $0x1000, s6;
	_ =	swait.ge [sflag:s16], $0x800  }
0x88: {  	s7 =	sshra.s32 s7, $0x2;
	[sflag:s16] =	ssyncset.done $0x0  }
0x89: {  	s9 =	sadd.s32 $0x2800, s7;
	[sflag:s16] =	ssyncadd.s32 $0xFFFFF800  }
0x8a: {  	[spmem:s2] =	stream.indirect.scatter.add.f32 [tilespmem:s17], [sflag:$0x9], $0x10, s9, s18, $0xb8;
	[tilespmem:$0xB800] =	vst v63  }
0x8b: {  	_ =	swait.ge [sflag:s15], $0x800  }
0x8c: {  	[sflag:s15] =	ssyncset.done $0x0  }
0x8d: {  	s9 =	sadd.s32 $0x400, s7;
	[sflag:s15] =	ssyncadd.s32 $0xFFFFF800  }
0x8e: {  	[tilespmem:s17], [sflag:$0x1] =	stream.indirect.gather [hbm4b:s4+s18], $0x10, s9, s18, $0xb8;
	[tilespmem:$0xB800] =	vst v63  }
0x8f: {  	_ =	swait.ge [sflag:s20], $0x800  }
0x90: {  	[sflag:s20] =	ssyncset.done $0x0  }
0x91: {  	s9 =	sadd.s32 $0x2880, s7;
	[sflag:s20] =	ssyncadd.s32 $0xFFFFF800  }
0x92: {  	[spmem:s2] =	stream.indirect.scatter.add.f32 [tilespmem:s19], [sflag:$0x9], $0x10, s9, s18, $0xb8;
	[tilespmem:$0xB800] =	vst v63  }
0x93: {  	_ =	swait.ge [sflag:s15], $0x800  }
0x94: {  	[sflag:s15] =	ssyncset.done $0x0  }
0x95: {  	s9 =	sadd.s32 $0x480, s7;
	[sflag:s15] =	ssyncadd.s32 $0xFFFFF800  }
0x96: {  	[tilespmem:s19], [sflag:$0x2] =	stream.indirect.gather [hbm4b:s4+s18], $0x10, s9, s18, $0xb8;
	[tilespmem:$0xB800] =	vst v63  }
0x97: {  	_ =	swait.ge [sflag:s22], $0x800  }
0x98: {  	[sflag:s22] =	ssyncset.done $0x0  }
0x99: {  	s9 =	sadd.s32 $0x2900, s7;
	[sflag:s22] =	ssyncadd.s32 $0xFFFFF800  }
0x9a: {  	[spmem:s2] =	stream.indirect.scatter.add.f32 [tilespmem:s21], [sflag:$0x9], $0x10, s9, s18, $0xb8;
	[tilespmem:$0xB800] =	vst v63  }
0x9b: {  	_ =	swait.ge [sflag:s15], $0x800  }
0x9c: {  	[sflag:s15] =	ssyncset.done $0x0  }
0x9d: {  	s9 =	sadd.s32 $0x500, s7;
	[sflag:s15] =	ssyncadd.s32 $0xFFFFF800  }
0x9e: {  	[tilespmem:s21], [sflag:$0x3] =	stream.indirect.gather [hbm4b:s4+s18], $0x10, s9, s18, $0xb8;
	[tilespmem:$0xB800] =	vst v63  }
0x9f: {  	_ =	swait.ge [sflag:s24], $0x800  }
0xa0: {  	[sflag:s24] =	ssyncset.done $0x0  }
0xa1: {  	s9 =	sadd.s32 $0x2980, s7;
	[sflag:s24] =	ssyncadd.s32 $0xFFFFF800  }
0xa2: {  	[spmem:s2] =	stream.indirect.scatter.add.f32 [tilespmem:s23], [sflag:$0x9], $0x10, s9, s18, $0xb8;
	[tilespmem:$0xB800] =	vst v63  }
0xa3: {  	_ =	swait.ge [sflag:s15], $0x800  }
0xa4: {  	[sflag:s15] =	ssyncset.done $0x0  }
0xa5: {  	s9 =	sadd.s32 $0x580, s7;
	[sflag:s15] =	ssyncadd.s32 $0xFFFFF800  }
0xa6: {  	[tilespmem:s23], [sflag:$0x4] =	stream.indirect.gather [hbm4b:s4+s18], $0x10, s9, s18, $0xb8;
	[tilespmem:$0xB800] =	vst v63  }
0xa7: {  	_ =	swait.ge [sflag:s0], $0x800  }
0xa8: {  	[sflag:s0] =	ssyncset.done $0x0  }
0xa9: {  	s9 =	sadd.s32 $0x2A00, s7;
	[sflag:s0] =	ssyncadd.s32 $0xFFFFF800  }
0xaa: {  	[spmem:s2] =	stream.indirect.scatter.add.f32 [tilespmem:s25], [sflag:$0x9], $0x10, s9, s18, $0xb8;
	[tilespmem:$0xB800] =	vst v63  }
0xab: {  	_ =	swait.ge [sflag:s15], $0x800  }
0xac: {  	[sflag:s15] =	ssyncset.done $0x0  }
0xad: {  	s9 =	sadd.s32 $0x600, s7;
	[sflag:s15] =	ssyncadd.s32 $0xFFFFF800  }
0xae: {  	[tilespmem:s25], [sflag:$0x5] =	stream.indirect.gather [hbm4b:s4+s18], $0x10, s9, s18, $0xb8;
	[tilespmem:$0xB800] =	vst v63  }
0xaf: {  	_ =	swait.ge [sflag:s26], $0x800  }
0xb0: {  	[sflag:s26] =	ssyncset.done $0x0  }
0xb1: {  	s9 =	sadd.s32 $0x2A80, s7;
	[sflag:s26] =	ssyncadd.s32 $0xFFFFF800  }
0xb2: {  	[spmem:s2] =	stream.indirect.scatter.add.f32 [tilespmem:s28], [sflag:$0x9], $0x10, s9, s18, $0xb8;
	[tilespmem:$0xB800] =	vst v63  }
0xb3: {  	_ =	swait.ge [sflag:s15], $0x800  }
0xb4: {  	[sflag:s15] =	ssyncset.done $0x0  }
0xb5: {  	s9 =	sadd.s32 $0x680, s7;
	[sflag:s15] =	ssyncadd.s32 $0xFFFFF800  }
0xb6: {  	[tilespmem:s28], [sflag:$0x6] =	stream.indirect.gather [hbm4b:s4+s18], $0x10, s9, s18, $0xb8;
	[tilespmem:$0xB800] =	vst v63  }
0xb7: {  	_ =	swait.ge [sflag:s29], $0x800  }
0xb8: {  	[sflag:s29] =	ssyncset.done $0x0  }
0xb9: {  	s9 =	sadd.s32 $0x2B00, s7;
	[sflag:s29] =	ssyncadd.s32 $0xFFFFF800  }
0xba: {  	[spmem:s2] =	stream.indirect.scatter.add.f32 [tilespmem:s30], [sflag:$0x9], $0x10, s9, s18, $0xb8;
	[tilespmem:$0xB800] =	vst v63  }
0xbb: {  	_ =	swait.ge [sflag:s15], $0x800  }
0xbc: {  	[sflag:s15] =	ssyncset.done $0x0  }
0xbd: {  	s9 =	sadd.s32 $0x700, s7;
	[sflag:s15] =	ssyncadd.s32 $0xFFFFF800  }
0xbe: {  	[tilespmem:s30], [sflag:$0x7] =	stream.indirect.gather [hbm4b:s4+s18], $0x10, s9, s18, $0xb8;
	[tilespmem:$0xB800] =	vst v63  }
0xbf: {  	_ =	swait.ge [sflag:s31], $0x800  }
0xc0: {  	[sflag:s31] =	ssyncset.done $0x0  }
.Ltmp0:
0xc1: {  	s9 =	sadd.s32 $0x2B80, s7;
	[sflag:s31] =	ssyncadd.s32 $0xFFFFF800;
	(pc) =	sbr.rel @p0 .LBB2_2-.Ltmp0, $4  }
0xc2: {  	[spmem:s2] =	stream.indirect.scatter.add.f32 [tilespmem:s1], [sflag:$0x9], $0x10, s9, s18, $0xb8;
	[tilespmem:$0xB800] =	vst v63  }
0xc3: {  	_ =	swait.ge [sflag:s15], $0x800  }
0xc4: {  	[sflag:s15] =	ssyncset.done $0x0  }
0xc5: {  	s7 =	sadd.s32 $0x780, s7;
	[sflag:s15] =	ssyncadd.s32 $0xFFFFF800  }
0xc6: {  	[tilespmem:s1], [sflag:$0x8] =	stream.indirect.gather [hbm4b:s4+s18], $0x10, s7, s18, $0xb8;
	[tilespmem:$0xB800] =	vst v63  }
0xc7: {  	_ =	swait.ge [sflag:s16], $0x800  }
0xc8: {  	[sflag:s16] =	ssyncset.done $0x0  }
0xc9: {  	s6 =	simm.s32 $0x4C00;
	[sflag:s16] =	ssyncadd.s32 $0xFFFFF800  }
0xca: {  	[spmem:s2] =	stream.indirect.scatter.add.f32 [tilespmem:s17], [sflag:$0x9], $0x10, s6, s18, $0xb8;
	[tilespmem:$0xB800] =	vst v63  }
0xcb: {  	_ =	swait.ge [sflag:s15], $0x800  }
0xcc: {  	[sflag:s15] =	ssyncset.done $0x0  }
0xcd: {  	[sflag:s15] =	ssyncadd.s32 $0xFFFFF800  }
0xce: {  	_ =	swait.ge [sflag:s20], $0x800  }
0xcf: {  	[sflag:s20] =	ssyncset.done $0x0  }
0xd0: {  	s9 =	simm.s32 $0x4C80;
	[sflag:s20] =	ssyncadd.s32 $0xFFFFF800  }
0xd1: {  	[spmem:s2] =	stream.indirect.scatter.add.f32 [tilespmem:s19], [sflag:$0x9], $0x10, s9, s18, $0xb8;
	[tilespmem:$0xB800] =	vst v63  }
0xd2: {  	_ =	swait.ge [sflag:s15], $0x800  }
0xd3: {  	[sflag:s15] =	ssyncset.done $0x0  }
0xd4: {  	[sflag:s15] =	ssyncadd.s32 $0xFFFFF800  }
0xd5: {  	_ =	swait.ge [sflag:s22], $0x800  }
0xd6: {  	[sflag:s22] =	ssyncset.done $0x0  }
0xd7: {  	s7 =	simm.s32 $0x4D00;
	[sflag:s22] =	ssyncadd.s32 $0xFFFFF800  }
0xd8: {  	[spmem:s2] =	stream.indirect.scatter.add.f32 [tilespmem:s21], [sflag:$0x9], $0x10, s7, s18, $0xb8;
	[tilespmem:$0xB800] =	vst v63  }
0xd9: {  	_ =	swait.ge [sflag:s15], $0x800  }
0xda: {  	[sflag:s15] =	ssyncset.done $0x0  }
0xdb: {  	[sflag:s15] =	ssyncadd.s32 $0xFFFFF800  }
0xdc: {  	_ =	swait.ge [sflag:s24], $0x800  }
0xdd: {  	[sflag:s24] =	ssyncset.done $0x0  }
0xde: {  	s9 =	simm.s32 $0x4D80;
	[sflag:s24] =	ssyncadd.s32 $0xFFFFF800  }
0xdf: {  	[spmem:s2] =	stream.indirect.scatter.add.f32 [tilespmem:s23], [sflag:$0x9], $0x10, s9, s18, $0xb8;
	[tilespmem:$0xB800] =	vst v63  }
0xe0: {  	_ =	swait.ge [sflag:s15], $0x800  }
0xe1: {  	[sflag:s15] =	ssyncset.done $0x0  }
0xe2: {  	[sflag:s15] =	ssyncadd.s32 $0xFFFFF800  }
0xe3: {  	_ =	swait.ge [sflag:s0], $0x800  }
0xe4: {  	[sflag:s0] =	ssyncset.done $0x0  }
0xe5: {  	s7 =	simm.s32 $0x4E00;
	[sflag:s0] =	ssyncadd.s32 $0xFFFFF800  }
0xe6: {  	[spmem:s2] =	stream.indirect.scatter.add.f32 [tilespmem:s25], [sflag:$0x9], $0x10, s7, s18, $0xb8;
	[tilespmem:$0xB800] =	vst v63  }
0xe7: {  	_ =	swait.ge [sflag:s15], $0x800  }
0xe8: {  	[sflag:s15] =	ssyncset.done $0x0  }
0xe9: {  	[sflag:s15] =	ssyncadd.s32 $0xFFFFF800  }
0xea: {  	_ =	swait.ge [sflag:s26], $0x800  }
0xeb: {  	[sflag:s26] =	ssyncset.done $0x0  }
0xec: {  	s9 =	simm.s32 $0x4E80;
	[sflag:s26] =	ssyncadd.s32 $0xFFFFF800  }
0xed: {  	[spmem:s2] =	stream.indirect.scatter.add.f32 [tilespmem:s28], [sflag:$0x9], $0x10, s9, s18, $0xb8;
	[tilespmem:$0xB800] =	vst v63  }
0xee: {  	_ =	swait.ge [sflag:s15], $0x800  }
0xef: {  	[sflag:s15] =	ssyncset.done $0x0  }
0xf0: {  	[sflag:s15] =	ssyncadd.s32 $0xFFFFF800  }
0xf1: {  	_ =	swait.ge [sflag:s29], $0x800  }
0xf2: {  	[sflag:s29] =	ssyncset.done $0x0  }
0xf3: {  	s7 =	simm.s32 $0x4F00;
	[sflag:s29] =	ssyncadd.s32 $0xFFFFF800  }
0xf4: {  	[spmem:s2] =	stream.indirect.scatter.add.f32 [tilespmem:s30], [sflag:$0x9], $0x10, s7, s18, $0xb8;
	[tilespmem:$0xB800] =	vst v63  }
0xf5: {  	_ =	swait.ge [sflag:s15], $0x800  }
0xf6: {  	[sflag:s15] =	ssyncset.done $0x0  }
0xf7: {  	[sflag:s15] =	ssyncadd.s32 $0xFFFFF800  }
0xf8: {  	_ =	swait.ge [sflag:s31], $0x800  }
0xf9: {  	[sflag:s31] =	ssyncset.done $0x0  }
0xfa: {  	s9 =	simm.s32 $0x4F80;
	[sflag:s31] =	ssyncadd.s32 $0xFFFFF800  }
0xfb: {  	[spmem:s2] =	stream.indirect.scatter.add.f32 [tilespmem:s1], [sflag:$0x9], $0x10, s9, s18, $0xb8;
	[tilespmem:$0xB800] =	vst v63  }
0xfc: {  	s7 =	stileid.u32;
	_ =	swait.ge [sflag:s15], $0x800  }
0xfd: {  	s5 =	sadd.s32 $0x1, s5;
	s6 =	sshll.u32 s7, $0x6;
	[sflag:s15] =	ssyncset.done $0x0  }
0xfe: {  	p0 =	sne.s32 s5, s14;
	s6 =	sor.u32 $0x1C09, s6;
	[sflag:s15] =	ssyncadd.s32 $0xFFFFF800  }
.Ltmp1:
0xff: {  	s9 =	sshrl.u32 s8, $0x3;
	[bflag:$0x0] =	sbarrier.arrive $0xFFFF;
	(pc) =	sbr.rel @p0 .LBB2_1-.Ltmp1, $4  }
0x100: {  	[hbm:s13], [sflag:s6] =	dma.local [spmem:s9], $0x500  }
0x101: {  	_ =	swait.ge [sflag:s15], $0x500  }
0x102: {  	[sflag:s15] =	ssyncset.done $0x0  }
0x103: {  	[sflag:s15] =	ssyncadd.s32 $0xFFFFFB00  }
0x104: {  	_ =	sfence.sel $0x180000  }
0x105: {  	[bflag:$0x0] =	sbarrier.arrive $0xFFFF  }
0x106: {  	_ =	strace $0x90000050  }
0x107: {  	s0 =	stileid.u32;
	[bflag:$0x2] =	sbarrier.arrive $0xFFFF  }
0x108: {  	p0 =	sne.s32 s0, $0x0;
	s0 =	rddreg [dreg:$0x2]  }
0x109: {  	s0 =	sadd.s32 @!p0 $0x100000, s0  }
0x10a: {  	[sflag:s0] =	ssyncadd.tile.s32 @!p0 $0x1;
	_ =	shalt  }
.Lfunc_end2:
_tile_overlayer_lowered:
.L_overlay_start_2:
0x10b: {  	(tag) =	ssettag $0x2  }
0x10c: {  	s0 =	rddreg [dreg:$0x0];
	s2 =	stileid.u32  }
0x10d: {  	s1 =	rddreg [dreg:$0x1];
	p0 =	sne.s32 s2, $0x0  }
0x10e: {  	s3 =	rddreg [dreg:$0x2];
	[bflag:$0x3] =	sbarrier.arrive $0xFFFF;
	s2 =	simm.s32 @!p0 $0x1C09  }
0x10f: {  	[timem:s3], [sflag:s2] =	dma.local @!p0 [hbm:s0], s1  }
0x110: {  	s0 =	simm.s32 @!p0 $0x9  }
0x111: {  	_ =	swait.ge @!p0 [sflag:s0], s1  }
0x112: {  	s1 =	ssub.s32 @!p0 $0x0, s1;
	[sflag:s0] =	ssyncset.done @!p0 $0x0  }
0x113: {  	[sflag:s0] =	ssyncadd.s32 @!p0 s1  }
0x114: {  	[bflag:$0x3] =	sbarrier.arrive $0xFFFF  }
0x115: {  	_ =	shalt  }

</sc_bundles>
